<compile_context>
chip_gen: v7x
topology: tpu7x:2x2x1
jax: 0.10.2.dev20260603
libtpu: 0.0.44.dev20260713+nightly
codegen_flags: <defaults>
</compile_context>

<pallas_src>
import functools

import jax
import jax.numpy as jnp
import numpy as np
from jax import lax
from jax.experimental import pallas as pl
from jax.experimental.pallas import tpu as pltpu
from jax.experimental.pallas import tpu_sc as plsc

_VOCAB = 1000
_D = 128
_DW = _D // 2
_POS = 4
_NC = 2
_NS = 16
_NW = _NC * _NS
_LANES = 16

def _table_body(embed_ref, w_ref, b_ref, tbl_ref):
    wp = jnp.concatenate(
        [w_ref[pl.ds(32 * m + h, 16), :] for h in (0, 16) for m in range(4)],
        axis=0)
    bp = jnp.concatenate(
        [b_ref[pl.ds(32 * m + h, 16)] for h in (0, 16) for m in range(4)])
    bias = bp * (1.0 / _POS)
    for j in range(_POS):
        wp_j = wp[:, j * _D:(j + 1) * _D]
        t = (
            lax.dot_general(
                embed_ref[...],
                wp_j,
                dimension_numbers=(((1,), (1,)), ((), ())),
                preferred_element_type=jnp.float32,
            )
            + bias[None, :]
        )
        t16 = lax.bitcast_convert_type(
            t.astype(jnp.bfloat16), jnp.uint16).astype(jnp.uint32)
        tbl_ref[pl.ds(j * _VOCAB, _VOCAB), :] = lax.bitcast_convert_type(
            t16[:, :_DW] | (t16[:, _DW:] << 16), jnp.int32)


def _make_fused_table(embed, W, b):
    return pl.pallas_call(
        _table_body,
        out_shape=jax.ShapeDtypeStruct((_POS * _VOCAB, _DW), jnp.int32),
    )(embed, W, b)


def _sc_body(tok_ref, tbl_ref, out_ref,
             tok_v, idx_v, rows0, rows1, rows2, rows3,
             outc0, outc1, outc2, outc3, tbl_sh,
             sem_g0, sem_g1, sem_g2, sem_g3,
             sem_o0, sem_o1, sem_o2, sem_o3,
             *, batch, b_per_w, cb):
    wid = lax.axis_index("s") * _NC + lax.axis_index("c")
    base = wid * b_per_w
    n_chunks = b_per_w // cb
    g = cb * _POS
    rows_bufs = (rows0, rows1, rows2, rows3)
    outc_bufs = (outc0, outc1, outc2, outc3)
    sem_g = (sem_g0, sem_g1, sem_g2, sem_g3)
    sem_o = (sem_o0, sem_o1, sem_o2, sem_o3)
    nbuf = 4
    sh16 = jnp.full((_LANES,), 16, jnp.int32)

    sid = lax.axis_index("s")
    stripe = (_POS * _VOCAB) // _NS
    pltpu.sync_copy(tbl_ref.at[pl.ds(sid * stripe, stripe)],
                    tbl_sh.at[pl.ds(sid * stripe, stripe)])

    for j in range(_POS):
        pltpu.async_copy(tok_ref.at[pl.ds(j * batch + base, b_per_w)],
                         tok_v.at[pl.ds(j * b_per_w, b_per_w)], sem_o0)
    for j in range(_POS):
        pltpu.make_async_copy(tok_ref.at[pl.ds(0, b_per_w)],
                              tok_v.at[pl.ds(0, b_per_w)], sem_o0).wait()

    @plsc.parallel_loop(0, n_chunks, 1, unroll=2)
    def _(c):
        for j in range(_POS):
            for s in range(cb // _LANES):
                src = pl.ds(j * b_per_w + c * cb + s * _LANES, _LANES)
                idx_v[c, j // 2, pl.ds((j % 2) * cb + s * _LANES, _LANES)] = (
                    tok_v[src] + (j * _VOCAB))

    half = cb * _POS // 2

    def fire(c, rows_b, sem):
        pltpu.async_copy(tbl_sh.at[idx_v.at[c, 0]],
                         rows_b.at[pl.ds(0, half)], sem)
        pltpu.async_copy(tbl_sh.at[idx_v.at[c, 1]],
                         rows_b.at[pl.ds(half, half)], sem)

    plsc.subcore_barrier()

    for c0 in range(nbuf - 1):
        fire(c0, rows_bufs[c0], sem_g[c0])

    def pair_body(p, _):
        for bsel in range(nbuf):
            c = p * nbuf + bsel
            rows_b = rows_bufs[bsel]
            outc_b = outc_bufs[bsel]
            for h in range(2):
                pltpu.make_async_copy(tbl_sh.at[idx_v.at[0, 0]],
                                      rows_b.at[pl.ds(h * half, half)],
                                      sem_g[bsel]).wait()
            @pl.when(c >= nbuf)
            def _():
                pltpu.make_async_copy(outc_b, out_ref.at[pl.ds(0, cb)],
                                      sem_o[bsel]).wait()

            @plsc.parallel_loop(0, cb, 1, unroll=4)
            def _(r):
                for m in range(_DW // _LANES):
                    sl = pl.ds(m * _LANES, _LANES)
                    v = rows_b[r, sl]
                    acc_lo = plsc.bitcast(lax.shift_left(v, sh16), jnp.float32)
                    acc_hi = plsc.bitcast(v, jnp.float32)
                    for j in range(1, _POS):
                        v = rows_b[j * cb + r, sl]
                        acc_lo = acc_lo + plsc.bitcast(
                            lax.shift_left(v, sh16), jnp.float32)
                        acc_hi = acc_hi + plsc.bitcast(v, jnp.float32)
                    outc_b[r, pl.ds(m * 32, _LANES)] = acc_lo
                    outc_b[r, pl.ds(m * 32 + _LANES, _LANES)] = acc_hi

            row0 = base + c * cb
            pltpu.async_copy(outc_b, out_ref.at[pl.ds(row0, cb)],
                             sem_o[bsel])

            nsel = (bsel + nbuf - 1) % nbuf

            @pl.when(c + nbuf - 1 < n_chunks)
            def _():
                fire(c + nbuf - 1, rows_bufs[nsel], sem_g[nsel])
        return 0

    lax.fori_loop(0, n_chunks // nbuf, pair_body, 0)

    for bsel in range(nbuf):
        pltpu.make_async_copy(outc_bufs[bsel], out_ref.at[pl.ds(0, cb)],
                              sem_o[bsel]).wait()


def _gather_sum(tokens_pm, tbl, batch):
    b_per_w = batch // _NW
    cb = 32
    n_chunks = b_per_w // cb
    mesh = plsc.VectorSubcoreMesh(
        core_axis_name="c", subcore_axis_name="s",
        num_cores=_NC, num_subcores=_NS,
    )
    g = cb * _POS
    run = pl.kernel(
        functools.partial(_sc_body, batch=batch, b_per_w=b_per_w, cb=cb),
        out_type=jax.ShapeDtypeStruct((batch, _D), jnp.float32),
        mesh=mesh,
        compiler_params=pltpu.CompilerParams(
            needs_layout_passes=False,
            use_tc_tiling_on_sc=False,
        ),
        scratch_types=[
            pltpu.VMEM((_POS * b_per_w,), jnp.int32),
            pltpu.VMEM((n_chunks, 2, g // 2), jnp.int32),
            pltpu.VMEM((g, _DW), jnp.int32),
            pltpu.VMEM((g, _DW), jnp.int32),
            pltpu.VMEM((g, _DW), jnp.int32),
            pltpu.VMEM((g, _DW), jnp.int32),
            pltpu.VMEM((cb, _D), jnp.float32),
            pltpu.VMEM((cb, _D), jnp.float32),
            pltpu.VMEM((cb, _D), jnp.float32),
            pltpu.VMEM((cb, _D), jnp.float32),
            pltpu.VMEM_SHARED((_POS * _VOCAB, _DW), jnp.int32),
            pltpu.SemaphoreType.DMA,
            pltpu.SemaphoreType.DMA,
            pltpu.SemaphoreType.DMA,
            pltpu.SemaphoreType.DMA,
            pltpu.SemaphoreType.DMA,
            pltpu.SemaphoreType.DMA,
            pltpu.SemaphoreType.DMA,
            pltpu.SemaphoreType.DMA,
        ],
    )
    return run(tokens_pm, tbl)


def kernel(ctrl_tokens, embed, W, b):
    batch = ctrl_tokens.shape[0]
    tokens_pm = ctrl_tokens.astype(jnp.int32).T.reshape(-1)
    tbl = _make_fused_table(embed, W, b)
    out = _gather_sum(tokens_pm, tbl, batch)
    return out[..., None]

# --- scband reference (transcript-rebuilt; emitter-appended) ---
"""Pipeline reference for scband-control-encoder-44753559224676 (READ-ONLY COPY).

The authoritative reference and input builder live on the scoring server;
editing this copy changes nothing except your own understanding.
"""

import jax, jax.numpy as jnp
import numpy as np

VOCAB = 1000
D_MODEL = 128
BATCH = 16384

def setup_inputs(seed: int = 0) -> dict:
    key = jax.random.key(seed)
    k1, k2, k3, k4 = jax.random.split(key, 4)
    ctrl_tokens = jax.random.randint(k1, (BATCH, 4), 0, VOCAB, dtype=jnp.int64 if jax.config.jax_enable_x64 else jnp.int32)
    embed = jax.random.normal(k2, (VOCAB, D_MODEL), dtype=jnp.float32)
    W = jax.random.normal(k3, (D_MODEL, D_MODEL * 4), dtype=jnp.float32) * (1.0 / np.sqrt(D_MODEL * 4))
    b = jax.random.normal(k4, (D_MODEL,), dtype=jnp.float32) * 0.01
    return {"ctrl_tokens": ctrl_tokens, "embed": embed, "W": W, "b": b}

def reference(ctrl_tokens, embed, W, b):
    # embedding lookup: [B, 4] -> [B, 4, d_model]
    e = jnp.take(embed, ctrl_tokens, axis=0)
    # flatten: [B, 4*d_model]
    e = e.reshape(e.shape[0], -1)
    # linear projection (torch Linear: y = x @ W.T + b)
    out = e @ W.T + b
    # unsqueeze last dim: [B, d_model, 1]
    return out[..., None]

if __name__ == "__main__":
    import jax
    _d = setup_inputs()
    print(jax.jit(kernel)(*tuple(_d.values())))

</pallas_src>

<mosaic_0001>
#map = affine_map<(d0, d1) -> (0)>
#map1 = affine_map<(d0, d1) -> (0, 0)>
module attributes {stable_mosaic.version = 14 : i64} {
  func.func @_sc_body(%arg0: i32, %arg1: i32, %arg2: memref<65536xi32, #tpu.memory_space<hbm>>, %arg3: memref<4000x64xi32, #tpu.memory_space<hbm>>, %arg4: memref<16384x128xf32, #tpu.memory_space<hbm>>, %arg5: memref<2048xi32, #tpu.memory_space<vmem>>, %arg6: memref<16x2x64xi32, #tpu.memory_space<vmem>>, %arg7: memref<128x64xi32, #tpu.memory_space<vmem>>, %arg8: memref<128x64xi32, #tpu.memory_space<vmem>>, %arg9: memref<128x64xi32, #tpu.memory_space<vmem>>, %arg10: memref<128x64xi32, #tpu.memory_space<vmem>>, %arg11: memref<32x128xf32, #tpu.memory_space<vmem>>, %arg12: memref<32x128xf32, #tpu.memory_space<vmem>>, %arg13: memref<32x128xf32, #tpu.memory_space<vmem>>, %arg14: memref<32x128xf32, #tpu.memory_space<vmem>>, %arg15: memref<4000x64xi32, #tpu.memory_space<vmem_shared>>, %arg16: memref<!tpu.dma_semaphore, #tpu.memory_space<semaphore_mem>>, %arg17: memref<!tpu.dma_semaphore, #tpu.memory_space<semaphore_mem>>, %arg18: memref<!tpu.dma_semaphore, #tpu.memory_space<semaphore_mem>>, %arg19: memref<!tpu.dma_semaphore, #tpu.memory_space<semaphore_mem>>, %arg20: memref<!tpu.dma_semaphore, #tpu.memory_space<semaphore_mem>>, %arg21: memref<!tpu.dma_semaphore, #tpu.memory_space<semaphore_mem>>, %arg22: memref<!tpu.dma_semaphore, #tpu.memory_space<semaphore_mem>>, %arg23: memref<!tpu.dma_semaphore, #tpu.memory_space<semaphore_mem>>) attributes {dimension_semantics = [#tpu.dimension_semantics<core_parallel>, #tpu.dimension_semantics<subcore_parallel>], iteration_bounds = array<i64: 2, 16>, scalar_prefetch = 0 : i64, scratch_operands = 19 : i64, tpu.core_type = #tpu.core_type<sc_vector_subcore>, window_params = [{transform_indices = #map}, {transform_indices = #map1}, {transform_indices = #map1}]} {
    %mul3A = arith.constant 2 : i32
    %mul3A_0 = arith.muli %arg1, %mul3A : i32
    %add3A = arith.addi %mul3A_0, %arg0 : i32
    %mul3A_1 = arith.constant 512 : i32
    %mul3A_2 = arith.muli %add3A, %mul3A_1 : i32
    %broadcast_in_dim3A = arith.constant 16 : i32
    %broadcast_in_dim3A_3 = vector.broadcast %broadcast_in_dim3A : i32 to vector<16xi32>
    %mul3A_4 = arith.constant 250 : i32
    %mul3A_5 = arith.muli %arg1, %mul3A_4 : i32
    %mul3A_6 = arith.constant 250 : i32
    %mul3A_7 = arith.muli %arg1, %mul3A_6 : i32
    "tpu.region"() ({
      %run_scoped3A = tpu.sem_alloc : memref<!tpu.dma_semaphore, #tpu.memory_space<semaphore_mem>>
      %dma_start3A_168 = arith.constant 0 : i32
      %dma_start3A_169 = tpu.memref_slice %arg15[%mul3A_7, %dma_start3A_168] : memref<4000x64xi32, #tpu.memory_space<vmem_shared>> -> memref<250x64xi32, #tpu.memory_space<vmem_shared>>
      %dma_start3A_170 = arith.constant 0 : i32
      %dma_start3A_171 = tpu.memref_slice %arg3[%mul3A_5, %dma_start3A_170] : memref<4000x64xi32, #tpu.memory_space<hbm>> -> memref<250x64xi32, #tpu.memory_space<hbm>>
      tpu.enqueue_dma source(%dma_start3A_171 : memref<250x64xi32, #tpu.memory_space<hbm>>) target(%dma_start3A_169 : memref<250x64xi32, #tpu.memory_space<vmem_shared>>) target_semaphore(%run_scoped3A : memref<!tpu.dma_semaphore, #tpu.memory_space<semaphore_mem>>)
      %dma_wait3A_172 = arith.constant 0 : i32
      %dma_wait3A_173 = tpu.memref_slice %arg15[%mul3A_7, %dma_wait3A_172] : memref<4000x64xi32, #tpu.memory_space<vmem_shared>> -> memref<250x64xi32, #tpu.memory_space<vmem_shared>>
      %dma_wait3A_174 = arith.constant 0 : i32
      %dma_wait3A_175 = tpu.memref_slice %arg3[%mul3A_5, %dma_wait3A_174] : memref<4000x64xi32, #tpu.memory_space<hbm>> -> memref<250x64xi32, #tpu.memory_space<hbm>>
      tpu.wait_dma2 semaphore(%run_scoped3A : memref<!tpu.dma_semaphore, #tpu.memory_space<semaphore_mem>>) src(%dma_wait3A_175 : memref<250x64xi32, #tpu.memory_space<hbm>>) dst(%dma_wait3A_173 : memref<250x64xi32, #tpu.memory_space<vmem_shared>>)
      tpu.yield
    }) : () -> ()
    %add3A_8 = arith.constant 0 : i32
    %add3A_9 = arith.addi %add3A_8, %mul3A_2 : i32
    %dma_start3A = arith.constant 0 : i32
    %dma_start3A_10 = tpu.memref_slice %arg5[%dma_start3A] : memref<2048xi32, #tpu.memory_space<vmem>> -> memref<512xi32, #tpu.memory_space<vmem>>
    %dma_start3A_11 = tpu.memref_slice %arg2[%add3A_9] : memref<65536xi32, #tpu.memory_space<hbm>> -> memref<512xi32, #tpu.memory_space<hbm>>
    %dma_start3A_12 = arith.constant 0 : i32
    %dma_start3A_13 = tpu.memref_slice %arg5[%dma_start3A_12] : memref<2048xi32, #tpu.memory_space<vmem>> -> memref<512xi32, #tpu.memory_space<vmem>>
    %dma_start3A_14 = tpu.memref_slice %arg2[%add3A_9] : memref<65536xi32, #tpu.memory_space<hbm>> -> memref<512xi32, #tpu.memory_space<hbm>>
    tpu.enqueue_dma source(%dma_start3A_14 : memref<512xi32, #tpu.memory_space<hbm>>) target(%dma_start3A_13 : memref<512xi32, #tpu.memory_space<vmem>>) target_semaphore(%arg20 : memref<!tpu.dma_semaphore, #tpu.memory_space<semaphore_mem>>)
    %add3A_15 = arith.constant 16384 : i32
    %add3A_16 = arith.addi %add3A_15, %mul3A_2 : i32
    %dma_start3A_17 = arith.constant 512 : i32
    %dma_start3A_18 = tpu.memref_slice %arg5[%dma_start3A_17] : memref<2048xi32, #tpu.memory_space<vmem>> -> memref<512xi32, #tpu.memory_space<vmem>>
    %dma_start3A_19 = tpu.memref_slice %arg2[%add3A_16] : memref<65536xi32, #tpu.memory_space<hbm>> -> memref<512xi32, #tpu.memory_space<hbm>>
    %dma_start3A_20 = arith.constant 512 : i32
    %dma_start3A_21 = tpu.memref_slice %arg5[%dma_start3A_20] : memref<2048xi32, #tpu.memory_space<vmem>> -> memref<512xi32, #tpu.memory_space<vmem>>
    %dma_start3A_22 = tpu.memref_slice %arg2[%add3A_16] : memref<65536xi32, #tpu.memory_space<hbm>> -> memref<512xi32, #tpu.memory_space<hbm>>
    tpu.enqueue_dma source(%dma_start3A_22 : memref<512xi32, #tpu.memory_space<hbm>>) target(%dma_start3A_21 : memref<512xi32, #tpu.memory_space<vmem>>) target_semaphore(%arg20 : memref<!tpu.dma_semaphore, #tpu.memory_space<semaphore_mem>>)
    %add3A_23 = arith.constant 32768 : i32
    %add3A_24 = arith.addi %add3A_23, %mul3A_2 : i32
    %dma_start3A_25 = arith.constant 1024 : i32
    %dma_start3A_26 = tpu.memref_slice %arg5[%dma_start3A_25] : memref<2048xi32, #tpu.memory_space<vmem>> -> memref<512xi32, #tpu.memory_space<vmem>>
    %dma_start3A_27 = tpu.memref_slice %arg2[%add3A_24] : memref<65536xi32, #tpu.memory_space<hbm>> -> memref<512xi32, #tpu.memory_space<hbm>>
    %dma_start3A_28 = arith.constant 1024 : i32
    %dma_start3A_29 = tpu.memref_slice %arg5[%dma_start3A_28] : memref<2048xi32, #tpu.memory_space<vmem>> -> memref<512xi32, #tpu.memory_space<vmem>>
    %dma_start3A_30 = tpu.memref_slice %arg2[%add3A_24] : memref<65536xi32, #tpu.memory_space<hbm>> -> memref<512xi32, #tpu.memory_space<hbm>>
    tpu.enqueue_dma source(%dma_start3A_30 : memref<512xi32, #tpu.memory_space<hbm>>) target(%dma_start3A_29 : memref<512xi32, #tpu.memory_space<vmem>>) target_semaphore(%arg20 : memref<!tpu.dma_semaphore, #tpu.memory_space<semaphore_mem>>)
    %add3A_31 = arith.constant 49152 : i32
    %add3A_32 = arith.addi %add3A_31, %mul3A_2 : i32
    %dma_start3A_33 = arith.constant 1536 : i32
    %dma_start3A_34 = tpu.memref_slice %arg5[%dma_start3A_33] : memref<2048xi32, #tpu.memory_space<vmem>> -> memref<512xi32, #tpu.memory_space<vmem>>
    %dma_start3A_35 = tpu.memref_slice %arg2[%add3A_32] : memref<65536xi32, #tpu.memory_space<hbm>> -> memref<512xi32, #tpu.memory_space<hbm>>
    %dma_start3A_36 = arith.constant 1536 : i32
    %dma_start3A_37 = tpu.memref_slice %arg5[%dma_start3A_36] : memref<2048xi32, #tpu.memory_space<vmem>> -> memref<512xi32, #tpu.memory_space<vmem>>
    %dma_start3A_38 = tpu.memref_slice %arg2[%add3A_32] : memref<65536xi32, #tpu.memory_space<hbm>> -> memref<512xi32, #tpu.memory_space<hbm>>
    tpu.enqueue_dma source(%dma_start3A_38 : memref<512xi32, #tpu.memory_space<hbm>>) target(%dma_start3A_37 : memref<512xi32, #tpu.memory_space<vmem>>) target_semaphore(%arg20 : memref<!tpu.dma_semaphore, #tpu.memory_space<semaphore_mem>>)
    %dma_wait3A = arith.constant 0 : i32
    %dma_wait3A_39 = tpu.memref_slice %arg5[%dma_wait3A] : memref<2048xi32, #tpu.memory_space<vmem>> -> memref<512xi32, #tpu.memory_space<vmem>>
    %dma_wait3A_40 = arith.constant 0 : i32
    %dma_wait3A_41 = tpu.memref_slice %arg2[%dma_wait3A_40] : memref<65536xi32, #tpu.memory_space<hbm>> -> memref<512xi32, #tpu.memory_space<hbm>>
    %dma_wait3A_42 = arith.constant 0 : i32
    %dma_wait3A_43 = tpu.memref_slice %arg5[%dma_wait3A_42] : memref<2048xi32, #tpu.memory_space<vmem>> -> memref<512xi32, #tpu.memory_space<vmem>>
    %dma_wait3A_44 = arith.constant 0 : i32
    %dma_wait3A_45 = tpu.memref_slice %arg2[%dma_wait3A_44] : memref<65536xi32, #tpu.memory_space<hbm>> -> memref<512xi32, #tpu.memory_space<hbm>>
    tpu.wait_dma2 semaphore(%arg20 : memref<!tpu.dma_semaphore, #tpu.memory_space<semaphore_mem>>) src(%dma_wait3A_45 : memref<512xi32, #tpu.memory_space<hbm>>) dst(%dma_wait3A_43 : memref<512xi32, #tpu.memory_space<vmem>>)
    %dma_wait3A_46 = arith.constant 0 : i32
    %dma_wait3A_47 = tpu.memref_slice %arg5[%dma_wait3A_46] : memref<2048xi32, #tpu.memory_space<vmem>> -> memref<512xi32, #tpu.memory_space<vmem>>
    %dma_wait3A_48 = arith.constant 0 : i32
    %dma_wait3A_49 = tpu.memref_slice %arg2[%dma_wait3A_48] : memref<65536xi32, #tpu.memory_space<hbm>> -> memref<512xi32, #tpu.memory_space<hbm>>
    %dma_wait3A_50 = arith.constant 0 : i32
    %dma_wait3A_51 = tpu.memref_slice %arg5[%dma_wait3A_50] : memref<2048xi32, #tpu.memory_space<vmem>> -> memref<512xi32, #tpu.memory_space<vmem>>
    %dma_wait3A_52 = arith.constant 0 : i32
    %dma_wait3A_53 = tpu.memref_slice %arg2[%dma_wait3A_52] : memref<65536xi32, #tpu.memory_space<hbm>> -> memref<512xi32, #tpu.memory_space<hbm>>
    tpu.wait_dma2 semaphore(%arg20 : memref<!tpu.dma_semaphore, #tpu.memory_space<semaphore_mem>>) src(%dma_wait3A_53 : memref<512xi32, #tpu.memory_space<hbm>>) dst(%dma_wait3A_51 : memref<512xi32, #tpu.memory_space<vmem>>)
    %dma_wait3A_54 = arith.constant 0 : i32
    %dma_wait3A_55 = tpu.memref_slice %arg5[%dma_wait3A_54] : memref<2048xi32, #tpu.memory_space<vmem>> -> memref<512xi32, #tpu.memory_space<vmem>>
    %dma_wait3A_56 = arith.constant 0 : i32
    %dma_wait3A_57 = tpu.memref_slice %arg2[%dma_wait3A_56] : memref<65536xi32, #tpu.memory_space<hbm>> -> memref<512xi32, #tpu.memory_space<hbm>>
    %dma_wait3A_58 = arith.constant 0 : i32
    %dma_wait3A_59 = tpu.memref_slice %arg5[%dma_wait3A_58] : memref<2048xi32, #tpu.memory_space<vmem>> -> memref<512xi32, #tpu.memory_space<vmem>>
    %dma_wait3A_60 = arith.constant 0 : i32
    %dma_wait3A_61 = tpu.memref_slice %arg2[%dma_wait3A_60] : memref<65536xi32, #tpu.memory_space<hbm>> -> memref<512xi32, #tpu.memory_space<hbm>>
    tpu.wait_dma2 semaphore(%arg20 : memref<!tpu.dma_semaphore, #tpu.memory_space<semaphore_mem>>) src(%dma_wait3A_61 : memref<512xi32, #tpu.memory_space<hbm>>) dst(%dma_wait3A_59 : memref<512xi32, #tpu.memory_space<vmem>>)
    %dma_wait3A_62 = arith.constant 0 : i32
    %dma_wait3A_63 = tpu.memref_slice %arg5[%dma_wait3A_62] : memref<2048xi32, #tpu.memory_space<vmem>> -> memref<512xi32, #tpu.memory_space<vmem>>
    %dma_wait3A_64 = arith.constant 0 : i32
    %dma_wait3A_65 = tpu.memref_slice %arg2[%dma_wait3A_64] : memref<65536xi32, #tpu.memory_space<hbm>> -> memref<512xi32, #tpu.memory_space<hbm>>
    %dma_wait3A_66 = arith.constant 0 : i32
    %dma_wait3A_67 = tpu.memref_slice %arg5[%dma_wait3A_66] : memref<2048xi32, #tpu.memory_space<vmem>> -> memref<512xi32, #tpu.memory_space<vmem>>
    %dma_wait3A_68 = arith.constant 0 : i32
    %dma_wait3A_69 = tpu.memref_slice %arg2[%dma_wait3A_68] : memref<65536xi32, #tpu.memory_space<hbm>> -> memref<512xi32, #tpu.memory_space<hbm>>
    tpu.wait_dma2 semaphore(%arg20 : memref<!tpu.dma_semaphore, #tpu.memory_space<semaphore_mem>>) src(%dma_wait3A_69 : memref<512xi32, #tpu.memory_space<hbm>>) dst(%dma_wait3A_67 : memref<512xi32, #tpu.memory_space<vmem>>)
    %parallel_loop3A = arith.constant 0 : i32
    %parallel_loop3A_70 = arith.constant 16 : i32
    %parallel_loop3A_71 = arith.constant 1 : i32
    scf.for %parallel_loop3A_168 = %parallel_loop3A to %parallel_loop3A_70 step %parallel_loop3A_71  : i32 {
      %parallel_loop3A_169 = arith.constant 32 : i32
      %parallel_loop3A_170 = arith.muli %parallel_loop3A_168, %parallel_loop3A_169 : i32
      %parallel_loop3A_171 = arith.constant 0 : i32
      %parallel_loop3A_172 = arith.addi %parallel_loop3A_171, %parallel_loop3A_170 : i32
      %parallel_loop3A_173 = arith.constant 0 : i32
      %parallel_loop3A_174 = arith.addi %parallel_loop3A_172, %parallel_loop3A_173 : i32
      %parallel_loop3A_175 = arith.index_cast %parallel_loop3A_174 : i32 to index
      %parallel_loop3A_176 = tpu.vector_load %arg5[%parallel_loop3A_175] {strides = array<i32>} : memref<2048xi32, #tpu.memory_space<vmem>>, vector<16xi32>,
      %parallel_loop3A_177 = arith.constant 0 : i32
      %parallel_loop3A_178 = vector.broadcast %parallel_loop3A_177 : i32 to vector<16xi32>
      %parallel_loop3A_179 = arith.addi %parallel_loop3A_176, %parallel_loop3A_178 : vector<16xi32>
      %parallel_loop3A_180 = arith.constant 0 : i32
      %parallel_loop3A_181 = arith.index_cast %parallel_loop3A_168 : i32 to index
      %parallel_loop3A_182 = arith.index_cast %parallel_loop3A_180 : i32 to index
      %parallel_loop3A_183 = arith.constant 0 : index
      %parallel_loop3A_184 = tpu.vector_load %arg6[%parallel_loop3A_181, %parallel_loop3A_182, %parallel_loop3A_183] {strides = array<i32>} : memref<16x2x64xi32, #tpu.memory_space<vmem>>, vector<16xi32>,
      tpu.vector_store %arg6[%parallel_loop3A_181, %parallel_loop3A_182, %parallel_loop3A_183], %parallel_loop3A_179 {strides = array<i32>} : memref<16x2x64xi32, #tpu.memory_space<vmem>>, vector<16xi32>,
      %parallel_loop3A_185 = arith.constant 32 : i32
      %parallel_loop3A_186 = arith.muli %parallel_loop3A_168, %parallel_loop3A_185 : i32
      %parallel_loop3A_187 = arith.constant 0 : i32
      %parallel_loop3A_188 = arith.addi %parallel_loop3A_187, %parallel_loop3A_186 : i32
      %parallel_loop3A_189 = arith.constant 16 : i32
      %parallel_loop3A_190 = arith.addi %parallel_loop3A_188, %parallel_loop3A_189 : i32
      %parallel_loop3A_191 = arith.index_cast %parallel_loop3A_190 : i32 to index
      %parallel_loop3A_192 = tpu.vector_load %arg5[%parallel_loop3A_191] {strides = array<i32>} : memref<2048xi32, #tpu.memory_space<vmem>>, vector<16xi32>,
      %parallel_loop3A_193 = arith.constant 0 : i32
      %parallel_loop3A_194 = vector.broadcast %parallel_loop3A_193 : i32 to vector<16xi32>
      %parallel_loop3A_195 = arith.addi %parallel_loop3A_192, %parallel_loop3A_194 : vector<16xi32>
      %parallel_loop3A_196 = arith.constant 0 : i32
      %parallel_loop3A_197 = arith.index_cast %parallel_loop3A_168 : i32 to index
      %parallel_loop3A_198 = arith.index_cast %parallel_loop3A_196 : i32 to index
      %parallel_loop3A_199 = arith.constant 16 : index
      %parallel_loop3A_200 = tpu.vector_load %arg6[%parallel_loop3A_197, %parallel_loop3A_198, %parallel_loop3A_199] {strides = array<i32>} : memref<16x2x64xi32, #tpu.memory_space<vmem>>, vector<16xi32>,
      tpu.vector_store %arg6[%parallel_loop3A_197, %parallel_loop3A_198, %parallel_loop3A_199], %parallel_loop3A_195 {strides = array<i32>} : memref<16x2x64xi32, #tpu.memory_space<vmem>>, vector<16xi32>,
      %parallel_loop3A_201 = arith.constant 32 : i32
      %parallel_loop3A_202 = arith.muli %parallel_loop3A_168, %parallel_loop3A_201 : i32
      %parallel_loop3A_203 = arith.constant 512 : i32
      %parallel_loop3A_204 = arith.addi %parallel_loop3A_203, %parallel_loop3A_202 : i32
      %parallel_loop3A_205 = arith.constant 0 : i32
      %parallel_loop3A_206 = arith.addi %parallel_loop3A_204, %parallel_loop3A_205 : i32
      %parallel_loop3A_207 = arith.index_cast %parallel_loop3A_206 : i32 to index
      %parallel_loop3A_208 = tpu.vector_load %arg5[%parallel_loop3A_207] {strides = array<i32>} : memref<2048xi32, #tpu.memory_space<vmem>>, vector<16xi32>,
      %parallel_loop3A_209 = arith.constant 1000 : i32
      %parallel_loop3A_210 = vector.broadcast %parallel_loop3A_209 : i32 to vector<16xi32>
      %parallel_loop3A_211 = arith.addi %parallel_loop3A_208, %parallel_loop3A_210 : vector<16xi32>
      %parallel_loop3A_212 = arith.constant 0 : i32
      %parallel_loop3A_213 = arith.index_cast %parallel_loop3A_168 : i32 to index
      %parallel_loop3A_214 = arith.index_cast %parallel_loop3A_212 : i32 to index
      %parallel_loop3A_215 = arith.constant 32 : index
      %parallel_loop3A_216 = tpu.vector_load %arg6[%parallel_loop3A_213, %parallel_loop3A_214, %parallel_loop3A_215] {strides = array<i32>} : memref<16x2x64xi32, #tpu.memory_space<vmem>>, vector<16xi32>,
      tpu.vector_store %arg6[%parallel_loop3A_213, %parallel_loop3A_214, %parallel_loop3A_215], %parallel_loop3A_211 {strides = array<i32>} : memref<16x2x64xi32, #tpu.memory_space<vmem>>, vector<16xi32>,
      %parallel_loop3A_217 = arith.constant 32 : i32
      %parallel_loop3A_218 = arith.muli %parallel_loop3A_168, %parallel_loop3A_217 : i32
      %parallel_loop3A_219 = arith.constant 512 : i32
      %parallel_loop3A_220 = arith.addi %parallel_loop3A_219, %parallel_loop3A_218 : i32
      %parallel_loop3A_221 = arith.constant 16 : i32
      %parallel_loop3A_222 = arith.addi %parallel_loop3A_220, %parallel_loop3A_221 : i32
      %parallel_loop3A_223 = arith.index_cast %parallel_loop3A_222 : i32 to index
      %parallel_loop3A_224 = tpu.vector_load %arg5[%parallel_loop3A_223] {strides = array<i32>} : memref<2048xi32, #tpu.memory_space<vmem>>, vector<16xi32>,
      %parallel_loop3A_225 = arith.constant 1000 : i32
      %parallel_loop3A_226 = vector.broadcast %parallel_loop3A_225 : i32 to vector<16xi32>
      %parallel_loop3A_227 = arith.addi %parallel_loop3A_224, %parallel_loop3A_226 : vector<16xi32>
      %parallel_loop3A_228 = arith.constant 0 : i32
      %parallel_loop3A_229 = arith.index_cast %parallel_loop3A_168 : i32 to index
      %parallel_loop3A_230 = arith.index_cast %parallel_loop3A_228 : i32 to index
      %parallel_loop3A_231 = arith.constant 48 : index
      %parallel_loop3A_232 = tpu.vector_load %arg6[%parallel_loop3A_229, %parallel_loop3A_230, %parallel_loop3A_231] {strides = array<i32>} : memref<16x2x64xi32, #tpu.memory_space<vmem>>, vector<16xi32>,
      tpu.vector_store %arg6[%parallel_loop3A_229, %parallel_loop3A_230, %parallel_loop3A_231], %parallel_loop3A_227 {strides = array<i32>} : memref<16x2x64xi32, #tpu.memory_space<vmem>>, vector<16xi32>,
      %parallel_loop3A_233 = arith.constant 32 : i32
      %parallel_loop3A_234 = arith.muli %parallel_loop3A_168, %parallel_loop3A_233 : i32
      %parallel_loop3A_235 = arith.constant 1024 : i32
      %parallel_loop3A_236 = arith.addi %parallel_loop3A_235, %parallel_loop3A_234 : i32
      %parallel_loop3A_237 = arith.constant 0 : i32
      %parallel_loop3A_238 = arith.addi %parallel_loop3A_236, %parallel_loop3A_237 : i32
      %parallel_loop3A_239 = arith.index_cast %parallel_loop3A_238 : i32 to index
      %parallel_loop3A_240 = tpu.vector_load %arg5[%parallel_loop3A_239] {strides = array<i32>} : memref<2048xi32, #tpu.memory_space<vmem>>, vector<16xi32>,
      %parallel_loop3A_241 = arith.constant 2000 : i32
      %parallel_loop3A_242 = vector.broadcast %parallel_loop3A_241 : i32 to vector<16xi32>
      %parallel_loop3A_243 = arith.addi %parallel_loop3A_240, %parallel_loop3A_242 : vector<16xi32>
      %parallel_loop3A_244 = arith.constant 1 : i32
      %parallel_loop3A_245 = arith.index_cast %parallel_loop3A_168 : i32 to index
      %parallel_loop3A_246 = arith.index_cast %parallel_loop3A_244 : i32 to index
      %parallel_loop3A_247 = arith.constant 0 : index
      %parallel_loop3A_248 = tpu.vector_load %arg6[%parallel_loop3A_245, %parallel_loop3A_246, %parallel_loop3A_247] {strides = array<i32>} : memref<16x2x64xi32, #tpu.memory_space<vmem>>, vector<16xi32>,
      tpu.vector_store %arg6[%parallel_loop3A_245, %parallel_loop3A_246, %parallel_loop3A_247], %parallel_loop3A_243 {strides = array<i32>} : memref<16x2x64xi32, #tpu.memory_space<vmem>>, vector<16xi32>,
      %parallel_loop3A_249 = arith.constant 32 : i32
      %parallel_loop3A_250 = arith.muli %parallel_loop3A_168, %parallel_loop3A_249 : i32
      %parallel_loop3A_251 = arith.constant 1024 : i32
      %parallel_loop3A_252 = arith.addi %parallel_loop3A_251, %parallel_loop3A_250 : i32
      %parallel_loop3A_253 = arith.constant 16 : i32
      %parallel_loop3A_254 = arith.addi %parallel_loop3A_252, %parallel_loop3A_253 : i32
      %parallel_loop3A_255 = arith.index_cast %parallel_loop3A_254 : i32 to index
      %parallel_loop3A_256 = tpu.vector_load %arg5[%parallel_loop3A_255] {strides = array<i32>} : memref<2048xi32, #tpu.memory_space<vmem>>, vector<16xi32>,
      %parallel_loop3A_257 = arith.constant 2000 : i32
      %parallel_loop3A_258 = vector.broadcast %parallel_loop3A_257 : i32 to vector<16xi32>
      %parallel_loop3A_259 = arith.addi %parallel_loop3A_256, %parallel_loop3A_258 : vector<16xi32>
      %parallel_loop3A_260 = arith.constant 1 : i32
      %parallel_loop3A_261 = arith.index_cast %parallel_loop3A_168 : i32 to index
      %parallel_loop3A_262 = arith.index_cast %parallel_loop3A_260 : i32 to index
      %parallel_loop3A_263 = arith.constant 16 : index
      %parallel_loop3A_264 = tpu.vector_load %arg6[%parallel_loop3A_261, %parallel_loop3A_262, %parallel_loop3A_263] {strides = array<i32>} : memref<16x2x64xi32, #tpu.memory_space<vmem>>, vector<16xi32>,
      tpu.vector_store %arg6[%parallel_loop3A_261, %parallel_loop3A_262, %parallel_loop3A_263], %parallel_loop3A_259 {strides = array<i32>} : memref<16x2x64xi32, #tpu.memory_space<vmem>>, vector<16xi32>,
      %parallel_loop3A_265 = arith.constant 32 : i32
      %parallel_loop3A_266 = arith.muli %parallel_loop3A_168, %parallel_loop3A_265 : i32
      %parallel_loop3A_267 = arith.constant 1536 : i32
      %parallel_loop3A_268 = arith.addi %parallel_loop3A_267, %parallel_loop3A_266 : i32
      %parallel_loop3A_269 = arith.constant 0 : i32
      %parallel_loop3A_270 = arith.addi %parallel_loop3A_268, %parallel_loop3A_269 : i32
      %parallel_loop3A_271 = arith.index_cast %parallel_loop3A_270 : i32 to index
      %parallel_loop3A_272 = tpu.vector_load %arg5[%parallel_loop3A_271] {strides = array<i32>} : memref<2048xi32, #tpu.memory_space<vmem>>, vector<16xi32>,
      %parallel_loop3A_273 = arith.constant 3000 : i32
      %parallel_loop3A_274 = vector.broadcast %parallel_loop3A_273 : i32 to vector<16xi32>
      %parallel_loop3A_275 = arith.addi %parallel_loop3A_272, %parallel_loop3A_274 : vector<16xi32>
      %parallel_loop3A_276 = arith.constant 1 : i32
      %parallel_loop3A_277 = arith.index_cast %parallel_loop3A_168 : i32 to index
      %parallel_loop3A_278 = arith.index_cast %parallel_loop3A_276 : i32 to index
      %parallel_loop3A_279 = arith.constant 32 : index
      %parallel_loop3A_280 = tpu.vector_load %arg6[%parallel_loop3A_277, %parallel_loop3A_278, %parallel_loop3A_279] {strides = array<i32>} : memref<16x2x64xi32, #tpu.memory_space<vmem>>, vector<16xi32>,
      tpu.vector_store %arg6[%parallel_loop3A_277, %parallel_loop3A_278, %parallel_loop3A_279], %parallel_loop3A_275 {strides = array<i32>} : memref<16x2x64xi32, #tpu.memory_space<vmem>>, vector<16xi32>,
      %parallel_loop3A_281 = arith.constant 32 : i32
      %parallel_loop3A_282 = arith.muli %parallel_loop3A_168, %parallel_loop3A_281 : i32
      %parallel_loop3A_283 = arith.constant 1536 : i32
      %parallel_loop3A_284 = arith.addi %parallel_loop3A_283, %parallel_loop3A_282 : i32
      %parallel_loop3A_285 = arith.constant 16 : i32
      %parallel_loop3A_286 = arith.addi %parallel_loop3A_284, %parallel_loop3A_285 : i32
      %parallel_loop3A_287 = arith.index_cast %parallel_loop3A_286 : i32 to index
      %parallel_loop3A_288 = tpu.vector_load %arg5[%parallel_loop3A_287] {strides = array<i32>} : memref<2048xi32, #tpu.memory_space<vmem>>, vector<16xi32>,
      %parallel_loop3A_289 = arith.constant 3000 : i32
      %parallel_loop3A_290 = vector.broadcast %parallel_loop3A_289 : i32 to vector<16xi32>
      %parallel_loop3A_291 = arith.addi %parallel_loop3A_288, %parallel_loop3A_290 : vector<16xi32>
      %parallel_loop3A_292 = arith.constant 1 : i32
      %parallel_loop3A_293 = arith.index_cast %parallel_loop3A_168 : i32 to index
      %parallel_loop3A_294 = arith.index_cast %parallel_loop3A_292 : i32 to index
      %parallel_loop3A_295 = arith.constant 48 : index
      %parallel_loop3A_296 = tpu.vector_load %arg6[%parallel_loop3A_293, %parallel_loop3A_294, %parallel_loop3A_295] {strides = array<i32>} : memref<16x2x64xi32, #tpu.memory_space<vmem>>, vector<16xi32>,
      tpu.vector_store %arg6[%parallel_loop3A_293, %parallel_loop3A_294, %parallel_loop3A_295], %parallel_loop3A_291 {strides = array<i32>} : memref<16x2x64xi32, #tpu.memory_space<vmem>>, vector<16xi32>,
    } {sc.loop_unroll_factor = 2 : i64, sc.parallel_access}
    %barrier3A = arith.constant 0 : index
    tpu.barrier barrier_id(%barrier3A)
    %dma_start3A_72 = arith.constant 0 : i32
    %dma_start3A_73 = arith.constant 0 : i32
    %dma_start3A_74 = arith.constant 0 : i32
    %dma_start3A_75 = arith.constant 0 : i32
    %dma_start3A_76 = tpu.memref_slice %arg7[%dma_start3A_74, %dma_start3A_75] : memref<128x64xi32, #tpu.memory_space<vmem>> -> memref<64x64xi32, #tpu.memory_space<vmem>>
    %dma_start3A_77 = arith.constant 0 : i32
    %dma_start3A_78 = tpu.memref_slice %arg6[%dma_start3A_72, %dma_start3A_73, %dma_start3A_77] : memref<16x2x64xi32, #tpu.memory_space<vmem>> -> memref<1x1x64xi32, #tpu.memory_space<vmem>>
    %dma_start3A_79 = tpu.memref_squeeze %dma_start3A_78 : memref<1x1x64xi32, #tpu.memory_space<vmem>> -> memref<64xi32, #tpu.memory_space<vmem>>
    %dma_start3A_80 = arith.constant 0 : i32
    %dma_start3A_81 = arith.constant 0 : i32
    %dma_start3A_82 = tpu.memref_slice %arg15[%dma_start3A_80, %dma_start3A_81] : memref<4000x64xi32, #tpu.memory_space<vmem_shared>> -> memref<4000x64xi32, #tpu.memory_space<vmem_shared>>
    tpu.enqueue_indirect_dma source(%dma_start3A_82 : memref<4000x64xi32, #tpu.memory_space<vmem_shared>>) target(%dma_start3A_76 : memref<64x64xi32, #tpu.memory_space<vmem>>) offsets(%dma_start3A_79 : memref<64xi32, #tpu.memory_space<vmem>>) semaphore(%arg16 : memref<!tpu.dma_semaphore, #tpu.memory_space<semaphore_mem>>)
    %dma_start3A_83 = arith.constant 0 : i32
    %dma_start3A_84 = arith.constant 1 : i32
    %dma_start3A_85 = arith.constant 64 : i32
    %dma_start3A_86 = arith.constant 0 : i32
    %dma_start3A_87 = tpu.memref_slice %arg7[%dma_start3A_85, %dma_start3A_86] : memref<128x64xi32, #tpu.memory_space<vmem>> -> memref<64x64xi32, #tpu.memory_space<vmem>>
    %dma_start3A_88 = arith.constant 0 : i32
    %dma_start3A_89 = tpu.memref_slice %arg6[%dma_start3A_83, %dma_start3A_84, %dma_start3A_88] : memref<16x2x64xi32, #tpu.memory_space<vmem>> -> memref<1x1x64xi32, #tpu.memory_space<vmem>>
    %dma_start3A_90 = tpu.memref_squeeze %dma_start3A_89 : memref<1x1x64xi32, #tpu.memory_space<vmem>> -> memref<64xi32, #tpu.memory_space<vmem>>
    %dma_start3A_91 = arith.constant 0 : i32
    %dma_start3A_92 = arith.constant 0 : i32
    %dma_start3A_93 = tpu.memref_slice %arg15[%dma_start3A_91, %dma_start3A_92] : memref<4000x64xi32, #tpu.memory_space<vmem_shared>> -> memref<4000x64xi32, #tpu.memory_space<vmem_shared>>
    tpu.enqueue_indirect_dma source(%dma_start3A_93 : memref<4000x64xi32, #tpu.memory_space<vmem_shared>>) target(%dma_start3A_87 : memref<64x64xi32, #tpu.memory_space<vmem>>) offsets(%dma_start3A_90 : memref<64xi32, #tpu.memory_space<vmem>>) semaphore(%arg16 : memref<!tpu.dma_semaphore, #tpu.memory_space<semaphore_mem>>)
    %dma_start3A_94 = arith.constant 1 : i32
    %dma_start3A_95 = arith.constant 0 : i32
    %dma_start3A_96 = arith.constant 0 : i32
    %dma_start3A_97 = arith.constant 0 : i32
    %dma_start3A_98 = tpu.memref_slice %arg8[%dma_start3A_96, %dma_start3A_97] : memref<128x64xi32, #tpu.memory_space<vmem>> -> memref<64x64xi32, #tpu.memory_space<vmem>>
    %dma_start3A_99 = arith.constant 0 : i32
    %dma_start3A_100 = tpu.memref_slice %arg6[%dma_start3A_94, %dma_start3A_95, %dma_start3A_99] : memref<16x2x64xi32, #tpu.memory_space<vmem>> -> memref<1x1x64xi32, #tpu.memory_space<vmem>>
    %dma_start3A_101 = tpu.memref_squeeze %dma_start3A_100 : memref<1x1x64xi32, #tpu.memory_space<vmem>> -> memref<64xi32, #tpu.memory_space<vmem>>
    %dma_start3A_102 = arith.constant 0 : i32
    %dma_start3A_103 = arith.constant 0 : i32
    %dma_start3A_104 = tpu.memref_slice %arg15[%dma_start3A_102, %dma_start3A_103] : memref<4000x64xi32, #tpu.memory_space<vmem_shared>> -> memref<4000x64xi32, #tpu.memory_space<vmem_shared>>
    tpu.enqueue_indirect_dma source(%dma_start3A_104 : memref<4000x64xi32, #tpu.memory_space<vmem_shared>>) target(%dma_start3A_98 : memref<64x64xi32, #tpu.memory_space<vmem>>) offsets(%dma_start3A_101 : memref<64xi32, #tpu.memory_space<vmem>>) semaphore(%arg17 : memref<!tpu.dma_semaphore, #tpu.memory_space<semaphore_mem>>)
    %dma_start3A_105 = arith.constant 1 : i32
    %dma_start3A_106 = arith.constant 1 : i32
    %dma_start3A_107 = arith.constant 64 : i32
    %dma_start3A_108 = arith.constant 0 : i32
    %dma_start3A_109 = tpu.memref_slice %arg8[%dma_start3A_107, %dma_start3A_108] : memref<128x64xi32, #tpu.memory_space<vmem>> -> memref<64x64xi32, #tpu.memory_space<vmem>>
    %dma_start3A_110 = arith.constant 0 : i32
    %dma_start3A_111 = tpu.memref_slice %arg6[%dma_start3A_105, %dma_start3A_106, %dma_start3A_110] : memref<16x2x64xi32, #tpu.memory_space<vmem>> -> memref<1x1x64xi32, #tpu.memory_space<vmem>>
    %dma_start3A_112 = tpu.memref_squeeze %dma_start3A_111 : memref<1x1x64xi32, #tpu.memory_space<vmem>> -> memref<64xi32, #tpu.memory_space<vmem>>
    %dma_start3A_113 = arith.constant 0 : i32
    %dma_start3A_114 = arith.constant 0 : i32
    %dma_start3A_115 = tpu.memref_slice %arg15[%dma_start3A_113, %dma_start3A_114] : memref<4000x64xi32, #tpu.memory_space<vmem_shared>> -> memref<4000x64xi32, #tpu.memory_space<vmem_shared>>
    tpu.enqueue_indirect_dma source(%dma_start3A_115 : memref<4000x64xi32, #tpu.memory_space<vmem_shared>>) target(%dma_start3A_109 : memref<64x64xi32, #tpu.memory_space<vmem>>) offsets(%dma_start3A_112 : memref<64xi32, #tpu.memory_space<vmem>>) semaphore(%arg17 : memref<!tpu.dma_semaphore, #tpu.memory_space<semaphore_mem>>)
    %dma_start3A_116 = arith.constant 2 : i32
    %dma_start3A_117 = arith.constant 0 : i32
    %dma_start3A_118 = arith.constant 0 : i32
    %dma_start3A_119 = arith.constant 0 : i32
    %dma_start3A_120 = tpu.memref_slice %arg9[%dma_start3A_118, %dma_start3A_119] : memref<128x64xi32, #tpu.memory_space<vmem>> -> memref<64x64xi32, #tpu.memory_space<vmem>>
    %dma_start3A_121 = arith.constant 0 : i32
    %dma_start3A_122 = tpu.memref_slice %arg6[%dma_start3A_116, %dma_start3A_117, %dma_start3A_121] : memref<16x2x64xi32, #tpu.memory_space<vmem>> -> memref<1x1x64xi32, #tpu.memory_space<vmem>>
    %dma_start3A_123 = tpu.memref_squeeze %dma_start3A_122 : memref<1x1x64xi32, #tpu.memory_space<vmem>> -> memref<64xi32, #tpu.memory_space<vmem>>
    %dma_start3A_124 = arith.constant 0 : i32
    %dma_start3A_125 = arith.constant 0 : i32
    %dma_start3A_126 = tpu.memref_slice %arg15[%dma_start3A_124, %dma_start3A_125] : memref<4000x64xi32, #tpu.memory_space<vmem_shared>> -> memref<4000x64xi32, #tpu.memory_space<vmem_shared>>
    tpu.enqueue_indirect_dma source(%dma_start3A_126 : memref<4000x64xi32, #tpu.memory_space<vmem_shared>>) target(%dma_start3A_120 : memref<64x64xi32, #tpu.memory_space<vmem>>) offsets(%dma_start3A_123 : memref<64xi32, #tpu.memory_space<vmem>>) semaphore(%arg18 : memref<!tpu.dma_semaphore, #tpu.memory_space<semaphore_mem>>)
    %dma_start3A_127 = arith.constant 2 : i32
    %dma_start3A_128 = arith.constant 1 : i32
    %dma_start3A_129 = arith.constant 64 : i32
    %dma_start3A_130 = arith.constant 0 : i32
    %dma_start3A_131 = tpu.memref_slice %arg9[%dma_start3A_129, %dma_start3A_130] : memref<128x64xi32, #tpu.memory_space<vmem>> -> memref<64x64xi32, #tpu.memory_space<vmem>>
    %dma_start3A_132 = arith.constant 0 : i32
    %dma_start3A_133 = tpu.memref_slice %arg6[%dma_start3A_127, %dma_start3A_128, %dma_start3A_132] : memref<16x2x64xi32, #tpu.memory_space<vmem>> -> memref<1x1x64xi32, #tpu.memory_space<vmem>>
    %dma_start3A_134 = tpu.memref_squeeze %dma_start3A_133 : memref<1x1x64xi32, #tpu.memory_space<vmem>> -> memref<64xi32, #tpu.memory_space<vmem>>
    %dma_start3A_135 = arith.constant 0 : i32
    %dma_start3A_136 = arith.constant 0 : i32
    %dma_start3A_137 = tpu.memref_slice %arg15[%dma_start3A_135, %dma_start3A_136] : memref<4000x64xi32, #tpu.memory_space<vmem_shared>> -> memref<4000x64xi32, #tpu.memory_space<vmem_shared>>
    tpu.enqueue_indirect_dma source(%dma_start3A_137 : memref<4000x64xi32, #tpu.memory_space<vmem_shared>>) target(%dma_start3A_131 : memref<64x64xi32, #tpu.memory_space<vmem>>) offsets(%dma_start3A_134 : memref<64xi32, #tpu.memory_space<vmem>>) semaphore(%arg18 : memref<!tpu.dma_semaphore, #tpu.memory_space<semaphore_mem>>)
    %scan3A = arith.constant 0 : i32
    %scan3A_138 = arith.constant 0 : i32
    %scan3A_139 = arith.constant 4 : i32
    %scan3A_140 = arith.addi %scan3A_138, %scan3A_139 : i32
    %scan3A_141 = arith.constant 1 : i32
    %scan3A_142 = scf.for %scan3A_168 = %scan3A_138 to %scan3A_140 step %scan3A_141 iter_args(%scan3A_169 = %scan3A) -> (i32)  : i32 {
      %mul3A_170 = arith.constant 4 : i32
      %mul3A_171 = arith.muli %scan3A_168, %mul3A_170 : i32
      %add3A_172 = arith.constant 0 : i32
      %add3A_173 = arith.addi %mul3A_171, %add3A_172 : i32
      %dma_wait3A_174 = arith.constant 0 : i32
      %dma_wait3A_175 = arith.constant 0 : i32
      %dma_wait3A_176 = arith.constant 0 : i32
      %dma_wait3A_177 = arith.constant 0 : i32
      %dma_wait3A_178 = tpu.memref_slice %arg7[%dma_wait3A_176, %dma_wait3A_177] : memref<128x64xi32, #tpu.memory_space<vmem>> -> memref<64x64xi32, #tpu.memory_space<vmem>>
      %dma_wait3A_179 = arith.constant 0 : i32
      %dma_wait3A_180 = tpu.memref_slice %arg6[%dma_wait3A_174, %dma_wait3A_175, %dma_wait3A_179] : memref<16x2x64xi32, #tpu.memory_space<vmem>> -> memref<1x1x64xi32, #tpu.memory_space<vmem>>
      %dma_wait3A_181 = tpu.memref_squeeze %dma_wait3A_180 : memref<1x1x64xi32, #tpu.memory_space<vmem>> -> memref<64xi32, #tpu.memory_space<vmem>>
      %dma_wait3A_182 = arith.constant 0 : i32
      %dma_wait3A_183 = arith.constant 0 : i32
      %dma_wait3A_184 = tpu.memref_slice %arg15[%dma_wait3A_182, %dma_wait3A_183] : memref<4000x64xi32, #tpu.memory_space<vmem_shared>> -> memref<4000x64xi32, #tpu.memory_space<vmem_shared>>
      tpu.wait_indirect_dma semaphore(%arg16 : memref<!tpu.dma_semaphore, #tpu.memory_space<semaphore_mem>>) src(%dma_wait3A_184 : memref<4000x64xi32, #tpu.memory_space<vmem_shared>>) dst(%dma_wait3A_178 : memref<64x64xi32, #tpu.memory_space<vmem>>)
      %dma_wait3A_185 = arith.constant 0 : i32
      %dma_wait3A_186 = arith.constant 0 : i32
      %dma_wait3A_187 = arith.constant 64 : i32
      %dma_wait3A_188 = arith.constant 0 : i32
      %dma_wait3A_189 = tpu.memref_slice %arg7[%dma_wait3A_187, %dma_wait3A_188] : memref<128x64xi32, #tpu.memory_space<vmem>> -> memref<64x64xi32, #tpu.memory_space<vmem>>
      %dma_wait3A_190 = arith.constant 0 : i32
      %dma_wait3A_191 = tpu.memref_slice %arg6[%dma_wait3A_185, %dma_wait3A_186, %dma_wait3A_190] : memref<16x2x64xi32, #tpu.memory_space<vmem>> -> memref<1x1x64xi32, #tpu.memory_space<vmem>>
      %dma_wait3A_192 = tpu.memref_squeeze %dma_wait3A_191 : memref<1x1x64xi32, #tpu.memory_space<vmem>> -> memref<64xi32, #tpu.memory_space<vmem>>
      %dma_wait3A_193 = arith.constant 0 : i32
      %dma_wait3A_194 = arith.constant 0 : i32
      %dma_wait3A_195 = tpu.memref_slice %arg15[%dma_wait3A_193, %dma_wait3A_194] : memref<4000x64xi32, #tpu.memory_space<vmem_shared>> -> memref<4000x64xi32, #tpu.memory_space<vmem_shared>>
      tpu.wait_indirect_dma semaphore(%arg16 : memref<!tpu.dma_semaphore, #tpu.memory_space<semaphore_mem>>) src(%dma_wait3A_195 : memref<4000x64xi32, #tpu.memory_space<vmem_shared>>) dst(%dma_wait3A_189 : memref<64x64xi32, #tpu.memory_space<vmem>>)
      %ge3A = arith.constant 4 : i32
      %ge3A_196 = arith.cmpi sge, %add3A_173, %ge3A : i32
      %convert_element_type3A = arith.extui %ge3A_196 : i1 to i32
      %cond3A = arith.constant 0 : i32
      %cond3A_197 = arith.cmpi ne, %convert_element_type3A, %cond3A : i32
      scf.if %cond3A_197 {
        %dma_wait3A_366 = arith.constant 0 : i32
        %dma_wait3A_367 = arith.constant 0 : i32
        %dma_wait3A_368 = tpu.memref_slice %arg4[%dma_wait3A_366, %dma_wait3A_367] : memref<16384x128xf32, #tpu.memory_space<hbm>> -> memref<32x128xf32, #tpu.memory_space<hbm>>
        %dma_wait3A_369 = arith.constant 0 : i32
        %dma_wait3A_370 = arith.constant 0 : i32
        %dma_wait3A_371 = tpu.memref_slice %arg4[%dma_wait3A_369, %dma_wait3A_370] : memref<16384x128xf32, #tpu.memory_space<hbm>> -> memref<32x128xf32, #tpu.memory_space<hbm>>
        tpu.wait_dma2 semaphore(%arg20 : memref<!tpu.dma_semaphore, #tpu.memory_space<semaphore_mem>>) src(%arg11 : memref<32x128xf32, #tpu.memory_space<vmem>>) dst(%dma_wait3A_371 : memref<32x128xf32, #tpu.memory_space<hbm>>)
      } else {
      }
      %parallel_loop3A_198 = arith.constant 0 : i32
      %parallel_loop3A_199 = arith.constant 32 : i32
      %parallel_loop3A_200 = arith.constant 1 : i32
      scf.for %parallel_loop3A_366 = %parallel_loop3A_198 to %parallel_loop3A_199 step %parallel_loop3A_200  : i32 {
        %parallel_loop3A_367 = arith.index_cast %parallel_loop3A_366 : i32 to index
        %parallel_loop3A_368 = arith.constant 0 : index
        %parallel_loop3A_369 = tpu.vector_load %arg7[%parallel_loop3A_367, %parallel_loop3A_368] {strides = array<i32>} : memref<128x64xi32, #tpu.memory_space<vmem>>, vector<16xi32>,
        %parallel_loop3A_370 = arith.shli %parallel_loop3A_369, %broadcast_in_dim3A_3 : vector<16xi32>
        %parallel_loop3A_371 = vector.bitcast %parallel_loop3A_370 : vector<16xi32> to vector<16xf32>
        %parallel_loop3A_372 = vector.bitcast %parallel_loop3A_369 : vector<16xi32> to vector<16xf32>
        %parallel_loop3A_373 = arith.constant 32 : i32
        %parallel_loop3A_374 = arith.addi %parallel_loop3A_373, %parallel_loop3A_366 : i32
        %parallel_loop3A_375 = arith.index_cast %parallel_loop3A_374 : i32 to index
        %parallel_loop3A_376 = arith.constant 0 : index
        %parallel_loop3A_377 = tpu.vector_load %arg7[%parallel_loop3A_375, %parallel_loop3A_376] {strides = array<i32>} : memref<128x64xi32, #tpu.memory_space<vmem>>, vector<16xi32>,
        %parallel_loop3A_378 = arith.shli %parallel_loop3A_377, %broadcast_in_dim3A_3 : vector<16xi32>
        %parallel_loop3A_379 = vector.bitcast %parallel_loop3A_378 : vector<16xi32> to vector<16xf32>
        %parallel_loop3A_380 = arith.addf %parallel_loop3A_371, %parallel_loop3A_379 : vector<16xf32>
        %parallel_loop3A_381 = vector.bitcast %parallel_loop3A_377 : vector<16xi32> to vector<16xf32>
        %parallel_loop3A_382 = arith.addf %parallel_loop3A_372, %parallel_loop3A_381 : vector<16xf32>
        %parallel_loop3A_383 = arith.constant 64 : i32
        %parallel_loop3A_384 = arith.addi %parallel_loop3A_383, %parallel_loop3A_366 : i32
        %parallel_loop3A_385 = arith.index_cast %parallel_loop3A_384 : i32 to index
        %parallel_loop3A_386 = arith.constant 0 : index
        %parallel_loop3A_387 = tpu.vector_load %arg7[%parallel_loop3A_385, %parallel_loop3A_386] {strides = array<i32>} : memref<128x64xi32, #tpu.memory_space<vmem>>, vector<16xi32>,
        %parallel_loop3A_388 = arith.shli %parallel_loop3A_387, %broadcast_in_dim3A_3 : vector<16xi32>
        %parallel_loop3A_389 = vector.bitcast %parallel_loop3A_388 : vector<16xi32> to vector<16xf32>
        %parallel_loop3A_390 = arith.addf %parallel_loop3A_380, %parallel_loop3A_389 : vector<16xf32>
        %parallel_loop3A_391 = vector.bitcast %parallel_loop3A_387 : vector<16xi32> to vector<16xf32>
        %parallel_loop3A_392 = arith.addf %parallel_loop3A_382, %parallel_loop3A_391 : vector<16xf32>
        %parallel_loop3A_393 = arith.constant 96 : i32
        %parallel_loop3A_394 = arith.addi %parallel_loop3A_393, %parallel_loop3A_366 : i32
        %parallel_loop3A_395 = arith.index_cast %parallel_loop3A_394 : i32 to index
        %parallel_loop3A_396 = arith.constant 0 : index
        %parallel_loop3A_397 = tpu.vector_load %arg7[%parallel_loop3A_395, %parallel_loop3A_396] {strides = array<i32>} : memref<128x64xi32, #tpu.memory_space<vmem>>, vector<16xi32>,
        %parallel_loop3A_398 = arith.shli %parallel_loop3A_397, %broadcast_in_dim3A_3 : vector<16xi32>
        %parallel_loop3A_399 = vector.bitcast %parallel_loop3A_398 : vector<16xi32> to vector<16xf32>
        %parallel_loop3A_400 = arith.addf %parallel_loop3A_390, %parallel_loop3A_399 : vector<16xf32>
        %parallel_loop3A_401 = vector.bitcast %parallel_loop3A_397 : vector<16xi32> to vector<16xf32>
        %parallel_loop3A_402 = arith.addf %parallel_loop3A_392, %parallel_loop3A_401 : vector<16xf32>
        %parallel_loop3A_403 = arith.index_cast %parallel_loop3A_366 : i32 to index
        %parallel_loop3A_404 = arith.constant 0 : index
        %parallel_loop3A_405 = tpu.vector_load %arg11[%parallel_loop3A_403, %parallel_loop3A_404] {strides = array<i32>} : memref<32x128xf32, #tpu.memory_space<vmem>>, vector<16xf32>,
        tpu.vector_store %arg11[%parallel_loop3A_403, %parallel_loop3A_404], %parallel_loop3A_400 {strides = array<i32>} : memref<32x128xf32, #tpu.memory_space<vmem>>, vector<16xf32>,
        %parallel_loop3A_406 = arith.index_cast %parallel_loop3A_366 : i32 to index
        %parallel_loop3A_407 = arith.constant 16 : index
        %parallel_loop3A_408 = tpu.vector_load %arg11[%parallel_loop3A_406, %parallel_loop3A_407] {strides = array<i32>} : memref<32x128xf32, #tpu.memory_space<vmem>>, vector<16xf32>,
        tpu.vector_store %arg11[%parallel_loop3A_406, %parallel_loop3A_407], %parallel_loop3A_402 {strides = array<i32>} : memref<32x128xf32, #tpu.memory_space<vmem>>, vector<16xf32>,
        %parallel_loop3A_409 = arith.index_cast %parallel_loop3A_366 : i32 to index
        %parallel_loop3A_410 = arith.constant 16 : index
        %parallel_loop3A_411 = tpu.vector_load %arg7[%parallel_loop3A_409, %parallel_loop3A_410] {strides = array<i32>} : memref<128x64xi32, #tpu.memory_space<vmem>>, vector<16xi32>,
        %parallel_loop3A_412 = arith.shli %parallel_loop3A_411, %broadcast_in_dim3A_3 : vector<16xi32>
        %parallel_loop3A_413 = vector.bitcast %parallel_loop3A_412 : vector<16xi32> to vector<16xf32>
        %parallel_loop3A_414 = vector.bitcast %parallel_loop3A_411 : vector<16xi32> to vector<16xf32>
        %parallel_loop3A_415 = arith.constant 32 : i32
        %parallel_loop3A_416 = arith.addi %parallel_loop3A_415, %parallel_loop3A_366 : i32
        %parallel_loop3A_417 = arith.index_cast %parallel_loop3A_416 : i32 to index
        %parallel_loop3A_418 = arith.constant 16 : index
        %parallel_loop3A_419 = tpu.vector_load %arg7[%parallel_loop3A_417, %parallel_loop3A_418] {strides = array<i32>} : memref<128x64xi32, #tpu.memory_space<vmem>>, vector<16xi32>,
        %parallel_loop3A_420 = arith.shli %parallel_loop3A_419, %broadcast_in_dim3A_3 : vector<16xi32>
        %parallel_loop3A_421 = vector.bitcast %parallel_loop3A_420 : vector<16xi32> to vector<16xf32>
        %parallel_loop3A_422 = arith.addf %parallel_loop3A_413, %parallel_loop3A_421 : vector<16xf32>
        %parallel_loop3A_423 = vector.bitcast %parallel_loop3A_419 : vector<16xi32> to vector<16xf32>
        %parallel_loop3A_424 = arith.addf %parallel_loop3A_414, %parallel_loop3A_423 : vector<16xf32>
        %parallel_loop3A_425 = arith.constant 64 : i32
        %parallel_loop3A_426 = arith.addi %parallel_loop3A_425, %parallel_loop3A_366 : i32
        %parallel_loop3A_427 = arith.index_cast %parallel_loop3A_426 : i32 to index
        %parallel_loop3A_428 = arith.constant 16 : index
        %parallel_loop3A_429 = tpu.vector_load %arg7[%parallel_loop3A_427, %parallel_loop3A_428] {strides = array<i32>} : memref<128x64xi32, #tpu.memory_space<vmem>>, vector<16xi32>,
        %parallel_loop3A_430 = arith.shli %parallel_loop3A_429, %broadcast_in_dim3A_3 : vector<16xi32>
        %parallel_loop3A_431 = vector.bitcast %parallel_loop3A_430 : vector<16xi32> to vector<16xf32>
        %parallel_loop3A_432 = arith.addf %parallel_loop3A_422, %parallel_loop3A_431 : vector<16xf32>
        %parallel_loop3A_433 = vector.bitcast %parallel_loop3A_429 : vector<16xi32> to vector<16xf32>
        %parallel_loop3A_434 = arith.addf %parallel_loop3A_424, %parallel_loop3A_433 : vector<16xf32>
        %parallel_loop3A_435 = arith.constant 96 : i32
        %parallel_loop3A_436 = arith.addi %parallel_loop3A_435, %parallel_loop3A_366 : i32
        %parallel_loop3A_437 = arith.index_cast %parallel_loop3A_436 : i32 to index
        %parallel_loop3A_438 = arith.constant 16 : index
        %parallel_loop3A_439 = tpu.vector_load %arg7[%parallel_loop3A_437, %parallel_loop3A_438] {strides = array<i32>} : memref<128x64xi32, #tpu.memory_space<vmem>>, vector<16xi32>,
        %parallel_loop3A_440 = arith.shli %parallel_loop3A_439, %broadcast_in_dim3A_3 : vector<16xi32>
        %parallel_loop3A_441 = vector.bitcast %parallel_loop3A_440 : vector<16xi32> to vector<16xf32>
        %parallel_loop3A_442 = arith.addf %parallel_loop3A_432, %parallel_loop3A_441 : vector<16xf32>
        %parallel_loop3A_443 = vector.bitcast %parallel_loop3A_439 : vector<16xi32> to vector<16xf32>
        %parallel_loop3A_444 = arith.addf %parallel_loop3A_434, %parallel_loop3A_443 : vector<16xf32>
        %parallel_loop3A_445 = arith.index_cast %parallel_loop3A_366 : i32 to index
        %parallel_loop3A_446 = arith.constant 32 : index
        %parallel_loop3A_447 = tpu.vector_load %arg11[%parallel_loop3A_445, %parallel_loop3A_446] {strides = array<i32>} : memref<32x128xf32, #tpu.memory_space<vmem>>, vector<16xf32>,
        tpu.vector_store %arg11[%parallel_loop3A_445, %parallel_loop3A_446], %parallel_loop3A_442 {strides = array<i32>} : memref<32x128xf32, #tpu.memory_space<vmem>>, vector<16xf32>,
        %parallel_loop3A_448 = arith.index_cast %parallel_loop3A_366 : i32 to index
        %parallel_loop3A_449 = arith.constant 48 : index
        %parallel_loop3A_450 = tpu.vector_load %arg11[%parallel_loop3A_448, %parallel_loop3A_449] {strides = array<i32>} : memref<32x128xf32, #tpu.memory_space<vmem>>, vector<16xf32>,
        tpu.vector_store %arg11[%parallel_loop3A_448, %parallel_loop3A_449], %parallel_loop3A_444 {strides = array<i32>} : memref<32x128xf32, #tpu.memory_space<vmem>>, vector<16xf32>,
        %parallel_loop3A_451 = arith.index_cast %parallel_loop3A_366 : i32 to index
        %parallel_loop3A_452 = arith.constant 32 : index
        %parallel_loop3A_453 = tpu.vector_load %arg7[%parallel_loop3A_451, %parallel_loop3A_452] {strides = array<i32>} : memref<128x64xi32, #tpu.memory_space<vmem>>, vector<16xi32>,
        %parallel_loop3A_454 = arith.shli %parallel_loop3A_453, %broadcast_in_dim3A_3 : vector<16xi32>
        %parallel_loop3A_455 = vector.bitcast %parallel_loop3A_454 : vector<16xi32> to vector<16xf32>
        %parallel_loop3A_456 = vector.bitcast %parallel_loop3A_453 : vector<16xi32> to vector<16xf32>
        %parallel_loop3A_457 = arith.constant 32 : i32
        %parallel_loop3A_458 = arith.addi %parallel_loop3A_457, %parallel_loop3A_366 : i32
        %parallel_loop3A_459 = arith.index_cast %parallel_loop3A_458 : i32 to index
        %parallel_loop3A_460 = arith.constant 32 : index
        %parallel_loop3A_461 = tpu.vector_load %arg7[%parallel_loop3A_459, %parallel_loop3A_460] {strides = array<i32>} : memref<128x64xi32, #tpu.memory_space<vmem>>, vector<16xi32>,
        %parallel_loop3A_462 = arith.shli %parallel_loop3A_461, %broadcast_in_dim3A_3 : vector<16xi32>
        %parallel_loop3A_463 = vector.bitcast %parallel_loop3A_462 : vector<16xi32> to vector<16xf32>
        %parallel_loop3A_464 = arith.addf %parallel_loop3A_455, %parallel_loop3A_463 : vector<16xf32>
        %parallel_loop3A_465 = vector.bitcast %parallel_loop3A_461 : vector<16xi32> to vector<16xf32>
        %parallel_loop3A_466 = arith.addf %parallel_loop3A_456, %parallel_loop3A_465 : vector<16xf32>
        %parallel_loop3A_467 = arith.constant 64 : i32
        %parallel_loop3A_468 = arith.addi %parallel_loop3A_467, %parallel_loop3A_366 : i32
        %parallel_loop3A_469 = arith.index_cast %parallel_loop3A_468 : i32 to index
        %parallel_loop3A_470 = arith.constant 32 : index
        %parallel_loop3A_471 = tpu.vector_load %arg7[%parallel_loop3A_469, %parallel_loop3A_470] {strides = array<i32>} : memref<128x64xi32, #tpu.memory_space<vmem>>, vector<16xi32>,
        %parallel_loop3A_472 = arith.shli %parallel_loop3A_471, %broadcast_in_dim3A_3 : vector<16xi32>
        %parallel_loop3A_473 = vector.bitcast %parallel_loop3A_472 : vector<16xi32> to vector<16xf32>
        %parallel_loop3A_474 = arith.addf %parallel_loop3A_464, %parallel_loop3A_473 : vector<16xf32>
        %parallel_loop3A_475 = vector.bitcast %parallel_loop3A_471 : vector<16xi32> to vector<16xf32>
        %parallel_loop3A_476 = arith.addf %parallel_loop3A_466, %parallel_loop3A_475 : vector<16xf32>
        %parallel_loop3A_477 = arith.constant 96 : i32
        %parallel_loop3A_478 = arith.addi %parallel_loop3A_477, %parallel_loop3A_366 : i32
        %parallel_loop3A_479 = arith.index_cast %parallel_loop3A_478 : i32 to index
        %parallel_loop3A_480 = arith.constant 32 : index
        %parallel_loop3A_481 = tpu.vector_load %arg7[%parallel_loop3A_479, %parallel_loop3A_480] {strides = array<i32>} : memref<128x64xi32, #tpu.memory_space<vmem>>, vector<16xi32>,
        %parallel_loop3A_482 = arith.shli %parallel_loop3A_481, %broadcast_in_dim3A_3 : vector<16xi32>
        %parallel_loop3A_483 = vector.bitcast %parallel_loop3A_482 : vector<16xi32> to vector<16xf32>
        %parallel_loop3A_484 = arith.addf %parallel_loop3A_474, %parallel_loop3A_483 : vector<16xf32>
        %parallel_loop3A_485 = vector.bitcast %parallel_loop3A_481 : vector<16xi32> to vector<16xf32>
        %parallel_loop3A_486 = arith.addf %parallel_loop3A_476, %parallel_loop3A_485 : vector<16xf32>
        %parallel_loop3A_487 = arith.index_cast %parallel_loop3A_366 : i32 to index
        %parallel_loop3A_488 = arith.constant 64 : index
        %parallel_loop3A_489 = tpu.vector_load %arg11[%parallel_loop3A_487, %parallel_loop3A_488] {strides = array<i32>} : memref<32x128xf32, #tpu.memory_space<vmem>>, vector<16xf32>,
        tpu.vector_store %arg11[%parallel_loop3A_487, %parallel_loop3A_488], %parallel_loop3A_484 {strides = array<i32>} : memref<32x128xf32, #tpu.memory_space<vmem>>, vector<16xf32>,
        %parallel_loop3A_490 = arith.index_cast %parallel_loop3A_366 : i32 to index
        %parallel_loop3A_491 = arith.constant 80 : index
        %parallel_loop3A_492 = tpu.vector_load %arg11[%parallel_loop3A_490, %parallel_loop3A_491] {strides = array<i32>} : memref<32x128xf32, #tpu.memory_space<vmem>>, vector<16xf32>,
        tpu.vector_store %arg11[%parallel_loop3A_490, %parallel_loop3A_491], %parallel_loop3A_486 {strides = array<i32>} : memref<32x128xf32, #tpu.memory_space<vmem>>, vector<16xf32>,
        %parallel_loop3A_493 = arith.index_cast %parallel_loop3A_366 : i32 to index
        %parallel_loop3A_494 = arith.constant 48 : index
        %parallel_loop3A_495 = tpu.vector_load %arg7[%parallel_loop3A_493, %parallel_loop3A_494] {strides = array<i32>} : memref<128x64xi32, #tpu.memory_space<vmem>>, vector<16xi32>,
        %parallel_loop3A_496 = arith.shli %parallel_loop3A_495, %broadcast_in_dim3A_3 : vector<16xi32>
        %parallel_loop3A_497 = vector.bitcast %parallel_loop3A_496 : vector<16xi32> to vector<16xf32>
        %parallel_loop3A_498 = vector.bitcast %parallel_loop3A_495 : vector<16xi32> to vector<16xf32>
        %parallel_loop3A_499 = arith.constant 32 : i32
        %parallel_loop3A_500 = arith.addi %parallel_loop3A_499, %parallel_loop3A_366 : i32
        %parallel_loop3A_501 = arith.index_cast %parallel_loop3A_500 : i32 to index
        %parallel_loop3A_502 = arith.constant 48 : index
        %parallel_loop3A_503 = tpu.vector_load %arg7[%parallel_loop3A_501, %parallel_loop3A_502] {strides = array<i32>} : memref<128x64xi32, #tpu.memory_space<vmem>>, vector<16xi32>,
        %parallel_loop3A_504 = arith.shli %parallel_loop3A_503, %broadcast_in_dim3A_3 : vector<16xi32>
        %parallel_loop3A_505 = vector.bitcast %parallel_loop3A_504 : vector<16xi32> to vector<16xf32>
        %parallel_loop3A_506 = arith.addf %parallel_loop3A_497, %parallel_loop3A_505 : vector<16xf32>
        %parallel_loop3A_507 = vector.bitcast %parallel_loop3A_503 : vector<16xi32> to vector<16xf32>
        %parallel_loop3A_508 = arith.addf %parallel_loop3A_498, %parallel_loop3A_507 : vector<16xf32>
        %parallel_loop3A_509 = arith.constant 64 : i32
        %parallel_loop3A_510 = arith.addi %parallel_loop3A_509, %parallel_loop3A_366 : i32
        %parallel_loop3A_511 = arith.index_cast %parallel_loop3A_510 : i32 to index
        %parallel_loop3A_512 = arith.constant 48 : index
        %parallel_loop3A_513 = tpu.vector_load %arg7[%parallel_loop3A_511, %parallel_loop3A_512] {strides = array<i32>} : memref<128x64xi32, #tpu.memory_space<vmem>>, vector<16xi32>,
        %parallel_loop3A_514 = arith.shli %parallel_loop3A_513, %broadcast_in_dim3A_3 : vector<16xi32>
        %parallel_loop3A_515 = vector.bitcast %parallel_loop3A_514 : vector<16xi32> to vector<16xf32>
        %parallel_loop3A_516 = arith.addf %parallel_loop3A_506, %parallel_loop3A_515 : vector<16xf32>
        %parallel_loop3A_517 = vector.bitcast %parallel_loop3A_513 : vector<16xi32> to vector<16xf32>
        %parallel_loop3A_518 = arith.addf %parallel_loop3A_508, %parallel_loop3A_517 : vector<16xf32>
        %parallel_loop3A_519 = arith.constant 96 : i32
        %parallel_loop3A_520 = arith.addi %parallel_loop3A_519, %parallel_loop3A_366 : i32
        %parallel_loop3A_521 = arith.index_cast %parallel_loop3A_520 : i32 to index
        %parallel_loop3A_522 = arith.constant 48 : index
        %parallel_loop3A_523 = tpu.vector_load %arg7[%parallel_loop3A_521, %parallel_loop3A_522] {strides = array<i32>} : memref<128x64xi32, #tpu.memory_space<vmem>>, vector<16xi32>,
        %parallel_loop3A_524 = arith.shli %parallel_loop3A_523, %broadcast_in_dim3A_3 : vector<16xi32>
        %parallel_loop3A_525 = vector.bitcast %parallel_loop3A_524 : vector<16xi32> to vector<16xf32>
        %parallel_loop3A_526 = arith.addf %parallel_loop3A_516, %parallel_loop3A_525 : vector<16xf32>
        %parallel_loop3A_527 = vector.bitcast %parallel_loop3A_523 : vector<16xi32> to vector<16xf32>
        %parallel_loop3A_528 = arith.addf %parallel_loop3A_518, %parallel_loop3A_527 : vector<16xf32>
        %parallel_loop3A_529 = arith.index_cast %parallel_loop3A_366 : i32 to index
        %parallel_loop3A_530 = arith.constant 96 : index
        %parallel_loop3A_531 = tpu.vector_load %arg11[%parallel_loop3A_529, %parallel_loop3A_530] {strides = array<i32>} : memref<32x128xf32, #tpu.memory_space<vmem>>, vector<16xf32>,
        tpu.vector_store %arg11[%parallel_loop3A_529, %parallel_loop3A_530], %parallel_loop3A_526 {strides = array<i32>} : memref<32x128xf32, #tpu.memory_space<vmem>>, vector<16xf32>,
        %parallel_loop3A_532 = arith.index_cast %parallel_loop3A_366 : i32 to index
        %parallel_loop3A_533 = arith.constant 112 : index
        %parallel_loop3A_534 = tpu.vector_load %arg11[%parallel_loop3A_532, %parallel_loop3A_533] {strides = array<i32>} : memref<32x128xf32, #tpu.memory_space<vmem>>, vector<16xf32>,
        tpu.vector_store %arg11[%parallel_loop3A_532, %parallel_loop3A_533], %parallel_loop3A_528 {strides = array<i32>} : memref<32x128xf32, #tpu.memory_space<vmem>>, vector<16xf32>,
      } {sc.loop_unroll_factor = 4 : i64, sc.parallel_access}
      %mul3A_201 = arith.constant 32 : i32
      %mul3A_202 = arith.muli %add3A_173, %mul3A_201 : i32
      %add3A_203 = arith.addi %mul3A_2, %mul3A_202 : i32
      %dma_start3A_204 = arith.constant 0 : i32
      %dma_start3A_205 = tpu.memref_slice %arg4[%add3A_203, %dma_start3A_204] : memref<16384x128xf32, #tpu.memory_space<hbm>> -> memref<32x128xf32, #tpu.memory_space<hbm>>
      %dma_start3A_206 = arith.constant 0 : i32
      %dma_start3A_207 = tpu.memref_slice %arg4[%add3A_203, %dma_start3A_206] : memref<16384x128xf32, #tpu.memory_space<hbm>> -> memref<32x128xf32, #tpu.memory_space<hbm>>
      tpu.enqueue_dma source(%arg11 : memref<32x128xf32, #tpu.memory_space<vmem>>) target(%dma_start3A_207 : memref<32x128xf32, #tpu.memory_space<hbm>>) target_semaphore(%arg20 : memref<!tpu.dma_semaphore, #tpu.memory_space<semaphore_mem>>)
      %add3A_208 = arith.constant 4 : i32
      %add3A_209 = arith.addi %add3A_173, %add3A_208 : i32
      %sub3A = arith.constant 1 : i32
      %sub3A_210 = arith.subi %add3A_209, %sub3A : i32
      %lt3A = arith.constant 16 : i32
      %lt3A_211 = arith.cmpi slt, %sub3A_210, %lt3A : i32
      %convert_element_type3A_212 = arith.extui %lt3A_211 : i1 to i32
      %cond3A_213 = arith.constant 0 : i32
      %cond3A_214 = arith.cmpi ne, %convert_element_type3A_212, %cond3A_213 : i32
      scf.if %cond3A_214 {
        %add3A_366 = arith.constant 4 : i32
        %add3A_367 = arith.addi %add3A_173, %add3A_366 : i32
        %sub3A_368 = arith.constant 1 : i32
        %sub3A_369 = arith.subi %add3A_367, %sub3A_368 : i32
        %dma_start3A_370 = arith.constant 0 : i32
        %dma_start3A_371 = arith.constant 0 : i32
        %dma_start3A_372 = arith.constant 0 : i32
        %dma_start3A_373 = tpu.memref_slice %arg10[%dma_start3A_371, %dma_start3A_372] : memref<128x64xi32, #tpu.memory_space<vmem>> -> memref<64x64xi32, #tpu.memory_space<vmem>>
        %dma_start3A_374 = arith.constant 0 : i32
        %dma_start3A_375 = tpu.memref_slice %arg6[%sub3A_369, %dma_start3A_370, %dma_start3A_374] : memref<16x2x64xi32, #tpu.memory_space<vmem>> -> memref<1x1x64xi32, #tpu.memory_space<vmem>>
        %dma_start3A_376 = tpu.memref_squeeze %dma_start3A_375 : memref<1x1x64xi32, #tpu.memory_space<vmem>> -> memref<64xi32, #tpu.memory_space<vmem>>
        %dma_start3A_377 = arith.constant 0 : i32
        %dma_start3A_378 = arith.constant 0 : i32
        %dma_start3A_379 = tpu.memref_slice %arg15[%dma_start3A_377, %dma_start3A_378] : memref<4000x64xi32, #tpu.memory_space<vmem_shared>> -> memref<4000x64xi32, #tpu.memory_space<vmem_shared>>
        tpu.enqueue_indirect_dma source(%dma_start3A_379 : memref<4000x64xi32, #tpu.memory_space<vmem_shared>>) target(%dma_start3A_373 : memref<64x64xi32, #tpu.memory_space<vmem>>) offsets(%dma_start3A_376 : memref<64xi32, #tpu.memory_space<vmem>>) semaphore(%arg19 : memref<!tpu.dma_semaphore, #tpu.memory_space<semaphore_mem>>)
        %dma_start3A_380 = arith.constant 1 : i32
        %dma_start3A_381 = arith.constant 64 : i32
        %dma_start3A_382 = arith.constant 0 : i32
        %dma_start3A_383 = tpu.memref_slice %arg10[%dma_start3A_381, %dma_start3A_382] : memref<128x64xi32, #tpu.memory_space<vmem>> -> memref<64x64xi32, #tpu.memory_space<vmem>>
        %dma_start3A_384 = arith.constant 0 : i32
        %dma_start3A_385 = tpu.memref_slice %arg6[%sub3A_369, %dma_start3A_380, %dma_start3A_384] : memref<16x2x64xi32, #tpu.memory_space<vmem>> -> memref<1x1x64xi32, #tpu.memory_space<vmem>>
        %dma_start3A_386 = tpu.memref_squeeze %dma_start3A_385 : memref<1x1x64xi32, #tpu.memory_space<vmem>> -> memref<64xi32, #tpu.memory_space<vmem>>
        %dma_start3A_387 = arith.constant 0 : i32
        %dma_start3A_388 = arith.constant 0 : i32
        %dma_start3A_389 = tpu.memref_slice %arg15[%dma_start3A_387, %dma_start3A_388] : memref<4000x64xi32, #tpu.memory_space<vmem_shared>> -> memref<4000x64xi32, #tpu.memory_space<vmem_shared>>
        tpu.enqueue_indirect_dma source(%dma_start3A_389 : memref<4000x64xi32, #tpu.memory_space<vmem_shared>>) target(%dma_start3A_383 : memref<64x64xi32, #tpu.memory_space<vmem>>) offsets(%dma_start3A_386 : memref<64xi32, #tpu.memory_space<vmem>>) semaphore(%arg19 : memref<!tpu.dma_semaphore, #tpu.memory_space<semaphore_mem>>)
      } else {
      }
      %mul3A_215 = arith.constant 4 : i32
      %mul3A_216 = arith.muli %scan3A_168, %mul3A_215 : i32
      %add3A_217 = arith.constant 1 : i32
      %add3A_218 = arith.addi %mul3A_216, %add3A_217 : i32
      %dma_wait3A_219 = arith.constant 0 : i32
      %dma_wait3A_220 = arith.constant 0 : i32
      %dma_wait3A_221 = arith.constant 0 : i32
      %dma_wait3A_222 = arith.constant 0 : i32
      %dma_wait3A_223 = tpu.memref_slice %arg8[%dma_wait3A_221, %dma_wait3A_222] : memref<128x64xi32, #tpu.memory_space<vmem>> -> memref<64x64xi32, #tpu.memory_space<vmem>>
      %dma_wait3A_224 = arith.constant 0 : i32
      %dma_wait3A_225 = tpu.memref_slice %arg6[%dma_wait3A_219, %dma_wait3A_220, %dma_wait3A_224] : memref<16x2x64xi32, #tpu.memory_space<vmem>> -> memref<1x1x64xi32, #tpu.memory_space<vmem>>
      %dma_wait3A_226 = tpu.memref_squeeze %dma_wait3A_225 : memref<1x1x64xi32, #tpu.memory_space<vmem>> -> memref<64xi32, #tpu.memory_space<vmem>>
      %dma_wait3A_227 = arith.constant 0 : i32
      %dma_wait3A_228 = arith.constant 0 : i32
      %dma_wait3A_229 = tpu.memref_slice %arg15[%dma_wait3A_227, %dma_wait3A_228] : memref<4000x64xi32, #tpu.memory_space<vmem_shared>> -> memref<4000x64xi32, #tpu.memory_space<vmem_shared>>
      tpu.wait_indirect_dma semaphore(%arg17 : memref<!tpu.dma_semaphore, #tpu.memory_space<semaphore_mem>>) src(%dma_wait3A_229 : memref<4000x64xi32, #tpu.memory_space<vmem_shared>>) dst(%dma_wait3A_223 : memref<64x64xi32, #tpu.memory_space<vmem>>)
      %dma_wait3A_230 = arith.constant 0 : i32
      %dma_wait3A_231 = arith.constant 0 : i32
      %dma_wait3A_232 = arith.constant 64 : i32
      %dma_wait3A_233 = arith.constant 0 : i32
      %dma_wait3A_234 = tpu.memref_slice %arg8[%dma_wait3A_232, %dma_wait3A_233] : memref<128x64xi32, #tpu.memory_space<vmem>> -> memref<64x64xi32, #tpu.memory_space<vmem>>
      %dma_wait3A_235 = arith.constant 0 : i32
      %dma_wait3A_236 = tpu.memref_slice %arg6[%dma_wait3A_230, %dma_wait3A_231, %dma_wait3A_235] : memref<16x2x64xi32, #tpu.memory_space<vmem>> -> memref<1x1x64xi32, #tpu.memory_space<vmem>>
      %dma_wait3A_237 = tpu.memref_squeeze %dma_wait3A_236 : memref<1x1x64xi32, #tpu.memory_space<vmem>> -> memref<64xi32, #tpu.memory_space<vmem>>
      %dma_wait3A_238 = arith.constant 0 : i32
      %dma_wait3A_239 = arith.constant 0 : i32
      %dma_wait3A_240 = tpu.memref_slice %arg15[%dma_wait3A_238, %dma_wait3A_239] : memref<4000x64xi32, #tpu.memory_space<vmem_shared>> -> memref<4000x64xi32, #tpu.memory_space<vmem_shared>>
      tpu.wait_indirect_dma semaphore(%arg17 : memref<!tpu.dma_semaphore, #tpu.memory_space<semaphore_mem>>) src(%dma_wait3A_240 : memref<4000x64xi32, #tpu.memory_space<vmem_shared>>) dst(%dma_wait3A_234 : memref<64x64xi32, #tpu.memory_space<vmem>>)
      %ge3A_241 = arith.constant 4 : i32
      %ge3A_242 = arith.cmpi sge, %add3A_218, %ge3A_241 : i32
      %convert_element_type3A_243 = arith.extui %ge3A_242 : i1 to i32
      %cond3A_244 = arith.constant 0 : i32
      %cond3A_245 = arith.cmpi ne, %convert_element_type3A_243, %cond3A_244 : i32
      scf.if %cond3A_245 {
        %dma_wait3A_366 = arith.constant 0 : i32
        %dma_wait3A_367 = arith.constant 0 : i32
        %dma_wait3A_368 = tpu.memref_slice %arg4[%dma_wait3A_366, %dma_wait3A_367] : memref<16384x128xf32, #tpu.memory_space<hbm>> -> memref<32x128xf32, #tpu.memory_space<hbm>>
        %dma_wait3A_369 = arith.constant 0 : i32
        %dma_wait3A_370 = arith.constant 0 : i32
        %dma_wait3A_371 = tpu.memref_slice %arg4[%dma_wait3A_369, %dma_wait3A_370] : memref<16384x128xf32, #tpu.memory_space<hbm>> -> memref<32x128xf32, #tpu.memory_space<hbm>>
        tpu.wait_dma2 semaphore(%arg21 : memref<!tpu.dma_semaphore, #tpu.memory_space<semaphore_mem>>) src(%arg12 : memref<32x128xf32, #tpu.memory_space<vmem>>) dst(%dma_wait3A_371 : memref<32x128xf32, #tpu.memory_space<hbm>>)
      } else {
      }
      %parallel_loop3A_246 = arith.constant 0 : i32
      %parallel_loop3A_247 = arith.constant 32 : i32
      %parallel_loop3A_248 = arith.constant 1 : i32
      scf.for %parallel_loop3A_366 = %parallel_loop3A_246 to %parallel_loop3A_247 step %parallel_loop3A_248  : i32 {
        %parallel_loop3A_367 = arith.index_cast %parallel_loop3A_366 : i32 to index
        %parallel_loop3A_368 = arith.constant 0 : index
        %parallel_loop3A_369 = tpu.vector_load %arg8[%parallel_loop3A_367, %parallel_loop3A_368] {strides = array<i32>} : memref<128x64xi32, #tpu.memory_space<vmem>>, vector<16xi32>,
        %parallel_loop3A_370 = arith.shli %parallel_loop3A_369, %broadcast_in_dim3A_3 : vector<16xi32>
        %parallel_loop3A_371 = vector.bitcast %parallel_loop3A_370 : vector<16xi32> to vector<16xf32>
        %parallel_loop3A_372 = vector.bitcast %parallel_loop3A_369 : vector<16xi32> to vector<16xf32>
        %parallel_loop3A_373 = arith.constant 32 : i32
        %parallel_loop3A_374 = arith.addi %parallel_loop3A_373, %parallel_loop3A_366 : i32
        %parallel_loop3A_375 = arith.index_cast %parallel_loop3A_374 : i32 to index
        %parallel_loop3A_376 = arith.constant 0 : index
        %parallel_loop3A_377 = tpu.vector_load %arg8[%parallel_loop3A_375, %parallel_loop3A_376] {strides = array<i32>} : memref<128x64xi32, #tpu.memory_space<vmem>>, vector<16xi32>,
        %parallel_loop3A_378 = arith.shli %parallel_loop3A_377, %broadcast_in_dim3A_3 : vector<16xi32>
        %parallel_loop3A_379 = vector.bitcast %parallel_loop3A_378 : vector<16xi32> to vector<16xf32>
        %parallel_loop3A_380 = arith.addf %parallel_loop3A_371, %parallel_loop3A_379 : vector<16xf32>
        %parallel_loop3A_381 = vector.bitcast %parallel_loop3A_377 : vector<16xi32> to vector<16xf32>
        %parallel_loop3A_382 = arith.addf %parallel_loop3A_372, %parallel_loop3A_381 : vector<16xf32>
        %parallel_loop3A_383 = arith.constant 64 : i32
        %parallel_loop3A_384 = arith.addi %parallel_loop3A_383, %parallel_loop3A_366 : i32
        %parallel_loop3A_385 = arith.index_cast %parallel_loop3A_384 : i32 to index
        %parallel_loop3A_386 = arith.constant 0 : index
        %parallel_loop3A_387 = tpu.vector_load %arg8[%parallel_loop3A_385, %parallel_loop3A_386] {strides = array<i32>} : memref<128x64xi32, #tpu.memory_space<vmem>>, vector<16xi32>,
        %parallel_loop3A_388 = arith.shli %parallel_loop3A_387, %broadcast_in_dim3A_3 : vector<16xi32>
        %parallel_loop3A_389 = vector.bitcast %parallel_loop3A_388 : vector<16xi32> to vector<16xf32>
        %parallel_loop3A_390 = arith.addf %parallel_loop3A_380, %parallel_loop3A_389 : vector<16xf32>
        %parallel_loop3A_391 = vector.bitcast %parallel_loop3A_387 : vector<16xi32> to vector<16xf32>
        %parallel_loop3A_392 = arith.addf %parallel_loop3A_382, %parallel_loop3A_391 : vector<16xf32>
        %parallel_loop3A_393 = arith.constant 96 : i32
        %parallel_loop3A_394 = arith.addi %parallel_loop3A_393, %parallel_loop3A_366 : i32
        %parallel_loop3A_395 = arith.index_cast %parallel_loop3A_394 : i32 to index
        %parallel_loop3A_396 = arith.constant 0 : index
        %parallel_loop3A_397 = tpu.vector_load %arg8[%parallel_loop3A_395, %parallel_loop3A_396] {strides = array<i32>} : memref<128x64xi32, #tpu.memory_space<vmem>>, vector<16xi32>,
        %parallel_loop3A_398 = arith.shli %parallel_loop3A_397, %broadcast_in_dim3A_3 : vector<16xi32>
        %parallel_loop3A_399 = vector.bitcast %parallel_loop3A_398 : vector<16xi32> to vector<16xf32>
        %parallel_loop3A_400 = arith.addf %parallel_loop3A_390, %parallel_loop3A_399 : vector<16xf32>
        %parallel_loop3A_401 = vector.bitcast %parallel_loop3A_397 : vector<16xi32> to vector<16xf32>
        %parallel_loop3A_402 = arith.addf %parallel_loop3A_392, %parallel_loop3A_401 : vector<16xf32>
        %parallel_loop3A_403 = arith.index_cast %parallel_loop3A_366 : i32 to index
        %parallel_loop3A_404 = arith.constant 0 : index
        %parallel_loop3A_405 = tpu.vector_load %arg12[%parallel_loop3A_403, %parallel_loop3A_404] {strides = array<i32>} : memref<32x128xf32, #tpu.memory_space<vmem>>, vector<16xf32>,
        tpu.vector_store %arg12[%parallel_loop3A_403, %parallel_loop3A_404], %parallel_loop3A_400 {strides = array<i32>} : memref<32x128xf32, #tpu.memory_space<vmem>>, vector<16xf32>,
        %parallel_loop3A_406 = arith.index_cast %parallel_loop3A_366 : i32 to index
        %parallel_loop3A_407 = arith.constant 16 : index
        %parallel_loop3A_408 = tpu.vector_load %arg12[%parallel_loop3A_406, %parallel_loop3A_407] {strides = array<i32>} : memref<32x128xf32, #tpu.memory_space<vmem>>, vector<16xf32>,
        tpu.vector_store %arg12[%parallel_loop3A_406, %parallel_loop3A_407], %parallel_loop3A_402 {strides = array<i32>} : memref<32x128xf32, #tpu.memory_space<vmem>>, vector<16xf32>,
        %parallel_loop3A_409 = arith.index_cast %parallel_loop3A_366 : i32 to index
        %parallel_loop3A_410 = arith.constant 16 : index
        %parallel_loop3A_411 = tpu.vector_load %arg8[%parallel_loop3A_409, %parallel_loop3A_410] {strides = array<i32>} : memref<128x64xi32, #tpu.memory_space<vmem>>, vector<16xi32>,
        %parallel_loop3A_412 = arith.shli %parallel_loop3A_411, %broadcast_in_dim3A_3 : vector<16xi32>
        %parallel_loop3A_413 = vector.bitcast %parallel_loop3A_412 : vector<16xi32> to vector<16xf32>
        %parallel_loop3A_414 = vector.bitcast %parallel_loop3A_411 : vector<16xi32> to vector<16xf32>
        %parallel_loop3A_415 = arith.constant 32 : i32
        %parallel_loop3A_416 = arith.addi %parallel_loop3A_415, %parallel_loop3A_366 : i32
        %parallel_loop3A_417 = arith.index_cast %parallel_loop3A_416 : i32 to index
        %parallel_loop3A_418 = arith.constant 16 : index
        %parallel_loop3A_419 = tpu.vector_load %arg8[%parallel_loop3A_417, %parallel_loop3A_418] {strides = array<i32>} : memref<128x64xi32, #tpu.memory_space<vmem>>, vector<16xi32>,
        %parallel_loop3A_420 = arith.shli %parallel_loop3A_419, %broadcast_in_dim3A_3 : vector<16xi32>
        %parallel_loop3A_421 = vector.bitcast %parallel_loop3A_420 : vector<16xi32> to vector<16xf32>
        %parallel_loop3A_422 = arith.addf %parallel_loop3A_413, %parallel_loop3A_421 : vector<16xf32>
        %parallel_loop3A_423 = vector.bitcast %parallel_loop3A_419 : vector<16xi32> to vector<16xf32>
        %parallel_loop3A_424 = arith.addf %parallel_loop3A_414, %parallel_loop3A_423 : vector<16xf32>
        %parallel_loop3A_425 = arith.constant 64 : i32
        %parallel_loop3A_426 = arith.addi %parallel_loop3A_425, %parallel_loop3A_366 : i32
        %parallel_loop3A_427 = arith.index_cast %parallel_loop3A_426 : i32 to index
        %parallel_loop3A_428 = arith.constant 16 : index
        %parallel_loop3A_429 = tpu.vector_load %arg8[%parallel_loop3A_427, %parallel_loop3A_428] {strides = array<i32>} : memref<128x64xi32, #tpu.memory_space<vmem>>, vector<16xi32>,
        %parallel_loop3A_430 = arith.shli %parallel_loop3A_429, %broadcast_in_dim3A_3 : vector<16xi32>
        %parallel_loop3A_431 = vector.bitcast %parallel_loop3A_430 : vector<16xi32> to vector<16xf32>
        %parallel_loop3A_432 = arith.addf %parallel_loop3A_422, %parallel_loop3A_431 : vector<16xf32>
        %parallel_loop3A_433 = vector.bitcast %parallel_loop3A_429 : vector<16xi32> to vector<16xf32>
        %parallel_loop3A_434 = arith.addf %parallel_loop3A_424, %parallel_loop3A_433 : vector<16xf32>
        %parallel_loop3A_435 = arith.constant 96 : i32
        %parallel_loop3A_436 = arith.addi %parallel_loop3A_435, %parallel_loop3A_366 : i32
        %parallel_loop3A_437 = arith.index_cast %parallel_loop3A_436 : i32 to index
        %parallel_loop3A_438 = arith.constant 16 : index
        %parallel_loop3A_439 = tpu.vector_load %arg8[%parallel_loop3A_437, %parallel_loop3A_438] {strides = array<i32>} : memref<128x64xi32, #tpu.memory_space<vmem>>, vector<16xi32>,
        %parallel_loop3A_440 = arith.shli %parallel_loop3A_439, %broadcast_in_dim3A_3 : vector<16xi32>
        %parallel_loop3A_441 = vector.bitcast %parallel_loop3A_440 : vector<16xi32> to vector<16xf32>
        %parallel_loop3A_442 = arith.addf %parallel_loop3A_432, %parallel_loop3A_441 : vector<16xf32>
        %parallel_loop3A_443 = vector.bitcast %parallel_loop3A_439 : vector<16xi32> to vector<16xf32>
        %parallel_loop3A_444 = arith.addf %parallel_loop3A_434, %parallel_loop3A_443 : vector<16xf32>
        %parallel_loop3A_445 = arith.index_cast %parallel_loop3A_366 : i32 to index
        %parallel_loop3A_446 = arith.constant 32 : index
        %parallel_loop3A_447 = tpu.vector_load %arg12[%parallel_loop3A_445, %parallel_loop3A_446] {strides = array<i32>} : memref<32x128xf32, #tpu.memory_space<vmem>>, vector<16xf32>,
        tpu.vector_store %arg12[%parallel_loop3A_445, %parallel_loop3A_446], %parallel_loop3A_442 {strides = array<i32>} : memref<32x128xf32, #tpu.memory_space<vmem>>, vector<16xf32>,
        %parallel_loop3A_448 = arith.index_cast %parallel_loop3A_366 : i32 to index
        %parallel_loop3A_449 = arith.constant 48 : index
        %parallel_loop3A_450 = tpu.vector_load %arg12[%parallel_loop3A_448, %parallel_loop3A_449] {strides = array<i32>} : memref<32x128xf32, #tpu.memory_space<vmem>>, vector<16xf32>,
        tpu.vector_store %arg12[%parallel_loop3A_448, %parallel_loop3A_449], %parallel_loop3A_444 {strides = array<i32>} : memref<32x128xf32, #tpu.memory_space<vmem>>, vector<16xf32>,
        %parallel_loop3A_451 = arith.index_cast %parallel_loop3A_366 : i32 to index
        %parallel_loop3A_452 = arith.constant 32 : index
        %parallel_loop3A_453 = tpu.vector_load %arg8[%parallel_loop3A_451, %parallel_loop3A_452] {strides = array<i32>} : memref<128x64xi32, #tpu.memory_space<vmem>>, vector<16xi32>,
        %parallel_loop3A_454 = arith.shli %parallel_loop3A_453, %broadcast_in_dim3A_3 : vector<16xi32>
        %parallel_loop3A_455 = vector.bitcast %parallel_loop3A_454 : vector<16xi32> to vector<16xf32>
        %parallel_loop3A_456 = vector.bitcast %parallel_loop3A_453 : vector<16xi32> to vector<16xf32>
        %parallel_loop3A_457 = arith.constant 32 : i32
        %parallel_loop3A_458 = arith.addi %parallel_loop3A_457, %parallel_loop3A_366 : i32
        %parallel_loop3A_459 = arith.index_cast %parallel_loop3A_458 : i32 to index
        %parallel_loop3A_460 = arith.constant 32 : index
        %parallel_loop3A_461 = tpu.vector_load %arg8[%parallel_loop3A_459, %parallel_loop3A_460] {strides = array<i32>} : memref<128x64xi32, #tpu.memory_space<vmem>>, vector<16xi32>,
        %parallel_loop3A_462 = arith.shli %parallel_loop3A_461, %broadcast_in_dim3A_3 : vector<16xi32>
        %parallel_loop3A_463 = vector.bitcast %parallel_loop3A_462 : vector<16xi32> to vector<16xf32>
        %parallel_loop3A_464 = arith.addf %parallel_loop3A_455, %parallel_loop3A_463 : vector<16xf32>
        %parallel_loop3A_465 = vector.bitcast %parallel_loop3A_461 : vector<16xi32> to vector<16xf32>
        %parallel_loop3A_466 = arith.addf %parallel_loop3A_456, %parallel_loop3A_465 : vector<16xf32>
        %parallel_loop3A_467 = arith.constant 64 : i32
        %parallel_loop3A_468 = arith.addi %parallel_loop3A_467, %parallel_loop3A_366 : i32
        %parallel_loop3A_469 = arith.index_cast %parallel_loop3A_468 : i32 to index
        %parallel_loop3A_470 = arith.constant 32 : index
        %parallel_loop3A_471 = tpu.vector_load %arg8[%parallel_loop3A_469, %parallel_loop3A_470] {strides = array<i32>} : memref<128x64xi32, #tpu.memory_space<vmem>>, vector<16xi32>,
        %parallel_loop3A_472 = arith.shli %parallel_loop3A_471, %broadcast_in_dim3A_3 : vector<16xi32>
        %parallel_loop3A_473 = vector.bitcast %parallel_loop3A_472 : vector<16xi32> to vector<16xf32>
        %parallel_loop3A_474 = arith.addf %parallel_loop3A_464, %parallel_loop3A_473 : vector<16xf32>
        %parallel_loop3A_475 = vector.bitcast %parallel_loop3A_471 : vector<16xi32> to vector<16xf32>
        %parallel_loop3A_476 = arith.addf %parallel_loop3A_466, %parallel_loop3A_475 : vector<16xf32>
        %parallel_loop3A_477 = arith.constant 96 : i32
        %parallel_loop3A_478 = arith.addi %parallel_loop3A_477, %parallel_loop3A_366 : i32
        %parallel_loop3A_479 = arith.index_cast %parallel_loop3A_478 : i32 to index
        %parallel_loop3A_480 = arith.constant 32 : index
        %parallel_loop3A_481 = tpu.vector_load %arg8[%parallel_loop3A_479, %parallel_loop3A_480] {strides = array<i32>} : memref<128x64xi32, #tpu.memory_space<vmem>>, vector<16xi32>,
        %parallel_loop3A_482 = arith.shli %parallel_loop3A_481, %broadcast_in_dim3A_3 : vector<16xi32>
        %parallel_loop3A_483 = vector.bitcast %parallel_loop3A_482 : vector<16xi32> to vector<16xf32>
        %parallel_loop3A_484 = arith.addf %parallel_loop3A_474, %parallel_loop3A_483 : vector<16xf32>
        %parallel_loop3A_485 = vector.bitcast %parallel_loop3A_481 : vector<16xi32> to vector<16xf32>
        %parallel_loop3A_486 = arith.addf %parallel_loop3A_476, %parallel_loop3A_485 : vector<16xf32>
        %parallel_loop3A_487 = arith.index_cast %parallel_loop3A_366 : i32 to index
        %parallel_loop3A_488 = arith.constant 64 : index
        %parallel_loop3A_489 = tpu.vector_load %arg12[%parallel_loop3A_487, %parallel_loop3A_488] {strides = array<i32>} : memref<32x128xf32, #tpu.memory_space<vmem>>, vector<16xf32>,
        tpu.vector_store %arg12[%parallel_loop3A_487, %parallel_loop3A_488], %parallel_loop3A_484 {strides = array<i32>} : memref<32x128xf32, #tpu.memory_space<vmem>>, vector<16xf32>,
        %parallel_loop3A_490 = arith.index_cast %parallel_loop3A_366 : i32 to index
        %parallel_loop3A_491 = arith.constant 80 : index
        %parallel_loop3A_492 = tpu.vector_load %arg12[%parallel_loop3A_490, %parallel_loop3A_491] {strides = array<i32>} : memref<32x128xf32, #tpu.memory_space<vmem>>, vector<16xf32>,
        tpu.vector_store %arg12[%parallel_loop3A_490, %parallel_loop3A_491], %parallel_loop3A_486 {strides = array<i32>} : memref<32x128xf32, #tpu.memory_space<vmem>>, vector<16xf32>,
        %parallel_loop3A_493 = arith.index_cast %parallel_loop3A_366 : i32 to index
        %parallel_loop3A_494 = arith.constant 48 : index
        %parallel_loop3A_495 = tpu.vector_load %arg8[%parallel_loop3A_493, %parallel_loop3A_494] {strides = array<i32>} : memref<128x64xi32, #tpu.memory_space<vmem>>, vector<16xi32>,
        %parallel_loop3A_496 = arith.shli %parallel_loop3A_495, %broadcast_in_dim3A_3 : vector<16xi32>
        %parallel_loop3A_497 = vector.bitcast %parallel_loop3A_496 : vector<16xi32> to vector<16xf32>
        %parallel_loop3A_498 = vector.bitcast %parallel_loop3A_495 : vector<16xi32> to vector<16xf32>
        %parallel_loop3A_499 = arith.constant 32 : i32
        %parallel_loop3A_500 = arith.addi %parallel_loop3A_499, %parallel_loop3A_366 : i32
        %parallel_loop3A_501 = arith.index_cast %parallel_loop3A_500 : i32 to index
        %parallel_loop3A_502 = arith.constant 48 : index
        %parallel_loop3A_503 = tpu.vector_load %arg8[%parallel_loop3A_501, %parallel_loop3A_502] {strides = array<i32>} : memref<128x64xi32, #tpu.memory_space<vmem>>, vector<16xi32>,
        %parallel_loop3A_504 = arith.shli %parallel_loop3A_503, %broadcast_in_dim3A_3 : vector<16xi32>
        %parallel_loop3A_505 = vector.bitcast %parallel_loop3A_504 : vector<16xi32> to vector<16xf32>
        %parallel_loop3A_506 = arith.addf %parallel_loop3A_497, %parallel_loop3A_505 : vector<16xf32>
        %parallel_loop3A_507 = vector.bitcast %parallel_loop3A_503 : vector<16xi32> to vector<16xf32>
        %parallel_loop3A_508 = arith.addf %parallel_loop3A_498, %parallel_loop3A_507 : vector<16xf32>
        %parallel_loop3A_509 = arith.constant 64 : i32
        %parallel_loop3A_510 = arith.addi %parallel_loop3A_509, %parallel_loop3A_366 : i32
        %parallel_loop3A_511 = arith.index_cast %parallel_loop3A_510 : i32 to index
        %parallel_loop3A_512 = arith.constant 48 : index
        %parallel_loop3A_513 = tpu.vector_load %arg8[%parallel_loop3A_511, %parallel_loop3A_512] {strides = array<i32>} : memref<128x64xi32, #tpu.memory_space<vmem>>, vector<16xi32>,
        %parallel_loop3A_514 = arith.shli %parallel_loop3A_513, %broadcast_in_dim3A_3 : vector<16xi32>
        %parallel_loop3A_515 = vector.bitcast %parallel_loop3A_514 : vector<16xi32> to vector<16xf32>
        %parallel_loop3A_516 = arith.addf %parallel_loop3A_506, %parallel_loop3A_515 : vector<16xf32>
        %parallel_loop3A_517 = vector.bitcast %parallel_loop3A_513 : vector<16xi32> to vector<16xf32>
        %parallel_loop3A_518 = arith.addf %parallel_loop3A_508, %parallel_loop3A_517 : vector<16xf32>
        %parallel_loop3A_519 = arith.constant 96 : i32
        %parallel_loop3A_520 = arith.addi %parallel_loop3A_519, %parallel_loop3A_366 : i32
        %parallel_loop3A_521 = arith.index_cast %parallel_loop3A_520 : i32 to index
        %parallel_loop3A_522 = arith.constant 48 : index
        %parallel_loop3A_523 = tpu.vector_load %arg8[%parallel_loop3A_521, %parallel_loop3A_522] {strides = array<i32>} : memref<128x64xi32, #tpu.memory_space<vmem>>, vector<16xi32>,
        %parallel_loop3A_524 = arith.shli %parallel_loop3A_523, %broadcast_in_dim3A_3 : vector<16xi32>
        %parallel_loop3A_525 = vector.bitcast %parallel_loop3A_524 : vector<16xi32> to vector<16xf32>
        %parallel_loop3A_526 = arith.addf %parallel_loop3A_516, %parallel_loop3A_525 : vector<16xf32>
        %parallel_loop3A_527 = vector.bitcast %parallel_loop3A_523 : vector<16xi32> to vector<16xf32>
        %parallel_loop3A_528 = arith.addf %parallel_loop3A_518, %parallel_loop3A_527 : vector<16xf32>
        %parallel_loop3A_529 = arith.index_cast %parallel_loop3A_366 : i32 to index
        %parallel_loop3A_530 = arith.constant 96 : index
        %parallel_loop3A_531 = tpu.vector_load %arg12[%parallel_loop3A_529, %parallel_loop3A_530] {strides = array<i32>} : memref<32x128xf32, #tpu.memory_space<vmem>>, vector<16xf32>,
        tpu.vector_store %arg12[%parallel_loop3A_529, %parallel_loop3A_530], %parallel_loop3A_526 {strides = array<i32>} : memref<32x128xf32, #tpu.memory_space<vmem>>, vector<16xf32>,
        %parallel_loop3A_532 = arith.index_cast %parallel_loop3A_366 : i32 to index
        %parallel_loop3A_533 = arith.constant 112 : index
        %parallel_loop3A_534 = tpu.vector_load %arg12[%parallel_loop3A_532, %parallel_loop3A_533] {strides = array<i32>} : memref<32x128xf32, #tpu.memory_space<vmem>>, vector<16xf32>,
        tpu.vector_store %arg12[%parallel_loop3A_532, %parallel_loop3A_533], %parallel_loop3A_528 {strides = array<i32>} : memref<32x128xf32, #tpu.memory_space<vmem>>, vector<16xf32>,
      } {sc.loop_unroll_factor = 4 : i64, sc.parallel_access}
      %mul3A_249 = arith.constant 32 : i32
      %mul3A_250 = arith.muli %add3A_218, %mul3A_249 : i32
      %add3A_251 = arith.addi %mul3A_2, %mul3A_250 : i32
      %dma_start3A_252 = arith.constant 0 : i32
      %dma_start3A_253 = tpu.memref_slice %arg4[%add3A_251, %dma_start3A_252] : memref<16384x128xf32, #tpu.memory_space<hbm>> -> memref<32x128xf32, #tpu.memory_space<hbm>>
      %dma_start3A_254 = arith.constant 0 : i32
      %dma_start3A_255 = tpu.memref_slice %arg4[%add3A_251, %dma_start3A_254] : memref<16384x128xf32, #tpu.memory_space<hbm>> -> memref<32x128xf32, #tpu.memory_space<hbm>>
      tpu.enqueue_dma source(%arg12 : memref<32x128xf32, #tpu.memory_space<vmem>>) target(%dma_start3A_255 : memref<32x128xf32, #tpu.memory_space<hbm>>) target_semaphore(%arg21 : memref<!tpu.dma_semaphore, #tpu.memory_space<semaphore_mem>>)
      %add3A_256 = arith.constant 4 : i32
      %add3A_257 = arith.addi %add3A_218, %add3A_256 : i32
      %sub3A_258 = arith.constant 1 : i32
      %sub3A_259 = arith.subi %add3A_257, %sub3A_258 : i32
      %lt3A_260 = arith.constant 16 : i32
      %lt3A_261 = arith.cmpi slt, %sub3A_259, %lt3A_260 : i32
      %convert_element_type3A_262 = arith.extui %lt3A_261 : i1 to i32
      %cond3A_263 = arith.constant 0 : i32
      %cond3A_264 = arith.cmpi ne, %convert_element_type3A_262, %cond3A_263 : i32
      scf.if %cond3A_264 {
        %add3A_366 = arith.constant 4 : i32
        %add3A_367 = arith.addi %add3A_218, %add3A_366 : i32
        %sub3A_368 = arith.constant 1 : i32
        %sub3A_369 = arith.subi %add3A_367, %sub3A_368 : i32
        %dma_start3A_370 = arith.constant 0 : i32
        %dma_start3A_371 = arith.constant 0 : i32
        %dma_start3A_372 = arith.constant 0 : i32
        %dma_start3A_373 = tpu.memref_slice %arg7[%dma_start3A_371, %dma_start3A_372] : memref<128x64xi32, #tpu.memory_space<vmem>> -> memref<64x64xi32, #tpu.memory_space<vmem>>
        %dma_start3A_374 = arith.constant 0 : i32
        %dma_start3A_375 = tpu.memref_slice %arg6[%sub3A_369, %dma_start3A_370, %dma_start3A_374] : memref<16x2x64xi32, #tpu.memory_space<vmem>> -> memref<1x1x64xi32, #tpu.memory_space<vmem>>
        %dma_start3A_376 = tpu.memref_squeeze %dma_start3A_375 : memref<1x1x64xi32, #tpu.memory_space<vmem>> -> memref<64xi32, #tpu.memory_space<vmem>>
        %dma_start3A_377 = arith.constant 0 : i32
        %dma_start3A_378 = arith.constant 0 : i32
        %dma_start3A_379 = tpu.memref_slice %arg15[%dma_start3A_377, %dma_start3A_378] : memref<4000x64xi32, #tpu.memory_space<vmem_shared>> -> memref<4000x64xi32, #tpu.memory_space<vmem_shared>>
        tpu.enqueue_indirect_dma source(%dma_start3A_379 : memref<4000x64xi32, #tpu.memory_space<vmem_shared>>) target(%dma_start3A_373 : memref<64x64xi32, #tpu.memory_space<vmem>>) offsets(%dma_start3A_376 : memref<64xi32, #tpu.memory_space<vmem>>) semaphore(%arg16 : memref<!tpu.dma_semaphore, #tpu.memory_space<semaphore_mem>>)
        %dma_start3A_380 = arith.constant 1 : i32
        %dma_start3A_381 = arith.constant 64 : i32
        %dma_start3A_382 = arith.constant 0 : i32
        %dma_start3A_383 = tpu.memref_slice %arg7[%dma_start3A_381, %dma_start3A_382] : memref<128x64xi32, #tpu.memory_space<vmem>> -> memref<64x64xi32, #tpu.memory_space<vmem>>
        %dma_start3A_384 = arith.constant 0 : i32
        %dma_start3A_385 = tpu.memref_slice %arg6[%sub3A_369, %dma_start3A_380, %dma_start3A_384] : memref<16x2x64xi32, #tpu.memory_space<vmem>> -> memref<1x1x64xi32, #tpu.memory_space<vmem>>
        %dma_start3A_386 = tpu.memref_squeeze %dma_start3A_385 : memref<1x1x64xi32, #tpu.memory_space<vmem>> -> memref<64xi32, #tpu.memory_space<vmem>>
        %dma_start3A_387 = arith.constant 0 : i32
        %dma_start3A_388 = arith.constant 0 : i32
        %dma_start3A_389 = tpu.memref_slice %arg15[%dma_start3A_387, %dma_start3A_388] : memref<4000x64xi32, #tpu.memory_space<vmem_shared>> -> memref<4000x64xi32, #tpu.memory_space<vmem_shared>>
        tpu.enqueue_indirect_dma source(%dma_start3A_389 : memref<4000x64xi32, #tpu.memory_space<vmem_shared>>) target(%dma_start3A_383 : memref<64x64xi32, #tpu.memory_space<vmem>>) offsets(%dma_start3A_386 : memref<64xi32, #tpu.memory_space<vmem>>) semaphore(%arg16 : memref<!tpu.dma_semaphore, #tpu.memory_space<semaphore_mem>>)
      } else {
      }
      %mul3A_265 = arith.constant 4 : i32
      %mul3A_266 = arith.muli %scan3A_168, %mul3A_265 : i32
      %add3A_267 = arith.constant 2 : i32
      %add3A_268 = arith.addi %mul3A_266, %add3A_267 : i32
      %dma_wait3A_269 = arith.constant 0 : i32
      %dma_wait3A_270 = arith.constant 0 : i32
      %dma_wait3A_271 = arith.constant 0 : i32
      %dma_wait3A_272 = arith.constant 0 : i32
      %dma_wait3A_273 = tpu.memref_slice %arg9[%dma_wait3A_271, %dma_wait3A_272] : memref<128x64xi32, #tpu.memory_space<vmem>> -> memref<64x64xi32, #tpu.memory_space<vmem>>
      %dma_wait3A_274 = arith.constant 0 : i32
      %dma_wait3A_275 = tpu.memref_slice %arg6[%dma_wait3A_269, %dma_wait3A_270, %dma_wait3A_274] : memref<16x2x64xi32, #tpu.memory_space<vmem>> -> memref<1x1x64xi32, #tpu.memory_space<vmem>>
      %dma_wait3A_276 = tpu.memref_squeeze %dma_wait3A_275 : memref<1x1x64xi32, #tpu.memory_space<vmem>> -> memref<64xi32, #tpu.memory_space<vmem>>
      %dma_wait3A_277 = arith.constant 0 : i32
      %dma_wait3A_278 = arith.constant 0 : i32
      %dma_wait3A_279 = tpu.memref_slice %arg15[%dma_wait3A_277, %dma_wait3A_278] : memref<4000x64xi32, #tpu.memory_space<vmem_shared>> -> memref<4000x64xi32, #tpu.memory_space<vmem_shared>>
      tpu.wait_indirect_dma semaphore(%arg18 : memref<!tpu.dma_semaphore, #tpu.memory_space<semaphore_mem>>) src(%dma_wait3A_279 : memref<4000x64xi32, #tpu.memory_space<vmem_shared>>) dst(%dma_wait3A_273 : memref<64x64xi32, #tpu.memory_space<vmem>>)
      %dma_wait3A_280 = arith.constant 0 : i32
      %dma_wait3A_281 = arith.constant 0 : i32
      %dma_wait3A_282 = arith.constant 64 : i32
      %dma_wait3A_283 = arith.constant 0 : i32
      %dma_wait3A_284 = tpu.memref_slice %arg9[%dma_wait3A_282, %dma_wait3A_283] : memref<128x64xi32, #tpu.memory_space<vmem>> -> memref<64x64xi32, #tpu.memory_space<vmem>>
      %dma_wait3A_285 = arith.constant 0 : i32
      %dma_wait3A_286 = tpu.memref_slice %arg6[%dma_wait3A_280, %dma_wait3A_281, %dma_wait3A_285] : memref<16x2x64xi32, #tpu.memory_space<vmem>> -> memref<1x1x64xi32, #tpu.memory_space<vmem>>
      %dma_wait3A_287 = tpu.memref_squeeze %dma_wait3A_286 : memref<1x1x64xi32, #tpu.memory_space<vmem>> -> memref<64xi32, #tpu.memory_space<vmem>>
      %dma_wait3A_288 = arith.constant 0 : i32
      %dma_wait3A_289 = arith.constant 0 : i32
      %dma_wait3A_290 = tpu.memref_slice %arg15[%dma_wait3A_288, %dma_wait3A_289] : memref<4000x64xi32, #tpu.memory_space<vmem_shared>> -> memref<4000x64xi32, #tpu.memory_space<vmem_shared>>
      tpu.wait_indirect_dma semaphore(%arg18 : memref<!tpu.dma_semaphore, #tpu.memory_space<semaphore_mem>>) src(%dma_wait3A_290 : memref<4000x64xi32, #tpu.memory_space<vmem_shared>>) dst(%dma_wait3A_284 : memref<64x64xi32, #tpu.memory_space<vmem>>)
      %ge3A_291 = arith.constant 4 : i32
      %ge3A_292 = arith.cmpi sge, %add3A_268, %ge3A_291 : i32
      %convert_element_type3A_293 = arith.extui %ge3A_292 : i1 to i32
      %cond3A_294 = arith.constant 0 : i32
      %cond3A_295 = arith.cmpi ne, %convert_element_type3A_293, %cond3A_294 : i32
      scf.if %cond3A_295 {
        %dma_wait3A_366 = arith.constant 0 : i32
        %dma_wait3A_367 = arith.constant 0 : i32
        %dma_wait3A_368 = tpu.memref_slice %arg4[%dma_wait3A_366, %dma_wait3A_367] : memref<16384x128xf32, #tpu.memory_space<hbm>> -> memref<32x128xf32, #tpu.memory_space<hbm>>
        %dma_wait3A_369 = arith.constant 0 : i32
        %dma_wait3A_370 = arith.constant 0 : i32
        %dma_wait3A_371 = tpu.memref_slice %arg4[%dma_wait3A_369, %dma_wait3A_370] : memref<16384x128xf32, #tpu.memory_space<hbm>> -> memref<32x128xf32, #tpu.memory_space<hbm>>
        tpu.wait_dma2 semaphore(%arg22 : memref<!tpu.dma_semaphore, #tpu.memory_space<semaphore_mem>>) src(%arg13 : memref<32x128xf32, #tpu.memory_space<vmem>>) dst(%dma_wait3A_371 : memref<32x128xf32, #tpu.memory_space<hbm>>)
      } else {
      }
      %parallel_loop3A_296 = arith.constant 0 : i32
      %parallel_loop3A_297 = arith.constant 32 : i32
      %parallel_loop3A_298 = arith.constant 1 : i32
      scf.for %parallel_loop3A_366 = %parallel_loop3A_296 to %parallel_loop3A_297 step %parallel_loop3A_298  : i32 {
        %parallel_loop3A_367 = arith.index_cast %parallel_loop3A_366 : i32 to index
        %parallel_loop3A_368 = arith.constant 0 : index
        %parallel_loop3A_369 = tpu.vector_load %arg9[%parallel_loop3A_367, %parallel_loop3A_368] {strides = array<i32>} : memref<128x64xi32, #tpu.memory_space<vmem>>, vector<16xi32>,
        %parallel_loop3A_370 = arith.shli %parallel_loop3A_369, %broadcast_in_dim3A_3 : vector<16xi32>
        %parallel_loop3A_371 = vector.bitcast %parallel_loop3A_370 : vector<16xi32> to vector<16xf32>
        %parallel_loop3A_372 = vector.bitcast %parallel_loop3A_369 : vector<16xi32> to vector<16xf32>
        %parallel_loop3A_373 = arith.constant 32 : i32
        %parallel_loop3A_374 = arith.addi %parallel_loop3A_373, %parallel_loop3A_366 : i32
        %parallel_loop3A_375 = arith.index_cast %parallel_loop3A_374 : i32 to index
        %parallel_loop3A_376 = arith.constant 0 : index
        %parallel_loop3A_377 = tpu.vector_load %arg9[%parallel_loop3A_375, %parallel_loop3A_376] {strides = array<i32>} : memref<128x64xi32, #tpu.memory_space<vmem>>, vector<16xi32>,
        %parallel_loop3A_378 = arith.shli %parallel_loop3A_377, %broadcast_in_dim3A_3 : vector<16xi32>
        %parallel_loop3A_379 = vector.bitcast %parallel_loop3A_378 : vector<16xi32> to vector<16xf32>
        %parallel_loop3A_380 = arith.addf %parallel_loop3A_371, %parallel_loop3A_379 : vector<16xf32>
        %parallel_loop3A_381 = vector.bitcast %parallel_loop3A_377 : vector<16xi32> to vector<16xf32>
        %parallel_loop3A_382 = arith.addf %parallel_loop3A_372, %parallel_loop3A_381 : vector<16xf32>
        %parallel_loop3A_383 = arith.constant 64 : i32
        %parallel_loop3A_384 = arith.addi %parallel_loop3A_383, %parallel_loop3A_366 : i32
        %parallel_loop3A_385 = arith.index_cast %parallel_loop3A_384 : i32 to index
        %parallel_loop3A_386 = arith.constant 0 : index
        %parallel_loop3A_387 = tpu.vector_load %arg9[%parallel_loop3A_385, %parallel_loop3A_386] {strides = array<i32>} : memref<128x64xi32, #tpu.memory_space<vmem>>, vector<16xi32>,
        %parallel_loop3A_388 = arith.shli %parallel_loop3A_387, %broadcast_in_dim3A_3 : vector<16xi32>
        %parallel_loop3A_389 = vector.bitcast %parallel_loop3A_388 : vector<16xi32> to vector<16xf32>
        %parallel_loop3A_390 = arith.addf %parallel_loop3A_380, %parallel_loop3A_389 : vector<16xf32>
        %parallel_loop3A_391 = vector.bitcast %parallel_loop3A_387 : vector<16xi32> to vector<16xf32>
        %parallel_loop3A_392 = arith.addf %parallel_loop3A_382, %parallel_loop3A_391 : vector<16xf32>
        %parallel_loop3A_393 = arith.constant 96 : i32
        %parallel_loop3A_394 = arith.addi %parallel_loop3A_393, %parallel_loop3A_366 : i32
        %parallel_loop3A_395 = arith.index_cast %parallel_loop3A_394 : i32 to index
        %parallel_loop3A_396 = arith.constant 0 : index
        %parallel_loop3A_397 = tpu.vector_load %arg9[%parallel_loop3A_395, %parallel_loop3A_396] {strides = array<i32>} : memref<128x64xi32, #tpu.memory_space<vmem>>, vector<16xi32>,
        %parallel_loop3A_398 = arith.shli %parallel_loop3A_397, %broadcast_in_dim3A_3 : vector<16xi32>
        %parallel_loop3A_399 = vector.bitcast %parallel_loop3A_398 : vector<16xi32> to vector<16xf32>
        %parallel_loop3A_400 = arith.addf %parallel_loop3A_390, %parallel_loop3A_399 : vector<16xf32>
        %parallel_loop3A_401 = vector.bitcast %parallel_loop3A_397 : vector<16xi32> to vector<16xf32>
        %parallel_loop3A_402 = arith.addf %parallel_loop3A_392, %parallel_loop3A_401 : vector<16xf32>
        %parallel_loop3A_403 = arith.index_cast %parallel_loop3A_366 : i32 to index
        %parallel_loop3A_404 = arith.constant 0 : index
        %parallel_loop3A_405 = tpu.vector_load %arg13[%parallel_loop3A_403, %parallel_loop3A_404] {strides = array<i32>} : memref<32x128xf32, #tpu.memory_space<vmem>>, vector<16xf32>,
        tpu.vector_store %arg13[%parallel_loop3A_403, %parallel_loop3A_404], %parallel_loop3A_400 {strides = array<i32>} : memref<32x128xf32, #tpu.memory_space<vmem>>, vector<16xf32>,
        %parallel_loop3A_406 = arith.index_cast %parallel_loop3A_366 : i32 to index
        %parallel_loop3A_407 = arith.constant 16 : index
        %parallel_loop3A_408 = tpu.vector_load %arg13[%parallel_loop3A_406, %parallel_loop3A_407] {strides = array<i32>} : memref<32x128xf32, #tpu.memory_space<vmem>>, vector<16xf32>,
        tpu.vector_store %arg13[%parallel_loop3A_406, %parallel_loop3A_407], %parallel_loop3A_402 {strides = array<i32>} : memref<32x128xf32, #tpu.memory_space<vmem>>, vector<16xf32>,
        %parallel_loop3A_409 = arith.index_cast %parallel_loop3A_366 : i32 to index
        %parallel_loop3A_410 = arith.constant 16 : index
        %parallel_loop3A_411 = tpu.vector_load %arg9[%parallel_loop3A_409, %parallel_loop3A_410] {strides = array<i32>} : memref<128x64xi32, #tpu.memory_space<vmem>>, vector<16xi32>,
        %parallel_loop3A_412 = arith.shli %parallel_loop3A_411, %broadcast_in_dim3A_3 : vector<16xi32>
        %parallel_loop3A_413 = vector.bitcast %parallel_loop3A_412 : vector<16xi32> to vector<16xf32>
        %parallel_loop3A_414 = vector.bitcast %parallel_loop3A_411 : vector<16xi32> to vector<16xf32>
        %parallel_loop3A_415 = arith.constant 32 : i32
        %parallel_loop3A_416 = arith.addi %parallel_loop3A_415, %parallel_loop3A_366 : i32
        %parallel_loop3A_417 = arith.index_cast %parallel_loop3A_416 : i32 to index
        %parallel_loop3A_418 = arith.constant 16 : index
        %parallel_loop3A_419 = tpu.vector_load %arg9[%parallel_loop3A_417, %parallel_loop3A_418] {strides = array<i32>} : memref<128x64xi32, #tpu.memory_space<vmem>>, vector<16xi32>,
        %parallel_loop3A_420 = arith.shli %parallel_loop3A_419, %broadcast_in_dim3A_3 : vector<16xi32>
        %parallel_loop3A_421 = vector.bitcast %parallel_loop3A_420 : vector<16xi32> to vector<16xf32>
        %parallel_loop3A_422 = arith.addf %parallel_loop3A_413, %parallel_loop3A_421 : vector<16xf32>
        %parallel_loop3A_423 = vector.bitcast %parallel_loop3A_419 : vector<16xi32> to vector<16xf32>
        %parallel_loop3A_424 = arith.addf %parallel_loop3A_414, %parallel_loop3A_423 : vector<16xf32>
        %parallel_loop3A_425 = arith.constant 64 : i32
        %parallel_loop3A_426 = arith.addi %parallel_loop3A_425, %parallel_loop3A_366 : i32
        %parallel_loop3A_427 = arith.index_cast %parallel_loop3A_426 : i32 to index
        %parallel_loop3A_428 = arith.constant 16 : index
        %parallel_loop3A_429 = tpu.vector_load %arg9[%parallel_loop3A_427, %parallel_loop3A_428] {strides = array<i32>} : memref<128x64xi32, #tpu.memory_space<vmem>>, vector<16xi32>,
        %parallel_loop3A_430 = arith.shli %parallel_loop3A_429, %broadcast_in_dim3A_3 : vector<16xi32>
        %parallel_loop3A_431 = vector.bitcast %parallel_loop3A_430 : vector<16xi32> to vector<16xf32>
        %parallel_loop3A_432 = arith.addf %parallel_loop3A_422, %parallel_loop3A_431 : vector<16xf32>
        %parallel_loop3A_433 = vector.bitcast %parallel_loop3A_429 : vector<16xi32> to vector<16xf32>
        %parallel_loop3A_434 = arith.addf %parallel_loop3A_424, %parallel_loop3A_433 : vector<16xf32>
        %parallel_loop3A_435 = arith.constant 96 : i32
        %parallel_loop3A_436 = arith.addi %parallel_loop3A_435, %parallel_loop3A_366 : i32
        %parallel_loop3A_437 = arith.index_cast %parallel_loop3A_436 : i32 to index
        %parallel_loop3A_438 = arith.constant 16 : index
        %parallel_loop3A_439 = tpu.vector_load %arg9[%parallel_loop3A_437, %parallel_loop3A_438] {strides = array<i32>} : memref<128x64xi32, #tpu.memory_space<vmem>>, vector<16xi32>,
        %parallel_loop3A_440 = arith.shli %parallel_loop3A_439, %broadcast_in_dim3A_3 : vector<16xi32>
        %parallel_loop3A_441 = vector.bitcast %parallel_loop3A_440 : vector<16xi32> to vector<16xf32>
        %parallel_loop3A_442 = arith.addf %parallel_loop3A_432, %parallel_loop3A_441 : vector<16xf32>
        %parallel_loop3A_443 = vector.bitcast %parallel_loop3A_439 : vector<16xi32> to vector<16xf32>
        %parallel_loop3A_444 = arith.addf %parallel_loop3A_434, %parallel_loop3A_443 : vector<16xf32>
        %parallel_loop3A_445 = arith.index_cast %parallel_loop3A_366 : i32 to index
        %parallel_loop3A_446 = arith.constant 32 : index
        %parallel_loop3A_447 = tpu.vector_load %arg13[%parallel_loop3A_445, %parallel_loop3A_446] {strides = array<i32>} : memref<32x128xf32, #tpu.memory_space<vmem>>, vector<16xf32>,
        tpu.vector_store %arg13[%parallel_loop3A_445, %parallel_loop3A_446], %parallel_loop3A_442 {strides = array<i32>} : memref<32x128xf32, #tpu.memory_space<vmem>>, vector<16xf32>,
        %parallel_loop3A_448 = arith.index_cast %parallel_loop3A_366 : i32 to index
        %parallel_loop3A_449 = arith.constant 48 : index
        %parallel_loop3A_450 = tpu.vector_load %arg13[%parallel_loop3A_448, %parallel_loop3A_449] {strides = array<i32>} : memref<32x128xf32, #tpu.memory_space<vmem>>, vector<16xf32>,
        tpu.vector_store %arg13[%parallel_loop3A_448, %parallel_loop3A_449], %parallel_loop3A_444 {strides = array<i32>} : memref<32x128xf32, #tpu.memory_space<vmem>>, vector<16xf32>,
        %parallel_loop3A_451 = arith.index_cast %parallel_loop3A_366 : i32 to index
        %parallel_loop3A_452 = arith.constant 32 : index
        %parallel_loop3A_453 = tpu.vector_load %arg9[%parallel_loop3A_451, %parallel_loop3A_452] {strides = array<i32>} : memref<128x64xi32, #tpu.memory_space<vmem>>, vector<16xi32>,
        %parallel_loop3A_454 = arith.shli %parallel_loop3A_453, %broadcast_in_dim3A_3 : vector<16xi32>
        %parallel_loop3A_455 = vector.bitcast %parallel_loop3A_454 : vector<16xi32> to vector<16xf32>
        %parallel_loop3A_456 = vector.bitcast %parallel_loop3A_453 : vector<16xi32> to vector<16xf32>
        %parallel_loop3A_457 = arith.constant 32 : i32
        %parallel_loop3A_458 = arith.addi %parallel_loop3A_457, %parallel_loop3A_366 : i32
        %parallel_loop3A_459 = arith.index_cast %parallel_loop3A_458 : i32 to index
        %parallel_loop3A_460 = arith.constant 32 : index
        %parallel_loop3A_461 = tpu.vector_load %arg9[%parallel_loop3A_459, %parallel_loop3A_460] {strides = array<i32>} : memref<128x64xi32, #tpu.memory_space<vmem>>, vector<16xi32>,
        %parallel_loop3A_462 = arith.shli %parallel_loop3A_461, %broadcast_in_dim3A_3 : vector<16xi32>
        %parallel_loop3A_463 = vector.bitcast %parallel_loop3A_462 : vector<16xi32> to vector<16xf32>
        %parallel_loop3A_464 = arith.addf %parallel_loop3A_455, %parallel_loop3A_463 : vector<16xf32>
        %parallel_loop3A_465 = vector.bitcast %parallel_loop3A_461 : vector<16xi32> to vector<16xf32>
        %parallel_loop3A_466 = arith.addf %parallel_loop3A_456, %parallel_loop3A_465 : vector<16xf32>
        %parallel_loop3A_467 = arith.constant 64 : i32
        %parallel_loop3A_468 = arith.addi %parallel_loop3A_467, %parallel_loop3A_366 : i32
        %parallel_loop3A_469 = arith.index_cast %parallel_loop3A_468 : i32 to index
        %parallel_loop3A_470 = arith.constant 32 : index
        %parallel_loop3A_471 = tpu.vector_load %arg9[%parallel_loop3A_469, %parallel_loop3A_470] {strides = array<i32>} : memref<128x64xi32, #tpu.memory_space<vmem>>, vector<16xi32>,
        %parallel_loop3A_472 = arith.shli %parallel_loop3A_471, %broadcast_in_dim3A_3 : vector<16xi32>
        %parallel_loop3A_473 = vector.bitcast %parallel_loop3A_472 : vector<16xi32> to vector<16xf32>
        %parallel_loop3A_474 = arith.addf %parallel_loop3A_464, %parallel_loop3A_473 : vector<16xf32>
        %parallel_loop3A_475 = vector.bitcast %parallel_loop3A_471 : vector<16xi32> to vector<16xf32>
        %parallel_loop3A_476 = arith.addf %parallel_loop3A_466, %parallel_loop3A_475 : vector<16xf32>
        %parallel_loop3A_477 = arith.constant 96 : i32
        %parallel_loop3A_478 = arith.addi %parallel_loop3A_477, %parallel_loop3A_366 : i32
        %parallel_loop3A_479 = arith.index_cast %parallel_loop3A_478 : i32 to index
        %parallel_loop3A_480 = arith.constant 32 : index
        %parallel_loop3A_481 = tpu.vector_load %arg9[%parallel_loop3A_479, %parallel_loop3A_480] {strides = array<i32>} : memref<128x64xi32, #tpu.memory_space<vmem>>, vector<16xi32>,
        %parallel_loop3A_482 = arith.shli %parallel_loop3A_481, %broadcast_in_dim3A_3 : vector<16xi32>
        %parallel_loop3A_483 = vector.bitcast %parallel_loop3A_482 : vector<16xi32> to vector<16xf32>
        %parallel_loop3A_484 = arith.addf %parallel_loop3A_474, %parallel_loop3A_483 : vector<16xf32>
        %parallel_loop3A_485 = vector.bitcast %parallel_loop3A_481 : vector<16xi32> to vector<16xf32>
        %parallel_loop3A_486 = arith.addf %parallel_loop3A_476, %parallel_loop3A_485 : vector<16xf32>
        %parallel_loop3A_487 = arith.index_cast %parallel_loop3A_366 : i32 to index
        %parallel_loop3A_488 = arith.constant 64 : index
        %parallel_loop3A_489 = tpu.vector_load %arg13[%parallel_loop3A_487, %parallel_loop3A_488] {strides = array<i32>} : memref<32x128xf32, #tpu.memory_space<vmem>>, vector<16xf32>,
        tpu.vector_store %arg13[%parallel_loop3A_487, %parallel_loop3A_488], %parallel_loop3A_484 {strides = array<i32>} : memref<32x128xf32, #tpu.memory_space<vmem>>, vector<16xf32>,
        %parallel_loop3A_490 = arith.index_cast %parallel_loop3A_366 : i32 to index
        %parallel_loop3A_491 = arith.constant 80 : index
        %parallel_loop3A_492 = tpu.vector_load %arg13[%parallel_loop3A_490, %parallel_loop3A_491] {strides = array<i32>} : memref<32x128xf32, #tpu.memory_space<vmem>>, vector<16xf32>,
        tpu.vector_store %arg13[%parallel_loop3A_490, %parallel_loop3A_491], %parallel_loop3A_486 {strides = array<i32>} : memref<32x128xf32, #tpu.memory_space<vmem>>, vector<16xf32>,
        %parallel_loop3A_493 = arith.index_cast %parallel_loop3A_366 : i32 to index
        %parallel_loop3A_494 = arith.constant 48 : index
        %parallel_loop3A_495 = tpu.vector_load %arg9[%parallel_loop3A_493, %parallel_loop3A_494] {strides = array<i32>} : memref<128x64xi32, #tpu.memory_space<vmem>>, vector<16xi32>,
        %parallel_loop3A_496 = arith.shli %parallel_loop3A_495, %broadcast_in_dim3A_3 : vector<16xi32>
        %parallel_loop3A_497 = vector.bitcast %parallel_loop3A_496 : vector<16xi32> to vector<16xf32>
        %parallel_loop3A_498 = vector.bitcast %parallel_loop3A_495 : vector<16xi32> to vector<16xf32>
        %parallel_loop3A_499 = arith.constant 32 : i32
        %parallel_loop3A_500 = arith.addi %parallel_loop3A_499, %parallel_loop3A_366 : i32
        %parallel_loop3A_501 = arith.index_cast %parallel_loop3A_500 : i32 to index
        %parallel_loop3A_502 = arith.constant 48 : index
        %parallel_loop3A_503 = tpu.vector_load %arg9[%parallel_loop3A_501, %parallel_loop3A_502] {strides = array<i32>} : memref<128x64xi32, #tpu.memory_space<vmem>>, vector<16xi32>,
        %parallel_loop3A_504 = arith.shli %parallel_loop3A_503, %broadcast_in_dim3A_3 : vector<16xi32>
        %parallel_loop3A_505 = vector.bitcast %parallel_loop3A_504 : vector<16xi32> to vector<16xf32>
        %parallel_loop3A_506 = arith.addf %parallel_loop3A_497, %parallel_loop3A_505 : vector<16xf32>
        %parallel_loop3A_507 = vector.bitcast %parallel_loop3A_503 : vector<16xi32> to vector<16xf32>
        %parallel_loop3A_508 = arith.addf %parallel_loop3A_498, %parallel_loop3A_507 : vector<16xf32>
        %parallel_loop3A_509 = arith.constant 64 : i32
        %parallel_loop3A_510 = arith.addi %parallel_loop3A_509, %parallel_loop3A_366 : i32
        %parallel_loop3A_511 = arith.index_cast %parallel_loop3A_510 : i32 to index
        %parallel_loop3A_512 = arith.constant 48 : index
        %parallel_loop3A_513 = tpu.vector_load %arg9[%parallel_loop3A_511, %parallel_loop3A_512] {strides = array<i32>} : memref<128x64xi32, #tpu.memory_space<vmem>>, vector<16xi32>,
        %parallel_loop3A_514 = arith.shli %parallel_loop3A_513, %broadcast_in_dim3A_3 : vector<16xi32>
        %parallel_loop3A_515 = vector.bitcast %parallel_loop3A_514 : vector<16xi32> to vector<16xf32>
        %parallel_loop3A_516 = arith.addf %parallel_loop3A_506, %parallel_loop3A_515 : vector<16xf32>
        %parallel_loop3A_517 = vector.bitcast %parallel_loop3A_513 : vector<16xi32> to vector<16xf32>
        %parallel_loop3A_518 = arith.addf %parallel_loop3A_508, %parallel_loop3A_517 : vector<16xf32>
        %parallel_loop3A_519 = arith.constant 96 : i32
        %parallel_loop3A_520 = arith.addi %parallel_loop3A_519, %parallel_loop3A_366 : i32
        %parallel_loop3A_521 = arith.index_cast %parallel_loop3A_520 : i32 to index
        %parallel_loop3A_522 = arith.constant 48 : index
        %parallel_loop3A_523 = tpu.vector_load %arg9[%parallel_loop3A_521, %parallel_loop3A_522] {strides = array<i32>} : memref<128x64xi32, #tpu.memory_space<vmem>>, vector<16xi32>,
        %parallel_loop3A_524 = arith.shli %parallel_loop3A_523, %broadcast_in_dim3A_3 : vector<16xi32>
        %parallel_loop3A_525 = vector.bitcast %parallel_loop3A_524 : vector<16xi32> to vector<16xf32>
        %parallel_loop3A_526 = arith.addf %parallel_loop3A_516, %parallel_loop3A_525 : vector<16xf32>
        %parallel_loop3A_527 = vector.bitcast %parallel_loop3A_523 : vector<16xi32> to vector<16xf32>
        %parallel_loop3A_528 = arith.addf %parallel_loop3A_518, %parallel_loop3A_527 : vector<16xf32>
        %parallel_loop3A_529 = arith.index_cast %parallel_loop3A_366 : i32 to index
        %parallel_loop3A_530 = arith.constant 96 : index
        %parallel_loop3A_531 = tpu.vector_load %arg13[%parallel_loop3A_529, %parallel_loop3A_530] {strides = array<i32>} : memref<32x128xf32, #tpu.memory_space<vmem>>, vector<16xf32>,
        tpu.vector_store %arg13[%parallel_loop3A_529, %parallel_loop3A_530], %parallel_loop3A_526 {strides = array<i32>} : memref<32x128xf32, #tpu.memory_space<vmem>>, vector<16xf32>,
        %parallel_loop3A_532 = arith.index_cast %parallel_loop3A_366 : i32 to index
        %parallel_loop3A_533 = arith.constant 112 : index
        %parallel_loop3A_534 = tpu.vector_load %arg13[%parallel_loop3A_532, %parallel_loop3A_533] {strides = array<i32>} : memref<32x128xf32, #tpu.memory_space<vmem>>, vector<16xf32>,
        tpu.vector_store %arg13[%parallel_loop3A_532, %parallel_loop3A_533], %parallel_loop3A_528 {strides = array<i32>} : memref<32x128xf32, #tpu.memory_space<vmem>>, vector<16xf32>,
      } {sc.loop_unroll_factor = 4 : i64, sc.parallel_access}
      %mul3A_299 = arith.constant 32 : i32
      %mul3A_300 = arith.muli %add3A_268, %mul3A_299 : i32
      %add3A_301 = arith.addi %mul3A_2, %mul3A_300 : i32
      %dma_start3A_302 = arith.constant 0 : i32
      %dma_start3A_303 = tpu.memref_slice %arg4[%add3A_301, %dma_start3A_302] : memref<16384x128xf32, #tpu.memory_space<hbm>> -> memref<32x128xf32, #tpu.memory_space<hbm>>
      %dma_start3A_304 = arith.constant 0 : i32
      %dma_start3A_305 = tpu.memref_slice %arg4[%add3A_301, %dma_start3A_304] : memref<16384x128xf32, #tpu.memory_space<hbm>> -> memref<32x128xf32, #tpu.memory_space<hbm>>
      tpu.enqueue_dma source(%arg13 : memref<32x128xf32, #tpu.memory_space<vmem>>) target(%dma_start3A_305 : memref<32x128xf32, #tpu.memory_space<hbm>>) target_semaphore(%arg22 : memref<!tpu.dma_semaphore, #tpu.memory_space<semaphore_mem>>)
      %add3A_306 = arith.constant 4 : i32
      %add3A_307 = arith.addi %add3A_268, %add3A_306 : i32
      %sub3A_308 = arith.constant 1 : i32
      %sub3A_309 = arith.subi %add3A_307, %sub3A_308 : i32
      %lt3A_310 = arith.constant 16 : i32
      %lt3A_311 = arith.cmpi slt, %sub3A_309, %lt3A_310 : i32
      %convert_element_type3A_312 = arith.extui %lt3A_311 : i1 to i32
      %cond3A_313 = arith.constant 0 : i32
      %cond3A_314 = arith.cmpi ne, %convert_element_type3A_312, %cond3A_313 : i32
      scf.if %cond3A_314 {
        %add3A_366 = arith.constant 4 : i32
        %add3A_367 = arith.addi %add3A_268, %add3A_366 : i32
        %sub3A_368 = arith.constant 1 : i32
        %sub3A_369 = arith.subi %add3A_367, %sub3A_368 : i32
        %dma_start3A_370 = arith.constant 0 : i32
        %dma_start3A_371 = arith.constant 0 : i32
        %dma_start3A_372 = arith.constant 0 : i32
        %dma_start3A_373 = tpu.memref_slice %arg8[%dma_start3A_371, %dma_start3A_372] : memref<128x64xi32, #tpu.memory_space<vmem>> -> memref<64x64xi32, #tpu.memory_space<vmem>>
        %dma_start3A_374 = arith.constant 0 : i32
        %dma_start3A_375 = tpu.memref_slice %arg6[%sub3A_369, %dma_start3A_370, %dma_start3A_374] : memref<16x2x64xi32, #tpu.memory_space<vmem>> -> memref<1x1x64xi32, #tpu.memory_space<vmem>>
        %dma_start3A_376 = tpu.memref_squeeze %dma_start3A_375 : memref<1x1x64xi32, #tpu.memory_space<vmem>> -> memref<64xi32, #tpu.memory_space<vmem>>
        %dma_start3A_377 = arith.constant 0 : i32
        %dma_start3A_378 = arith.constant 0 : i32
        %dma_start3A_379 = tpu.memref_slice %arg15[%dma_start3A_377, %dma_start3A_378] : memref<4000x64xi32, #tpu.memory_space<vmem_shared>> -> memref<4000x64xi32, #tpu.memory_space<vmem_shared>>
        tpu.enqueue_indirect_dma source(%dma_start3A_379 : memref<4000x64xi32, #tpu.memory_space<vmem_shared>>) target(%dma_start3A_373 : memref<64x64xi32, #tpu.memory_space<vmem>>) offsets(%dma_start3A_376 : memref<64xi32, #tpu.memory_space<vmem>>) semaphore(%arg17 : memref<!tpu.dma_semaphore, #tpu.memory_space<semaphore_mem>>)
        %dma_start3A_380 = arith.constant 1 : i32
        %dma_start3A_381 = arith.constant 64 : i32
        %dma_start3A_382 = arith.constant 0 : i32
        %dma_start3A_383 = tpu.memref_slice %arg8[%dma_start3A_381, %dma_start3A_382] : memref<128x64xi32, #tpu.memory_space<vmem>> -> memref<64x64xi32, #tpu.memory_space<vmem>>
        %dma_start3A_384 = arith.constant 0 : i32
        %dma_start3A_385 = tpu.memref_slice %arg6[%sub3A_369, %dma_start3A_380, %dma_start3A_384] : memref<16x2x64xi32, #tpu.memory_space<vmem>> -> memref<1x1x64xi32, #tpu.memory_space<vmem>>
        %dma_start3A_386 = tpu.memref_squeeze %dma_start3A_385 : memref<1x1x64xi32, #tpu.memory_space<vmem>> -> memref<64xi32, #tpu.memory_space<vmem>>
        %dma_start3A_387 = arith.constant 0 : i32
        %dma_start3A_388 = arith.constant 0 : i32
        %dma_start3A_389 = tpu.memref_slice %arg15[%dma_start3A_387, %dma_start3A_388] : memref<4000x64xi32, #tpu.memory_space<vmem_shared>> -> memref<4000x64xi32, #tpu.memory_space<vmem_shared>>
        tpu.enqueue_indirect_dma source(%dma_start3A_389 : memref<4000x64xi32, #tpu.memory_space<vmem_shared>>) target(%dma_start3A_383 : memref<64x64xi32, #tpu.memory_space<vmem>>) offsets(%dma_start3A_386 : memref<64xi32, #tpu.memory_space<vmem>>) semaphore(%arg17 : memref<!tpu.dma_semaphore, #tpu.memory_space<semaphore_mem>>)
      } else {
      }
      %mul3A_315 = arith.constant 4 : i32
      %mul3A_316 = arith.muli %scan3A_168, %mul3A_315 : i32
      %add3A_317 = arith.constant 3 : i32
      %add3A_318 = arith.addi %mul3A_316, %add3A_317 : i32
      %dma_wait3A_319 = arith.constant 0 : i32
      %dma_wait3A_320 = arith.constant 0 : i32
      %dma_wait3A_321 = arith.constant 0 : i32
      %dma_wait3A_322 = arith.constant 0 : i32
      %dma_wait3A_323 = tpu.memref_slice %arg10[%dma_wait3A_321, %dma_wait3A_322] : memref<128x64xi32, #tpu.memory_space<vmem>> -> memref<64x64xi32, #tpu.memory_space<vmem>>
      %dma_wait3A_324 = arith.constant 0 : i32
      %dma_wait3A_325 = tpu.memref_slice %arg6[%dma_wait3A_319, %dma_wait3A_320, %dma_wait3A_324] : memref<16x2x64xi32, #tpu.memory_space<vmem>> -> memref<1x1x64xi32, #tpu.memory_space<vmem>>
      %dma_wait3A_326 = tpu.memref_squeeze %dma_wait3A_325 : memref<1x1x64xi32, #tpu.memory_space<vmem>> -> memref<64xi32, #tpu.memory_space<vmem>>
      %dma_wait3A_327 = arith.constant 0 : i32
      %dma_wait3A_328 = arith.constant 0 : i32
      %dma_wait3A_329 = tpu.memref_slice %arg15[%dma_wait3A_327, %dma_wait3A_328] : memref<4000x64xi32, #tpu.memory_space<vmem_shared>> -> memref<4000x64xi32, #tpu.memory_space<vmem_shared>>
      tpu.wait_indirect_dma semaphore(%arg19 : memref<!tpu.dma_semaphore, #tpu.memory_space<semaphore_mem>>) src(%dma_wait3A_329 : memref<4000x64xi32, #tpu.memory_space<vmem_shared>>) dst(%dma_wait3A_323 : memref<64x64xi32, #tpu.memory_space<vmem>>)
      %dma_wait3A_330 = arith.constant 0 : i32
      %dma_wait3A_331 = arith.constant 0 : i32
      %dma_wait3A_332 = arith.constant 64 : i32
      %dma_wait3A_333 = arith.constant 0 : i32
      %dma_wait3A_334 = tpu.memref_slice %arg10[%dma_wait3A_332, %dma_wait3A_333] : memref<128x64xi32, #tpu.memory_space<vmem>> -> memref<64x64xi32, #tpu.memory_space<vmem>>
      %dma_wait3A_335 = arith.constant 0 : i32
      %dma_wait3A_336 = tpu.memref_slice %arg6[%dma_wait3A_330, %dma_wait3A_331, %dma_wait3A_335] : memref<16x2x64xi32, #tpu.memory_space<vmem>> -> memref<1x1x64xi32, #tpu.memory_space<vmem>>
      %dma_wait3A_337 = tpu.memref_squeeze %dma_wait3A_336 : memref<1x1x64xi32, #tpu.memory_space<vmem>> -> memref<64xi32, #tpu.memory_space<vmem>>
      %dma_wait3A_338 = arith.constant 0 : i32
      %dma_wait3A_339 = arith.constant 0 : i32
      %dma_wait3A_340 = tpu.memref_slice %arg15[%dma_wait3A_338, %dma_wait3A_339] : memref<4000x64xi32, #tpu.memory_space<vmem_shared>> -> memref<4000x64xi32, #tpu.memory_space<vmem_shared>>
      tpu.wait_indirect_dma semaphore(%arg19 : memref<!tpu.dma_semaphore, #tpu.memory_space<semaphore_mem>>) src(%dma_wait3A_340 : memref<4000x64xi32, #tpu.memory_space<vmem_shared>>) dst(%dma_wait3A_334 : memref<64x64xi32, #tpu.memory_space<vmem>>)
      %ge3A_341 = arith.constant 4 : i32
      %ge3A_342 = arith.cmpi sge, %add3A_318, %ge3A_341 : i32
      %convert_element_type3A_343 = arith.extui %ge3A_342 : i1 to i32
      %cond3A_344 = arith.constant 0 : i32
      %cond3A_345 = arith.cmpi ne, %convert_element_type3A_343, %cond3A_344 : i32
      scf.if %cond3A_345 {
        %dma_wait3A_366 = arith.constant 0 : i32
        %dma_wait3A_367 = arith.constant 0 : i32
        %dma_wait3A_368 = tpu.memref_slice %arg4[%dma_wait3A_366, %dma_wait3A_367] : memref<16384x128xf32, #tpu.memory_space<hbm>> -> memref<32x128xf32, #tpu.memory_space<hbm>>
        %dma_wait3A_369 = arith.constant 0 : i32
        %dma_wait3A_370 = arith.constant 0 : i32
        %dma_wait3A_371 = tpu.memref_slice %arg4[%dma_wait3A_369, %dma_wait3A_370] : memref<16384x128xf32, #tpu.memory_space<hbm>> -> memref<32x128xf32, #tpu.memory_space<hbm>>
        tpu.wait_dma2 semaphore(%arg23 : memref<!tpu.dma_semaphore, #tpu.memory_space<semaphore_mem>>) src(%arg14 : memref<32x128xf32, #tpu.memory_space<vmem>>) dst(%dma_wait3A_371 : memref<32x128xf32, #tpu.memory_space<hbm>>)
      } else {
      }
      %parallel_loop3A_346 = arith.constant 0 : i32
      %parallel_loop3A_347 = arith.constant 32 : i32
      %parallel_loop3A_348 = arith.constant 1 : i32
      scf.for %parallel_loop3A_366 = %parallel_loop3A_346 to %parallel_loop3A_347 step %parallel_loop3A_348  : i32 {
        %parallel_loop3A_367 = arith.index_cast %parallel_loop3A_366 : i32 to index
        %parallel_loop3A_368 = arith.constant 0 : index
        %parallel_loop3A_369 = tpu.vector_load %arg10[%parallel_loop3A_367, %parallel_loop3A_368] {strides = array<i32>} : memref<128x64xi32, #tpu.memory_space<vmem>>, vector<16xi32>,
        %parallel_loop3A_370 = arith.shli %parallel_loop3A_369, %broadcast_in_dim3A_3 : vector<16xi32>
        %parallel_loop3A_371 = vector.bitcast %parallel_loop3A_370 : vector<16xi32> to vector<16xf32>
        %parallel_loop3A_372 = vector.bitcast %parallel_loop3A_369 : vector<16xi32> to vector<16xf32>
        %parallel_loop3A_373 = arith.constant 32 : i32
        %parallel_loop3A_374 = arith.addi %parallel_loop3A_373, %parallel_loop3A_366 : i32
        %parallel_loop3A_375 = arith.index_cast %parallel_loop3A_374 : i32 to index
        %parallel_loop3A_376 = arith.constant 0 : index
        %parallel_loop3A_377 = tpu.vector_load %arg10[%parallel_loop3A_375, %parallel_loop3A_376] {strides = array<i32>} : memref<128x64xi32, #tpu.memory_space<vmem>>, vector<16xi32>,
        %parallel_loop3A_378 = arith.shli %parallel_loop3A_377, %broadcast_in_dim3A_3 : vector<16xi32>
        %parallel_loop3A_379 = vector.bitcast %parallel_loop3A_378 : vector<16xi32> to vector<16xf32>
        %parallel_loop3A_380 = arith.addf %parallel_loop3A_371, %parallel_loop3A_379 : vector<16xf32>
        %parallel_loop3A_381 = vector.bitcast %parallel_loop3A_377 : vector<16xi32> to vector<16xf32>
        %parallel_loop3A_382 = arith.addf %parallel_loop3A_372, %parallel_loop3A_381 : vector<16xf32>
        %parallel_loop3A_383 = arith.constant 64 : i32
        %parallel_loop3A_384 = arith.addi %parallel_loop3A_383, %parallel_loop3A_366 : i32
        %parallel_loop3A_385 = arith.index_cast %parallel_loop3A_384 : i32 to index
        %parallel_loop3A_386 = arith.constant 0 : index
        %parallel_loop3A_387 = tpu.vector_load %arg10[%parallel_loop3A_385, %parallel_loop3A_386] {strides = array<i32>} : memref<128x64xi32, #tpu.memory_space<vmem>>, vector<16xi32>,
        %parallel_loop3A_388 = arith.shli %parallel_loop3A_387, %broadcast_in_dim3A_3 : vector<16xi32>
        %parallel_loop3A_389 = vector.bitcast %parallel_loop3A_388 : vector<16xi32> to vector<16xf32>
        %parallel_loop3A_390 = arith.addf %parallel_loop3A_380, %parallel_loop3A_389 : vector<16xf32>
        %parallel_loop3A_391 = vector.bitcast %parallel_loop3A_387 : vector<16xi32> to vector<16xf32>
        %parallel_loop3A_392 = arith.addf %parallel_loop3A_382, %parallel_loop3A_391 : vector<16xf32>
        %parallel_loop3A_393 = arith.constant 96 : i32
        %parallel_loop3A_394 = arith.addi %parallel_loop3A_393, %parallel_loop3A_366 : i32
        %parallel_loop3A_395 = arith.index_cast %parallel_loop3A_394 : i32 to index
        %parallel_loop3A_396 = arith.constant 0 : index
        %parallel_loop3A_397 = tpu.vector_load %arg10[%parallel_loop3A_395, %parallel_loop3A_396] {strides = array<i32>} : memref<128x64xi32, #tpu.memory_space<vmem>>, vector<16xi32>,
        %parallel_loop3A_398 = arith.shli %parallel_loop3A_397, %broadcast_in_dim3A_3 : vector<16xi32>
        %parallel_loop3A_399 = vector.bitcast %parallel_loop3A_398 : vector<16xi32> to vector<16xf32>
        %parallel_loop3A_400 = arith.addf %parallel_loop3A_390, %parallel_loop3A_399 : vector<16xf32>
        %parallel_loop3A_401 = vector.bitcast %parallel_loop3A_397 : vector<16xi32> to vector<16xf32>
        %parallel_loop3A_402 = arith.addf %parallel_loop3A_392, %parallel_loop3A_401 : vector<16xf32>
        %parallel_loop3A_403 = arith.index_cast %parallel_loop3A_366 : i32 to index
        %parallel_loop3A_404 = arith.constant 0 : index
        %parallel_loop3A_405 = tpu.vector_load %arg14[%parallel_loop3A_403, %parallel_loop3A_404] {strides = array<i32>} : memref<32x128xf32, #tpu.memory_space<vmem>>, vector<16xf32>,
        tpu.vector_store %arg14[%parallel_loop3A_403, %parallel_loop3A_404], %parallel_loop3A_400 {strides = array<i32>} : memref<32x128xf32, #tpu.memory_space<vmem>>, vector<16xf32>,
        %parallel_loop3A_406 = arith.index_cast %parallel_loop3A_366 : i32 to index
        %parallel_loop3A_407 = arith.constant 16 : index
        %parallel_loop3A_408 = tpu.vector_load %arg14[%parallel_loop3A_406, %parallel_loop3A_407] {strides = array<i32>} : memref<32x128xf32, #tpu.memory_space<vmem>>, vector<16xf32>,
        tpu.vector_store %arg14[%parallel_loop3A_406, %parallel_loop3A_407], %parallel_loop3A_402 {strides = array<i32>} : memref<32x128xf32, #tpu.memory_space<vmem>>, vector<16xf32>,
        %parallel_loop3A_409 = arith.index_cast %parallel_loop3A_366 : i32 to index
        %parallel_loop3A_410 = arith.constant 16 : index
        %parallel_loop3A_411 = tpu.vector_load %arg10[%parallel_loop3A_409, %parallel_loop3A_410] {strides = array<i32>} : memref<128x64xi32, #tpu.memory_space<vmem>>, vector<16xi32>,
        %parallel_loop3A_412 = arith.shli %parallel_loop3A_411, %broadcast_in_dim3A_3 : vector<16xi32>
        %parallel_loop3A_413 = vector.bitcast %parallel_loop3A_412 : vector<16xi32> to vector<16xf32>
        %parallel_loop3A_414 = vector.bitcast %parallel_loop3A_411 : vector<16xi32> to vector<16xf32>
        %parallel_loop3A_415 = arith.constant 32 : i32
        %parallel_loop3A_416 = arith.addi %parallel_loop3A_415, %parallel_loop3A_366 : i32
        %parallel_loop3A_417 = arith.index_cast %parallel_loop3A_416 : i32 to index
        %parallel_loop3A_418 = arith.constant 16 : index
        %parallel_loop3A_419 = tpu.vector_load %arg10[%parallel_loop3A_417, %parallel_loop3A_418] {strides = array<i32>} : memref<128x64xi32, #tpu.memory_space<vmem>>, vector<16xi32>,
        %parallel_loop3A_420 = arith.shli %parallel_loop3A_419, %broadcast_in_dim3A_3 : vector<16xi32>
        %parallel_loop3A_421 = vector.bitcast %parallel_loop3A_420 : vector<16xi32> to vector<16xf32>
        %parallel_loop3A_422 = arith.addf %parallel_loop3A_413, %parallel_loop3A_421 : vector<16xf32>
        %parallel_loop3A_423 = vector.bitcast %parallel_loop3A_419 : vector<16xi32> to vector<16xf32>
        %parallel_loop3A_424 = arith.addf %parallel_loop3A_414, %parallel_loop3A_423 : vector<16xf32>
        %parallel_loop3A_425 = arith.constant 64 : i32
        %parallel_loop3A_426 = arith.addi %parallel_loop3A_425, %parallel_loop3A_366 : i32
        %parallel_loop3A_427 = arith.index_cast %parallel_loop3A_426 : i32 to index
        %parallel_loop3A_428 = arith.constant 16 : index
        %parallel_loop3A_429 = tpu.vector_load %arg10[%parallel_loop3A_427, %parallel_loop3A_428] {strides = array<i32>} : memref<128x64xi32, #tpu.memory_space<vmem>>, vector<16xi32>,
        %parallel_loop3A_430 = arith.shli %parallel_loop3A_429, %broadcast_in_dim3A_3 : vector<16xi32>
        %parallel_loop3A_431 = vector.bitcast %parallel_loop3A_430 : vector<16xi32> to vector<16xf32>
        %parallel_loop3A_432 = arith.addf %parallel_loop3A_422, %parallel_loop3A_431 : vector<16xf32>
        %parallel_loop3A_433 = vector.bitcast %parallel_loop3A_429 : vector<16xi32> to vector<16xf32>
        %parallel_loop3A_434 = arith.addf %parallel_loop3A_424, %parallel_loop3A_433 : vector<16xf32>
        %parallel_loop3A_435 = arith.constant 96 : i32
        %parallel_loop3A_436 = arith.addi %parallel_loop3A_435, %parallel_loop3A_366 : i32
        %parallel_loop3A_437 = arith.index_cast %parallel_loop3A_436 : i32 to index
        %parallel_loop3A_438 = arith.constant 16 : index
        %parallel_loop3A_439 = tpu.vector_load %arg10[%parallel_loop3A_437, %parallel_loop3A_438] {strides = array<i32>} : memref<128x64xi32, #tpu.memory_space<vmem>>, vector<16xi32>,
        %parallel_loop3A_440 = arith.shli %parallel_loop3A_439, %broadcast_in_dim3A_3 : vector<16xi32>
        %parallel_loop3A_441 = vector.bitcast %parallel_loop3A_440 : vector<16xi32> to vector<16xf32>
        %parallel_loop3A_442 = arith.addf %parallel_loop3A_432, %parallel_loop3A_441 : vector<16xf32>
        %parallel_loop3A_443 = vector.bitcast %parallel_loop3A_439 : vector<16xi32> to vector<16xf32>
        %parallel_loop3A_444 = arith.addf %parallel_loop3A_434, %parallel_loop3A_443 : vector<16xf32>
        %parallel_loop3A_445 = arith.index_cast %parallel_loop3A_366 : i32 to index
        %parallel_loop3A_446 = arith.constant 32 : index
        %parallel_loop3A_447 = tpu.vector_load %arg14[%parallel_loop3A_445, %parallel_loop3A_446] {strides = array<i32>} : memref<32x128xf32, #tpu.memory_space<vmem>>, vector<16xf32>,
        tpu.vector_store %arg14[%parallel_loop3A_445, %parallel_loop3A_446], %parallel_loop3A_442 {strides = array<i32>} : memref<32x128xf32, #tpu.memory_space<vmem>>, vector<16xf32>,
        %parallel_loop3A_448 = arith.index_cast %parallel_loop3A_366 : i32 to index
        %parallel_loop3A_449 = arith.constant 48 : index
        %parallel_loop3A_450 = tpu.vector_load %arg14[%parallel_loop3A_448, %parallel_loop3A_449] {strides = array<i32>} : memref<32x128xf32, #tpu.memory_space<vmem>>, vector<16xf32>,
        tpu.vector_store %arg14[%parallel_loop3A_448, %parallel_loop3A_449], %parallel_loop3A_444 {strides = array<i32>} : memref<32x128xf32, #tpu.memory_space<vmem>>, vector<16xf32>,
        %parallel_loop3A_451 = arith.index_cast %parallel_loop3A_366 : i32 to index
        %parallel_loop3A_452 = arith.constant 32 : index
        %parallel_loop3A_453 = tpu.vector_load %arg10[%parallel_loop3A_451, %parallel_loop3A_452] {strides = array<i32>} : memref<128x64xi32, #tpu.memory_space<vmem>>, vector<16xi32>,
        %parallel_loop3A_454 = arith.shli %parallel_loop3A_453, %broadcast_in_dim3A_3 : vector<16xi32>
        %parallel_loop3A_455 = vector.bitcast %parallel_loop3A_454 : vector<16xi32> to vector<16xf32>
        %parallel_loop3A_456 = vector.bitcast %parallel_loop3A_453 : vector<16xi32> to vector<16xf32>
        %parallel_loop3A_457 = arith.constant 32 : i32
        %parallel_loop3A_458 = arith.addi %parallel_loop3A_457, %parallel_loop3A_366 : i32
        %parallel_loop3A_459 = arith.index_cast %parallel_loop3A_458 : i32 to index
        %parallel_loop3A_460 = arith.constant 32 : index
        %parallel_loop3A_461 = tpu.vector_load %arg10[%parallel_loop3A_459, %parallel_loop3A_460] {strides = array<i32>} : memref<128x64xi32, #tpu.memory_space<vmem>>, vector<16xi32>,
        %parallel_loop3A_462 = arith.shli %parallel_loop3A_461, %broadcast_in_dim3A_3 : vector<16xi32>
        %parallel_loop3A_463 = vector.bitcast %parallel_loop3A_462 : vector<16xi32> to vector<16xf32>
        %parallel_loop3A_464 = arith.addf %parallel_loop3A_455, %parallel_loop3A_463 : vector<16xf32>
        %parallel_loop3A_465 = vector.bitcast %parallel_loop3A_461 : vector<16xi32> to vector<16xf32>
        %parallel_loop3A_466 = arith.addf %parallel_loop3A_456, %parallel_loop3A_465 : vector<16xf32>
        %parallel_loop3A_467 = arith.constant 64 : i32
        %parallel_loop3A_468 = arith.addi %parallel_loop3A_467, %parallel_loop3A_366 : i32
        %parallel_loop3A_469 = arith.index_cast %parallel_loop3A_468 : i32 to index
        %parallel_loop3A_470 = arith.constant 32 : index
        %parallel_loop3A_471 = tpu.vector_load %arg10[%parallel_loop3A_469, %parallel_loop3A_470] {strides = array<i32>} : memref<128x64xi32, #tpu.memory_space<vmem>>, vector<16xi32>,
        %parallel_loop3A_472 = arith.shli %parallel_loop3A_471, %broadcast_in_dim3A_3 : vector<16xi32>
        %parallel_loop3A_473 = vector.bitcast %parallel_loop3A_472 : vector<16xi32> to vector<16xf32>
        %parallel_loop3A_474 = arith.addf %parallel_loop3A_464, %parallel_loop3A_473 : vector<16xf32>
        %parallel_loop3A_475 = vector.bitcast %parallel_loop3A_471 : vector<16xi32> to vector<16xf32>
        %parallel_loop3A_476 = arith.addf %parallel_loop3A_466, %parallel_loop3A_475 : vector<16xf32>
        %parallel_loop3A_477 = arith.constant 96 : i32
        %parallel_loop3A_478 = arith.addi %parallel_loop3A_477, %parallel_loop3A_366 : i32
        %parallel_loop3A_479 = arith.index_cast %parallel_loop3A_478 : i32 to index
        %parallel_loop3A_480 = arith.constant 32 : index
        %parallel_loop3A_481 = tpu.vector_load %arg10[%parallel_loop3A_479, %parallel_loop3A_480] {strides = array<i32>} : memref<128x64xi32, #tpu.memory_space<vmem>>, vector<16xi32>,
        %parallel_loop3A_482 = arith.shli %parallel_loop3A_481, %broadcast_in_dim3A_3 : vector<16xi32>
        %parallel_loop3A_483 = vector.bitcast %parallel_loop3A_482 : vector<16xi32> to vector<16xf32>
        %parallel_loop3A_484 = arith.addf %parallel_loop3A_474, %parallel_loop3A_483 : vector<16xf32>
        %parallel_loop3A_485 = vector.bitcast %parallel_loop3A_481 : vector<16xi32> to vector<16xf32>
        %parallel_loop3A_486 = arith.addf %parallel_loop3A_476, %parallel_loop3A_485 : vector<16xf32>
        %parallel_loop3A_487 = arith.index_cast %parallel_loop3A_366 : i32 to index
        %parallel_loop3A_488 = arith.constant 64 : index
        %parallel_loop3A_489 = tpu.vector_load %arg14[%parallel_loop3A_487, %parallel_loop3A_488] {strides = array<i32>} : memref<32x128xf32, #tpu.memory_space<vmem>>, vector<16xf32>,
        tpu.vector_store %arg14[%parallel_loop3A_487, %parallel_loop3A_488], %parallel_loop3A_484 {strides = array<i32>} : memref<32x128xf32, #tpu.memory_space<vmem>>, vector<16xf32>,
        %parallel_loop3A_490 = arith.index_cast %parallel_loop3A_366 : i32 to index
        %parallel_loop3A_491 = arith.constant 80 : index
        %parallel_loop3A_492 = tpu.vector_load %arg14[%parallel_loop3A_490, %parallel_loop3A_491] {strides = array<i32>} : memref<32x128xf32, #tpu.memory_space<vmem>>, vector<16xf32>,
        tpu.vector_store %arg14[%parallel_loop3A_490, %parallel_loop3A_491], %parallel_loop3A_486 {strides = array<i32>} : memref<32x128xf32, #tpu.memory_space<vmem>>, vector<16xf32>,
        %parallel_loop3A_493 = arith.index_cast %parallel_loop3A_366 : i32 to index
        %parallel_loop3A_494 = arith.constant 48 : index
        %parallel_loop3A_495 = tpu.vector_load %arg10[%parallel_loop3A_493, %parallel_loop3A_494] {strides = array<i32>} : memref<128x64xi32, #tpu.memory_space<vmem>>, vector<16xi32>,
        %parallel_loop3A_496 = arith.shli %parallel_loop3A_495, %broadcast_in_dim3A_3 : vector<16xi32>
        %parallel_loop3A_497 = vector.bitcast %parallel_loop3A_496 : vector<16xi32> to vector<16xf32>
        %parallel_loop3A_498 = vector.bitcast %parallel_loop3A_495 : vector<16xi32> to vector<16xf32>
        %parallel_loop3A_499 = arith.constant 32 : i32
        %parallel_loop3A_500 = arith.addi %parallel_loop3A_499, %parallel_loop3A_366 : i32
        %parallel_loop3A_501 = arith.index_cast %parallel_loop3A_500 : i32 to index
        %parallel_loop3A_502 = arith.constant 48 : index
        %parallel_loop3A_503 = tpu.vector_load %arg10[%parallel_loop3A_501, %parallel_loop3A_502] {strides = array<i32>} : memref<128x64xi32, #tpu.memory_space<vmem>>, vector<16xi32>,
        %parallel_loop3A_504 = arith.shli %parallel_loop3A_503, %broadcast_in_dim3A_3 : vector<16xi32>
        %parallel_loop3A_505 = vector.bitcast %parallel_loop3A_504 : vector<16xi32> to vector<16xf32>
        %parallel_loop3A_506 = arith.addf %parallel_loop3A_497, %parallel_loop3A_505 : vector<16xf32>
        %parallel_loop3A_507 = vector.bitcast %parallel_loop3A_503 : vector<16xi32> to vector<16xf32>
        %parallel_loop3A_508 = arith.addf %parallel_loop3A_498, %parallel_loop3A_507 : vector<16xf32>
        %parallel_loop3A_509 = arith.constant 64 : i32
        %parallel_loop3A_510 = arith.addi %parallel_loop3A_509, %parallel_loop3A_366 : i32
        %parallel_loop3A_511 = arith.index_cast %parallel_loop3A_510 : i32 to index
        %parallel_loop3A_512 = arith.constant 48 : index
        %parallel_loop3A_513 = tpu.vector_load %arg10[%parallel_loop3A_511, %parallel_loop3A_512] {strides = array<i32>} : memref<128x64xi32, #tpu.memory_space<vmem>>, vector<16xi32>,
        %parallel_loop3A_514 = arith.shli %parallel_loop3A_513, %broadcast_in_dim3A_3 : vector<16xi32>
        %parallel_loop3A_515 = vector.bitcast %parallel_loop3A_514 : vector<16xi32> to vector<16xf32>
        %parallel_loop3A_516 = arith.addf %parallel_loop3A_506, %parallel_loop3A_515 : vector<16xf32>
        %parallel_loop3A_517 = vector.bitcast %parallel_loop3A_513 : vector<16xi32> to vector<16xf32>
        %parallel_loop3A_518 = arith.addf %parallel_loop3A_508, %parallel_loop3A_517 : vector<16xf32>
        %parallel_loop3A_519 = arith.constant 96 : i32
        %parallel_loop3A_520 = arith.addi %parallel_loop3A_519, %parallel_loop3A_366 : i32
        %parallel_loop3A_521 = arith.index_cast %parallel_loop3A_520 : i32 to index
        %parallel_loop3A_522 = arith.constant 48 : index
        %parallel_loop3A_523 = tpu.vector_load %arg10[%parallel_loop3A_521, %parallel_loop3A_522] {strides = array<i32>} : memref<128x64xi32, #tpu.memory_space<vmem>>, vector<16xi32>,
        %parallel_loop3A_524 = arith.shli %parallel_loop3A_523, %broadcast_in_dim3A_3 : vector<16xi32>
        %parallel_loop3A_525 = vector.bitcast %parallel_loop3A_524 : vector<16xi32> to vector<16xf32>
        %parallel_loop3A_526 = arith.addf %parallel_loop3A_516, %parallel_loop3A_525 : vector<16xf32>
        %parallel_loop3A_527 = vector.bitcast %parallel_loop3A_523 : vector<16xi32> to vector<16xf32>
        %parallel_loop3A_528 = arith.addf %parallel_loop3A_518, %parallel_loop3A_527 : vector<16xf32>
        %parallel_loop3A_529 = arith.index_cast %parallel_loop3A_366 : i32 to index
        %parallel_loop3A_530 = arith.constant 96 : index
        %parallel_loop3A_531 = tpu.vector_load %arg14[%parallel_loop3A_529, %parallel_loop3A_530] {strides = array<i32>} : memref<32x128xf32, #tpu.memory_space<vmem>>, vector<16xf32>,
        tpu.vector_store %arg14[%parallel_loop3A_529, %parallel_loop3A_530], %parallel_loop3A_526 {strides = array<i32>} : memref<32x128xf32, #tpu.memory_space<vmem>>, vector<16xf32>,
        %parallel_loop3A_532 = arith.index_cast %parallel_loop3A_366 : i32 to index
        %parallel_loop3A_533 = arith.constant 112 : index
        %parallel_loop3A_534 = tpu.vector_load %arg14[%parallel_loop3A_532, %parallel_loop3A_533] {strides = array<i32>} : memref<32x128xf32, #tpu.memory_space<vmem>>, vector<16xf32>,
        tpu.vector_store %arg14[%parallel_loop3A_532, %parallel_loop3A_533], %parallel_loop3A_528 {strides = array<i32>} : memref<32x128xf32, #tpu.memory_space<vmem>>, vector<16xf32>,
      } {sc.loop_unroll_factor = 4 : i64, sc.parallel_access}
      %mul3A_349 = arith.constant 32 : i32
      %mul3A_350 = arith.muli %add3A_318, %mul3A_349 : i32
      %add3A_351 = arith.addi %mul3A_2, %mul3A_350 : i32
      %dma_start3A_352 = arith.constant 0 : i32
      %dma_start3A_353 = tpu.memref_slice %arg4[%add3A_351, %dma_start3A_352] : memref<16384x128xf32, #tpu.memory_space<hbm>> -> memref<32x128xf32, #tpu.memory_space<hbm>>
      %dma_start3A_354 = arith.constant 0 : i32
      %dma_start3A_355 = tpu.memref_slice %arg4[%add3A_351, %dma_start3A_354] : memref<16384x128xf32, #tpu.memory_space<hbm>> -> memref<32x128xf32, #tpu.memory_space<hbm>>
      tpu.enqueue_dma source(%arg14 : memref<32x128xf32, #tpu.memory_space<vmem>>) target(%dma_start3A_355 : memref<32x128xf32, #tpu.memory_space<hbm>>) target_semaphore(%arg23 : memref<!tpu.dma_semaphore, #tpu.memory_space<semaphore_mem>>)
      %add3A_356 = arith.constant 4 : i32
      %add3A_357 = arith.addi %add3A_318, %add3A_356 : i32
      %sub3A_358 = arith.constant 1 : i32
      %sub3A_359 = arith.subi %add3A_357, %sub3A_358 : i32
      %lt3A_360 = arith.constant 16 : i32
      %lt3A_361 = arith.cmpi slt, %sub3A_359, %lt3A_360 : i32
      %convert_element_type3A_362 = arith.extui %lt3A_361 : i1 to i32
      %cond3A_363 = arith.constant 0 : i32
      %cond3A_364 = arith.cmpi ne, %convert_element_type3A_362, %cond3A_363 : i32
      scf.if %cond3A_364 {
        %add3A_366 = arith.constant 4 : i32
        %add3A_367 = arith.addi %add3A_318, %add3A_366 : i32
        %sub3A_368 = arith.constant 1 : i32
        %sub3A_369 = arith.subi %add3A_367, %sub3A_368 : i32
        %dma_start3A_370 = arith.constant 0 : i32
        %dma_start3A_371 = arith.constant 0 : i32
        %dma_start3A_372 = arith.constant 0 : i32
        %dma_start3A_373 = tpu.memref_slice %arg9[%dma_start3A_371, %dma_start3A_372] : memref<128x64xi32, #tpu.memory_space<vmem>> -> memref<64x64xi32, #tpu.memory_space<vmem>>
        %dma_start3A_374 = arith.constant 0 : i32
        %dma_start3A_375 = tpu.memref_slice %arg6[%sub3A_369, %dma_start3A_370, %dma_start3A_374] : memref<16x2x64xi32, #tpu.memory_space<vmem>> -> memref<1x1x64xi32, #tpu.memory_space<vmem>>
        %dma_start3A_376 = tpu.memref_squeeze %dma_start3A_375 : memref<1x1x64xi32, #tpu.memory_space<vmem>> -> memref<64xi32, #tpu.memory_space<vmem>>
        %dma_start3A_377 = arith.constant 0 : i32
        %dma_start3A_378 = arith.constant 0 : i32
        %dma_start3A_379 = tpu.memref_slice %arg15[%dma_start3A_377, %dma_start3A_378] : memref<4000x64xi32, #tpu.memory_space<vmem_shared>> -> memref<4000x64xi32, #tpu.memory_space<vmem_shared>>
        tpu.enqueue_indirect_dma source(%dma_start3A_379 : memref<4000x64xi32, #tpu.memory_space<vmem_shared>>) target(%dma_start3A_373 : memref<64x64xi32, #tpu.memory_space<vmem>>) offsets(%dma_start3A_376 : memref<64xi32, #tpu.memory_space<vmem>>) semaphore(%arg18 : memref<!tpu.dma_semaphore, #tpu.memory_space<semaphore_mem>>)
        %dma_start3A_380 = arith.constant 1 : i32
        %dma_start3A_381 = arith.constant 64 : i32
        %dma_start3A_382 = arith.constant 0 : i32
        %dma_start3A_383 = tpu.memref_slice %arg9[%dma_start3A_381, %dma_start3A_382] : memref<128x64xi32, #tpu.memory_space<vmem>> -> memref<64x64xi32, #tpu.memory_space<vmem>>
        %dma_start3A_384 = arith.constant 0 : i32
        %dma_start3A_385 = tpu.memref_slice %arg6[%sub3A_369, %dma_start3A_380, %dma_start3A_384] : memref<16x2x64xi32, #tpu.memory_space<vmem>> -> memref<1x1x64xi32, #tpu.memory_space<vmem>>
        %dma_start3A_386 = tpu.memref_squeeze %dma_start3A_385 : memref<1x1x64xi32, #tpu.memory_space<vmem>> -> memref<64xi32, #tpu.memory_space<vmem>>
        %dma_start3A_387 = arith.constant 0 : i32
        %dma_start3A_388 = arith.constant 0 : i32
        %dma_start3A_389 = tpu.memref_slice %arg15[%dma_start3A_387, %dma_start3A_388] : memref<4000x64xi32, #tpu.memory_space<vmem_shared>> -> memref<4000x64xi32, #tpu.memory_space<vmem_shared>>
        tpu.enqueue_indirect_dma source(%dma_start3A_389 : memref<4000x64xi32, #tpu.memory_space<vmem_shared>>) target(%dma_start3A_383 : memref<64x64xi32, #tpu.memory_space<vmem>>) offsets(%dma_start3A_386 : memref<64xi32, #tpu.memory_space<vmem>>) semaphore(%arg18 : memref<!tpu.dma_semaphore, #tpu.memory_space<semaphore_mem>>)
      } else {
      }
      %scan3A_365 = arith.constant 0 : i32
      scf.yield %scan3A_365 : i32
    }
    %scan3A_143 = arith.constant 4 : i32
    %dma_wait3A_144 = arith.constant 0 : i32
    %dma_wait3A_145 = arith.constant 0 : i32
    %dma_wait3A_146 = tpu.memref_slice %arg4[%dma_wait3A_144, %dma_wait3A_145] : memref<16384x128xf32, #tpu.memory_space<hbm>> -> memref<32x128xf32, #tpu.memory_space<hbm>>
    %dma_wait3A_147 = arith.constant 0 : i32
    %dma_wait3A_148 = arith.constant 0 : i32
    %dma_wait3A_149 = tpu.memref_slice %arg4[%dma_wait3A_147, %dma_wait3A_148] : memref<16384x128xf32, #tpu.memory_space<hbm>> -> memref<32x128xf32, #tpu.memory_space<hbm>>
    tpu.wait_dma2 semaphore(%arg20 : memref<!tpu.dma_semaphore, #tpu.memory_space<semaphore_mem>>) src(%arg11 : memref<32x128xf32, #tpu.memory_space<vmem>>) dst(%dma_wait3A_149 : memref<32x128xf32, #tpu.memory_space<hbm>>)
    %dma_wait3A_150 = arith.constant 0 : i32
    %dma_wait3A_151 = arith.constant 0 : i32
    %dma_wait3A_152 = tpu.memref_slice %arg4[%dma_wait3A_150, %dma_wait3A_151] : memref<16384x128xf32, #tpu.memory_space<hbm>> -> memref<32x128xf32, #tpu.memory_space<hbm>>
    %dma_wait3A_153 = arith.constant 0 : i32
    %dma_wait3A_154 = arith.constant 0 : i32
    %dma_wait3A_155 = tpu.memref_slice %arg4[%dma_wait3A_153, %dma_wait3A_154] : memref<16384x128xf32, #tpu.memory_space<hbm>> -> memref<32x128xf32, #tpu.memory_space<hbm>>
    tpu.wait_dma2 semaphore(%arg21 : memref<!tpu.dma_semaphore, #tpu.memory_space<semaphore_mem>>) src(%arg12 : memref<32x128xf32, #tpu.memory_space<vmem>>) dst(%dma_wait3A_155 : memref<32x128xf32, #tpu.memory_space<hbm>>)
    %dma_wait3A_156 = arith.constant 0 : i32
    %dma_wait3A_157 = arith.constant 0 : i32
    %dma_wait3A_158 = tpu.memref_slice %arg4[%dma_wait3A_156, %dma_wait3A_157] : memref<16384x128xf32, #tpu.memory_space<hbm>> -> memref<32x128xf32, #tpu.memory_space<hbm>>
    %dma_wait3A_159 = arith.constant 0 : i32
    %dma_wait3A_160 = arith.constant 0 : i32
    %dma_wait3A_161 = tpu.memref_slice %arg4[%dma_wait3A_159, %dma_wait3A_160] : memref<16384x128xf32, #tpu.memory_space<hbm>> -> memref<32x128xf32, #tpu.memory_space<hbm>>
    tpu.wait_dma2 semaphore(%arg22 : memref<!tpu.dma_semaphore, #tpu.memory_space<semaphore_mem>>) src(%arg13 : memref<32x128xf32, #tpu.memory_space<vmem>>) dst(%dma_wait3A_161 : memref<32x128xf32, #tpu.memory_space<hbm>>)
    %dma_wait3A_162 = arith.constant 0 : i32
    %dma_wait3A_163 = arith.constant 0 : i32
    %dma_wait3A_164 = tpu.memref_slice %arg4[%dma_wait3A_162, %dma_wait3A_163] : memref<16384x128xf32, #tpu.memory_space<hbm>> -> memref<32x128xf32, #tpu.memory_space<hbm>>
    %dma_wait3A_165 = arith.constant 0 : i32
    %dma_wait3A_166 = arith.constant 0 : i32
    %dma_wait3A_167 = tpu.memref_slice %arg4[%dma_wait3A_165, %dma_wait3A_166] : memref<16384x128xf32, #tpu.memory_space<hbm>> -> memref<32x128xf32, #tpu.memory_space<hbm>>
    tpu.wait_dma2 semaphore(%arg23 : memref<!tpu.dma_semaphore, #tpu.memory_space<semaphore_mem>>) src(%arg14 : memref<32x128xf32, #tpu.memory_space<vmem>>) dst(%dma_wait3A_167 : memref<32x128xf32, #tpu.memory_space<hbm>>)
    return
  }
}

module attributes {stable_mosaic.version = 14 : i64} {
  func.func @_table_body(%arg0: memref<1000x128xf32, #tpu.memory_space<vmem>>, %arg1: memref<128x512xf32, #tpu.memory_space<vmem>>, %arg2: memref<128xf32, #tpu.memory_space<vmem>>, %arg3: memref<4000x64xi32, #tpu.memory_space<vmem>>) attributes {dimension_semantics = [], scalar_prefetch = 0 : i64, scratch_operands = 0 : i64, tpu.core_type = #tpu.core_type<tc>} {
    %get3A = arith.constant 0 : index
    %get3A_0 = arith.constant 0 : index
    %get3A_1 = vector.load %arg1[%get3A, %get3A_0] : memref<128x512xf32, #tpu.memory_space<vmem>>, vector<16x512xf32>
    %get3A_2 = arith.constant 32 : index
    %get3A_3 = arith.constant 0 : index
    %get3A_4 = vector.load %arg1[%get3A_2, %get3A_3] : memref<128x512xf32, #tpu.memory_space<vmem>>, vector<16x512xf32>
    %get3A_5 = arith.constant 64 : index
    %get3A_6 = arith.constant 0 : index
    %get3A_7 = vector.load %arg1[%get3A_5, %get3A_6] : memref<128x512xf32, #tpu.memory_space<vmem>>, vector<16x512xf32>
    %get3A_8 = arith.constant 96 : index
    %get3A_9 = arith.constant 0 : index
    %get3A_10 = vector.load %arg1[%get3A_8, %get3A_9] : memref<128x512xf32, #tpu.memory_space<vmem>>, vector<16x512xf32>
    %get3A_11 = arith.constant 16 : index
    %get3A_12 = arith.constant 0 : index
    %get3A_13 = vector.load %arg1[%get3A_11, %get3A_12] : memref<128x512xf32, #tpu.memory_space<vmem>>, vector<16x512xf32>
    %get3A_14 = arith.constant 48 : index
    %get3A_15 = arith.constant 0 : index
    %get3A_16 = vector.load %arg1[%get3A_14, %get3A_15] : memref<128x512xf32, #tpu.memory_space<vmem>>, vector<16x512xf32>
    %get3A_17 = arith.constant 80 : index
    %get3A_18 = arith.constant 0 : index
    %get3A_19 = vector.load %arg1[%get3A_17, %get3A_18] : memref<128x512xf32, #tpu.memory_space<vmem>>, vector<16x512xf32>
    %get3A_20 = arith.constant 112 : index
    %get3A_21 = arith.constant 0 : index
    %get3A_22 = vector.load %arg1[%get3A_20, %get3A_21] : memref<128x512xf32, #tpu.memory_space<vmem>>, vector<16x512xf32>
    %concatenate3A = tpu.concatenate %get3A_1, %get3A_4, %get3A_7, %get3A_10, %get3A_13, %get3A_16, %get3A_19, %get3A_22 in 0 : vector<16x512xf32>, vector<16x512xf32>, vector<16x512xf32>, vector<16x512xf32>, vector<16x512xf32>, vector<16x512xf32>, vector<16x512xf32>, vector<16x512xf32> -> vector<128x512xf32>
    %get3A_23 = arith.constant 0 : index
    %get3A_24 = vector.load %arg2[%get3A_23] : memref<128xf32, #tpu.memory_space<vmem>>, vector<16xf32>
    %get3A_25 = arith.constant 32 : index
    %get3A_26 = vector.load %arg2[%get3A_25] : memref<128xf32, #tpu.memory_space<vmem>>, vector<16xf32>
    %get3A_27 = arith.constant 64 : index
    %get3A_28 = vector.load %arg2[%get3A_27] : memref<128xf32, #tpu.memory_space<vmem>>, vector<16xf32>
    %get3A_29 = arith.constant 96 : index
    %get3A_30 = vector.load %arg2[%get3A_29] : memref<128xf32, #tpu.memory_space<vmem>>, vector<16xf32>
    %get3A_31 = arith.constant 16 : index
    %get3A_32 = vector.load %arg2[%get3A_31] : memref<128xf32, #tpu.memory_space<vmem>>, vector<16xf32>
    %get3A_33 = arith.constant 48 : index
    %get3A_34 = vector.load %arg2[%get3A_33] : memref<128xf32, #tpu.memory_space<vmem>>, vector<16xf32>
    %get3A_35 = arith.constant 80 : index
    %get3A_36 = vector.load %arg2[%get3A_35] : memref<128xf32, #tpu.memory_space<vmem>>, vector<16xf32>
    %get3A_37 = arith.constant 112 : index
    %get3A_38 = vector.load %arg2[%get3A_37] : memref<128xf32, #tpu.memory_space<vmem>>, vector<16xf32>
    %concatenate3A_39 = tpu.concatenate %get3A_24, %get3A_26, %get3A_28, %get3A_30, %get3A_32, %get3A_34, %get3A_36, %get3A_38 in 0 : vector<16xf32>, vector<16xf32>, vector<16xf32>, vector<16xf32>, vector<16xf32>, vector<16xf32>, vector<16xf32>, vector<16xf32> -> vector<128xf32>
    %mul3A = arith.constant 2.500000e-01 : f32
    %mul3A_40 = vector.broadcast %mul3A : f32 to vector<128xf32>
    %mul3A_41 = arith.mulf %concatenate3A_39, %mul3A_40 : vector<128xf32>
    %slice3A = vector.extract_strided_slice %concatenate3A {offsets = [0, 0], sizes = [128, 128], strides = [1, 1]} : vector<128x512xf32> to vector<128x128xf32>
    %get3A_42 = arith.constant 0 : index
    %get3A_43 = arith.constant 0 : index
    %get3A_44 = vector.load %arg0[%get3A_42, %get3A_43] : memref<1000x128xf32, #tpu.memory_space<vmem>>, vector<1000x128xf32>
    %dot_general3A = arith.constant dense<0.000000e+00> : vector<1000x128xf32>
    %dot_general3A_45 = tpu.matmul %get3A_44, %slice3A, %dot_general3A {dimension_numbers = #tpu.dot_dimension_numbers<[1], [1], [0], [0], [0, 0, 1, 0], [], []>, transpose_lhs_hint = false} : vector<1000x128xf32>, vector<128x128xf32>, vector<1000x128xf32> -> vector<1000x128xf32>
    %broadcast_in_dim3A = vector.shape_cast %mul3A_41 : vector<128xf32> to vector<1x128xf32>
    %add3A = vector.broadcast %broadcast_in_dim3A : vector<1x128xf32> to vector<1000x128xf32>
    %add3A_46 = arith.addf %dot_general3A_45, %add3A : vector<1000x128xf32>
    %convert_element_type3A = arith.truncf %add3A_46 : vector<1000x128xf32> to vector<1000x128xbf16>
    %bitcast_convert_type3A = tpu.bitcast %convert_element_type3A : vector<1000x128xbf16> -> vector<1000x128xi16>
    %convert_element_type3A_47 = arith.extui %bitcast_convert_type3A : vector<1000x128xi16> to vector<1000x128xi32>
    %slice3A_48 = vector.extract_strided_slice %convert_element_type3A_47 {offsets = [0, 0], sizes = [1000, 64], strides = [1, 1]} : vector<1000x128xi32> to vector<1000x64xi32>
    %slice3A_49 = vector.extract_strided_slice %convert_element_type3A_47 {offsets = [0, 64], sizes = [1000, 64], strides = [1, 1]} : vector<1000x128xi32> to vector<1000x64xi32>
    %shift_left3A = arith.constant 16 : i32
    %shift_left3A_50 = vector.broadcast %shift_left3A : i32 to vector<1000x64xi32>
    %shift_left3A_51 = arith.shli %slice3A_49, %shift_left3A_50 : vector<1000x64xi32>
    %or3A = arith.ori %slice3A_48, %shift_left3A_51 : vector<1000x64xi32>
    %bitcast_convert_type3A_52 = tpu.bitcast %or3A : vector<1000x64xi32> -> vector<1000x64xi32>
    %swap3A = arith.constant 0 : index
    %swap3A_53 = arith.constant 0 : index
    %swap3A_54 = vector.load %arg3[%swap3A, %swap3A_53] : memref<4000x64xi32, #tpu.memory_space<vmem>>, vector<1000x64xi32>
    tpu.vector_store %arg3[%swap3A, %swap3A_53], %bitcast_convert_type3A_52 {strides = array<i32>} : memref<4000x64xi32, #tpu.memory_space<vmem>>, vector<1000x64xi32>,
    %slice3A_55 = vector.extract_strided_slice %concatenate3A {offsets = [0, 128], sizes = [128, 128], strides = [1, 1]} : vector<128x512xf32> to vector<128x128xf32>
    %get3A_56 = arith.constant 0 : index
    %get3A_57 = arith.constant 0 : index
    %get3A_58 = vector.load %arg0[%get3A_56, %get3A_57] : memref<1000x128xf32, #tpu.memory_space<vmem>>, vector<1000x128xf32>
    %dot_general3A_59 = arith.constant dense<0.000000e+00> : vector<1000x128xf32>
    %dot_general3A_60 = tpu.matmul %get3A_58, %slice3A_55, %dot_general3A_59 {dimension_numbers = #tpu.dot_dimension_numbers<[1], [1], [0], [0], [0, 0, 1, 0], [], []>, transpose_lhs_hint = false} : vector<1000x128xf32>, vector<128x128xf32>, vector<1000x128xf32> -> vector<1000x128xf32>
    %broadcast_in_dim3A_61 = vector.shape_cast %mul3A_41 : vector<128xf32> to vector<1x128xf32>
    %add3A_62 = vector.broadcast %broadcast_in_dim3A_61 : vector<1x128xf32> to vector<1000x128xf32>
    %add3A_63 = arith.addf %dot_general3A_60, %add3A_62 : vector<1000x128xf32>
    %convert_element_type3A_64 = arith.truncf %add3A_63 : vector<1000x128xf32> to vector<1000x128xbf16>
    %bitcast_convert_type3A_65 = tpu.bitcast %convert_element_type3A_64 : vector<1000x128xbf16> -> vector<1000x128xi16>
    %convert_element_type3A_66 = arith.extui %bitcast_convert_type3A_65 : vector<1000x128xi16> to vector<1000x128xi32>
    %slice3A_67 = vector.extract_strided_slice %convert_element_type3A_66 {offsets = [0, 0], sizes = [1000, 64], strides = [1, 1]} : vector<1000x128xi32> to vector<1000x64xi32>
    %slice3A_68 = vector.extract_strided_slice %convert_element_type3A_66 {offsets = [0, 64], sizes = [1000, 64], strides = [1, 1]} : vector<1000x128xi32> to vector<1000x64xi32>
    %shift_left3A_69 = arith.constant 16 : i32
    %shift_left3A_70 = vector.broadcast %shift_left3A_69 : i32 to vector<1000x64xi32>
    %shift_left3A_71 = arith.shli %slice3A_68, %shift_left3A_70 : vector<1000x64xi32>
    %or3A_72 = arith.ori %slice3A_67, %shift_left3A_71 : vector<1000x64xi32>
    %bitcast_convert_type3A_73 = tpu.bitcast %or3A_72 : vector<1000x64xi32> -> vector<1000x64xi32>
    %swap3A_74 = arith.constant 1000 : index
    %swap3A_75 = arith.constant 0 : index
    %swap3A_76 = vector.load %arg3[%swap3A_74, %swap3A_75] : memref<4000x64xi32, #tpu.memory_space<vmem>>, vector<1000x64xi32>
    tpu.vector_store %arg3[%swap3A_74, %swap3A_75], %bitcast_convert_type3A_73 {strides = array<i32>} : memref<4000x64xi32, #tpu.memory_space<vmem>>, vector<1000x64xi32>,
    %slice3A_77 = vector.extract_strided_slice %concatenate3A {offsets = [0, 256], sizes = [128, 128], strides = [1, 1]} : vector<128x512xf32> to vector<128x128xf32>
    %get3A_78 = arith.constant 0 : index
    %get3A_79 = arith.constant 0 : index
    %get3A_80 = vector.load %arg0[%get3A_78, %get3A_79] : memref<1000x128xf32, #tpu.memory_space<vmem>>, vector<1000x128xf32>
    %dot_general3A_81 = arith.constant dense<0.000000e+00> : vector<1000x128xf32>
    %dot_general3A_82 = tpu.matmul %get3A_80, %slice3A_77, %dot_general3A_81 {dimension_numbers = #tpu.dot_dimension_numbers<[1], [1], [0], [0], [0, 0, 1, 0], [], []>, transpose_lhs_hint = false} : vector<1000x128xf32>, vector<128x128xf32>, vector<1000x128xf32> -> vector<1000x128xf32>
    %broadcast_in_dim3A_83 = vector.shape_cast %mul3A_41 : vector<128xf32> to vector<1x128xf32>
    %add3A_84 = vector.broadcast %broadcast_in_dim3A_83 : vector<1x128xf32> to vector<1000x128xf32>
    %add3A_85 = arith.addf %dot_general3A_82, %add3A_84 : vector<1000x128xf32>
    %convert_element_type3A_86 = arith.truncf %add3A_85 : vector<1000x128xf32> to vector<1000x128xbf16>
    %bitcast_convert_type3A_87 = tpu.bitcast %convert_element_type3A_86 : vector<1000x128xbf16> -> vector<1000x128xi16>
    %convert_element_type3A_88 = arith.extui %bitcast_convert_type3A_87 : vector<1000x128xi16> to vector<1000x128xi32>
    %slice3A_89 = vector.extract_strided_slice %convert_element_type3A_88 {offsets = [0, 0], sizes = [1000, 64], strides = [1, 1]} : vector<1000x128xi32> to vector<1000x64xi32>
    %slice3A_90 = vector.extract_strided_slice %convert_element_type3A_88 {offsets = [0, 64], sizes = [1000, 64], strides = [1, 1]} : vector<1000x128xi32> to vector<1000x64xi32>
    %shift_left3A_91 = arith.constant 16 : i32
    %shift_left3A_92 = vector.broadcast %shift_left3A_91 : i32 to vector<1000x64xi32>
    %shift_left3A_93 = arith.shli %slice3A_90, %shift_left3A_92 : vector<1000x64xi32>
    %or3A_94 = arith.ori %slice3A_89, %shift_left3A_93 : vector<1000x64xi32>
    %bitcast_convert_type3A_95 = tpu.bitcast %or3A_94 : vector<1000x64xi32> -> vector<1000x64xi32>
    %swap3A_96 = arith.constant 2000 : index
    %swap3A_97 = arith.constant 0 : index
    %swap3A_98 = vector.load %arg3[%swap3A_96, %swap3A_97] : memref<4000x64xi32, #tpu.memory_space<vmem>>, vector<1000x64xi32>
    tpu.vector_store %arg3[%swap3A_96, %swap3A_97], %bitcast_convert_type3A_95 {strides = array<i32>} : memref<4000x64xi32, #tpu.memory_space<vmem>>, vector<1000x64xi32>,
    %slice3A_99 = vector.extract_strided_slice %concatenate3A {offsets = [0, 384], sizes = [128, 128], strides = [1, 1]} : vector<128x512xf32> to vector<128x128xf32>
    %get3A_100 = arith.constant 0 : index
    %get3A_101 = arith.constant 0 : index
    %get3A_102 = vector.load %arg0[%get3A_100, %get3A_101] : memref<1000x128xf32, #tpu.memory_space<vmem>>, vector<1000x128xf32>
    %dot_general3A_103 = arith.constant dense<0.000000e+00> : vector<1000x128xf32>
    %dot_general3A_104 = tpu.matmul %get3A_102, %slice3A_99, %dot_general3A_103 {dimension_numbers = #tpu.dot_dimension_numbers<[1], [1], [0], [0], [0, 0, 1, 0], [], []>, transpose_lhs_hint = false} : vector<1000x128xf32>, vector<128x128xf32>, vector<1000x128xf32> -> vector<1000x128xf32>
    %broadcast_in_dim3A_105 = vector.shape_cast %mul3A_41 : vector<128xf32> to vector<1x128xf32>
    %add3A_106 = vector.broadcast %broadcast_in_dim3A_105 : vector<1x128xf32> to vector<1000x128xf32>
    %add3A_107 = arith.addf %dot_general3A_104, %add3A_106 : vector<1000x128xf32>
    %convert_element_type3A_108 = arith.truncf %add3A_107 : vector<1000x128xf32> to vector<1000x128xbf16>
    %bitcast_convert_type3A_109 = tpu.bitcast %convert_element_type3A_108 : vector<1000x128xbf16> -> vector<1000x128xi16>
    %convert_element_type3A_110 = arith.extui %bitcast_convert_type3A_109 : vector<1000x128xi16> to vector<1000x128xi32>
    %slice3A_111 = vector.extract_strided_slice %convert_element_type3A_110 {offsets = [0, 0], sizes = [1000, 64], strides = [1, 1]} : vector<1000x128xi32> to vector<1000x64xi32>
    %slice3A_112 = vector.extract_strided_slice %convert_element_type3A_110 {offsets = [0, 64], sizes = [1000, 64], strides = [1, 1]} : vector<1000x128xi32> to vector<1000x64xi32>
    %shift_left3A_113 = arith.constant 16 : i32
    %shift_left3A_114 = vector.broadcast %shift_left3A_113 : i32 to vector<1000x64xi32>
    %shift_left3A_115 = arith.shli %slice3A_112, %shift_left3A_114 : vector<1000x64xi32>
    %or3A_116 = arith.ori %slice3A_111, %shift_left3A_115 : vector<1000x64xi32>
    %bitcast_convert_type3A_117 = tpu.bitcast %or3A_116 : vector<1000x64xi32> -> vector<1000x64xi32>
    %swap3A_118 = arith.constant 3000 : index
    %swap3A_119 = arith.constant 0 : index
    %swap3A_120 = vector.load %arg3[%swap3A_118, %swap3A_119] : memref<4000x64xi32, #tpu.memory_space<vmem>>, vector<1000x64xi32>
    tpu.vector_store %arg3[%swap3A_118, %swap3A_119], %bitcast_convert_type3A_117 {strides = array<i32>} : memref<4000x64xi32, #tpu.memory_space<vmem>>, vector<1000x64xi32>,
    return
  }
}

</mosaic_0001>

<sc_bundles>
// kernel: kernel.4.cloned.1.call-start
scs
__scs_entry_jumppad:
0x0: {  	(pc) =	sbr.rel $0x88, $3  }
0x1: {  	(tag) =	ssettag $0x0;
	lr =	simm.s32 $0x1  }
0x2: {  	[smem:$0x3F9D] =	sst lr;
	_ =	strace $0xD0000000  }
0x3: {  	_ = 	snop  }
0x4: {  	_ = 	snop  }
0x5: {  	_ = 	snop  }
0x6: {  	_ = 	snop  }
0x7: {  	_ = 	snop  }
__scs_overlays_trampoline_lowered:
0x8: {  	[smem:$0x3FAC] =	sst s0  }
0x9: {  	[smem:$0x3FAD] =	sst s1  }
0xa: {  	[smem:$0x3FAE] =	sst s2  }
0xb: {  	[smem:$0x3FAF] =	sst s3  }
0xc: {  	[smem:$0x3FB0] =	sst s4  }
0xd: {  	[smem:$0x3FB1] =	sst s5  }
0xe: {  	[smem:$0x3FB2] =	sst s6  }
0xf: {  	[smem:$0x3FB3] =	sst s7  }
0x10: {  	[smem:$0x3FB4] =	sst s8  }
0x11: {  	[smem:$0x3FB5] =	sst s9;
	s0 =	simm.s32 @!p0 $0x0  }
0x12: {  	s1 =	sld [smem:$0x3F9B];
	s0 =	simm.s32 @p0 $0x1  }
0x13: {  	[smem:$0x3FB6] =	sst s0;
	s0 =	simm.s32 @!p1 $0x0  }
0x14: {  	s2 =	sld [smem:$0x3F9A];
	s0 =	simm.s32 @p1 $0x1  }
0x15: {  	[smem:$0x3FB7] =	sst s0;
	s0 =	simm.s32 @!p2 $0x0  }
0x16: {  	s3 =	sld [smem:$0x3FDB];
	s0 =	simm.s32 @p2 $0x1  }
0x17: {  	s4 =	simm.s32 $0x1BF5;
	[smem:$0x3FB9] =	sst s0  }
0x18: {  	s0 =	sld [smem:$0x3F9C];
	_ =	swait.ge [sflag:s4], $0x0  }
0x19: {  	s7 =	sld [smem:$0x3F9D]  }
0x1a: {  	s8 =	sadd.s32 $0xFFFFE003, lr  }
0x1b: {  	s9 =	sadd.s32 $0xFFFFFEF7, lr;
	s5 =	simm.s32 $0xFFFFFFFF;
	p2 =	slt.u32 s8, $0xFFFFF086  }
0x1c: {  	p1 =	slt.u32 s9, $0xF7A;
	s5 =	simm.s32 @!p2 $0x0  }
0x1d: {  	s5 =	simm.s32 @p1 $0x1;
	p0 =	seq.s32 s7, s2  }
0x1e: {  	s7 =	smul.u32 @!p0 $0xF7A, s2;
	p2 =	seq.s32 @!p0 s5, $0x0  }
0x1f: {  	s9 =	smul.u32 $0xF7A, s1;
	s8 =	simm.s32 @!p0 $0x1BF5;
	p2 =	por !p2, p0  }
0x20: {  	[sflag:s8] =	ssyncset.s32 @!p0 $0xFFFFF086;
	s6 =	sadd.s32 @!p0 s3, s7;
	s7 =	simm.s32 @!p0 $0x108  }
0x21: {  	s3 =	sadd.s32 s3, s9;
	s6 =	sadd.s32 @!p0 $0x88, s6;
	s7 =	simm.s32 @p2 $0x1082  }
0x22: {  	[simem:s7], [sflag:s8] =	dma.local @!p0 [hbm:s6], $0xF7A  }
0x23: {  	s9 =	sor.u32 $0xD0000000, s2;
	s6 =	simm.s32 $0x108;
	_ =	swait.ge @!p0 [sflag:s8], $0x0  }
0x24: {  	s3 =	sadd.s32 $0x88, s3;
	s6 =	simm.s32 @!p1 $0x1082;
	[sflag:s4] =	ssyncset.s32 $0xFFFFF086  }
0x25: {  	[simem:s6], [sflag:s4] =	dma.local [hbm:s3], $0xF7A  }
0x26: {  	[smem:$0x3F9D] =	sst s1;
	(tag) =	ssettag s2;
	_ =	strace s9  }
0x27: {  	s1 =	sld [smem:$0x3FAD]  }
0x28: {  	s2 =	sld [smem:$0x3FAE]  }
0x29: {  	s4 =	sld [smem:$0x3FB0]  }
0x2a: {  	p0 =	seq.s32 s5, $0x0;
	s5 =	sld [smem:$0x3FB1]  }
0x2b: {  	s6 =	sld [smem:$0x3FB2]  }
0x2c: {  	s7 =	sld [smem:$0x3FB3]  }
0x2d: {  	s3 =	simm.s32 $0x108;
	s8 =	sld [smem:$0x3FB4]  }
0x2e: {  	s3 =	simm.s32 @!p0 $0x1082;
	s9 =	sld [smem:$0x3FB5]  }
0x2f: {  	lr =	sadd.s32 s0, s3;
	s0 =	sld [smem:$0x3FAC]  }
0x30: {  	s3 =	sld [smem:$0x3FAF]  }
0x31: {  	[smem:$0x3FB8] =	sst s10  }
0x32: {  	s10 =	sld [smem:$0x3FB6];
	_ =	sdelay $0x3  }
0x33: {  	p0 =	seq.s32 s10, $0x1;
	s10 =	sld [smem:$0x3FB8];
	_ =	sdelay $0x3  }
0x34: {  	[smem:$0x3FB8] =	sst s10  }
0x35: {  	s10 =	sld [smem:$0x3FB7];
	_ =	sdelay $0x3  }
0x36: {  	p1 =	seq.s32 s10, $0x1;
	s10 =	sld [smem:$0x3FB8];
	_ =	sdelay $0x3  }
0x37: {  	[smem:$0x3FB8] =	sst s10  }
0x38: {  	s10 =	sld [smem:$0x3FB9]  }
0x39: {  	_ = 	snop;
	(pc) =	sbr.ind lr, $3  }
0x3a: {  	_ = 	snop  }
0x3b: {  	_ = 	snop  }
0x3c: {  	p2 =	seq.s32 s10, $0x1;
	s10 =	sld [smem:$0x3FB8]  }
0x3d: {  	_ =	shalt  }
0x3e: {  	_ =	shalt  }
0x3f: {  	_ =	shalt  }
0x40: {  	_ =	shalt  }
0x41: {  	_ =	shalt  }
0x42: {  	_ =	shalt  }
0x43: {  	_ =	shalt  }
0x44: {  	_ =	shalt  }
0x45: {  	_ =	shalt  }
0x46: {  	_ =	shalt  }
0x47: {  	_ =	shalt  }
0x48: {  	_ =	shalt  }
0x49: {  	_ =	shalt  }
0x4a: {  	_ =	shalt  }
0x4b: {  	_ =	shalt  }
0x4c: {  	_ =	shalt  }
0x4d: {  	_ =	shalt  }
0x4e: {  	_ =	shalt  }
0x4f: {  	_ =	shalt  }
0x50: {  	_ =	shalt  }
0x51: {  	_ =	shalt  }
0x52: {  	_ =	shalt  }
0x53: {  	_ =	shalt  }
0x54: {  	_ =	shalt  }
0x55: {  	_ =	shalt  }
0x56: {  	_ =	shalt  }
0x57: {  	_ =	shalt  }
0x58: {  	_ =	shalt  }
0x59: {  	_ =	shalt  }
0x5a: {  	_ =	shalt  }
0x5b: {  	_ =	shalt  }
0x5c: {  	_ =	shalt  }
0x5d: {  	_ =	shalt  }
0x5e: {  	_ =	shalt  }
0x5f: {  	_ =	shalt  }
0x60: {  	_ =	shalt  }
0x61: {  	_ =	shalt  }
0x62: {  	_ =	shalt  }
0x63: {  	_ =	shalt  }
0x64: {  	_ =	shalt  }
0x65: {  	_ =	shalt  }
0x66: {  	_ =	shalt  }
0x67: {  	_ =	shalt  }
0x68: {  	_ =	shalt  }
0x69: {  	_ =	shalt  }
0x6a: {  	_ =	shalt  }
0x6b: {  	_ =	shalt  }
0x6c: {  	_ =	shalt  }
0x6d: {  	_ =	shalt  }
0x6e: {  	_ =	shalt  }
0x6f: {  	_ =	shalt  }
0x70: {  	_ =	shalt  }
0x71: {  	_ =	shalt  }
0x72: {  	_ =	shalt  }
0x73: {  	_ =	shalt  }
0x74: {  	_ =	shalt  }
0x75: {  	_ =	shalt  }
0x76: {  	_ =	shalt  }
0x77: {  	_ =	shalt  }
0x78: {  	_ =	shalt  }
0x79: {  	_ =	shalt  }
0x7a: {  	_ =	shalt  }
0x7b: {  	_ =	shalt  }
0x7c: {  	_ =	shalt  }
0x7d: {  	_ =	shalt  }
0x7e: {  	_ =	shalt  }
0x7f: {  	_ =	shalt  }
0x80: {  	_ =	shalt  }
0x81: {  	_ =	shalt  }
0x82: {  	_ =	shalt  }
0x83: {  	_ =	shalt  }
0x84: {  	_ =	shalt  }
0x85: {  	_ =	shalt  }
0x86: {  	_ =	shalt  }
0x87: {  	_ =	shalt  }
.Lfunc_end0:
.L_simem_size_0:
called_computation_lowered:
.L_overlay_start_0:
0x88: {  	s2 =	sld [smem:$0x3FD9]  }
0x89: {  	s3 =	sld [smem:$0x3FFE];
	_ =	sdelay $0x1  }
0x8a: {  	s1 =	srdreg.scid  }
0x8b: {  	s0 =	sand.u32 $0x1, s1  }
0x8c: {  	s17 =	sshll.u32 s0, $0xA;
	s2 =	sadd.s32 s3, s2  }
0x8d: {  	s2 =	sadd.s32 s2, s17  }
0x8e: {  	[smem:$0x3FC4] =	sst s2  }
0x8f: {  	_ = 	snop  }
0x90: {  	s2 =	sld [smem:$0x3FD0];
	(tm) =	ssettm $0x1  }
0x91: {  	s18 =	sld [smem:$0x3FFB];
	_ =	sdelay $0x3  }
0x92: {  	_ =	strace s18  }
0x93: {  	s3 =	sld [smem:$0x3FFC];
	_ =	sdelay $0x3  }
0x94: {  	_ =	strace s3  }
0x95: {  	s3 =	sld [smem:$0x3FFD];
	_ =	sdelay $0x3  }
0x96: {  	_ =	strace s3  }
0x97: {  	_ =	strace $0x8FFFFFFF  }
0x98: {  	s19 =	sld [smem:$0x3FDB];
	_ =	sdelay $0x1  }
0x99: {  	s4 =	simm.s32 $_scs_section_size  }
0x9a: {  	s5 =	simm.s32 $_size__tile_overlayer_lowered;
	s6 =	simm.s32 $_tile_overlayer_lowered  }
0x9b: {  	s22 =	simm.s32 $0x1BFF;
	s21 =	sshll.u32 s6, $0x1;
	s3 =	sadd.s32 s4, s19  }
0x9c: {  	s7 =	simm.s32 $0x0;
	s20 =	sshll.u32 s5, $0x1;
	s5 =	sadd.s32 s21, s3  }
0x9d: {  	[timem:s7], [sflag:s22] =	dma.local [hbm:s5], s20  }
0x9e: {  	_ =	swait.ge [sflag:s22], s20  }
0x9f: {  	s4 =	ssub.s32 $0x0, s20;
	[sflag:s22] =	ssyncset.done $0x0  }
0xa0: {  	[sflag:s22] =	ssyncadd.s32 s4;
	_ =	sdelay $0x1  }
0xa1: {  	s23 =	simm.s32 $0x1B8B  }
0xa2: {  	_ =	swait.ge [sflag:s23], $0x1  }
0xa3: {  	[sflag:s23] =	ssyncset.done $0x0  }
0xa4: {  	s25 =	simm.s32 $0x1B8E;
	s24 =	sld [smem:$0x3FFE];
	[sflag:s23] =	ssyncadd.s32 $0xFFFFFFFF  }
0xa5: {  	s26 =	simm.s32 $execute0_lowered;
	[smem:$0x3FD2] =	sst s25  }
0xa6: {  	s5 =	sshll.u32 s26, $0x1;
	_ =	strace $0x80000046;
	[dreg:$0x1] =	wrdreg $0xFFFFFFFF  }
0xa7: {  	s28 =	simm.s32 $_size_execute0_lowered;
	s3 =	sadd.s32 s3, s5;
	[dreg:$0x0] =	wrdreg $0x0  }
0xa8: {  	s5 =	sshll.u32 s28, $0x1;
	[dreg:$0x2] =	wrdreg s3  }
0xa9: {  	[dreg:$0x3] =	wrdreg s5  }
0xaa: {  	[dreg:$0x4] =	wrdreg $0xC0  }
0xab: {  	_ =	task [dreg:s7], $0x5FFFF  }
0xac: {  	[dreg:$0x1] =	wrdreg $0xFFFFFFFF  }
0xad: {  	[dreg:$0x0] =	wrdreg $0x60  }
0xae: {  	[dreg:$0x2] =	wrdreg s24  }
0xaf: {  	[dreg:$0x3] =	wrdreg s2  }
0xb0: {  	[dreg:$0x4] =	wrdreg $0xD0000  }
0xb1: {  	[dreg:$0x5] =	wrdreg $0x9  }
0xb2: {  	_ =	task.clear_ibuf [dreg:s7], $0x6FFFF;
	_ =	strace $0x90000046  }
0xb3: {  	s29 =	simm.s32 $0x9;
	_ =	strace $0x80000048  }
0xb4: {  	_ =	swait.ge [sflag:s29], $0x1  }
0xb5: {  	[sflag:s29] =	ssyncadd.s32 $0xFFFFFFFF  }
0xb6: {  	_ =	strace $0x90000048  }
0xb7: {  	_ =	sfence  }
0xb8: {  	s30 =	sld [smem:$0x0];
	_ =	sdelay $0x2  }
0xb9: {  	s31 =	sshll.u32 s1, $0xD;
	s1 =	sshrl.u32 s1, $0x2  }
0xba: {  	s3 =	sand.u32 $0x4000, s31;
	s1 =	sadd.s32 s1, s30  }
0xbb: {  	s0 =	sor.u32 s3, s0;
	s1 =	sshll.u32 s1, $0x11  }
0xbc: {  	s0 =	sor.u32 s1, s0  }
0xbd: {  	s0 =	sadd.s32 $0x8F2B, s0  }
0xbe: {  	[sflag:s0] =	ssyncadd.remote.s32 $0x1  }
0xbf: {  	_ =	sfence.sel $0xFFFF  }
0xc0: {  	[dreg:$0x0] =	wrdreg $0xFFFFFFFF;
	(pc) =	sbr.abs _section_cstart, $3  }
0xc1: {  	[dreg:$0x1] =	wrdreg $0xFFFFFFFF  }
0xc2: {  	_ =	task.clear_ibuf [dreg:s7], $0x2FFFF;
	_ =	strace $0x9FFFFFFF  }
0xc3: {  	(tm) =	ssettm $0x7FFFFFFF  }
tec
execute0_lowered:
.L_overlay_start_1:
0x0: {  	(tag) =	ssettag $0x1  }
0x1: {  	s0 =	rddreg [dreg:$0x0]  }
0x2: {  	s1 =	rddreg [dreg:$0x1]  }
0x3: {  	s2 =	rddreg [dreg:$0x2];
	s4 =	simm.s32 $0x0  }
0x4: {  	s3 =	srdreg.scid;
	s10 =	stileid.u32;
	s18 =	simm.s32 $0x6000  }
0x5: {  	s19 =	simm.s32 $0x1;
	s28 =	simm.s32 $0xA000;
	s29 =	simm.s32 $0x3  }
0x6: {  	s30 =	simm.s32 $0xB000;
	s31 =	simm.s32 $0x4;
	[smem:$0x7FF] =	sst s4  }
0x7: {  	s3 =	sand.u32 $0x1, s3;
	s5 =	sshll.u32 s10, $0xA;
	s7 =	smul.u32 $0x3E80, s10  }
0x8: {  	s20 =	sshll.u32 s10, $0x6;
	s12 =	sadd.s32 $0x400, s1;
	s6 =	sshll.u32 s3, $0x9  }
0x9: {  	_ =	strace $0x80000047;
	s3 =	ssub.s32 $0x2, s3;
	s5 =	sor.u32 s6, s5  }
0xa: {  	s8 =	sshrl.u32 s7, $0x3;
	s9 =	sshrl.u32 s3, $0x1;
	s7 =	sadd.s32 s7, s2  }
0xb: {  	s6 =	sshrl.u32 s5, $0x3;
	s3 =	ssub.s32 s3, s9;
	s11 =	sshll.u32 s5, $0x4  }
0xc: {  	s26 =	sshrl.u32 s7, $0x3;
	s7 =	simm.s32 $0x0;
	s6 =	sadd.s32 s6, s0  }
0xd: {  	s0 =	sadd.s32 s8, s0;
	s25 =	smax.u32 s3, $0x1;
	[dreg:$0xb] =	wrdreg s26  }
0xe: {  	s13 =	sadd.s32 s1, s11;
	s0 =	sadd.s32 $0x2A00, s0;
	[dreg:$0xa] =	wrdreg s25  }
0xf: {  	s8 =	simm.s32 $0x5;
	s21 =	sadd.s32 $0xA00, s6;
	[dreg:$0x4] =	wrdreg s0  }
0x10: {  	s3 =	simm.s32 $0xC000;
	s22 =	sadd.s32 $0x1200, s6;
	[dreg:$0x6] =	wrdreg s21  }
.Ltmp0:
0x11: {  	s23 =	sadd.s32 $0x1A00, s6;
	[dreg:$0x7] =	wrdreg s22;
	(pc) =	sbr.rel .LBB2_1-.Ltmp0, $4  }
0x12: {  	s24 =	sadd.s32 $0x2200, s6;
	s15 =	sadd.s32 $0x200, s13;
	[dreg:$0x8] =	wrdreg s23  }
0x13: {  	s25 =	simm.s32 $0x2;
	s0 =	sor.u32 $0x1C09, s20;
	[dreg:$0x9] =	wrdreg s24  }
0x14: {  	s21 =	simm.s32 $0x40;
	s22 =	simm.s32 $0x9000;
	s23 =	simm.s32 $0x7000  }
0x15: {  	s24 =	simm.s32 $0x8000;
	[dreg:$0x5] =	wrdreg s0;
	s0 =	simm.s32 $0x5000  }
.LBB2_14:
0x16: {  	s8 =	simm.s32 $0x5  }
0x17: {  	_ =	swait.ge [sflag:s8], $0x1000  }
0x18: {  	[sflag:s8] =	ssyncset.done $0x0  }
0x19: {  	s5 =	simm.s32 $0x6;
	[sflag:s8] =	ssyncadd.s32 $0xFFFFF000  }
0x1a: {  	_ =	swait.ge [sflag:s5], $0x1000  }
0x1b: {  	[sflag:s5] =	ssyncset.done $0x0  }
0x1c: {  	s20 =	simm.s32 $0x7;
	[sflag:s5] =	ssyncadd.s32 $0xFFFFF000  }
0x1d: {  	_ =	swait.ge [sflag:s20], $0x1000  }
0x1e: {  	[sflag:s20] =	ssyncset.done $0x0  }
0x1f: {  	s6 =	simm.s32 $0x8;
	[sflag:s20] =	ssyncadd.s32 $0xFFFFF000  }
0x20: {  	_ =	swait.ge [sflag:s6], $0x1000  }
0x21: {  	s7 =	rddreg [dreg:$0xc]  }
0x22: {  	s26 =	rddreg [dreg:$0xa];
	s7 =	sadd.s32 $0x1, s7  }
0x23: {  	p0 =	sne.s32 s7, s26  }
.Ltmp1:
0x24: {  	_ = 	snop;
	(pc) =	sbr.rel @!p0 .LBB2_15-.Ltmp1, $3  }
0x25: {  	_ =	sdelay $0x1  }
0x26: {  	[sflag:s6] =	ssyncset.done $0x0  }
0x27: {  	[sflag:s6] =	ssyncadd.s32 $0xFFFFF000  }
.LBB2_1:
0x28: {  	[dreg:$0xc] =	wrdreg s7  }
0x29: {  	s5 =	rddreg [dreg:$0x4]  }
0x2a: {  	s6 =	rddreg [dreg:$0x5]  }
0x2b: {  	s26 =	rddreg [dreg:$0xb];
	s9 =	simm.s32 $0x9  }
0x2c: {  	[spmem:s26], [sflag:s6] =	dma.local [hbm:s5], $0x7D0  }
0x2d: {  	_ =	swait.ge [sflag:s9], $0x7D0  }
0x2e: {  	[sflag:s9] =	ssyncset.done $0x0  }
0x2f: {  	s10 =	rddreg [dreg:$0x6];
	[sflag:s9] =	ssyncadd.s32 $0xFFFFF830  }
0x30: {  	[tilespmem:s4], [sflag:$0x5] =	stream.linear.gather [hbm4b:s10+s4], $0x200, $0x38;
	[tilespmem:$0x10E80] =	vst v63  }
0x31: {  	s16 =	simm.s32 $0x200;
	s14 =	rddreg [dreg:$0x7]  }
0x32: {  	[tilespmem:s16], [sflag:$0x5] =	stream.linear.gather [hbm4b:s14+s4], $0x200, $0x38;
	[tilespmem:$0x10E80] =	vst v63  }
0x33: {  	s5 =	simm.s32 $0x400;
	s17 =	rddreg [dreg:$0x8]  }
0x34: {  	[tilespmem:s5], [sflag:$0x5] =	stream.linear.gather [hbm4b:s17+s4], $0x200, $0x38;
	[tilespmem:$0x10E80] =	vst v63  }
0x35: {  	s26 =	simm.s32 $0x600;
	s20 =	rddreg [dreg:$0x9]  }
0x36: {  	[tilespmem:s26], [sflag:$0x5] =	stream.linear.gather [hbm4b:s20+s4], $0x200, $0x38;
	[tilespmem:$0x10E80] =	vst v63  }
0x37: {  	_ =	swait.ge [sflag:s8], $0x200  }
0x38: {  	[sflag:s8] =	ssyncset.done $0x0  }
0x39: {  	[sflag:s8] =	ssyncadd.s32 $0xFFFFFE00  }
0x3a: {  	_ =	swait.ge [sflag:s8], $0x200  }
0x3b: {  	[sflag:s8] =	ssyncset.done $0x0  }
0x3c: {  	[sflag:s8] =	ssyncadd.s32 $0xFFFFFE00  }
0x3d: {  	_ =	swait.ge [sflag:s8], $0x200  }
0x3e: {  	[sflag:s8] =	ssyncset.done $0x0  }
0x3f: {  	[sflag:s8] =	ssyncadd.s32 $0xFFFFFE00  }
0x40: {  	_ =	swait.ge [sflag:s8], $0x200  }
0x41: {  	[sflag:s8] =	ssyncset.done $0x0  }
0x42: {  	[sflag:s8] =	ssyncadd.s32 $0xFFFFFE00  }
0x43: {  	v0 =	vld [tilespmem:s5+$0xFFFFFC20]  }
0x44: {  	v1 =	vld [tilespmem:s5+$0xFFFFFC00];
	_ =	sdelay $0x2  }
0x45: {  	s10 =	simm.s32 $0x880  }
0x46: {  	[tilespmem:s10+$0x0] =	vst v0  }
0x47: {  	[tilespmem:s10+$0xFFFFFF80] =	vst v1;
	v0 =	vld [tilespmem:s5+$0xFFFFFC30]  }
0x48: {  	v1 =	vld [tilespmem:s5+$0xFFFFFC10];
	_ =	sdelay $0x3  }
0x49: {  	[tilespmem:s10+$0x10] =	vst v0  }
0x4a: {  	[tilespmem:s10+$0xFFFFFF90] =	vst v1;
	v0 =	vld [tilespmem:s5+$0xFFFFFE20]  }
0x4b: {  	v1 =	vld [tilespmem:s5+$0xFFFFFE00];
	_ =	sdelay $0x1  }
0x4c: {  	s7 =	simm.s32 $0x440  }
0x4d: {  	v2 =	vld [tilespmem:s7+$0xFFFFFC20]  }
0x4e: {  	v3 =	vld [tilespmem:s7+$0xFFFFFC00];
	v0 =	vadd.s32 $0x3E8, v0  }
0x4f: {  	v1 =	vadd.s32 $0x3E8, v1;
	[tilespmem:s10+$0x20] =	vst v0  }
0x50: {  	[tilespmem:s10+$0xFFFFFFA0] =	vst v1;
	v0 =	vld [tilespmem:s5+$0xFFFFFE30]  }
0x51: {  	s6 =	simm.s32 $0x980;
	v1 =	vld [tilespmem:s5+$0xFFFFFE10]  }
0x52: {  	[tilespmem:s6+$0x0] =	vst v2  }
0x53: {  	[tilespmem:s6+$0xFFFFFF80] =	vst v3;
	v2 =	vld [tilespmem:s7+$0xFFFFFC30]  }
0x54: {  	v3 =	vld [tilespmem:s7+$0xFFFFFC10]  }
0x55: {  	v0 =	vadd.s32 $0x3E8, v0  }
0x56: {  	v1 =	vadd.s32 $0x3E8, v1;
	[tilespmem:s10+$0x30] =	vst v0  }
0x57: {  	[tilespmem:s10+$0xFFFFFFB0] =	vst v1;
	v0 =	vld [tilespmem:s5+$0x20]  }
0x58: {  	[tilespmem:s6+$0x10] =	vst v2;
	v1 =	vld [tilespmem:s5+$0x0]  }
0x59: {  	[tilespmem:s6+$0xFFFFFF90] =	vst v3;
	v2 =	vld [tilespmem:s7+$0xFFFFFE20]  }
0x5a: {  	v3 =	vld [tilespmem:s7+$0xFFFFFE00]  }
0x5b: {  	s8 =	simm.s32 $0x480  }
0x5c: {  	v4 =	vld [tilespmem:s8+$0xFFFFFC20];
	v0 =	vadd.s32 $0x7D0, v0  }
0x5d: {  	v5 =	vld [tilespmem:s8+$0xFFFFFC00];
	v1 =	vadd.s32 $0x7D0, v1;
	[tilespmem:s10+$0x40] =	vst v0  }
0x5e: {  	v0 =	vadd.s32 $0x3E8, v2;
	[tilespmem:s10+$0xFFFFFFC0] =	vst v1;
	v1 =	vld [tilespmem:s5+$0x30]  }
0x5f: {  	v2 =	vadd.s32 $0x3E8, v3;
	[tilespmem:s6+$0x20] =	vst v0;
	v0 =	vld [tilespmem:s5+$0x10]  }
0x60: {  	[tilespmem:s6+$0xFFFFFFA0] =	vst v2;
	v2 =	vld [tilespmem:s7+$0xFFFFFE30]  }
0x61: {  	s9 =	simm.s32 $0xA80;
	v3 =	vld [tilespmem:s7+$0xFFFFFE10]  }
0x62: {  	[tilespmem:s9+$0x0] =	vst v4  }
0x63: {  	[tilespmem:s9+$0xFFFFFF80] =	vst v5;
	v4 =	vld [tilespmem:s8+$0xFFFFFC30];
	v1 =	vadd.s32 $0x7D0, v1  }
0x64: {  	v5 =	vld [tilespmem:s8+$0xFFFFFC10];
	v0 =	vadd.s32 $0x7D0, v0;
	[tilespmem:s10+$0x50] =	vst v1  }
0x65: {  	v1 =	vadd.s32 $0x3E8, v2;
	[tilespmem:s10+$0xFFFFFFD0] =	vst v0;
	v6 =	vld [tilespmem:s5+$0x220]  }
0x66: {  	v2 =	vadd.s32 $0x3E8, v3;
	[tilespmem:s6+$0x30] =	vst v1;
	v0 =	vld [tilespmem:s5+$0x200]  }
0x67: {  	[tilespmem:s6+$0xFFFFFFB0] =	vst v2;
	v3 =	vld [tilespmem:s7+$0x20]  }
0x68: {  	[tilespmem:s9+$0x10] =	vst v4;
	v2 =	vld [tilespmem:s7+$0x0]  }
0x69: {  	s14 =	simm.s32 $0x4;
	[tilespmem:s9+$0xFFFFFF90] =	vst v5;
	v5 =	vld [tilespmem:s8+$0xFFFFFE20]  }
0x6a: {  	s16 =	simm.s32 $0x4C0;
	s20 =	simm.s32 $0x880;
	v4 =	vld [tilespmem:s8+$0xFFFFFE00];
	s10 =	simm.s32 $0x880;
	v1 =	vadd.s32 $0xBB8, v6  }
.LBB2_2:
0x6b: {  	v6 =	vld [tilespmem:s16+$0xFFFFFC20];
	v0 =	vadd.s32 $0xBB8, v0;
	[tilespmem:s10+$0x60] =	vst v1;
	s17 =	smov.u32 s9  }
0x6c: {  	v1 =	vadd.s32 $0x7D0, v3;
	[tilespmem:s10+$0xFFFFFFE0] =	vst v0;
	v0 =	vld [tilespmem:s5+$0x230]  }
0x6d: {  	s14 =	sadd.s32 $0x2, s14;
	v3 =	vld [tilespmem:s16+$0xFFFFFC00];
	v2 =	vadd.s32 $0x7D0, v2;
	[tilespmem:s6+$0x40] =	vst v1  }
0x6e: {  	p0 =	slt.u32 s14, $0xE;
	v1 =	vadd.s32 $0x3E8, v5;
	[tilespmem:s6+$0xFFFFFFC0] =	vst v2;
	v2 =	vld [tilespmem:s7+$0x30]  }
0x6f: {  	v4 =	vadd.s32 $0x3E8, v4;
	[tilespmem:s9+$0x20] =	vst v1;
	v1 =	vld [tilespmem:s7+$0x10]  }
0x70: {  	s9 =	sadd.s32 $0x100, s9;
	[tilespmem:s17+$0xFFFFFFA0] =	vst v4;
	v4 =	vld [tilespmem:s8+$0xFFFFFE30]  }
0x71: {  	[tilespmem:s9+$0x0] =	vst v6;
	v5 =	vld [tilespmem:s8+$0xFFFFFE10];
	v0 =	vadd.s32 $0xBB8, v0  }
0x72: {  	v6 =	vld [tilespmem:s5+$0x210];
	[tilespmem:s10+$0x70] =	vst v0;
	s5 =	smov.u32 s7;
	s7 =	smov.u32 s8;
	s8 =	smov.u32 s16  }
0x73: {  	[tilespmem:s9+$0xFFFFFF80] =	vst v3;
	v7 =	vld [tilespmem:s16+$0xFFFFFC30];
	v0 =	vadd.s32 $0x7D0, v2  }
0x74: {  	v8 =	vld [tilespmem:s16+$0xFFFFFC10];
	v1 =	vadd.s32 $0x7D0, v1;
	[tilespmem:s6+$0x50] =	vst v0  }
0x75: {  	v0 =	vadd.s32 $0x3E8, v4;
	[tilespmem:s6+$0xFFFFFFD0] =	vst v1;
	v1 =	vld [tilespmem:s5+$0x220]  }
.Ltmp2:
0x76: {  	v2 =	vadd.s32 $0x3E8, v5;
	[tilespmem:s17+$0x30] =	vst v0;
	v0 =	vld [tilespmem:s5+$0x200];
	(pc) =	sbr.rel @p0 .LBB2_2-.Ltmp2, $4  }
0x77: {  	[tilespmem:s17+$0xFFFFFFB0] =	vst v2;
	v3 =	vld [tilespmem:s7+$0x20];
	v6 =	vadd.s32 $0xBB8, v6  }
0x78: {  	[tilespmem:s9+$0x10] =	vst v7;
	v2 =	vld [tilespmem:s7+$0x0]  }
0x79: {  	[tilespmem:s9+$0xFFFFFF90] =	vst v8;
	v5 =	vld [tilespmem:s16+$0xFFFFFE20]  }
0x7a: {  	s16 =	sadd.s32 $0x40, s16;
	v4 =	vld [tilespmem:s8+$0xFFFFFE00];
	v1 =	vadd.s32 $0xBB8, v1;
	[tilespmem:s10+$0xFFFFFFF0] =	vst v6;
	s10 =	smov.u32 s6;
	s6 =	smov.u32 s17  }
0x7b: {  	_ =	sdelay $0x2  }
0x7c: {  	v5 =	vadd.s32 $0x3E8, v5  }
0x7d: {  	v4 =	vadd.s32 $0x3E8, v4;
	[tilespmem:s9+$0x20] =	vst v5  }
0x7e: {  	[tilespmem:s9+$0xFFFFFFA0] =	vst v4;
	v51 =	vld [tilespmem:s8+$0xFFFFFE30]  }
0x7f: {  	v52 =	vld [tilespmem:s8+$0xFFFFFE10];
	_ =	sdelay $0x3  }
0x80: {  	v4 =	vadd.s32 $0x3E8, v51  }
0x81: {  	v5 =	vadd.s32 $0x3E8, v52;
	[tilespmem:s9+$0x30] =	vst v4  }
0x82: {  	[tilespmem:s9+$0xFFFFFFB0] =	vst v5;
	v4 =	vld [tilespmem:s8+$0x20]  }
0x83: {  	v5 =	vld [tilespmem:s8+$0x0];
	_ =	sdelay $0x1  }
0x84: {  	v3 =	vadd.s32 $0x7D0, v3  }
0x85: {  	v2 =	vadd.s32 $0x7D0, v2;
	[tilespmem:s6+$0x40] =	vst v3  }
0x86: {  	[tilespmem:s6+$0xFFFFFFC0] =	vst v2;
	v53 =	vld [tilespmem:s7+$0x30];
	v54 =	vadd.s32 $0x7D0, v4  }
0x87: {  	v55 =	vld [tilespmem:s7+$0x10];
	v5 =	vadd.s32 $0x7D0, v5;
	[tilespmem:s9+$0x40] =	vst v54  }
0x88: {  	[tilespmem:s9+$0xFFFFFFC0] =	vst v5;
	v3 =	vld [tilespmem:s8+$0x30]  }
0x89: {  	v5 =	vld [tilespmem:s8+$0x10];
	_ =	sdelay $0x1  }
0x8a: {  	v2 =	vadd.s32 $0x7D0, v53  }
0x8b: {  	[tilespmem:s6+$0x50] =	vst v2;
	v4 =	vadd.s32 $0x7D0, v55  }
0x8c: {  	v2 =	vld [tilespmem:s7+$0x220];
	[tilespmem:s6+$0xFFFFFFD0] =	vst v4;
	v3 =	vadd.s32 $0x7D0, v3  }
0x8d: {  	v4 =	vld [tilespmem:s7+$0x200];
	v5 =	vadd.s32 $0x7D0, v5;
	[tilespmem:s9+$0x50] =	vst v3  }
0x8e: {  	[tilespmem:s9+$0xFFFFFFD0] =	vst v5;
	v3 =	vld [tilespmem:s8+$0x220]  }
0x8f: {  	v5 =	vld [tilespmem:s8+$0x200]  }
0x90: {  	v0 =	vadd.s32 $0xBB8, v0;
	[tilespmem:s10+$0x60] =	vst v1  }
0x91: {  	[tilespmem:s10+$0xFFFFFFE0] =	vst v0;
	v56 =	vld [tilespmem:s5+$0x230];
	v57 =	vadd.s32 $0xBB8, v2  }
0x92: {  	v58 =	vld [tilespmem:s5+$0x210];
	[tilespmem:s6+$0x60] =	vst v57;
	v4 =	vadd.s32 $0xBB8, v4  }
0x93: {  	v1 =	vld [tilespmem:s7+$0x230];
	[tilespmem:s6+$0xFFFFFFE0] =	vst v4;
	v3 =	vadd.s32 $0xBB8, v3  }
0x94: {  	v4 =	vld [tilespmem:s7+$0x210];
	v5 =	vadd.s32 $0xBB8, v5;
	[tilespmem:s9+$0x60] =	vst v3  }
0x95: {  	[tilespmem:s9+$0xFFFFFFE0] =	vst v5;
	v3 =	vld [tilespmem:s8+$0x230]  }
0x96: {  	v0 =	vadd.s32 $0xBB8, v56;
	v5 =	vld [tilespmem:s8+$0x210]  }
0x97: {  	[tilespmem:s10+$0x70] =	vst v0;
	v59 =	vadd.s32 $0xBB8, v58  }
0x98: {  	[tilespmem:s10+$0xFFFFFFF0] =	vst v59;
	v60 =	vadd.s32 $0xBB8, v1  }
0x99: {  	[tilespmem:s6+$0x70] =	vst v60;
	v61 =	vadd.s32 $0xBB8, v4  }
0x9a: {  	[tilespmem:s6+$0xFFFFFFF0] =	vst v61;
	v62 =	vadd.s32 $0xBB8, v3  }
0x9b: {  	[tilespmem:s9+$0x70] =	vst v62;
	v63 =	vadd.s32 $0xBB8, v5  }
0x9c: {  	[tilespmem:s9+$0xFFFFFFF0] =	vst v63  }
0x9d: {  	s7 =	simm.s32 $0x800;
	s8 =	simm.s32 $0x1000;
	[bflag:$0x0] =	sbarrier.arrive $0xFFFF  }
0x9e: {  	[tilespmem:s8], [sflag:$0x1] =	stream.indirect.gather [spmem:s2], $0x40, s7, s21, $0xb8;
	[tilespmem:$0x10E80] =	vst v63  }
0x9f: {  	s10 =	simm.s32 $0x2000;
	s9 =	simm.s32 $0x840  }
0xa0: {  	[tilespmem:s10], [sflag:$0x1] =	stream.indirect.gather [spmem:s2], $0x40, s9, s21, $0xb8;
	[tilespmem:$0x10E80] =	vst v63  }
0xa1: {  	s14 =	simm.s32 $0x3000  }
0xa2: {  	[tilespmem:s14], [sflag:$0x2] =	stream.indirect.gather [spmem:s2], $0x40, s20, s21, $0xb8;
	[tilespmem:$0x10E80] =	vst v63  }
0xa3: {  	s16 =	simm.s32 $0x8C0;
	s17 =	simm.s32 $0x4000  }
0xa4: {  	[tilespmem:s17], [sflag:$0x2] =	stream.indirect.gather [spmem:s2], $0x40, s16, s21, $0xb8;
	[tilespmem:$0x10E80] =	vst v63  }
0xa5: {  	s20 =	simm.s32 $0x900  }
0xa6: {  	[tilespmem:s0], [sflag:$0x3] =	stream.indirect.gather [spmem:s2], $0x40, s20, s21, $0xb8;
	[tilespmem:$0x10E80] =	vst v63  }
0xa7: {  	s26 =	simm.s32 $0x940;
	s9 =	simm.s32 $0x0  }
0xa8: {  	[tilespmem:s18], [sflag:$0x3] =	stream.indirect.gather [spmem:s2], $0x40, s26, s21, $0xb8;
	[tilespmem:$0x10E80] =	vst v63  }
.LBB2_4:
0xa9: {  	_ =	swait.ge [sflag:s19], $0x1000  }
0xaa: {  	[sflag:s19] =	ssyncset.done $0x0  }
0xab: {  	[sflag:s19] =	ssyncadd.s32 $0xFFFFF000  }
0xac: {  	_ =	swait.ge [sflag:s19], $0x1000  }
0xad: {  	p0 =	seq.s32 s9, $0x0;
	[sflag:s19] =	ssyncset.done $0x0  }
0xae: {  	s5 =	simm.s32 @!p0 $0x5;
	[sflag:s19] =	ssyncadd.s32 $0xFFFFF000  }
0xaf: {  	_ =	swait.ge @!p0 [sflag:s5], $0x1000  }
0xb0: {  	[sflag:s5] =	ssyncset.done @!p0 $0x0  }
0xb1: {  	s7 =	simm.s32 $0x2000;
	[sflag:s5] =	ssyncadd.s32 @!p0 $0xFFFFF000  }
0xb2: {  	v0 =	vld [tilespmem:s7+$0xFFFFF0C0]  }
0xb3: {  	v1 =	vld [tilespmem:s7+$0xFFFFF8C0];
	_ =	sdelay $0x1  }
0xb4: {  	v2 =	vld [tilespmem:s7+$0xC0]  }
0xb5: {  	v3 =	vld [tilespmem:s7+$0x8C0]  }
0xb6: {  	s5 =	simm.s32 $0x2100;
	v4 =	vld [tilespmem:s7+$0xFFFFF800]  }
0xb7: {  	v20 =	vld [tilespmem:s5+$0xFFFFF800];
	v5 =	vshll.u32 v0, $0x10;
	v6 =	vshll.u32 v1, $0x10;
	v0 =	vadd.f32 v1, v0  }
0xb8: {  	v1 =	vld [tilespmem:s7+$0xFFFFF040];
	v5 =	vadd.f32 v6, v5  }
0xb9: {  	v7 =	vshll.u32 v2, $0x10;
	v6 =	vld [tilespmem:s7+$0xFFFFF840];
	v0 =	vadd.f32 v2, v0  }
0xba: {  	v2 =	vld [tilespmem:s7+$0xFFFFF000];
	v5 =	vadd.f32 v7, v5  }
0xbb: {  	v8 =	vshll.u32 v3, $0x10;
	v7 =	vld [tilespmem:s7+$0xFFFFF080];
	v0 =	vadd.f32 v3, v0  }
0xbc: {  	s14 =	simm.s32 $0x9100;
	v3 =	vld [tilespmem:s7+$0x0];
	v5 =	vadd.f32 v8, v5  }
0xbd: {  	v8 =	vld [tilespmem:s7+$0x40];
	[tilespmem:s14+$0x90] =	vst v0  }
0xbe: {  	v0 =	vld [tilespmem:s7+$0x800];
	[tilespmem:s14+$0x80] =	vst v5  }
0xbf: {  	v9 =	vshll.u32 v1, $0x10;
	v5 =	vshll.u32 v4, $0x10;
	v10 =	vshll.u32 v2, $0x10;
	v11 =	vld [tilespmem:s7+$0xFFFFF0D0]  }
0xc0: {  	v12 =	vshll.u32 v6, $0x10;
	v2 =	vadd.f32 v4, v2;
	v4 =	vadd.f32 v5, v10;
	v5 =	vld [tilespmem:s7+$0xFFFFF8D0]  }
0xc1: {  	v1 =	vadd.f32 v6, v1;
	v6 =	vadd.f32 v12, v9;
	v10 =	vld [tilespmem:s7+$0x840];
	v9 =	vshll.u32 v3, $0x10  }
0xc2: {  	v2 =	vadd.f32 v3, v2;
	v3 =	vadd.f32 v9, v4;
	v4 =	vld [tilespmem:s7+$0xD0]  }
0xc3: {  	v9 =	vld [tilespmem:s7+$0xFFFFF880];
	v12 =	vshll.u32 v8, $0x10;
	v1 =	vadd.f32 v8, v1;
	v8 =	vshll.u32 v0, $0x10  }
0xc4: {  	v13 =	vshll.u32 v7, $0x10;
	v6 =	vadd.f32 v12, v6;
	v3 =	vadd.f32 v8, v3;
	v8 =	vld [tilespmem:s7+$0x8D0]  }
0xc5: {  	v22 =	vld [tilespmem:s5+$0xFFFFF840];
	v12 =	vshll.u32 v11, $0x10;
	v14 =	vshll.u32 v5, $0x10;
	v5 =	vadd.f32 v5, v11  }
0xc6: {  	v0 =	vadd.f32 v0, v2;
	v11 =	vld [tilespmem:s7+$0x80];
	v2 =	vshll.u32 v10, $0x10;
	v12 =	vadd.f32 v14, v12  }
0xc7: {  	v46 =	vld [tilespmem:s5+$0xFFFFF080];
	v1 =	vadd.f32 v10, v1;
	[tilespmem:s14+$0xFFFFFF00] =	vst v3;
	v3 =	vshll.u32 v4, $0x10;
	v4 =	vadd.f32 v4, v5  }
0xc8: {  	v10 =	vld [tilespmem:s7+$0x880];
	[tilespmem:s14+$0xFFFFFF10] =	vst v0;
	v0 =	vadd.f32 v2, v6;
	v5 =	vshll.u32 v9, $0x10;
	v2 =	vadd.f32 v3, v12  }
0xc9: {  	v6 =	vld [tilespmem:s7+$0xFFFFF010];
	[tilespmem:s14+$0xFFFFFF90] =	vst v1;
	v3 =	vadd.f32 v9, v7;
	v1 =	vshll.u32 v8, $0x10;
	v4 =	vadd.f32 v8, v4  }
0xca: {  	v5 =	vadd.f32 v5, v13;
	v7 =	vld [tilespmem:s7+$0xFFFFF810];
	[tilespmem:s14+$0xFFFFFF80] =	vst v0;
	v0 =	vadd.f32 v1, v2  }
0xcb: {  	v1 =	vshll.u32 v11, $0x10;
	v2 =	vadd.f32 v11, v3;
	v3 =	vld [tilespmem:s7+$0xFFFFF050];
	[tilespmem:s14+$0xB0] =	vst v4  }
0xcc: {  	v1 =	vadd.f32 v1, v5;
	v4 =	vld [tilespmem:s7+$0xFFFFF850];
	[tilespmem:s14+$0xA0] =	vst v0  }
0xcd: {  	v0 =	vshll.u32 v10, $0x10;
	v2 =	vadd.f32 v10, v2;
	v5 =	vld [tilespmem:s7+$0xFFFFF0E0]  }
0xce: {  	v0 =	vadd.f32 v0, v1;
	v1 =	vld [tilespmem:s7+$0xFFFFF8E0]  }
0xcf: {  	[tilespmem:s14+$0x10] =	vst v2;
	v2 =	vld [tilespmem:s7+$0x10]  }
0xd0: {  	v8 =	vshll.u32 v6, $0x10;
	v9 =	vshll.u32 v7, $0x10;
	[tilespmem:s14+$0x0] =	vst v0;
	v0 =	vld [tilespmem:s7+$0xE0]  }
0xd1: {  	v6 =	vadd.f32 v7, v6;
	v7 =	vadd.f32 v9, v8;
	v9 =	vld [tilespmem:s7+$0x8E0]  }
0xd2: {  	v8 =	vshll.u32 v3, $0x10;
	v10 =	vld [tilespmem:s7+$0xFFFFF090]  }
0xd3: {  	v11 =	vld [tilespmem:s7+$0xFFFFF890];
	v12 =	vshll.u32 v5, $0x10;
	v13 =	vshll.u32 v1, $0x10;
	v1 =	vadd.f32 v1, v5  }
0xd4: {  	v3 =	vadd.f32 v4, v3;
	v5 =	vshll.u32 v4, $0x10;
	v4 =	vld [tilespmem:s7+$0x50];
	v12 =	vadd.f32 v13, v12  }
0xd5: {  	v6 =	vadd.f32 v2, v6;
	v13 =	vld [tilespmem:s7+$0x810];
	v14 =	vshll.u32 v0, $0x10;
	v0 =	vadd.f32 v0, v1  }
0xd6: {  	v1 =	vshll.u32 v2, $0x10;
	v2 =	vadd.f32 v5, v8;
	v5 =	vld [tilespmem:s7+$0x90];
	v8 =	vadd.f32 v14, v12  }
0xd7: {  	v1 =	vadd.f32 v1, v7;
	v7 =	vld [tilespmem:s7+$0x850];
	v12 =	vshll.u32 v9, $0x10;
	v0 =	vadd.f32 v9, v0  }
0xd8: {  	v25 =	vld [tilespmem:s5+$0x800];
	v14 =	vshll.u32 v11, $0x10;
	v9 =	vshll.u32 v10, $0x10;
	v8 =	vadd.f32 v12, v8  }
0xd9: {  	v10 =	vadd.f32 v11, v10;
	v11 =	vld [tilespmem:s7+$0x890];
	v9 =	vadd.f32 v14, v9;
	[tilespmem:s14+$0xD0] =	vst v0  }
0xda: {  	v27 =	vld [tilespmem:s5+$0x840];
	v0 =	vshll.u32 v4, $0x10;
	v12 =	vshll.u32 v13, $0x10;
	v6 =	vadd.f32 v13, v6;
	[tilespmem:s14+$0xC0] =	vst v8  }
0xdb: {  	v0 =	vadd.f32 v0, v2;
	v1 =	vadd.f32 v12, v1;
	v8 =	vld [tilespmem:s7+$0xFFFFF0F0]  }
0xdc: {  	v2 =	vadd.f32 v4, v3;
	v3 =	vshll.u32 v5, $0x10;
	v4 =	vshll.u32 v7, $0x10;
	[tilespmem:s14+$0xFFFFFF30] =	vst v6;
	v6 =	vld [tilespmem:s7+$0xFFFFF8F0]  }
0xdd: {  	v3 =	vadd.f32 v3, v9;
	v0 =	vadd.f32 v4, v0;
	[tilespmem:s14+$0xFFFFFF20] =	vst v1;
	v1 =	vld [tilespmem:s7+$0xF0]  }
0xde: {  	v4 =	vadd.f32 v5, v10;
	v2 =	vadd.f32 v7, v2;
	v5 =	vshll.u32 v11, $0x10;
	v7 =	vld [tilespmem:s7+$0xFFFFF020]  }
0xdf: {  	v3 =	vadd.f32 v5, v3;
	v5 =	vld [tilespmem:s7+$0xFFFFF820]  }
0xe0: {  	v14 =	vld [tilespmem:s7+$0x820]  }
0xe1: {  	[tilespmem:s14+$0xFFFFFFA0] =	vst v0;
	v0 =	vld [tilespmem:s7+$0x8F0]  }
0xe2: {  	v4 =	vadd.f32 v11, v4;
	[tilespmem:s14+$0xFFFFFFB0] =	vst v2;
	v11 =	vld [tilespmem:s7+$0x20]  }
0xe3: {  	[tilespmem:s14+$0x20] =	vst v3;
	v3 =	vld [tilespmem:s7+$0xFFFFF060]  }
0xe4: {  	v12 =	vld [tilespmem:s7+$0x60]  }
0xe5: {  	[tilespmem:s14+$0x30] =	vst v4;
	v4 =	vld [tilespmem:s7+$0xFFFFF860];
	v17 =	vshll.u32 v6, $0x10;
	v6 =	vadd.f32 v6, v8  }
0xe6: {  	v16 =	vshll.u32 v8, $0x10;
	v8 =	vld [tilespmem:s5+$0xFFFFF0C0]  }
0xe7: {  	v16 =	vadd.f32 v17, v16;
	v17 =	vld [tilespmem:s5+$0xFFFFF8C0];
	v6 =	vadd.f32 v1, v6  }
0xe8: {  	v15 =	vld [tilespmem:s7+$0x860];
	v18 =	vshll.u32 v7, $0x10;
	v19 =	vshll.u32 v5, $0x10;
	v5 =	vadd.f32 v5, v7  }
0xe9: {  	v1 =	vshll.u32 v1, $0x10;
	v7 =	vadd.f32 v19, v18;
	v18 =	vld [tilespmem:s5+$0xC0];
	v45 =	vshll.u32 v11, $0x10  }
0xea: {  	v9 =	vld [tilespmem:s7+$0xFFFFF0A0];
	v1 =	vadd.f32 v1, v16;
	v19 =	vshll.u32 v3, $0x10;
	v5 =	vadd.f32 v11, v5  }
0xeb: {  	v11 =	vld [tilespmem:s5+$0x8C0];
	v21 =	vshll.u32 v4, $0x10;
	v3 =	vadd.f32 v4, v3;
	v23 =	vshll.u32 v8, $0x10  }
0xec: {  	v10 =	vld [tilespmem:s7+$0xFFFFF8A0];
	v7 =	vadd.f32 v45, v7;
	v24 =	vshll.u32 v17, $0x10;
	v8 =	vadd.f32 v17, v8  }
0xed: {  	v49 =	vshll.u32 v22, $0x10;
	v13 =	vld [tilespmem:s7+$0xA0];
	v19 =	vadd.f32 v21, v19;
	v23 =	vadd.f32 v24, v23  }
0xee: {  	v4 =	vld [tilespmem:s5+$0xFFFFF040];
	v17 =	vshll.u32 v12, $0x10;
	v47 =	vshll.u32 v18, $0x10;
	v8 =	vadd.f32 v18, v8  }
0xef: {  	v53 =	vshll.u32 v46, $0x10;
	v17 =	vadd.f32 v17, v19;
	v19 =	vld [tilespmem:s5+$0xFFFFF000];
	v23 =	vadd.f32 v47, v23  }
0xf0: {  	v3 =	vadd.f32 v12, v3;
	v12 =	vld [tilespmem:s5+$0xFFFFF880];
	v48 =	vshll.u32 v11, $0x10;
	v8 =	vadd.f32 v11, v8  }
0xf1: {  	s6 =	simm.s32 $0x9300;
	v5 =	vadd.f32 v14, v5;
	v18 =	vshll.u32 v14, $0x10;
	v14 =	vld [tilespmem:s5+$0x0];
	v23 =	vadd.f32 v48, v23  }
0xf2: {  	v6 =	vadd.f32 v0, v6;
	v7 =	vadd.f32 v18, v7;
	v18 =	vld [tilespmem:s5+$0x40];
	v11 =	vshll.u32 v15, $0x10;
	[tilespmem:s6+$0x90] =	vst v8  }
0xf3: {  	v2 =	vld [tilespmem:s7+$0x8A0];
	v3 =	vadd.f32 v15, v3;
	v11 =	vadd.f32 v11, v17;
	v17 =	vshll.u32 v4, $0x10;
	[tilespmem:s6+$0x80] =	vst v23  }
0xf4: {  	v4 =	vadd.f32 v22, v4;
	v8 =	vshll.u32 v20, $0x10;
	v50 =	vshll.u32 v19, $0x10;
	v23 =	vld [tilespmem:s5+$0xFFFFF0D0]  }
0xf5: {  	v51 =	vshll.u32 v9, $0x10;
	v19 =	vadd.f32 v20, v19;
	v8 =	vadd.f32 v8, v50;
	v52 =	vld [tilespmem:s5+$0xFFFFF8D0]  }
0xf6: {  	[tilespmem:s14+$0xFFFFFF50] =	vst v5;
	v15 =	vld [tilespmem:s5+$0x80];
	v17 =	vadd.f32 v49, v17;
	v21 =	vadd.f32 v12, v46;
	v26 =	vshll.u32 v14, $0x10  }
0xf7: {  	[tilespmem:s14+$0xFFFFFF40] =	vst v7;
	v5 =	vadd.f32 v14, v19;
	v14 =	vshll.u32 v18, $0x10;
	v19 =	vld [tilespmem:s5+$0xD0];
	v8 =	vadd.f32 v26, v8  }
0xf8: {  	v54 =	vld [tilespmem:s7+$0xFFFFF030];
	v4 =	vadd.f32 v18, v4;
	v7 =	vadd.f32 v14, v17;
	v14 =	vshll.u32 v25, $0x10  }
0xf9: {  	[tilespmem:s14+$0xFFFFFFC0] =	vst v11;
	v11 =	vshll.u32 v12, $0x10;
	v12 =	vld [tilespmem:s5+$0x8D0];
	v5 =	vadd.f32 v25, v5;
	v8 =	vadd.f32 v14, v8  }
0xfa: {  	[tilespmem:s14+$0xFFFFFFD0] =	vst v3;
	v17 =	vld [tilespmem:s5+$0x880];
	v3 =	vshll.u32 v23, $0x10;
	v14 =	vshll.u32 v52, $0x10;
	v18 =	vadd.f32 v52, v23  }
0xfb: {  	v4 =	vadd.f32 v27, v4;
	[tilespmem:s6+$0xFFFFFF00] =	vst v8;
	v8 =	vshll.u32 v27, $0x10;
	v3 =	vadd.f32 v14, v3;
	v14 =	vld [tilespmem:s7+$0xFFFFF830]  }
0xfc: {  	[tilespmem:s6+$0xFFFFFF10] =	vst v5;
	v5 =	vadd.f32 v8, v7;
	v7 =	vshll.u32 v19, $0x10;
	v8 =	vadd.f32 v19, v18;
	v18 =	vld [tilespmem:s7+$0xFFFFF070]  }
0xfd: {  	v11 =	vadd.f32 v11, v53;
	[tilespmem:s6+$0xFFFFFF90] =	vst v4;
	v19 =	vshll.u32 v15, $0x10;
	v4 =	vld [tilespmem:s5+$0xFFFFF010];
	v3 =	vadd.f32 v7, v3  }
0xfe: {  	v58 =	vld [tilespmem:s5+$0x810];
	v7 =	vadd.f32 v15, v21;
	[tilespmem:s6+$0xFFFFFF80] =	vst v5;
	v5 =	vshll.u32 v12, $0x10;
	v8 =	vadd.f32 v12, v8  }
0xff: {  	v15 =	vld [tilespmem:s5+$0xFFFFF810];
	v11 =	vadd.f32 v19, v11;
	v12 =	vshll.u32 v10, $0x10;
	v3 =	vadd.f32 v5, v3  }
0x100: {  	v19 =	vld [tilespmem:s5+$0xFFFFF050];
	v5 =	vadd.f32 v10, v9;
	v9 =	vshll.u32 v17, $0x10;
	v7 =	vadd.f32 v17, v7;
	[tilespmem:s6+$0xB0] =	vst v8  }
0x101: {  	v10 =	vld [tilespmem:s5+$0xFFFFF850];
	v8 =	vadd.f32 v12, v51;
	v9 =	vadd.f32 v9, v11;
	v12 =	vshll.u32 v0, $0x10;
	[tilespmem:s6+$0xA0] =	vst v3  }
0x102: {  	v3 =	vshll.u32 v13, $0x10;
	v5 =	vadd.f32 v13, v5;
	[tilespmem:s6+$0x10] =	vst v7;
	v13 =	vadd.f32 v14, v54;
	v7 =	vld [tilespmem:s5+$0xFFFFF0E0]  }
0x103: {  	v0 =	vadd.f32 v3, v8;
	[tilespmem:s6+$0x0] =	vst v9;
	v3 =	vld [tilespmem:s5+$0xFFFFF8E0];
	v8 =	vadd.f32 v12, v1;
	v9 =	vshll.u32 v14, $0x10  }
0x104: {  	v11 =	vld [tilespmem:s5+$0x10];
	v14 =	vshll.u32 v4, $0x10;
	v16 =	vshll.u32 v15, $0x10;
	v4 =	vadd.f32 v15, v4  }
0x105: {  	v1 =	vshll.u32 v2, $0x10;
	v12 =	vld [tilespmem:s5+$0xE0];
	v2 =	vadd.f32 v2, v5;
	v14 =	vadd.f32 v16, v14  }
0x106: {  	v15 =	vld [tilespmem:s5+$0x8E0];
	v0 =	vadd.f32 v1, v0;
	v1 =	vshll.u32 v54, $0x10;
	v57 =	vshll.u32 v19, $0x10  }
0x107: {  	v5 =	vld [tilespmem:s5+$0xFFFFF090];
	v19 =	vadd.f32 v10, v19;
	v10 =	vshll.u32 v10, $0x10;
	v9 =	vadd.f32 v9, v1  }
0x108: {  	v1 =	vld [tilespmem:s5+$0xFFFFF890];
	v55 =	vshll.u32 v7, $0x10;
	v56 =	vshll.u32 v3, $0x10;
	v3 =	vadd.f32 v3, v7  }
0x109: {  	v17 =	vld [tilespmem:s5+$0x50];
	[tilespmem:s14+$0x50] =	vst v2;
	v2 =	vshll.u32 v11, $0x10;
	v10 =	vadd.f32 v10, v57;
	v20 =	vadd.f32 v56, v55  }
0x10a: {  	v59 =	vld [tilespmem:s5+$0x850];
	[tilespmem:s14+$0x40] =	vst v0;
	v0 =	vadd.f32 v11, v4;
	v3 =	vadd.f32 v12, v3;
	v12 =	vshll.u32 v12, $0x10  }
0x10b: {  	v16 =	vld [tilespmem:s5+$0x90];
	v2 =	vadd.f32 v2, v14;
	v12 =	vadd.f32 v12, v20  }
0x10c: {  	v4 =	vld [tilespmem:s5+$0x890];
	v14 =	vshll.u32 v5, $0x10;
	v3 =	vadd.f32 v15, v3;
	v15 =	vshll.u32 v15, $0x10  }
0x10d: {  	v0 =	vadd.f32 v58, v0;
	v11 =	vadd.f32 v15, v12;
	v12 =	vld [tilespmem:s7+$0xFFFFF870];
	v15 =	vshll.u32 v1, $0x10  }
0x10e: {  	v1 =	vadd.f32 v1, v5;
	[tilespmem:s6+$0xD0] =	vst v3;
	v3 =	vld [tilespmem:s7+$0xFFFFF0B0];
	v5 =	vadd.f32 v15, v14  }
0x10f: {  	v14 =	vshll.u32 v17, $0x10;
	v15 =	vadd.f32 v17, v19;
	v17 =	vshll.u32 v58, $0x10;
	[tilespmem:s6+$0xC0] =	vst v11;
	v11 =	vld [tilespmem:s7+$0xFFFFF8B0]  }
0x110: {  	v10 =	vadd.f32 v14, v10;
	v14 =	vshll.u32 v16, $0x10;
	v1 =	vadd.f32 v16, v1;
	v16 =	vld [tilespmem:s7+$0x30]  }
0x111: {  	v2 =	vadd.f32 v17, v2;
	v19 =	vld [tilespmem:s5+$0xFFFFF0F0]  }
0x112: {  	[tilespmem:s6+$0xFFFFFF30] =	vst v0;
	v17 =	vld [tilespmem:s5+$0xFFFFF8F0];
	v5 =	vadd.f32 v14, v5;
	v14 =	vshll.u32 v59, $0x10;
	v15 =	vadd.f32 v59, v15  }
0x113: {  	v7 =	vshll.u32 v18, $0x10;
	v0 =	vshll.u32 v4, $0x10;
	v10 =	vadd.f32 v14, v10;
	[tilespmem:s6+$0xFFFFFF20] =	vst v2;
	v14 =	vld [tilespmem:s5+$0xF0]  }
0x114: {  	v4 =	vadd.f32 v4, v1;
	v5 =	vadd.f32 v0, v5;
	v1 =	vshll.u32 v12, $0x10;
	v60 =	vld [tilespmem:s5+$0xFFFFF020];
	[tilespmem:s6+$0xFFFFFFB0] =	vst v15  }
0x115: {  	v0 =	vadd.f32 v12, v18;
	[tilespmem:s6+$0xFFFFFFA0] =	vst v10;
	v1 =	vadd.f32 v1, v7;
	v7 =	vld [tilespmem:s5+$0x8F0];
	v10 =	vshll.u32 v3, $0x10  }
0x116: {  	[tilespmem:s6+$0x30] =	vst v4;
	v12 =	vshll.u32 v11, $0x10;
	v2 =	vadd.f32 v11, v3;
	v11 =	vld [tilespmem:s5+$0xFFFFF820];
	v4 =	vadd.f32 v16, v13  }
0x117: {  	[tilespmem:s6+$0x20] =	vst v5;
	v18 =	vld [tilespmem:s5+$0xFFFFF060];
	v5 =	vshll.u32 v19, $0x10;
	v15 =	vshll.u32 v17, $0x10;
	v17 =	vadd.f32 v17, v19  }
0x118: {  	v3 =	vadd.f32 v12, v10;
	v12 =	vld [tilespmem:s5+$0xFFFFF860];
	v10 =	vadd.f32 v15, v5  }
0x119: {  	v5 =	vshll.u32 v16, $0x10;
	v13 =	vshll.u32 v14, $0x10;
	v15 =	vld [tilespmem:s5+$0xFFFFF0A0];
	v14 =	vadd.f32 v14, v17  }
0x11a: {  	v5 =	vadd.f32 v5, v9;
	v9 =	vadd.f32 v13, v10;
	v10 =	vld [tilespmem:s5+$0xFFFFF8A0]  }
0x11b: {  	v13 =	vshll.u32 v60, $0x10;
	v16 =	vshll.u32 v7, $0x10;
	v14 =	vadd.f32 v7, v14;
	v7 =	vld [tilespmem:s5+$0x20]  }
0x11c: {  	v17 =	vshll.u32 v11, $0x10;
	v11 =	vadd.f32 v11, v60;
	v16 =	vadd.f32 v16, v9;
	v9 =	vld [tilespmem:s5+$0x60]  }
0x11d: {  	v61 =	vld [tilespmem:s5+$0xA0];
	v13 =	vadd.f32 v17, v13;
	v17 =	vshll.u32 v18, $0x10;
	v19 =	vshll.u32 v12, $0x10  }
0x11e: {  	v12 =	vadd.f32 v12, v18;
	v18 =	vld [tilespmem:s5+$0x820];
	v17 =	vadd.f32 v19, v17  }
0x11f: {  	v62 =	vld [tilespmem:s5+$0x860];
	v19 =	vshll.u32 v15, $0x10;
	v15 =	vadd.f32 v10, v15;
	v10 =	vshll.u32 v10, $0x10  }
0x120: {  	v11 =	vadd.f32 v7, v11;
	v7 =	vshll.u32 v7, $0x10;
	v10 =	vadd.f32 v10, v19;
	v19 =	vld [tilespmem:s5+$0x8A0]  }
0x121: {  	[tilespmem:s14+$0xF0] =	vst v6;
	v6 =	vld [tilespmem:s7+$0x70];
	v63 =	vadd.f32 v7, v13;
	v7 =	vshll.u32 v9, $0x10;
	v12 =	vadd.f32 v9, v12  }
0x122: {  	[tilespmem:s14+$0xE0] =	vst v8;
	v8 =	vshll.u32 v61, $0x10;
	v20 =	vadd.f32 v61, v15;
	v17 =	vadd.f32 v7, v17;
	v7 =	vld [tilespmem:s7+$0xB0]  }
0x123: {  	[tilespmem:s6+$0xF0] =	vst v14;
	v14 =	vshll.u32 v18, $0x10;
	v9 =	vld [tilespmem:s7+$0x830];
	v15 =	vadd.f32 v18, v11;
	v13 =	vadd.f32 v8, v10  }
0x124: {  	[tilespmem:s6+$0xE0] =	vst v16;
	v10 =	vshll.u32 v62, $0x10;
	v8 =	vld [tilespmem:s7+$0x870];
	v14 =	vadd.f32 v14, v63;
	v11 =	vadd.f32 v62, v12  }
0x125: {  	s10 =	sshll.u32 s9, $0xB;
	s16 =	simm.s32 $0x4;
	s8 =	simm.s32 $0x2200;
	[tilespmem:s6+$0xFFFFFF50] =	vst v15;
	v15 =	vadd.f32 v10, v17;
	v10 =	vld [tilespmem:s7+$0x8B0];
	v16 =	vshll.u32 v19, $0x10;
	v12 =	vadd.f32 v19, v20  }
.LBB2_5:
0x126: {  	v17 =	vld [tilespmem:s8+$0xFFFFF0C0];
	[tilespmem:s6+$0xFFFFFF40] =	vst v14;
	v13 =	vadd.f32 v16, v13;
	v14 =	vshll.u32 v6, $0x10;
	v0 =	vadd.f32 v6, v0  }
0x127: {  	v6 =	vld [tilespmem:s8+$0xFFFFF8C0];
	[tilespmem:s6+$0xFFFFFFC0] =	vst v15;
	v1 =	vadd.f32 v14, v1;
	v14 =	vshll.u32 v7, $0x10;
	v2 =	vadd.f32 v7, v2  }
0x128: {  	v7 =	vld [tilespmem:s8+$0xFFFFF800];
	[tilespmem:s6+$0x40] =	vst v13;
	v13 =	vshll.u32 v9, $0x10;
	v4 =	vadd.f32 v9, v4;
	v3 =	vadd.f32 v14, v3  }
0x129: {  	v9 =	vld [tilespmem:s8+$0xC0];
	[tilespmem:s6+$0xFFFFFFD0] =	vst v11;
	v5 =	vadd.f32 v13, v5;
	v11 =	vshll.u32 v8, $0x10;
	v0 =	vadd.f32 v8, v0  }
0x12a: {  	s16 =	sadd.s32 $0x4, s16;
	v8 =	vld [tilespmem:s8+$0xFFFFF040];
	[tilespmem:s6+$0x50] =	vst v12;
	v1 =	vadd.f32 v11, v1;
	v11 =	vshll.u32 v10, $0x10;
	v2 =	vadd.f32 v10, v2  }
0x12b: {  	p1 =	slt.u32 s16, $0x1C;
	v10 =	vld [tilespmem:s8+$0x8C0];
	[tilespmem:s14+$0xFFFFFF60] =	vst v5;
	v3 =	vadd.f32 v11, v3  }
0x12c: {  	v11 =	vshll.u32 v17, $0x10;
	v5 =	vld [tilespmem:s8+$0xFFFFF840];
	v12 =	vshll.u32 v6, $0x10;
	v6 =	vadd.f32 v6, v17;
	[tilespmem:s14+$0xFFFFFFE0] =	vst v1  }
0x12d: {  	v1 =	vshll.u32 v7, $0x10;
	v13 =	vld [tilespmem:s8+$0xFFFFF080];
	v11 =	vadd.f32 v12, v11;
	[tilespmem:s14+$0x60] =	vst v3  }
0x12e: {  	v3 =	vld [tilespmem:s8+$0xFFFFF880];
	v12 =	vshll.u32 v9, $0x10;
	v6 =	vadd.f32 v9, v6;
	[tilespmem:s14+$0xFFFFFF70] =	vst v4  }
0x12f: {  	v4 =	vld [tilespmem:s8+$0xFFFFF000];
	v9 =	vshll.u32 v8, $0x10;
	v11 =	vadd.f32 v12, v11;
	[tilespmem:s14+$0xFFFFFFF0] =	vst v0  }
0x130: {  	v0 =	vld [tilespmem:s8+$0x0];
	v12 =	vshll.u32 v10, $0x10;
	v6 =	vadd.f32 v10, v6;
	[tilespmem:s14+$0x70] =	vst v2;
	s14 =	smov.u32 s6  }
0x131: {  	s6 =	sadd.s32 $0x200, s6;
	v2 =	vshll.u32 v5, $0x10;
	v5 =	vadd.f32 v5, v8;
	v8 =	vld [tilespmem:s8+$0x40];
	v10 =	vadd.f32 v12, v11  }
0x132: {  	v2 =	vadd.f32 v2, v9;
	v9 =	vshll.u32 v13, $0x10;
	v11 =	vld [tilespmem:s8+$0x80];
	[tilespmem:s6+$0x90] =	vst v6  }
0x133: {  	v6 =	vld [tilespmem:s8+$0x800];
	v12 =	vshll.u32 v3, $0x10;
	v3 =	vadd.f32 v3, v13;
	[tilespmem:s6+$0x80] =	vst v10  }
0x134: {  	v10 =	vshll.u32 v4, $0x10;
	v4 =	vadd.f32 v7, v4;
	v7 =	vadd.f32 v12, v9;
	v9 =	vld [tilespmem:s8+$0xFFFFF0D0]  }
0x135: {  	v1 =	vadd.f32 v1, v10;
	v10 =	vshll.u32 v0, $0x10;
	v12 =	vld [tilespmem:s8+$0xFFFFF8D0]  }
0x136: {  	v0 =	vadd.f32 v0, v4;
	v4 =	vshll.u32 v8, $0x10;
	v5 =	vadd.f32 v8, v5;
	v8 =	vld [tilespmem:s8+$0x840]  }
0x137: {  	v1 =	vadd.f32 v10, v1;
	v2 =	vadd.f32 v4, v2;
	v4 =	vshll.u32 v11, $0x10;
	v10 =	vld [tilespmem:s8+$0xD0]  }
0x138: {  	v3 =	vadd.f32 v11, v3;
	v13 =	vshll.u32 v6, $0x10;
	v4 =	vadd.f32 v4, v7;
	v7 =	vld [tilespmem:s8+$0x880]  }
0x139: {  	v0 =	vadd.f32 v6, v0;
	v1 =	vadd.f32 v13, v1;
	v6 =	vld [tilespmem:s8+$0x8D0]  }
0x13a: {  	v11 =	vshll.u32 v9, $0x10;
	v13 =	vshll.u32 v12, $0x10;
	v9 =	vadd.f32 v12, v9;
	v12 =	vld [tilespmem:s5+$0xFFFFF030]  }
0x13b: {  	[tilespmem:s6+$0xFFFFFF00] =	vst v1;
	v1 =	vshll.u32 v8, $0x10;
	v5 =	vadd.f32 v8, v5;
	v8 =	vadd.f32 v13, v11;
	v11 =	vld [tilespmem:s5+$0xFFFFF830]  }
0x13c: {  	[tilespmem:s6+$0xFFFFFF10] =	vst v0;
	v0 =	vadd.f32 v1, v2;
	v1 =	vshll.u32 v10, $0x10;
	v2 =	vadd.f32 v10, v9;
	v9 =	vld [tilespmem:s5+$0xFFFFF070]  }
0x13d: {  	v10 =	vld [tilespmem:s8+$0xFFFFF010];
	[tilespmem:s6+$0xFFFFFF90] =	vst v5;
	v5 =	vshll.u32 v7, $0x10;
	v3 =	vadd.f32 v7, v3;
	v1 =	vadd.f32 v1, v8  }
0x13e: {  	v7 =	vld [tilespmem:s8+$0xFFFFF810];
	[tilespmem:s6+$0xFFFFFF80] =	vst v0;
	v0 =	vadd.f32 v5, v4;
	v4 =	vshll.u32 v6, $0x10;
	v2 =	vadd.f32 v6, v2  }
0x13f: {  	v5 =	vld [tilespmem:s8+$0xFFFFF050];
	[tilespmem:s6+$0x10] =	vst v3;
	v1 =	vadd.f32 v4, v1;
	v3 =	vshll.u32 v12, $0x10  }
0x140: {  	v4 =	vld [tilespmem:s8+$0xFFFFF850];
	[tilespmem:s6+$0xB0] =	vst v2;
	v2 =	vshll.u32 v11, $0x10;
	v6 =	vadd.f32 v11, v12  }
0x141: {  	v8 =	vld [tilespmem:s8+$0x10];
	[tilespmem:s6+$0xA0] =	vst v1;
	v11 =	vadd.f32 v2, v3;
	v1 =	vshll.u32 v9, $0x10  }
0x142: {  	v2 =	vshll.u32 v10, $0x10;
	[tilespmem:s6+$0x0] =	vst v0;
	v0 =	vld [tilespmem:s8+$0xFFFFF0E0]  }
0x143: {  	v3 =	vshll.u32 v7, $0x10;
	v7 =	vadd.f32 v7, v10;
	v10 =	vld [tilespmem:s8+$0xFFFFF8E0]  }
0x144: {  	v2 =	vadd.f32 v3, v2;
	v3 =	vshll.u32 v5, $0x10;
	v12 =	vld [tilespmem:s8+$0xFFFFF090]  }
0x145: {  	v13 =	vshll.u32 v4, $0x10;
	v4 =	vadd.f32 v4, v5;
	v5 =	vld [tilespmem:s8+$0xE0]  }
0x146: {  	v14 =	vshll.u32 v8, $0x10;
	v7 =	vadd.f32 v8, v7;
	v3 =	vadd.f32 v13, v3;
	v8 =	vld [tilespmem:s8+$0xFFFFF890]  }
0x147: {  	v2 =	vadd.f32 v14, v2;
	v13 =	vld [tilespmem:s8+$0x8E0]  }
0x148: {  	v15 =	vshll.u32 v0, $0x10;
	v14 =	vld [tilespmem:s8+$0x50];
	v16 =	vshll.u32 v10, $0x10;
	v0 =	vadd.f32 v10, v0  }
0x149: {  	v10 =	vshll.u32 v12, $0x10;
	v17 =	vld [tilespmem:s8+$0x90];
	v15 =	vadd.f32 v16, v15  }
0x14a: {  	v16 =	vld [tilespmem:s8+$0x810];
	v18 =	vshll.u32 v5, $0x10;
	v0 =	vadd.f32 v5, v0  }
0x14b: {  	v5 =	vld [tilespmem:s8+$0x850];
	v19 =	vshll.u32 v8, $0x10;
	v8 =	vadd.f32 v8, v12;
	v12 =	vadd.f32 v18, v15  }
0x14c: {  	v10 =	vadd.f32 v19, v10;
	v15 =	vld [tilespmem:s8+$0x890];
	v18 =	vshll.u32 v13, $0x10;
	v0 =	vadd.f32 v13, v0  }
0x14d: {  	v13 =	vshll.u32 v14, $0x10;
	v4 =	vadd.f32 v14, v4;
	v12 =	vadd.f32 v18, v12;
	v14 =	vld [tilespmem:s5+$0xFFFFF870]  }
0x14e: {  	v3 =	vadd.f32 v13, v3;
	v13 =	vshll.u32 v17, $0x10;
	v8 =	vadd.f32 v17, v8;
	[tilespmem:s6+$0xD0] =	vst v0;
	v17 =	vld [tilespmem:s5+$0xFFFFF0B0]  }
0x14f: {  	v0 =	vshll.u32 v16, $0x10;
	v7 =	vadd.f32 v16, v7;
	v10 =	vadd.f32 v13, v10;
	[tilespmem:s6+$0xC0] =	vst v12;
	v12 =	vld [tilespmem:s5+$0xFFFFF8B0]  }
0x150: {  	v0 =	vadd.f32 v0, v2;
	v2 =	vshll.u32 v5, $0x10;
	v4 =	vadd.f32 v5, v4;
	v5 =	vld [tilespmem:s8+$0xFFFFF0F0]  }
0x151: {  	[tilespmem:s6+$0xFFFFFF30] =	vst v7;
	v2 =	vadd.f32 v2, v3;
	v3 =	vshll.u32 v15, $0x10;
	v7 =	vadd.f32 v15, v8;
	v8 =	vld [tilespmem:s8+$0xFFFFF8F0]  }
0x152: {  	[tilespmem:s6+$0xFFFFFF20] =	vst v0;
	v3 =	vadd.f32 v3, v10;
	v10 =	vld [tilespmem:s5+$0x30];
	v13 =	vshll.u32 v14, $0x10;
	v0 =	vadd.f32 v14, v9  }
0x153: {  	[tilespmem:s6+$0xFFFFFFA0] =	vst v2;
	v9 =	vld [tilespmem:s8+$0xF0];
	v1 =	vadd.f32 v13, v1;
	v13 =	vshll.u32 v17, $0x10  }
0x154: {  	v14 =	vld [tilespmem:s8+$0xFFFFF020];
	[tilespmem:s6+$0x20] =	vst v3;
	v3 =	vshll.u32 v12, $0x10;
	v2 =	vadd.f32 v12, v17  }
0x155: {  	[tilespmem:s6+$0xFFFFFFB0] =	vst v4;
	v12 =	vld [tilespmem:s8+$0x8F0];
	v3 =	vadd.f32 v3, v13  }
0x156: {  	v4 =	vshll.u32 v5, $0x10;
	v13 =	vld [tilespmem:s8+$0xFFFFF820];
	[tilespmem:s6+$0x30] =	vst v7;
	v7 =	vshll.u32 v8, $0x10;
	v5 =	vadd.f32 v8, v5  }
0x157: {  	v8 =	vld [tilespmem:s8+$0xFFFFF060];
	v7 =	vadd.f32 v7, v4;
	v15 =	vshll.u32 v10, $0x10;
	v4 =	vadd.f32 v10, v6  }
0x158: {  	v6 =	vld [tilespmem:s8+$0xFFFFF860];
	v10 =	vshll.u32 v9, $0x10;
	v9 =	vadd.f32 v9, v5;
	v5 =	vadd.f32 v15, v11  }
0x159: {  	v11 =	vshll.u32 v14, $0x10;
	v15 =	vld [tilespmem:s8+$0xFFFFF0A0];
	v7 =	vadd.f32 v10, v7  }
0x15a: {  	v10 =	vld [tilespmem:s8+$0xFFFFF8A0];
	v16 =	vshll.u32 v12, $0x10;
	v9 =	vadd.f32 v12, v9  }
0x15b: {  	v12 =	vshll.u32 v13, $0x10;
	v13 =	vadd.f32 v13, v14;
	v14 =	vld [tilespmem:s8+$0x20];
	v7 =	vadd.f32 v16, v7  }
0x15c: {  	v11 =	vadd.f32 v12, v11;
	v12 =	vshll.u32 v8, $0x10;
	v16 =	vld [tilespmem:s8+$0x60];
	[tilespmem:s6+$0xF0] =	vst v9  }
0x15d: {  	v9 =	vshll.u32 v6, $0x10;
	v6 =	vadd.f32 v6, v8;
	v8 =	vld [tilespmem:s8+$0xA0];
	[tilespmem:s6+$0xE0] =	vst v7  }
0x15e: {  	v17 =	vld [tilespmem:s8+$0x820];
	v7 =	vadd.f32 v9, v12;
	v9 =	vshll.u32 v15, $0x10  }
0x15f: {  	v12 =	vld [tilespmem:s8+$0x860];
	v18 =	vshll.u32 v10, $0x10;
	v10 =	vadd.f32 v10, v15  }
0x160: {  	v15 =	vshll.u32 v14, $0x10;
	v13 =	vadd.f32 v14, v13;
	v9 =	vadd.f32 v18, v9;
	v18 =	vld [tilespmem:s8+$0x8A0]  }
.Ltmp3:
0x161: {  	v11 =	vadd.f32 v15, v11;
	v14 =	vshll.u32 v16, $0x10;
	v15 =	vadd.f32 v16, v6;
	v6 =	vld [tilespmem:s5+$0x70];
	(pc) =	sbr.rel @p1 .LBB2_5-.Ltmp3, $4  }
0x162: {  	v16 =	vadd.f32 v14, v7;
	v14 =	vshll.u32 v8, $0x10;
	v10 =	vadd.f32 v8, v10;
	v7 =	vld [tilespmem:s5+$0xB0]  }
0x163: {  	v8 =	vshll.u32 v17, $0x10;
	v17 =	vadd.f32 v17, v13;
	v13 =	vadd.f32 v14, v9;
	v9 =	vld [tilespmem:s5+$0x830]  }
0x164: {  	v14 =	vadd.f32 v8, v11;
	v19 =	vshll.u32 v12, $0x10;
	v11 =	vadd.f32 v12, v15;
	v8 =	vld [tilespmem:s5+$0x870]  }
0x165: {  	[tilespmem:s6+$0xFFFFFF50] =	vst v17;
	v15 =	vadd.f32 v19, v16;
	v16 =	vshll.u32 v18, $0x10;
	v12 =	vadd.f32 v18, v10;
	v10 =	vld [tilespmem:s5+$0x8B0];
	s5 =	smov.u32 s8;
	s8 =	sadd.s32 $0x100, s8  }
0x166: {  	[tilespmem:s6+$0xFFFFFF40] =	vst v14  }
0x167: {  	v13 =	vadd.f32 v16, v13;
	[tilespmem:s6+$0xFFFFFFD0] =	vst v11;
	v14 =	vld [tilespmem:s5+$0xFFFFF030]  }
0x168: {  	[tilespmem:s6+$0xFFFFFFC0] =	vst v15;
	v11 =	vld [tilespmem:s5+$0xFFFFF830]  }
0x169: {  	v0 =	vadd.f32 v6, v0;
	[tilespmem:s6+$0x40] =	vst v13;
	v13 =	vld [tilespmem:s5+$0xFFFFF070]  }
0x16a: {  	v15 =	vshll.u32 v6, $0x10;
	[tilespmem:s6+$0x50] =	vst v12;
	v6 =	vshll.u32 v7, $0x10;
	v2 =	vadd.f32 v7, v2;
	v12 =	vld [tilespmem:s5+$0xFFFFF870]  }
0x16b: {  	v1 =	vadd.f32 v15, v1;
	v7 =	vshll.u32 v9, $0x10;
	v4 =	vadd.f32 v9, v4;
	v15 =	vld [tilespmem:s5+$0xFFFFF0B0]  }
0x16c: {  	v3 =	vadd.f32 v6, v3;
	v9 =	vld [tilespmem:s5+$0xFFFFF8B0];
	v5 =	vadd.f32 v7, v5;
	v6 =	vshll.u32 v8, $0x10  }
0x16d: {  	v7 =	vld [tilespmem:s5+$0x30];
	v0 =	vadd.f32 v8, v0;
	v1 =	vadd.f32 v6, v1;
	v6 =	vshll.u32 v10, $0x10  }
0x16e: {  	v8 =	vld [tilespmem:s5+$0x70];
	v2 =	vadd.f32 v10, v2;
	v3 =	vadd.f32 v6, v3  }
0x16f: {  	v6 =	vld [tilespmem:s5+$0xB0];
	v10 =	vshll.u32 v14, $0x10;
	v16 =	vshll.u32 v11, $0x10;
	v11 =	vadd.f32 v11, v14  }
0x170: {  	[tilespmem:s14+$0xFFFFFF60] =	vst v5;
	v14 =	vld [tilespmem:s5+$0x830];
	v10 =	vadd.f32 v16, v10;
	v16 =	vshll.u32 v13, $0x10;
	v17 =	vshll.u32 v12, $0x10  }
0x171: {  	v18 =	vld [tilespmem:s5+$0x870];
	[tilespmem:s14+$0xFFFFFFE0] =	vst v1;
	v5 =	vadd.f32 v12, v13;
	v12 =	vadd.f32 v17, v16;
	v13 =	vshll.u32 v15, $0x10  }
0x172: {  	[tilespmem:s14+$0x70] =	vst v2;
	v16 =	vld [tilespmem:s5+$0x8B0];
	v1 =	vshll.u32 v9, $0x10;
	v9 =	vadd.f32 v9, v15;
	v15 =	vshll.u32 v7, $0x10  }
0x173: {  	[tilespmem:s14+$0x60] =	vst v3;
	v2 =	vadd.f32 v7, v11;
	v3 =	vadd.f32 v15, v10;
	v10 =	vshll.u32 v8, $0x10  }
0x174: {  	[tilespmem:s14+$0xFFFFFF70] =	vst v4;
	v1 =	vadd.f32 v1, v13;
	v4 =	vadd.f32 v10, v12  }
0x175: {  	v10 =	vshll.u32 v6, $0x10;
	v12 =	vshll.u32 v14, $0x10;
	v2 =	vadd.f32 v14, v2  }
0x176: {  	[tilespmem:s14+$0xFFFFFFF0] =	vst v0;
	v0 =	vadd.f32 v10, v1;
	v1 =	vadd.f32 v12, v3;
	v3 =	vshll.u32 v18, $0x10  }
0x177: {  	v5 =	vadd.f32 v8, v5;
	v3 =	vadd.f32 v3, v4;
	v4 =	vshll.u32 v16, $0x10;
	[tilespmem:s6+$0xFFFFFF70] =	vst v2  }
0x178: {  	[tilespmem:s6+$0xFFFFFF60] =	vst v1;
	v0 =	vadd.f32 v4, v0;
	v1 =	vadd.f32 v6, v9  }
0x179: {  	[tilespmem:s6+$0xFFFFFFE0] =	vst v3;
	v3 =	vadd.f32 v18, v5  }
0x17a: {  	[tilespmem:s6+$0x60] =	vst v0;
	v0 =	vadd.f32 v16, v1  }
0x17b: {  	s16 =	sadd.s32 s11, s10;
	s14 =	sor.u32 $0x600, s10;
	[tilespmem:s6+$0xFFFFFFF0] =	vst v3  }
0x17c: {  	s17 =	sadd.s32 s1, s16;
	s20 =	sshra.s32 s14, $0x2;
	[tilespmem:s6+$0x70] =	vst v0  }
0x17d: {  	[hbm4b:s17+s4] =	stream.linear.scatter [tilespmem:s22], [sflag:$0x5], $0x1000, $0x38;
	[tilespmem:$0x10E80] =	vst v63  }
0x17e: {  	s26 =	sadd.s32 $0x800, s20  }
0x17f: {  	[tilespmem:s23], [sflag:$0x4] =	stream.indirect.gather [spmem:s2], $0x40, s26, s21, $0xb8;
	[tilespmem:$0x10E80] =	vst v63  }
0x180: {  	s5 =	sadd.s32 $0x840, s20  }
0x181: {  	[tilespmem:s24], [sflag:$0x4] =	stream.indirect.gather [spmem:s2], $0x40, s5, s21, $0xb8;
	[tilespmem:$0x10E80] =	vst v63  }
0x182: {  	_ =	swait.ge [sflag:s25], $0x1000  }
0x183: {  	[sflag:s25] =	ssyncset.done $0x0  }
0x184: {  	[sflag:s25] =	ssyncadd.s32 $0xFFFFF000  }
0x185: {  	_ =	swait.ge [sflag:s25], $0x1000  }
0x186: {  	[sflag:s25] =	ssyncset.done $0x0  }
0x187: {  	s5 =	simm.s32 @!p0 $0x6;
	[sflag:s25] =	ssyncadd.s32 $0xFFFFF000  }
0x188: {  	_ =	swait.ge @!p0 [sflag:s5], $0x1000  }
0x189: {  	[sflag:s5] =	ssyncset.done @!p0 $0x0  }
0x18a: {  	s7 =	simm.s32 $0x4000;
	[sflag:s5] =	ssyncadd.s32 @!p0 $0xFFFFF000  }
0x18b: {  	v0 =	vld [tilespmem:s7+$0xFFFFF0C0]  }
0x18c: {  	v1 =	vld [tilespmem:s7+$0xFFFFF8C0];
	_ =	sdelay $0x1  }
0x18d: {  	v2 =	vld [tilespmem:s7+$0xC0]  }
0x18e: {  	v3 =	vld [tilespmem:s7+$0x8C0]  }
0x18f: {  	s5 =	simm.s32 $0x4100;
	v4 =	vld [tilespmem:s7+$0xFFFFF800]  }
0x190: {  	v20 =	vld [tilespmem:s5+$0xFFFFF800];
	v5 =	vshll.u32 v0, $0x10;
	v6 =	vshll.u32 v1, $0x10;
	v0 =	vadd.f32 v1, v0  }
0x191: {  	v1 =	vld [tilespmem:s7+$0xFFFFF040];
	v5 =	vadd.f32 v6, v5  }
0x192: {  	v7 =	vshll.u32 v2, $0x10;
	v6 =	vld [tilespmem:s7+$0xFFFFF840];
	v0 =	vadd.f32 v2, v0  }
0x193: {  	v2 =	vld [tilespmem:s7+$0xFFFFF000];
	v5 =	vadd.f32 v7, v5  }
0x194: {  	v8 =	vshll.u32 v3, $0x10;
	v7 =	vld [tilespmem:s7+$0xFFFFF080];
	v0 =	vadd.f32 v3, v0  }
0x195: {  	s17 =	simm.s32 $0xA100;
	v3 =	vld [tilespmem:s7+$0x0];
	v5 =	vadd.f32 v8, v5  }
0x196: {  	v8 =	vld [tilespmem:s7+$0x40];
	[tilespmem:s17+$0x90] =	vst v0  }
0x197: {  	v0 =	vld [tilespmem:s7+$0x800];
	[tilespmem:s17+$0x80] =	vst v5  }
0x198: {  	v9 =	vshll.u32 v1, $0x10;
	v5 =	vshll.u32 v4, $0x10;
	v10 =	vshll.u32 v2, $0x10;
	v11 =	vld [tilespmem:s7+$0xFFFFF0D0]  }
0x199: {  	v12 =	vshll.u32 v6, $0x10;
	v2 =	vadd.f32 v4, v2;
	v4 =	vadd.f32 v5, v10;
	v5 =	vld [tilespmem:s7+$0xFFFFF8D0]  }
0x19a: {  	v1 =	vadd.f32 v6, v1;
	v6 =	vadd.f32 v12, v9;
	v10 =	vld [tilespmem:s7+$0x840];
	v9 =	vshll.u32 v3, $0x10  }
0x19b: {  	v2 =	vadd.f32 v3, v2;
	v3 =	vadd.f32 v9, v4;
	v4 =	vld [tilespmem:s7+$0xD0]  }
0x19c: {  	v9 =	vld [tilespmem:s7+$0xFFFFF880];
	v12 =	vshll.u32 v8, $0x10;
	v1 =	vadd.f32 v8, v1;
	v8 =	vshll.u32 v0, $0x10  }
0x19d: {  	v13 =	vshll.u32 v7, $0x10;
	v6 =	vadd.f32 v12, v6;
	v3 =	vadd.f32 v8, v3;
	v8 =	vld [tilespmem:s7+$0x8D0]  }
0x19e: {  	v22 =	vld [tilespmem:s5+$0xFFFFF840];
	v12 =	vshll.u32 v11, $0x10;
	v14 =	vshll.u32 v5, $0x10;
	v5 =	vadd.f32 v5, v11  }
0x19f: {  	v0 =	vadd.f32 v0, v2;
	v11 =	vld [tilespmem:s7+$0x80];
	v2 =	vshll.u32 v10, $0x10;
	v12 =	vadd.f32 v14, v12  }
0x1a0: {  	v46 =	vld [tilespmem:s5+$0xFFFFF080];
	v1 =	vadd.f32 v10, v1;
	[tilespmem:s17+$0xFFFFFF00] =	vst v3;
	v3 =	vshll.u32 v4, $0x10;
	v4 =	vadd.f32 v4, v5  }
0x1a1: {  	v10 =	vld [tilespmem:s7+$0x880];
	[tilespmem:s17+$0xFFFFFF10] =	vst v0;
	v0 =	vadd.f32 v2, v6;
	v5 =	vshll.u32 v9, $0x10;
	v2 =	vadd.f32 v3, v12  }
0x1a2: {  	v6 =	vld [tilespmem:s7+$0xFFFFF010];
	[tilespmem:s17+$0xFFFFFF90] =	vst v1;
	v3 =	vadd.f32 v9, v7;
	v1 =	vshll.u32 v8, $0x10;
	v4 =	vadd.f32 v8, v4  }
0x1a3: {  	v5 =	vadd.f32 v5, v13;
	v7 =	vld [tilespmem:s7+$0xFFFFF810];
	[tilespmem:s17+$0xFFFFFF80] =	vst v0;
	v0 =	vadd.f32 v1, v2  }
0x1a4: {  	v1 =	vshll.u32 v11, $0x10;
	v2 =	vadd.f32 v11, v3;
	v3 =	vld [tilespmem:s7+$0xFFFFF050];
	[tilespmem:s17+$0xB0] =	vst v4  }
0x1a5: {  	v1 =	vadd.f32 v1, v5;
	v4 =	vld [tilespmem:s7+$0xFFFFF850];
	[tilespmem:s17+$0xA0] =	vst v0  }
0x1a6: {  	v0 =	vshll.u32 v10, $0x10;
	v2 =	vadd.f32 v10, v2;
	v5 =	vld [tilespmem:s7+$0xFFFFF0E0]  }
0x1a7: {  	v0 =	vadd.f32 v0, v1;
	v1 =	vld [tilespmem:s7+$0xFFFFF8E0]  }
0x1a8: {  	[tilespmem:s17+$0x10] =	vst v2;
	v2 =	vld [tilespmem:s7+$0x10]  }
0x1a9: {  	v8 =	vshll.u32 v6, $0x10;
	v9 =	vshll.u32 v7, $0x10;
	[tilespmem:s17+$0x0] =	vst v0;
	v0 =	vld [tilespmem:s7+$0xE0]  }
0x1aa: {  	v6 =	vadd.f32 v7, v6;
	v7 =	vadd.f32 v9, v8;
	v9 =	vld [tilespmem:s7+$0x8E0]  }
0x1ab: {  	v8 =	vshll.u32 v3, $0x10;
	v10 =	vld [tilespmem:s7+$0xFFFFF090]  }
0x1ac: {  	v11 =	vld [tilespmem:s7+$0xFFFFF890];
	v12 =	vshll.u32 v5, $0x10;
	v13 =	vshll.u32 v1, $0x10;
	v1 =	vadd.f32 v1, v5  }
0x1ad: {  	v3 =	vadd.f32 v4, v3;
	v5 =	vshll.u32 v4, $0x10;
	v4 =	vld [tilespmem:s7+$0x50];
	v12 =	vadd.f32 v13, v12  }
0x1ae: {  	v6 =	vadd.f32 v2, v6;
	v13 =	vld [tilespmem:s7+$0x810];
	v14 =	vshll.u32 v0, $0x10;
	v0 =	vadd.f32 v0, v1  }
0x1af: {  	v1 =	vshll.u32 v2, $0x10;
	v2 =	vadd.f32 v5, v8;
	v5 =	vld [tilespmem:s7+$0x90];
	v8 =	vadd.f32 v14, v12  }
0x1b0: {  	v1 =	vadd.f32 v1, v7;
	v7 =	vld [tilespmem:s7+$0x850];
	v12 =	vshll.u32 v9, $0x10;
	v0 =	vadd.f32 v9, v0  }
0x1b1: {  	v25 =	vld [tilespmem:s5+$0x800];
	v14 =	vshll.u32 v11, $0x10;
	v9 =	vshll.u32 v10, $0x10;
	v8 =	vadd.f32 v12, v8  }
0x1b2: {  	v10 =	vadd.f32 v11, v10;
	v11 =	vld [tilespmem:s7+$0x890];
	v9 =	vadd.f32 v14, v9;
	[tilespmem:s17+$0xD0] =	vst v0  }
0x1b3: {  	v27 =	vld [tilespmem:s5+$0x840];
	v0 =	vshll.u32 v4, $0x10;
	v12 =	vshll.u32 v13, $0x10;
	v6 =	vadd.f32 v13, v6;
	[tilespmem:s17+$0xC0] =	vst v8  }
0x1b4: {  	v0 =	vadd.f32 v0, v2;
	v1 =	vadd.f32 v12, v1;
	v8 =	vld [tilespmem:s7+$0xFFFFF0F0]  }
0x1b5: {  	v2 =	vadd.f32 v4, v3;
	v3 =	vshll.u32 v5, $0x10;
	v4 =	vshll.u32 v7, $0x10;
	[tilespmem:s17+$0xFFFFFF30] =	vst v6;
	v6 =	vld [tilespmem:s7+$0xFFFFF8F0]  }
0x1b6: {  	v3 =	vadd.f32 v3, v9;
	v0 =	vadd.f32 v4, v0;
	[tilespmem:s17+$0xFFFFFF20] =	vst v1;
	v1 =	vld [tilespmem:s7+$0xF0]  }
0x1b7: {  	v4 =	vadd.f32 v5, v10;
	v2 =	vadd.f32 v7, v2;
	v5 =	vshll.u32 v11, $0x10;
	v7 =	vld [tilespmem:s7+$0xFFFFF020]  }
0x1b8: {  	v3 =	vadd.f32 v5, v3;
	v5 =	vld [tilespmem:s7+$0xFFFFF820]  }
0x1b9: {  	v14 =	vld [tilespmem:s7+$0x820]  }
0x1ba: {  	[tilespmem:s17+$0xFFFFFFA0] =	vst v0;
	v0 =	vld [tilespmem:s7+$0x8F0]  }
0x1bb: {  	v4 =	vadd.f32 v11, v4;
	[tilespmem:s17+$0xFFFFFFB0] =	vst v2;
	v11 =	vld [tilespmem:s7+$0x20]  }
0x1bc: {  	[tilespmem:s17+$0x20] =	vst v3;
	v3 =	vld [tilespmem:s7+$0xFFFFF060]  }
0x1bd: {  	v12 =	vld [tilespmem:s7+$0x60]  }
0x1be: {  	[tilespmem:s17+$0x30] =	vst v4;
	v4 =	vld [tilespmem:s7+$0xFFFFF860];
	v17 =	vshll.u32 v6, $0x10;
	v6 =	vadd.f32 v6, v8  }
0x1bf: {  	v16 =	vshll.u32 v8, $0x10;
	v8 =	vld [tilespmem:s5+$0xFFFFF0C0]  }
0x1c0: {  	v16 =	vadd.f32 v17, v16;
	v17 =	vld [tilespmem:s5+$0xFFFFF8C0];
	v6 =	vadd.f32 v1, v6  }
0x1c1: {  	v15 =	vld [tilespmem:s7+$0x860];
	v18 =	vshll.u32 v7, $0x10;
	v19 =	vshll.u32 v5, $0x10;
	v5 =	vadd.f32 v5, v7  }
0x1c2: {  	v1 =	vshll.u32 v1, $0x10;
	v7 =	vadd.f32 v19, v18;
	v18 =	vld [tilespmem:s5+$0xC0];
	v45 =	vshll.u32 v11, $0x10  }
0x1c3: {  	v9 =	vld [tilespmem:s7+$0xFFFFF0A0];
	v1 =	vadd.f32 v1, v16;
	v19 =	vshll.u32 v3, $0x10;
	v5 =	vadd.f32 v11, v5  }
0x1c4: {  	v11 =	vld [tilespmem:s5+$0x8C0];
	v21 =	vshll.u32 v4, $0x10;
	v3 =	vadd.f32 v4, v3;
	v23 =	vshll.u32 v8, $0x10  }
0x1c5: {  	v10 =	vld [tilespmem:s7+$0xFFFFF8A0];
	v7 =	vadd.f32 v45, v7;
	v24 =	vshll.u32 v17, $0x10;
	v8 =	vadd.f32 v17, v8  }
0x1c6: {  	v49 =	vshll.u32 v22, $0x10;
	v13 =	vld [tilespmem:s7+$0xA0];
	v19 =	vadd.f32 v21, v19;
	v23 =	vadd.f32 v24, v23  }
0x1c7: {  	v4 =	vld [tilespmem:s5+$0xFFFFF040];
	v17 =	vshll.u32 v12, $0x10;
	v47 =	vshll.u32 v18, $0x10;
	v8 =	vadd.f32 v18, v8  }
0x1c8: {  	v53 =	vshll.u32 v46, $0x10;
	v17 =	vadd.f32 v17, v19;
	v19 =	vld [tilespmem:s5+$0xFFFFF000];
	v23 =	vadd.f32 v47, v23  }
0x1c9: {  	v3 =	vadd.f32 v12, v3;
	v12 =	vld [tilespmem:s5+$0xFFFFF880];
	v48 =	vshll.u32 v11, $0x10;
	v8 =	vadd.f32 v11, v8  }
0x1ca: {  	s6 =	simm.s32 $0xA300;
	v5 =	vadd.f32 v14, v5;
	v18 =	vshll.u32 v14, $0x10;
	v14 =	vld [tilespmem:s5+$0x0];
	v23 =	vadd.f32 v48, v23  }
0x1cb: {  	v6 =	vadd.f32 v0, v6;
	v7 =	vadd.f32 v18, v7;
	v18 =	vld [tilespmem:s5+$0x40];
	v11 =	vshll.u32 v15, $0x10;
	[tilespmem:s6+$0x90] =	vst v8  }
0x1cc: {  	v2 =	vld [tilespmem:s7+$0x8A0];
	v3 =	vadd.f32 v15, v3;
	v11 =	vadd.f32 v11, v17;
	v17 =	vshll.u32 v4, $0x10;
	[tilespmem:s6+$0x80] =	vst v23  }
0x1cd: {  	v4 =	vadd.f32 v22, v4;
	v8 =	vshll.u32 v20, $0x10;
	v50 =	vshll.u32 v19, $0x10;
	v23 =	vld [tilespmem:s5+$0xFFFFF0D0]  }
0x1ce: {  	v51 =	vshll.u32 v9, $0x10;
	v19 =	vadd.f32 v20, v19;
	v8 =	vadd.f32 v8, v50;
	v52 =	vld [tilespmem:s5+$0xFFFFF8D0]  }
0x1cf: {  	[tilespmem:s17+$0xFFFFFF50] =	vst v5;
	v15 =	vld [tilespmem:s5+$0x80];
	v17 =	vadd.f32 v49, v17;
	v21 =	vadd.f32 v12, v46;
	v26 =	vshll.u32 v14, $0x10  }
0x1d0: {  	[tilespmem:s17+$0xFFFFFF40] =	vst v7;
	v5 =	vadd.f32 v14, v19;
	v14 =	vshll.u32 v18, $0x10;
	v19 =	vld [tilespmem:s5+$0xD0];
	v8 =	vadd.f32 v26, v8  }
0x1d1: {  	v54 =	vld [tilespmem:s7+$0xFFFFF030];
	v4 =	vadd.f32 v18, v4;
	v7 =	vadd.f32 v14, v17;
	v14 =	vshll.u32 v25, $0x10  }
0x1d2: {  	[tilespmem:s17+$0xFFFFFFC0] =	vst v11;
	v11 =	vshll.u32 v12, $0x10;
	v12 =	vld [tilespmem:s5+$0x8D0];
	v5 =	vadd.f32 v25, v5;
	v8 =	vadd.f32 v14, v8  }
0x1d3: {  	[tilespmem:s17+$0xFFFFFFD0] =	vst v3;
	v17 =	vld [tilespmem:s5+$0x880];
	v3 =	vshll.u32 v23, $0x10;
	v14 =	vshll.u32 v52, $0x10;
	v18 =	vadd.f32 v52, v23  }
0x1d4: {  	v4 =	vadd.f32 v27, v4;
	[tilespmem:s6+$0xFFFFFF00] =	vst v8;
	v8 =	vshll.u32 v27, $0x10;
	v3 =	vadd.f32 v14, v3;
	v14 =	vld [tilespmem:s7+$0xFFFFF830]  }
0x1d5: {  	[tilespmem:s6+$0xFFFFFF10] =	vst v5;
	v5 =	vadd.f32 v8, v7;
	v7 =	vshll.u32 v19, $0x10;
	v8 =	vadd.f32 v19, v18;
	v18 =	vld [tilespmem:s7+$0xFFFFF070]  }
0x1d6: {  	v11 =	vadd.f32 v11, v53;
	[tilespmem:s6+$0xFFFFFF90] =	vst v4;
	v19 =	vshll.u32 v15, $0x10;
	v4 =	vld [tilespmem:s5+$0xFFFFF010];
	v3 =	vadd.f32 v7, v3  }
0x1d7: {  	v58 =	vld [tilespmem:s5+$0x810];
	v7 =	vadd.f32 v15, v21;
	[tilespmem:s6+$0xFFFFFF80] =	vst v5;
	v5 =	vshll.u32 v12, $0x10;
	v8 =	vadd.f32 v12, v8  }
0x1d8: {  	v15 =	vld [tilespmem:s5+$0xFFFFF810];
	v11 =	vadd.f32 v19, v11;
	v12 =	vshll.u32 v10, $0x10;
	v3 =	vadd.f32 v5, v3  }
0x1d9: {  	v19 =	vld [tilespmem:s5+$0xFFFFF050];
	v5 =	vadd.f32 v10, v9;
	v9 =	vshll.u32 v17, $0x10;
	v7 =	vadd.f32 v17, v7;
	[tilespmem:s6+$0xB0] =	vst v8  }
0x1da: {  	v10 =	vld [tilespmem:s5+$0xFFFFF850];
	v8 =	vadd.f32 v12, v51;
	v9 =	vadd.f32 v9, v11;
	v12 =	vshll.u32 v0, $0x10;
	[tilespmem:s6+$0xA0] =	vst v3  }
0x1db: {  	v3 =	vshll.u32 v13, $0x10;
	v5 =	vadd.f32 v13, v5;
	[tilespmem:s6+$0x10] =	vst v7;
	v13 =	vadd.f32 v14, v54;
	v7 =	vld [tilespmem:s5+$0xFFFFF0E0]  }
0x1dc: {  	v0 =	vadd.f32 v3, v8;
	[tilespmem:s6+$0x0] =	vst v9;
	v3 =	vld [tilespmem:s5+$0xFFFFF8E0];
	v8 =	vadd.f32 v12, v1;
	v9 =	vshll.u32 v14, $0x10  }
0x1dd: {  	v11 =	vld [tilespmem:s5+$0x10];
	v14 =	vshll.u32 v4, $0x10;
	v16 =	vshll.u32 v15, $0x10;
	v4 =	vadd.f32 v15, v4  }
0x1de: {  	v1 =	vshll.u32 v2, $0x10;
	v12 =	vld [tilespmem:s5+$0xE0];
	v2 =	vadd.f32 v2, v5;
	v14 =	vadd.f32 v16, v14  }
0x1df: {  	v15 =	vld [tilespmem:s5+$0x8E0];
	v0 =	vadd.f32 v1, v0;
	v1 =	vshll.u32 v54, $0x10;
	v57 =	vshll.u32 v19, $0x10  }
0x1e0: {  	v5 =	vld [tilespmem:s5+$0xFFFFF090];
	v19 =	vadd.f32 v10, v19;
	v10 =	vshll.u32 v10, $0x10;
	v9 =	vadd.f32 v9, v1  }
0x1e1: {  	v1 =	vld [tilespmem:s5+$0xFFFFF890];
	v55 =	vshll.u32 v7, $0x10;
	v56 =	vshll.u32 v3, $0x10;
	v3 =	vadd.f32 v3, v7  }
0x1e2: {  	v17 =	vld [tilespmem:s5+$0x50];
	[tilespmem:s17+$0x50] =	vst v2;
	v2 =	vshll.u32 v11, $0x10;
	v10 =	vadd.f32 v10, v57;
	v20 =	vadd.f32 v56, v55  }
0x1e3: {  	v59 =	vld [tilespmem:s5+$0x850];
	[tilespmem:s17+$0x40] =	vst v0;
	v0 =	vadd.f32 v11, v4;
	v3 =	vadd.f32 v12, v3;
	v12 =	vshll.u32 v12, $0x10  }
0x1e4: {  	v16 =	vld [tilespmem:s5+$0x90];
	v2 =	vadd.f32 v2, v14;
	v12 =	vadd.f32 v12, v20  }
0x1e5: {  	v4 =	vld [tilespmem:s5+$0x890];
	v14 =	vshll.u32 v5, $0x10;
	v3 =	vadd.f32 v15, v3;
	v15 =	vshll.u32 v15, $0x10  }
0x1e6: {  	v0 =	vadd.f32 v58, v0;
	v11 =	vadd.f32 v15, v12;
	v12 =	vld [tilespmem:s7+$0xFFFFF870];
	v15 =	vshll.u32 v1, $0x10  }
0x1e7: {  	v1 =	vadd.f32 v1, v5;
	[tilespmem:s6+$0xD0] =	vst v3;
	v3 =	vld [tilespmem:s7+$0xFFFFF0B0];
	v5 =	vadd.f32 v15, v14  }
0x1e8: {  	v14 =	vshll.u32 v17, $0x10;
	v15 =	vadd.f32 v17, v19;
	v17 =	vshll.u32 v58, $0x10;
	[tilespmem:s6+$0xC0] =	vst v11;
	v11 =	vld [tilespmem:s7+$0xFFFFF8B0]  }
0x1e9: {  	v10 =	vadd.f32 v14, v10;
	v14 =	vshll.u32 v16, $0x10;
	v1 =	vadd.f32 v16, v1;
	v16 =	vld [tilespmem:s7+$0x30]  }
0x1ea: {  	v2 =	vadd.f32 v17, v2;
	v19 =	vld [tilespmem:s5+$0xFFFFF0F0]  }
0x1eb: {  	[tilespmem:s6+$0xFFFFFF30] =	vst v0;
	v17 =	vld [tilespmem:s5+$0xFFFFF8F0];
	v5 =	vadd.f32 v14, v5;
	v14 =	vshll.u32 v59, $0x10;
	v15 =	vadd.f32 v59, v15  }
0x1ec: {  	v7 =	vshll.u32 v18, $0x10;
	v0 =	vshll.u32 v4, $0x10;
	v10 =	vadd.f32 v14, v10;
	[tilespmem:s6+$0xFFFFFF20] =	vst v2;
	v14 =	vld [tilespmem:s5+$0xF0]  }
0x1ed: {  	v4 =	vadd.f32 v4, v1;
	v5 =	vadd.f32 v0, v5;
	v1 =	vshll.u32 v12, $0x10;
	v60 =	vld [tilespmem:s5+$0xFFFFF020];
	[tilespmem:s6+$0xFFFFFFB0] =	vst v15  }
0x1ee: {  	v0 =	vadd.f32 v12, v18;
	[tilespmem:s6+$0xFFFFFFA0] =	vst v10;
	v1 =	vadd.f32 v1, v7;
	v7 =	vld [tilespmem:s5+$0x8F0];
	v10 =	vshll.u32 v3, $0x10  }
0x1ef: {  	[tilespmem:s6+$0x30] =	vst v4;
	v12 =	vshll.u32 v11, $0x10;
	v2 =	vadd.f32 v11, v3;
	v11 =	vld [tilespmem:s5+$0xFFFFF820];
	v4 =	vadd.f32 v16, v13  }
0x1f0: {  	[tilespmem:s6+$0x20] =	vst v5;
	v18 =	vld [tilespmem:s5+$0xFFFFF060];
	v5 =	vshll.u32 v19, $0x10;
	v15 =	vshll.u32 v17, $0x10;
	v17 =	vadd.f32 v17, v19  }
0x1f1: {  	v3 =	vadd.f32 v12, v10;
	v12 =	vld [tilespmem:s5+$0xFFFFF860];
	v10 =	vadd.f32 v15, v5  }
0x1f2: {  	v5 =	vshll.u32 v16, $0x10;
	v13 =	vshll.u32 v14, $0x10;
	v15 =	vld [tilespmem:s5+$0xFFFFF0A0];
	v14 =	vadd.f32 v14, v17  }
0x1f3: {  	v5 =	vadd.f32 v5, v9;
	v9 =	vadd.f32 v13, v10;
	v10 =	vld [tilespmem:s5+$0xFFFFF8A0]  }
0x1f4: {  	v13 =	vshll.u32 v60, $0x10;
	v16 =	vshll.u32 v7, $0x10;
	v14 =	vadd.f32 v7, v14;
	v7 =	vld [tilespmem:s5+$0x20]  }
0x1f5: {  	v17 =	vshll.u32 v11, $0x10;
	v11 =	vadd.f32 v11, v60;
	v9 =	vadd.f32 v16, v9;
	v16 =	vld [tilespmem:s5+$0x60]  }
0x1f6: {  	v61 =	vld [tilespmem:s5+$0xA0];
	v13 =	vadd.f32 v17, v13;
	v17 =	vshll.u32 v18, $0x10;
	v19 =	vshll.u32 v12, $0x10  }
0x1f7: {  	v12 =	vadd.f32 v12, v18;
	v18 =	vld [tilespmem:s5+$0x820];
	v17 =	vadd.f32 v19, v17  }
0x1f8: {  	v62 =	vld [tilespmem:s5+$0x860];
	v19 =	vshll.u32 v15, $0x10;
	v15 =	vadd.f32 v10, v15;
	v10 =	vshll.u32 v10, $0x10  }
0x1f9: {  	v11 =	vadd.f32 v7, v11;
	v7 =	vshll.u32 v7, $0x10;
	v10 =	vadd.f32 v10, v19;
	v19 =	vld [tilespmem:s5+$0x8A0]  }
0x1fa: {  	[tilespmem:s17+$0xF0] =	vst v6;
	v6 =	vld [tilespmem:s7+$0x70];
	v63 =	vadd.f32 v7, v13;
	v7 =	vshll.u32 v16, $0x10;
	v12 =	vadd.f32 v16, v12  }
0x1fb: {  	[tilespmem:s17+$0xE0] =	vst v8;
	v8 =	vshll.u32 v61, $0x10;
	v16 =	vadd.f32 v7, v17;
	v17 =	vadd.f32 v61, v15;
	v7 =	vld [tilespmem:s7+$0xB0]  }
0x1fc: {  	[tilespmem:s6+$0xF0] =	vst v14;
	v14 =	vshll.u32 v18, $0x10;
	v15 =	vadd.f32 v18, v11;
	v13 =	vadd.f32 v8, v10;
	v10 =	vld [tilespmem:s7+$0x830]  }
0x1fd: {  	[tilespmem:s6+$0xE0] =	vst v9;
	v9 =	vshll.u32 v62, $0x10;
	v8 =	vld [tilespmem:s7+$0x870];
	v14 =	vadd.f32 v14, v63;
	v11 =	vadd.f32 v62, v12  }
0x1fe: {  	s8 =	simm.s32 $0x4200;
	s26 =	simm.s32 $0x4;
	[tilespmem:s6+$0xFFFFFF50] =	vst v15;
	v15 =	vadd.f32 v9, v16;
	v9 =	vld [tilespmem:s7+$0x8B0];
	v16 =	vshll.u32 v19, $0x10;
	v12 =	vadd.f32 v19, v17  }
.LBB2_7:
0x1ff: {  	v17 =	vld [tilespmem:s8+$0xFFFFF0C0];
	[tilespmem:s6+$0xFFFFFF40] =	vst v14;
	v13 =	vadd.f32 v16, v13;
	v14 =	vshll.u32 v6, $0x10;
	v0 =	vadd.f32 v6, v0  }
0x200: {  	v6 =	vld [tilespmem:s8+$0xFFFFF8C0];
	[tilespmem:s6+$0xFFFFFFC0] =	vst v15;
	v1 =	vadd.f32 v14, v1;
	v14 =	vshll.u32 v7, $0x10;
	v2 =	vadd.f32 v7, v2  }
0x201: {  	v7 =	vld [tilespmem:s8+$0xFFFFF800];
	[tilespmem:s6+$0x40] =	vst v13;
	v13 =	vshll.u32 v10, $0x10;
	v4 =	vadd.f32 v10, v4;
	v3 =	vadd.f32 v14, v3  }
0x202: {  	v10 =	vld [tilespmem:s8+$0xC0];
	[tilespmem:s6+$0xFFFFFFD0] =	vst v11;
	v5 =	vadd.f32 v13, v5;
	v11 =	vshll.u32 v8, $0x10;
	v0 =	vadd.f32 v8, v0  }
0x203: {  	s26 =	sadd.s32 $0x4, s26;
	v8 =	vld [tilespmem:s8+$0xFFFFF040];
	[tilespmem:s6+$0x50] =	vst v12;
	v1 =	vadd.f32 v11, v1;
	v11 =	vshll.u32 v9, $0x10;
	v2 =	vadd.f32 v9, v2  }
0x204: {  	p1 =	slt.u32 s26, $0x1C;
	v9 =	vld [tilespmem:s8+$0x8C0];
	[tilespmem:s17+$0xFFFFFF60] =	vst v5;
	v3 =	vadd.f32 v11, v3  }
0x205: {  	v11 =	vshll.u32 v17, $0x10;
	v5 =	vld [tilespmem:s8+$0xFFFFF840];
	v12 =	vshll.u32 v6, $0x10;
	v6 =	vadd.f32 v6, v17;
	[tilespmem:s17+$0xFFFFFFE0] =	vst v1  }
0x206: {  	v1 =	vshll.u32 v7, $0x10;
	v13 =	vld [tilespmem:s8+$0xFFFFF080];
	v11 =	vadd.f32 v12, v11;
	[tilespmem:s17+$0x60] =	vst v3  }
0x207: {  	v3 =	vld [tilespmem:s8+$0xFFFFF880];
	v12 =	vshll.u32 v10, $0x10;
	v6 =	vadd.f32 v10, v6;
	[tilespmem:s17+$0xFFFFFF70] =	vst v4  }
0x208: {  	v4 =	vld [tilespmem:s8+$0xFFFFF000];
	v10 =	vshll.u32 v8, $0x10;
	v11 =	vadd.f32 v12, v11;
	[tilespmem:s17+$0xFFFFFFF0] =	vst v0  }
0x209: {  	v0 =	vld [tilespmem:s8+$0x0];
	v12 =	vshll.u32 v9, $0x10;
	v6 =	vadd.f32 v9, v6;
	[tilespmem:s17+$0x70] =	vst v2;
	s17 =	smov.u32 s6  }
0x20a: {  	s6 =	sadd.s32 $0x200, s6;
	v2 =	vshll.u32 v5, $0x10;
	v5 =	vadd.f32 v5, v8;
	v8 =	vld [tilespmem:s8+$0x40];
	v9 =	vadd.f32 v12, v11  }
0x20b: {  	v2 =	vadd.f32 v2, v10;
	v10 =	vshll.u32 v13, $0x10;
	v11 =	vld [tilespmem:s8+$0x80];
	[tilespmem:s6+$0x90] =	vst v6  }
0x20c: {  	v6 =	vld [tilespmem:s8+$0x800];
	v12 =	vshll.u32 v3, $0x10;
	v3 =	vadd.f32 v3, v13;
	[tilespmem:s6+$0x80] =	vst v9  }
0x20d: {  	v9 =	vshll.u32 v4, $0x10;
	v4 =	vadd.f32 v7, v4;
	v7 =	vadd.f32 v12, v10;
	v10 =	vld [tilespmem:s8+$0xFFFFF0D0]  }
0x20e: {  	v1 =	vadd.f32 v1, v9;
	v9 =	vshll.u32 v0, $0x10;
	v12 =	vld [tilespmem:s8+$0xFFFFF8D0]  }
0x20f: {  	v0 =	vadd.f32 v0, v4;
	v4 =	vshll.u32 v8, $0x10;
	v5 =	vadd.f32 v8, v5;
	v8 =	vld [tilespmem:s8+$0x840]  }
0x210: {  	v1 =	vadd.f32 v9, v1;
	v2 =	vadd.f32 v4, v2;
	v4 =	vshll.u32 v11, $0x10;
	v9 =	vld [tilespmem:s8+$0xD0]  }
0x211: {  	v3 =	vadd.f32 v11, v3;
	v13 =	vshll.u32 v6, $0x10;
	v4 =	vadd.f32 v4, v7;
	v7 =	vld [tilespmem:s8+$0x880]  }
0x212: {  	v0 =	vadd.f32 v6, v0;
	v1 =	vadd.f32 v13, v1;
	v6 =	vld [tilespmem:s8+$0x8D0]  }
0x213: {  	v11 =	vshll.u32 v10, $0x10;
	v13 =	vshll.u32 v12, $0x10;
	v10 =	vadd.f32 v12, v10;
	v12 =	vld [tilespmem:s5+$0xFFFFF030]  }
0x214: {  	[tilespmem:s6+$0xFFFFFF00] =	vst v1;
	v1 =	vshll.u32 v8, $0x10;
	v5 =	vadd.f32 v8, v5;
	v8 =	vadd.f32 v13, v11;
	v11 =	vld [tilespmem:s5+$0xFFFFF830]  }
0x215: {  	[tilespmem:s6+$0xFFFFFF10] =	vst v0;
	v0 =	vadd.f32 v1, v2;
	v1 =	vshll.u32 v9, $0x10;
	v2 =	vadd.f32 v9, v10;
	v9 =	vld [tilespmem:s5+$0xFFFFF070]  }
0x216: {  	v10 =	vld [tilespmem:s8+$0xFFFFF010];
	[tilespmem:s6+$0xFFFFFF90] =	vst v5;
	v5 =	vshll.u32 v7, $0x10;
	v3 =	vadd.f32 v7, v3;
	v1 =	vadd.f32 v1, v8  }
0x217: {  	v7 =	vld [tilespmem:s8+$0xFFFFF810];
	[tilespmem:s6+$0xFFFFFF80] =	vst v0;
	v0 =	vadd.f32 v5, v4;
	v4 =	vshll.u32 v6, $0x10;
	v2 =	vadd.f32 v6, v2  }
0x218: {  	v5 =	vld [tilespmem:s8+$0xFFFFF050];
	[tilespmem:s6+$0x10] =	vst v3;
	v1 =	vadd.f32 v4, v1;
	v3 =	vshll.u32 v12, $0x10  }
0x219: {  	v4 =	vld [tilespmem:s8+$0xFFFFF850];
	[tilespmem:s6+$0xB0] =	vst v2;
	v2 =	vshll.u32 v11, $0x10;
	v6 =	vadd.f32 v11, v12  }
0x21a: {  	v8 =	vld [tilespmem:s8+$0x10];
	[tilespmem:s6+$0xA0] =	vst v1;
	v11 =	vadd.f32 v2, v3;
	v1 =	vshll.u32 v9, $0x10  }
0x21b: {  	v2 =	vshll.u32 v10, $0x10;
	[tilespmem:s6+$0x0] =	vst v0;
	v0 =	vld [tilespmem:s8+$0xFFFFF0E0]  }
0x21c: {  	v3 =	vshll.u32 v7, $0x10;
	v7 =	vadd.f32 v7, v10;
	v10 =	vld [tilespmem:s8+$0xFFFFF8E0]  }
0x21d: {  	v2 =	vadd.f32 v3, v2;
	v3 =	vshll.u32 v5, $0x10;
	v12 =	vld [tilespmem:s8+$0xFFFFF090]  }
0x21e: {  	v13 =	vshll.u32 v4, $0x10;
	v4 =	vadd.f32 v4, v5;
	v5 =	vld [tilespmem:s8+$0xE0]  }
0x21f: {  	v14 =	vshll.u32 v8, $0x10;
	v7 =	vadd.f32 v8, v7;
	v3 =	vadd.f32 v13, v3;
	v8 =	vld [tilespmem:s8+$0xFFFFF890]  }
0x220: {  	v2 =	vadd.f32 v14, v2;
	v13 =	vld [tilespmem:s8+$0x8E0]  }
0x221: {  	v15 =	vshll.u32 v0, $0x10;
	v14 =	vld [tilespmem:s8+$0x50];
	v16 =	vshll.u32 v10, $0x10;
	v0 =	vadd.f32 v10, v0  }
0x222: {  	v10 =	vshll.u32 v12, $0x10;
	v17 =	vld [tilespmem:s8+$0x90];
	v15 =	vadd.f32 v16, v15  }
0x223: {  	v16 =	vld [tilespmem:s8+$0x810];
	v18 =	vshll.u32 v5, $0x10;
	v0 =	vadd.f32 v5, v0  }
0x224: {  	v5 =	vld [tilespmem:s8+$0x850];
	v19 =	vshll.u32 v8, $0x10;
	v8 =	vadd.f32 v8, v12;
	v12 =	vadd.f32 v18, v15  }
0x225: {  	v10 =	vadd.f32 v19, v10;
	v15 =	vld [tilespmem:s8+$0x890];
	v18 =	vshll.u32 v13, $0x10;
	v0 =	vadd.f32 v13, v0  }
0x226: {  	v13 =	vshll.u32 v14, $0x10;
	v4 =	vadd.f32 v14, v4;
	v12 =	vadd.f32 v18, v12;
	v14 =	vld [tilespmem:s5+$0xFFFFF870]  }
0x227: {  	v3 =	vadd.f32 v13, v3;
	v13 =	vshll.u32 v17, $0x10;
	v8 =	vadd.f32 v17, v8;
	[tilespmem:s6+$0xD0] =	vst v0;
	v17 =	vld [tilespmem:s5+$0xFFFFF0B0]  }
0x228: {  	v0 =	vshll.u32 v16, $0x10;
	v7 =	vadd.f32 v16, v7;
	v10 =	vadd.f32 v13, v10;
	[tilespmem:s6+$0xC0] =	vst v12;
	v12 =	vld [tilespmem:s5+$0xFFFFF8B0]  }
0x229: {  	v0 =	vadd.f32 v0, v2;
	v2 =	vshll.u32 v5, $0x10;
	v4 =	vadd.f32 v5, v4;
	v5 =	vld [tilespmem:s8+$0xFFFFF0F0]  }
0x22a: {  	[tilespmem:s6+$0xFFFFFF30] =	vst v7;
	v2 =	vadd.f32 v2, v3;
	v3 =	vshll.u32 v15, $0x10;
	v7 =	vadd.f32 v15, v8;
	v8 =	vld [tilespmem:s8+$0xFFFFF8F0]  }
0x22b: {  	[tilespmem:s6+$0xFFFFFF20] =	vst v0;
	v3 =	vadd.f32 v3, v10;
	v10 =	vld [tilespmem:s5+$0x30];
	v13 =	vshll.u32 v14, $0x10;
	v0 =	vadd.f32 v14, v9  }
0x22c: {  	[tilespmem:s6+$0xFFFFFFA0] =	vst v2;
	v9 =	vld [tilespmem:s8+$0xF0];
	v1 =	vadd.f32 v13, v1;
	v13 =	vshll.u32 v17, $0x10  }
0x22d: {  	v14 =	vld [tilespmem:s8+$0xFFFFF020];
	[tilespmem:s6+$0x20] =	vst v3;
	v3 =	vshll.u32 v12, $0x10;
	v2 =	vadd.f32 v12, v17  }
0x22e: {  	[tilespmem:s6+$0xFFFFFFB0] =	vst v4;
	v12 =	vld [tilespmem:s8+$0x8F0];
	v3 =	vadd.f32 v3, v13  }
0x22f: {  	v4 =	vshll.u32 v5, $0x10;
	v13 =	vld [tilespmem:s8+$0xFFFFF820];
	[tilespmem:s6+$0x30] =	vst v7;
	v7 =	vshll.u32 v8, $0x10;
	v5 =	vadd.f32 v8, v5  }
0x230: {  	v8 =	vld [tilespmem:s8+$0xFFFFF060];
	v7 =	vadd.f32 v7, v4;
	v15 =	vshll.u32 v10, $0x10;
	v4 =	vadd.f32 v10, v6  }
0x231: {  	v6 =	vld [tilespmem:s8+$0xFFFFF860];
	v10 =	vshll.u32 v9, $0x10;
	v9 =	vadd.f32 v9, v5;
	v5 =	vadd.f32 v15, v11  }
0x232: {  	v11 =	vshll.u32 v14, $0x10;
	v15 =	vld [tilespmem:s8+$0xFFFFF0A0];
	v7 =	vadd.f32 v10, v7  }
0x233: {  	v10 =	vld [tilespmem:s8+$0xFFFFF8A0];
	v16 =	vshll.u32 v12, $0x10;
	v9 =	vadd.f32 v12, v9  }
0x234: {  	v12 =	vshll.u32 v13, $0x10;
	v13 =	vadd.f32 v13, v14;
	v14 =	vld [tilespmem:s8+$0x20];
	v7 =	vadd.f32 v16, v7  }
0x235: {  	v11 =	vadd.f32 v12, v11;
	v12 =	vshll.u32 v8, $0x10;
	v16 =	vld [tilespmem:s8+$0x60];
	[tilespmem:s6+$0xF0] =	vst v9  }
0x236: {  	v9 =	vshll.u32 v6, $0x10;
	v6 =	vadd.f32 v6, v8;
	v8 =	vld [tilespmem:s8+$0xA0];
	[tilespmem:s6+$0xE0] =	vst v7  }
0x237: {  	v17 =	vld [tilespmem:s8+$0x820];
	v7 =	vadd.f32 v9, v12;
	v9 =	vshll.u32 v15, $0x10  }
0x238: {  	v12 =	vld [tilespmem:s8+$0x860];
	v18 =	vshll.u32 v10, $0x10;
	v10 =	vadd.f32 v10, v15  }
0x239: {  	v15 =	vshll.u32 v14, $0x10;
	v13 =	vadd.f32 v14, v13;
	v9 =	vadd.f32 v18, v9;
	v18 =	vld [tilespmem:s8+$0x8A0]  }
.Ltmp4:
0x23a: {  	v11 =	vadd.f32 v15, v11;
	v14 =	vshll.u32 v16, $0x10;
	v15 =	vadd.f32 v16, v6;
	v6 =	vld [tilespmem:s5+$0x70];
	(pc) =	sbr.rel @p1 .LBB2_7-.Ltmp4, $4  }
0x23b: {  	v16 =	vadd.f32 v14, v7;
	v14 =	vshll.u32 v8, $0x10;
	v19 =	vadd.f32 v8, v10;
	v7 =	vld [tilespmem:s5+$0xB0]  }
0x23c: {  	v8 =	vshll.u32 v17, $0x10;
	v17 =	vadd.f32 v17, v13;
	v13 =	vadd.f32 v14, v9;
	v10 =	vld [tilespmem:s5+$0x830]  }
0x23d: {  	v14 =	vadd.f32 v8, v11;
	v9 =	vshll.u32 v12, $0x10;
	v11 =	vadd.f32 v12, v15;
	v8 =	vld [tilespmem:s5+$0x870]  }
0x23e: {  	[tilespmem:s6+$0xFFFFFF50] =	vst v17;
	v15 =	vadd.f32 v9, v16;
	v16 =	vshll.u32 v18, $0x10;
	v12 =	vadd.f32 v18, v19;
	v9 =	vld [tilespmem:s5+$0x8B0];
	s5 =	smov.u32 s8;
	s8 =	sadd.s32 $0x100, s8  }
0x23f: {  	[tilespmem:s6+$0xFFFFFF40] =	vst v14  }
0x240: {  	v13 =	vadd.f32 v16, v13;
	[tilespmem:s6+$0xFFFFFFD0] =	vst v11;
	v14 =	vld [tilespmem:s5+$0xFFFFF030]  }
0x241: {  	[tilespmem:s6+$0xFFFFFFC0] =	vst v15;
	v11 =	vld [tilespmem:s5+$0xFFFFF830]  }
0x242: {  	v0 =	vadd.f32 v6, v0;
	[tilespmem:s6+$0x40] =	vst v13;
	v13 =	vld [tilespmem:s5+$0xFFFFF070]  }
0x243: {  	v15 =	vshll.u32 v6, $0x10;
	[tilespmem:s6+$0x50] =	vst v12;
	v6 =	vshll.u32 v7, $0x10;
	v2 =	vadd.f32 v7, v2;
	v12 =	vld [tilespmem:s5+$0xFFFFF870]  }
0x244: {  	v1 =	vadd.f32 v15, v1;
	v7 =	vshll.u32 v10, $0x10;
	v4 =	vadd.f32 v10, v4;
	v15 =	vld [tilespmem:s5+$0xFFFFF0B0]  }
0x245: {  	v3 =	vadd.f32 v6, v3;
	v10 =	vld [tilespmem:s5+$0xFFFFF8B0];
	v5 =	vadd.f32 v7, v5;
	v6 =	vshll.u32 v8, $0x10  }
0x246: {  	v7 =	vld [tilespmem:s5+$0x30];
	v0 =	vadd.f32 v8, v0;
	v1 =	vadd.f32 v6, v1;
	v6 =	vshll.u32 v9, $0x10  }
0x247: {  	v8 =	vld [tilespmem:s5+$0x70];
	v2 =	vadd.f32 v9, v2;
	v3 =	vadd.f32 v6, v3  }
0x248: {  	v6 =	vld [tilespmem:s5+$0xB0];
	v9 =	vshll.u32 v14, $0x10;
	v16 =	vshll.u32 v11, $0x10;
	v11 =	vadd.f32 v11, v14  }
0x249: {  	[tilespmem:s17+$0xFFFFFF60] =	vst v5;
	v14 =	vld [tilespmem:s5+$0x830];
	v9 =	vadd.f32 v16, v9;
	v16 =	vshll.u32 v13, $0x10;
	v17 =	vshll.u32 v12, $0x10  }
0x24a: {  	v18 =	vld [tilespmem:s5+$0x870];
	[tilespmem:s17+$0xFFFFFFE0] =	vst v1;
	v5 =	vadd.f32 v12, v13;
	v12 =	vadd.f32 v17, v16;
	v13 =	vshll.u32 v15, $0x10  }
0x24b: {  	[tilespmem:s17+$0x70] =	vst v2;
	v16 =	vld [tilespmem:s5+$0x8B0];
	v1 =	vshll.u32 v10, $0x10;
	v10 =	vadd.f32 v10, v15;
	v15 =	vshll.u32 v7, $0x10  }
0x24c: {  	[tilespmem:s17+$0x60] =	vst v3;
	v2 =	vadd.f32 v7, v11;
	v3 =	vadd.f32 v15, v9;
	v9 =	vshll.u32 v8, $0x10  }
0x24d: {  	[tilespmem:s17+$0xFFFFFF70] =	vst v4;
	v1 =	vadd.f32 v1, v13;
	v4 =	vadd.f32 v9, v12  }
0x24e: {  	v9 =	vshll.u32 v6, $0x10;
	v12 =	vshll.u32 v14, $0x10;
	v2 =	vadd.f32 v14, v2  }
0x24f: {  	[tilespmem:s17+$0xFFFFFFF0] =	vst v0;
	v0 =	vadd.f32 v9, v1;
	v1 =	vadd.f32 v12, v3;
	v3 =	vshll.u32 v18, $0x10  }
0x250: {  	v5 =	vadd.f32 v8, v5;
	v3 =	vadd.f32 v3, v4;
	v4 =	vshll.u32 v16, $0x10;
	[tilespmem:s6+$0xFFFFFF70] =	vst v2  }
0x251: {  	[tilespmem:s6+$0xFFFFFF60] =	vst v1;
	v0 =	vadd.f32 v4, v0;
	v1 =	vadd.f32 v6, v10  }
0x252: {  	[tilespmem:s6+$0xFFFFFFE0] =	vst v3;
	v3 =	vadd.f32 v18, v5  }
0x253: {  	[tilespmem:s6+$0x60] =	vst v0;
	v0 =	vadd.f32 v16, v1  }
0x254: {  	p1 =	seq.s32 s9, $0x3;
	[tilespmem:s6+$0xFFFFFFF0] =	vst v3  }
0x255: {  	s26 =	sadd.s32 s15, s10;
	s17 =	sshra.s32 @!p1 s10, $0x2;
	[tilespmem:s6+$0x70] =	vst v0  }
0x256: {  	[hbm4b:s26+s4] =	stream.linear.scatter [tilespmem:s28], [sflag:$0x6], $0x1000, $0x38;
	[tilespmem:$0x10E80] =	vst v63  }
0x257: {  	s7 =	simm.s32 @!p1 $0x1000;
	s5 =	sadd.s32 @!p1 $0xA00, s17;
	s6 =	simm.s32 @!p1 $0x40  }
0x258: {  	[tilespmem:s7], [sflag:$0x1] =	stream.indirect.gather @!p1 [spmem:s2], $0x40, s5, s6, $0xb8;
	[tilespmem:$0x10E80] =	vst v63  }
0x259: {  	s5 =	sadd.s32 @!p1 $0xA40, s17;
	s7 =	simm.s32 @!p1 $0x2000  }
0x25a: {  	[tilespmem:s7], [sflag:$0x1] =	stream.indirect.gather @!p1 [spmem:s2], $0x40, s5, s6, $0xb8;
	[tilespmem:$0x10E80] =	vst v63  }
0x25b: {  	_ =	swait.ge [sflag:s29], $0x1000  }
0x25c: {  	[sflag:s29] =	ssyncset.done $0x0  }
0x25d: {  	[sflag:s29] =	ssyncadd.s32 $0xFFFFF000  }
0x25e: {  	_ =	swait.ge [sflag:s29], $0x1000  }
0x25f: {  	[sflag:s29] =	ssyncset.done $0x0  }
0x260: {  	s5 =	simm.s32 @!p0 $0x7;
	[sflag:s29] =	ssyncadd.s32 $0xFFFFF000  }
0x261: {  	_ =	swait.ge @!p0 [sflag:s5], $0x1000  }
0x262: {  	[sflag:s5] =	ssyncset.done @!p0 $0x0  }
0x263: {  	s26 =	simm.s32 $0x6000;
	[sflag:s5] =	ssyncadd.s32 @!p0 $0xFFFFF000  }
0x264: {  	v0 =	vld [tilespmem:s26+$0xFFFFF0C0]  }
0x265: {  	v1 =	vld [tilespmem:s26+$0xFFFFF8C0];
	_ =	sdelay $0x1  }
0x266: {  	v2 =	vld [tilespmem:s26+$0xC0]  }
0x267: {  	v3 =	vld [tilespmem:s26+$0x8C0]  }
0x268: {  	s6 =	simm.s32 $0x6100;
	v4 =	vld [tilespmem:s26+$0xFFFFF800]  }
0x269: {  	v20 =	vld [tilespmem:s6+$0xFFFFF800];
	v5 =	vshll.u32 v0, $0x10;
	v6 =	vshll.u32 v1, $0x10;
	v0 =	vadd.f32 v1, v0  }
0x26a: {  	v1 =	vld [tilespmem:s26+$0xFFFFF040];
	v5 =	vadd.f32 v6, v5  }
0x26b: {  	v7 =	vshll.u32 v2, $0x10;
	v6 =	vld [tilespmem:s26+$0xFFFFF840];
	v0 =	vadd.f32 v2, v0  }
0x26c: {  	v2 =	vld [tilespmem:s26+$0xFFFFF000];
	v5 =	vadd.f32 v7, v5  }
0x26d: {  	v8 =	vshll.u32 v3, $0x10;
	v7 =	vld [tilespmem:s26+$0xFFFFF080];
	v0 =	vadd.f32 v3, v0  }
0x26e: {  	s5 =	simm.s32 $0xB100;
	v3 =	vld [tilespmem:s26+$0x0];
	v5 =	vadd.f32 v8, v5  }
0x26f: {  	v8 =	vld [tilespmem:s26+$0x40];
	[tilespmem:s5+$0x90] =	vst v0  }
0x270: {  	v0 =	vld [tilespmem:s26+$0x800];
	[tilespmem:s5+$0x80] =	vst v5  }
0x271: {  	v9 =	vshll.u32 v1, $0x10;
	v5 =	vshll.u32 v4, $0x10;
	v10 =	vshll.u32 v2, $0x10;
	v11 =	vld [tilespmem:s26+$0xFFFFF0D0]  }
0x272: {  	v12 =	vshll.u32 v6, $0x10;
	v2 =	vadd.f32 v4, v2;
	v4 =	vadd.f32 v5, v10;
	v5 =	vld [tilespmem:s26+$0xFFFFF8D0]  }
0x273: {  	v1 =	vadd.f32 v6, v1;
	v6 =	vadd.f32 v12, v9;
	v10 =	vld [tilespmem:s26+$0x840];
	v9 =	vshll.u32 v3, $0x10  }
0x274: {  	v2 =	vadd.f32 v3, v2;
	v3 =	vadd.f32 v9, v4;
	v4 =	vld [tilespmem:s26+$0xD0]  }
0x275: {  	v9 =	vld [tilespmem:s26+$0xFFFFF880];
	v12 =	vshll.u32 v8, $0x10;
	v1 =	vadd.f32 v8, v1;
	v8 =	vshll.u32 v0, $0x10  }
0x276: {  	v13 =	vshll.u32 v7, $0x10;
	v6 =	vadd.f32 v12, v6;
	v3 =	vadd.f32 v8, v3;
	v8 =	vld [tilespmem:s26+$0x8D0]  }
0x277: {  	v22 =	vld [tilespmem:s6+$0xFFFFF840];
	v12 =	vshll.u32 v11, $0x10;
	v14 =	vshll.u32 v5, $0x10;
	v5 =	vadd.f32 v5, v11  }
0x278: {  	v0 =	vadd.f32 v0, v2;
	v11 =	vld [tilespmem:s26+$0x80];
	v2 =	vshll.u32 v10, $0x10;
	v12 =	vadd.f32 v14, v12  }
0x279: {  	v46 =	vld [tilespmem:s6+$0xFFFFF080];
	v1 =	vadd.f32 v10, v1;
	[tilespmem:s5+$0xFFFFFF00] =	vst v3;
	v3 =	vshll.u32 v4, $0x10;
	v4 =	vadd.f32 v4, v5  }
0x27a: {  	v10 =	vld [tilespmem:s26+$0x880];
	[tilespmem:s5+$0xFFFFFF10] =	vst v0;
	v0 =	vadd.f32 v2, v6;
	v5 =	vshll.u32 v9, $0x10;
	v2 =	vadd.f32 v3, v12  }
0x27b: {  	v6 =	vld [tilespmem:s26+$0xFFFFF010];
	[tilespmem:s5+$0xFFFFFF90] =	vst v1;
	v3 =	vadd.f32 v9, v7;
	v1 =	vshll.u32 v8, $0x10;
	v4 =	vadd.f32 v8, v4  }
0x27c: {  	v5 =	vadd.f32 v5, v13;
	v7 =	vld [tilespmem:s26+$0xFFFFF810];
	[tilespmem:s5+$0xFFFFFF80] =	vst v0;
	v0 =	vadd.f32 v1, v2  }
0x27d: {  	v1 =	vshll.u32 v11, $0x10;
	v2 =	vadd.f32 v11, v3;
	v3 =	vld [tilespmem:s26+$0xFFFFF050];
	[tilespmem:s5+$0xB0] =	vst v4  }
0x27e: {  	v1 =	vadd.f32 v1, v5;
	v4 =	vld [tilespmem:s26+$0xFFFFF850];
	[tilespmem:s5+$0xA0] =	vst v0  }
0x27f: {  	v0 =	vshll.u32 v10, $0x10;
	v2 =	vadd.f32 v10, v2;
	v5 =	vld [tilespmem:s26+$0xFFFFF0E0]  }
0x280: {  	v0 =	vadd.f32 v0, v1;
	v1 =	vld [tilespmem:s26+$0xFFFFF8E0]  }
0x281: {  	[tilespmem:s5+$0x10] =	vst v2;
	v2 =	vld [tilespmem:s26+$0x10]  }
0x282: {  	v8 =	vshll.u32 v6, $0x10;
	v9 =	vshll.u32 v7, $0x10;
	[tilespmem:s5+$0x0] =	vst v0;
	v0 =	vld [tilespmem:s26+$0xE0]  }
0x283: {  	v6 =	vadd.f32 v7, v6;
	v7 =	vadd.f32 v9, v8;
	v9 =	vld [tilespmem:s26+$0x8E0]  }
0x284: {  	v8 =	vshll.u32 v3, $0x10;
	v10 =	vld [tilespmem:s26+$0xFFFFF090]  }
0x285: {  	v11 =	vld [tilespmem:s26+$0xFFFFF890];
	v12 =	vshll.u32 v5, $0x10;
	v13 =	vshll.u32 v1, $0x10;
	v1 =	vadd.f32 v1, v5  }
0x286: {  	v3 =	vadd.f32 v4, v3;
	v5 =	vshll.u32 v4, $0x10;
	v4 =	vld [tilespmem:s26+$0x50];
	v12 =	vadd.f32 v13, v12  }
0x287: {  	v6 =	vadd.f32 v2, v6;
	v13 =	vld [tilespmem:s26+$0x810];
	v14 =	vshll.u32 v0, $0x10;
	v0 =	vadd.f32 v0, v1  }
0x288: {  	v1 =	vshll.u32 v2, $0x10;
	v2 =	vadd.f32 v5, v8;
	v5 =	vld [tilespmem:s26+$0x90];
	v8 =	vadd.f32 v14, v12  }
0x289: {  	v1 =	vadd.f32 v1, v7;
	v7 =	vld [tilespmem:s26+$0x850];
	v12 =	vshll.u32 v9, $0x10;
	v0 =	vadd.f32 v9, v0  }
0x28a: {  	v25 =	vld [tilespmem:s6+$0x800];
	v14 =	vshll.u32 v11, $0x10;
	v9 =	vshll.u32 v10, $0x10;
	v8 =	vadd.f32 v12, v8  }
0x28b: {  	v10 =	vadd.f32 v11, v10;
	v11 =	vld [tilespmem:s26+$0x890];
	v9 =	vadd.f32 v14, v9;
	[tilespmem:s5+$0xD0] =	vst v0  }
0x28c: {  	v27 =	vld [tilespmem:s6+$0x840];
	v0 =	vshll.u32 v4, $0x10;
	v12 =	vshll.u32 v13, $0x10;
	v6 =	vadd.f32 v13, v6;
	[tilespmem:s5+$0xC0] =	vst v8  }
0x28d: {  	v0 =	vadd.f32 v0, v2;
	v1 =	vadd.f32 v12, v1;
	v8 =	vld [tilespmem:s26+$0xFFFFF0F0]  }
0x28e: {  	v2 =	vadd.f32 v4, v3;
	v3 =	vshll.u32 v5, $0x10;
	v4 =	vshll.u32 v7, $0x10;
	[tilespmem:s5+$0xFFFFFF30] =	vst v6;
	v6 =	vld [tilespmem:s26+$0xFFFFF8F0]  }
0x28f: {  	v3 =	vadd.f32 v3, v9;
	v0 =	vadd.f32 v4, v0;
	[tilespmem:s5+$0xFFFFFF20] =	vst v1;
	v1 =	vld [tilespmem:s26+$0xF0]  }
0x290: {  	v4 =	vadd.f32 v5, v10;
	v2 =	vadd.f32 v7, v2;
	v5 =	vshll.u32 v11, $0x10;
	v7 =	vld [tilespmem:s26+$0xFFFFF020]  }
0x291: {  	v3 =	vadd.f32 v5, v3;
	v5 =	vld [tilespmem:s26+$0xFFFFF820]  }
0x292: {  	v14 =	vld [tilespmem:s26+$0x820]  }
0x293: {  	[tilespmem:s5+$0xFFFFFFA0] =	vst v0;
	v0 =	vld [tilespmem:s26+$0x8F0]  }
0x294: {  	v4 =	vadd.f32 v11, v4;
	[tilespmem:s5+$0xFFFFFFB0] =	vst v2;
	v11 =	vld [tilespmem:s26+$0x20]  }
0x295: {  	[tilespmem:s5+$0x20] =	vst v3;
	v3 =	vld [tilespmem:s26+$0xFFFFF060]  }
0x296: {  	v12 =	vld [tilespmem:s26+$0x60]  }
0x297: {  	[tilespmem:s5+$0x30] =	vst v4;
	v4 =	vld [tilespmem:s26+$0xFFFFF860];
	v17 =	vshll.u32 v6, $0x10;
	v6 =	vadd.f32 v6, v8  }
0x298: {  	v16 =	vshll.u32 v8, $0x10;
	v8 =	vld [tilespmem:s6+$0xFFFFF0C0]  }
0x299: {  	v16 =	vadd.f32 v17, v16;
	v17 =	vld [tilespmem:s6+$0xFFFFF8C0];
	v6 =	vadd.f32 v1, v6  }
0x29a: {  	v15 =	vld [tilespmem:s26+$0x860];
	v18 =	vshll.u32 v7, $0x10;
	v19 =	vshll.u32 v5, $0x10;
	v5 =	vadd.f32 v5, v7  }
0x29b: {  	v1 =	vshll.u32 v1, $0x10;
	v7 =	vadd.f32 v19, v18;
	v18 =	vld [tilespmem:s6+$0xC0];
	v45 =	vshll.u32 v11, $0x10  }
0x29c: {  	v9 =	vld [tilespmem:s26+$0xFFFFF0A0];
	v1 =	vadd.f32 v1, v16;
	v19 =	vshll.u32 v3, $0x10;
	v5 =	vadd.f32 v11, v5  }
0x29d: {  	v11 =	vld [tilespmem:s6+$0x8C0];
	v21 =	vshll.u32 v4, $0x10;
	v3 =	vadd.f32 v4, v3;
	v23 =	vshll.u32 v8, $0x10  }
0x29e: {  	v10 =	vld [tilespmem:s26+$0xFFFFF8A0];
	v7 =	vadd.f32 v45, v7;
	v24 =	vshll.u32 v17, $0x10;
	v8 =	vadd.f32 v17, v8  }
0x29f: {  	v49 =	vshll.u32 v22, $0x10;
	v13 =	vld [tilespmem:s26+$0xA0];
	v19 =	vadd.f32 v21, v19;
	v23 =	vadd.f32 v24, v23  }
0x2a0: {  	v4 =	vld [tilespmem:s6+$0xFFFFF040];
	v17 =	vshll.u32 v12, $0x10;
	v47 =	vshll.u32 v18, $0x10;
	v8 =	vadd.f32 v18, v8  }
0x2a1: {  	v53 =	vshll.u32 v46, $0x10;
	v17 =	vadd.f32 v17, v19;
	v19 =	vld [tilespmem:s6+$0xFFFFF000];
	v23 =	vadd.f32 v47, v23  }
0x2a2: {  	v3 =	vadd.f32 v12, v3;
	v12 =	vld [tilespmem:s6+$0xFFFFF880];
	v48 =	vshll.u32 v11, $0x10;
	v8 =	vadd.f32 v11, v8  }
0x2a3: {  	s7 =	simm.s32 $0xB300;
	v5 =	vadd.f32 v14, v5;
	v18 =	vshll.u32 v14, $0x10;
	v14 =	vld [tilespmem:s6+$0x0];
	v23 =	vadd.f32 v48, v23  }
0x2a4: {  	v6 =	vadd.f32 v0, v6;
	v7 =	vadd.f32 v18, v7;
	v18 =	vld [tilespmem:s6+$0x40];
	v11 =	vshll.u32 v15, $0x10;
	[tilespmem:s7+$0x90] =	vst v8  }
0x2a5: {  	v2 =	vld [tilespmem:s26+$0x8A0];
	v3 =	vadd.f32 v15, v3;
	v11 =	vadd.f32 v11, v17;
	v17 =	vshll.u32 v4, $0x10;
	[tilespmem:s7+$0x80] =	vst v23  }
0x2a6: {  	v4 =	vadd.f32 v22, v4;
	v8 =	vshll.u32 v20, $0x10;
	v50 =	vshll.u32 v19, $0x10;
	v23 =	vld [tilespmem:s6+$0xFFFFF0D0]  }
0x2a7: {  	v51 =	vshll.u32 v9, $0x10;
	v19 =	vadd.f32 v20, v19;
	v8 =	vadd.f32 v8, v50;
	v52 =	vld [tilespmem:s6+$0xFFFFF8D0]  }
0x2a8: {  	[tilespmem:s5+$0xFFFFFF50] =	vst v5;
	v15 =	vld [tilespmem:s6+$0x80];
	v17 =	vadd.f32 v49, v17;
	v21 =	vadd.f32 v12, v46;
	v26 =	vshll.u32 v14, $0x10  }
0x2a9: {  	[tilespmem:s5+$0xFFFFFF40] =	vst v7;
	v5 =	vadd.f32 v14, v19;
	v14 =	vshll.u32 v18, $0x10;
	v19 =	vld [tilespmem:s6+$0xD0];
	v8 =	vadd.f32 v26, v8  }
0x2aa: {  	v54 =	vld [tilespmem:s26+$0xFFFFF030];
	v4 =	vadd.f32 v18, v4;
	v7 =	vadd.f32 v14, v17;
	v14 =	vshll.u32 v25, $0x10  }
0x2ab: {  	[tilespmem:s5+$0xFFFFFFC0] =	vst v11;
	v11 =	vshll.u32 v12, $0x10;
	v12 =	vld [tilespmem:s6+$0x8D0];
	v5 =	vadd.f32 v25, v5;
	v8 =	vadd.f32 v14, v8  }
0x2ac: {  	[tilespmem:s5+$0xFFFFFFD0] =	vst v3;
	v17 =	vld [tilespmem:s6+$0x880];
	v3 =	vshll.u32 v23, $0x10;
	v14 =	vshll.u32 v52, $0x10;
	v18 =	vadd.f32 v52, v23  }
0x2ad: {  	v4 =	vadd.f32 v27, v4;
	[tilespmem:s7+$0xFFFFFF00] =	vst v8;
	v8 =	vshll.u32 v27, $0x10;
	v3 =	vadd.f32 v14, v3;
	v14 =	vld [tilespmem:s26+$0xFFFFF830]  }
0x2ae: {  	[tilespmem:s7+$0xFFFFFF10] =	vst v5;
	v5 =	vadd.f32 v8, v7;
	v7 =	vshll.u32 v19, $0x10;
	v8 =	vadd.f32 v19, v18;
	v18 =	vld [tilespmem:s26+$0xFFFFF070]  }
0x2af: {  	v11 =	vadd.f32 v11, v53;
	[tilespmem:s7+$0xFFFFFF90] =	vst v4;
	v19 =	vshll.u32 v15, $0x10;
	v4 =	vld [tilespmem:s6+$0xFFFFF010];
	v3 =	vadd.f32 v7, v3  }
0x2b0: {  	v58 =	vld [tilespmem:s6+$0x810];
	v7 =	vadd.f32 v15, v21;
	[tilespmem:s7+$0xFFFFFF80] =	vst v5;
	v5 =	vshll.u32 v12, $0x10;
	v8 =	vadd.f32 v12, v8  }
0x2b1: {  	v15 =	vld [tilespmem:s6+$0xFFFFF810];
	v11 =	vadd.f32 v19, v11;
	v12 =	vshll.u32 v10, $0x10;
	v3 =	vadd.f32 v5, v3  }
0x2b2: {  	v19 =	vld [tilespmem:s6+$0xFFFFF050];
	v5 =	vadd.f32 v10, v9;
	v9 =	vshll.u32 v17, $0x10;
	v7 =	vadd.f32 v17, v7;
	[tilespmem:s7+$0xB0] =	vst v8  }
0x2b3: {  	v10 =	vld [tilespmem:s6+$0xFFFFF850];
	v8 =	vadd.f32 v12, v51;
	v9 =	vadd.f32 v9, v11;
	v12 =	vshll.u32 v0, $0x10;
	[tilespmem:s7+$0xA0] =	vst v3  }
0x2b4: {  	v3 =	vshll.u32 v13, $0x10;
	v5 =	vadd.f32 v13, v5;
	[tilespmem:s7+$0x10] =	vst v7;
	v13 =	vadd.f32 v14, v54;
	v7 =	vld [tilespmem:s6+$0xFFFFF0E0]  }
0x2b5: {  	v0 =	vadd.f32 v3, v8;
	[tilespmem:s7+$0x0] =	vst v9;
	v3 =	vld [tilespmem:s6+$0xFFFFF8E0];
	v8 =	vadd.f32 v12, v1;
	v9 =	vshll.u32 v14, $0x10  }
0x2b6: {  	v11 =	vld [tilespmem:s6+$0x10];
	v14 =	vshll.u32 v4, $0x10;
	v16 =	vshll.u32 v15, $0x10;
	v4 =	vadd.f32 v15, v4  }
0x2b7: {  	v1 =	vshll.u32 v2, $0x10;
	v12 =	vld [tilespmem:s6+$0xE0];
	v2 =	vadd.f32 v2, v5;
	v14 =	vadd.f32 v16, v14  }
0x2b8: {  	v15 =	vld [tilespmem:s6+$0x8E0];
	v0 =	vadd.f32 v1, v0;
	v1 =	vshll.u32 v54, $0x10;
	v57 =	vshll.u32 v19, $0x10  }
0x2b9: {  	v5 =	vld [tilespmem:s6+$0xFFFFF090];
	v19 =	vadd.f32 v10, v19;
	v10 =	vshll.u32 v10, $0x10;
	v9 =	vadd.f32 v9, v1  }
0x2ba: {  	v1 =	vld [tilespmem:s6+$0xFFFFF890];
	v55 =	vshll.u32 v7, $0x10;
	v56 =	vshll.u32 v3, $0x10;
	v3 =	vadd.f32 v3, v7  }
0x2bb: {  	v17 =	vld [tilespmem:s6+$0x50];
	[tilespmem:s5+$0x50] =	vst v2;
	v2 =	vshll.u32 v11, $0x10;
	v10 =	vadd.f32 v10, v57;
	v20 =	vadd.f32 v56, v55  }
0x2bc: {  	v59 =	vld [tilespmem:s6+$0x850];
	[tilespmem:s5+$0x40] =	vst v0;
	v0 =	vadd.f32 v11, v4;
	v3 =	vadd.f32 v12, v3;
	v12 =	vshll.u32 v12, $0x10  }
0x2bd: {  	v16 =	vld [tilespmem:s6+$0x90];
	v2 =	vadd.f32 v2, v14;
	v12 =	vadd.f32 v12, v20  }
0x2be: {  	v4 =	vld [tilespmem:s6+$0x890];
	v14 =	vshll.u32 v5, $0x10;
	v3 =	vadd.f32 v15, v3;
	v15 =	vshll.u32 v15, $0x10  }
0x2bf: {  	v0 =	vadd.f32 v58, v0;
	v11 =	vadd.f32 v15, v12;
	v12 =	vld [tilespmem:s26+$0xFFFFF870];
	v15 =	vshll.u32 v1, $0x10  }
0x2c0: {  	v1 =	vadd.f32 v1, v5;
	[tilespmem:s7+$0xD0] =	vst v3;
	v3 =	vld [tilespmem:s26+$0xFFFFF0B0];
	v5 =	vadd.f32 v15, v14  }
0x2c1: {  	v14 =	vshll.u32 v17, $0x10;
	v15 =	vadd.f32 v17, v19;
	v17 =	vshll.u32 v58, $0x10;
	[tilespmem:s7+$0xC0] =	vst v11;
	v11 =	vld [tilespmem:s26+$0xFFFFF8B0]  }
0x2c2: {  	v10 =	vadd.f32 v14, v10;
	v14 =	vshll.u32 v16, $0x10;
	v1 =	vadd.f32 v16, v1;
	v16 =	vld [tilespmem:s26+$0x30]  }
0x2c3: {  	v2 =	vadd.f32 v17, v2;
	v19 =	vld [tilespmem:s6+$0xFFFFF0F0]  }
0x2c4: {  	[tilespmem:s7+$0xFFFFFF30] =	vst v0;
	v17 =	vld [tilespmem:s6+$0xFFFFF8F0];
	v5 =	vadd.f32 v14, v5;
	v14 =	vshll.u32 v59, $0x10;
	v15 =	vadd.f32 v59, v15  }
0x2c5: {  	v7 =	vshll.u32 v18, $0x10;
	v0 =	vshll.u32 v4, $0x10;
	v10 =	vadd.f32 v14, v10;
	[tilespmem:s7+$0xFFFFFF20] =	vst v2;
	v14 =	vld [tilespmem:s6+$0xF0]  }
0x2c6: {  	v4 =	vadd.f32 v4, v1;
	v5 =	vadd.f32 v0, v5;
	v1 =	vshll.u32 v12, $0x10;
	v60 =	vld [tilespmem:s6+$0xFFFFF020];
	[tilespmem:s7+$0xFFFFFFB0] =	vst v15  }
0x2c7: {  	v0 =	vadd.f32 v12, v18;
	[tilespmem:s7+$0xFFFFFFA0] =	vst v10;
	v1 =	vadd.f32 v1, v7;
	v7 =	vld [tilespmem:s6+$0x8F0];
	v10 =	vshll.u32 v3, $0x10  }
0x2c8: {  	[tilespmem:s7+$0x30] =	vst v4;
	v12 =	vshll.u32 v11, $0x10;
	v2 =	vadd.f32 v11, v3;
	v11 =	vld [tilespmem:s6+$0xFFFFF820];
	v4 =	vadd.f32 v16, v13  }
0x2c9: {  	[tilespmem:s7+$0x20] =	vst v5;
	v18 =	vld [tilespmem:s6+$0xFFFFF060];
	v5 =	vshll.u32 v19, $0x10;
	v15 =	vshll.u32 v17, $0x10;
	v17 =	vadd.f32 v17, v19  }
0x2ca: {  	v3 =	vadd.f32 v12, v10;
	v12 =	vld [tilespmem:s6+$0xFFFFF860];
	v10 =	vadd.f32 v15, v5  }
0x2cb: {  	v5 =	vshll.u32 v16, $0x10;
	v13 =	vshll.u32 v14, $0x10;
	v15 =	vld [tilespmem:s6+$0xFFFFF0A0];
	v14 =	vadd.f32 v14, v17  }
0x2cc: {  	v5 =	vadd.f32 v5, v9;
	v9 =	vadd.f32 v13, v10;
	v10 =	vld [tilespmem:s6+$0xFFFFF8A0]  }
0x2cd: {  	v13 =	vshll.u32 v60, $0x10;
	v16 =	vshll.u32 v7, $0x10;
	v14 =	vadd.f32 v7, v14;
	v7 =	vld [tilespmem:s6+$0x20]  }
0x2ce: {  	v17 =	vshll.u32 v11, $0x10;
	v11 =	vadd.f32 v11, v60;
	v9 =	vadd.f32 v16, v9;
	v16 =	vld [tilespmem:s6+$0x60]  }
0x2cf: {  	v61 =	vld [tilespmem:s6+$0xA0];
	v13 =	vadd.f32 v17, v13;
	v17 =	vshll.u32 v18, $0x10;
	v19 =	vshll.u32 v12, $0x10  }
0x2d0: {  	v12 =	vadd.f32 v12, v18;
	v18 =	vld [tilespmem:s6+$0x820];
	v17 =	vadd.f32 v19, v17  }
0x2d1: {  	v62 =	vld [tilespmem:s6+$0x860];
	v19 =	vshll.u32 v15, $0x10;
	v15 =	vadd.f32 v10, v15;
	v10 =	vshll.u32 v10, $0x10  }
0x2d2: {  	v11 =	vadd.f32 v7, v11;
	v7 =	vshll.u32 v7, $0x10;
	v10 =	vadd.f32 v10, v19;
	v19 =	vld [tilespmem:s6+$0x8A0]  }
0x2d3: {  	[tilespmem:s5+$0xF0] =	vst v6;
	v6 =	vld [tilespmem:s26+$0x70];
	v63 =	vadd.f32 v7, v13;
	v7 =	vshll.u32 v16, $0x10;
	v12 =	vadd.f32 v16, v12  }
0x2d4: {  	[tilespmem:s5+$0xE0] =	vst v8;
	v8 =	vshll.u32 v61, $0x10;
	v16 =	vadd.f32 v7, v17;
	v17 =	vadd.f32 v61, v15;
	v7 =	vld [tilespmem:s26+$0xB0]  }
0x2d5: {  	[tilespmem:s7+$0xF0] =	vst v14;
	v14 =	vshll.u32 v18, $0x10;
	v15 =	vadd.f32 v18, v11;
	v13 =	vadd.f32 v8, v10;
	v10 =	vld [tilespmem:s26+$0x830]  }
0x2d6: {  	[tilespmem:s7+$0xE0] =	vst v9;
	v9 =	vshll.u32 v62, $0x10;
	v8 =	vld [tilespmem:s26+$0x870];
	v14 =	vadd.f32 v14, v63;
	v11 =	vadd.f32 v62, v12  }
0x2d7: {  	s8 =	simm.s32 $0x4;
	s20 =	simm.s32 $0x6200;
	[tilespmem:s7+$0xFFFFFF50] =	vst v15;
	v15 =	vadd.f32 v9, v16;
	v9 =	vld [tilespmem:s26+$0x8B0];
	v16 =	vshll.u32 v19, $0x10;
	v12 =	vadd.f32 v19, v17  }
.LBB2_9:
0x2d8: {  	v17 =	vld [tilespmem:s20+$0xFFFFF0C0];
	[tilespmem:s7+$0xFFFFFF40] =	vst v14;
	v13 =	vadd.f32 v16, v13;
	v14 =	vshll.u32 v6, $0x10;
	v0 =	vadd.f32 v6, v0  }
0x2d9: {  	v6 =	vld [tilespmem:s20+$0xFFFFF8C0];
	[tilespmem:s7+$0xFFFFFFC0] =	vst v15;
	v1 =	vadd.f32 v14, v1;
	v14 =	vshll.u32 v7, $0x10;
	v2 =	vadd.f32 v7, v2  }
0x2da: {  	v7 =	vld [tilespmem:s20+$0xFFFFF800];
	[tilespmem:s7+$0x40] =	vst v13;
	v13 =	vshll.u32 v10, $0x10;
	v4 =	vadd.f32 v10, v4;
	v3 =	vadd.f32 v14, v3  }
0x2db: {  	v10 =	vld [tilespmem:s20+$0xC0];
	[tilespmem:s7+$0xFFFFFFD0] =	vst v11;
	v5 =	vadd.f32 v13, v5;
	v11 =	vshll.u32 v8, $0x10;
	v0 =	vadd.f32 v8, v0  }
0x2dc: {  	s8 =	sadd.s32 $0x4, s8;
	v8 =	vld [tilespmem:s20+$0xFFFFF040];
	[tilespmem:s7+$0x50] =	vst v12;
	v1 =	vadd.f32 v11, v1;
	v11 =	vshll.u32 v9, $0x10;
	v2 =	vadd.f32 v9, v2  }
0x2dd: {  	p2 =	slt.u32 s8, $0x1C;
	v9 =	vld [tilespmem:s20+$0x8C0];
	[tilespmem:s5+$0xFFFFFF60] =	vst v5;
	v3 =	vadd.f32 v11, v3  }
0x2de: {  	v11 =	vshll.u32 v17, $0x10;
	v5 =	vld [tilespmem:s20+$0xFFFFF840];
	v12 =	vshll.u32 v6, $0x10;
	v6 =	vadd.f32 v6, v17;
	[tilespmem:s5+$0xFFFFFFE0] =	vst v1  }
0x2df: {  	v1 =	vshll.u32 v7, $0x10;
	v13 =	vld [tilespmem:s20+$0xFFFFF080];
	v11 =	vadd.f32 v12, v11;
	[tilespmem:s5+$0x60] =	vst v3  }
0x2e0: {  	v3 =	vld [tilespmem:s20+$0xFFFFF880];
	v12 =	vshll.u32 v10, $0x10;
	v6 =	vadd.f32 v10, v6;
	[tilespmem:s5+$0xFFFFFF70] =	vst v4  }
0x2e1: {  	v4 =	vld [tilespmem:s20+$0xFFFFF000];
	v10 =	vshll.u32 v8, $0x10;
	v11 =	vadd.f32 v12, v11;
	[tilespmem:s5+$0xFFFFFFF0] =	vst v0  }
0x2e2: {  	v0 =	vld [tilespmem:s20+$0x0];
	v12 =	vshll.u32 v9, $0x10;
	v6 =	vadd.f32 v9, v6;
	[tilespmem:s5+$0x70] =	vst v2;
	s5 =	smov.u32 s7  }
0x2e3: {  	s7 =	sadd.s32 $0x200, s7;
	v2 =	vshll.u32 v5, $0x10;
	v5 =	vadd.f32 v5, v8;
	v8 =	vld [tilespmem:s20+$0x40];
	v9 =	vadd.f32 v12, v11  }
0x2e4: {  	v2 =	vadd.f32 v2, v10;
	v10 =	vshll.u32 v13, $0x10;
	v11 =	vld [tilespmem:s20+$0x80];
	[tilespmem:s7+$0x90] =	vst v6  }
0x2e5: {  	v6 =	vld [tilespmem:s20+$0x800];
	v12 =	vshll.u32 v3, $0x10;
	v3 =	vadd.f32 v3, v13;
	[tilespmem:s7+$0x80] =	vst v9  }
0x2e6: {  	v9 =	vshll.u32 v4, $0x10;
	v4 =	vadd.f32 v7, v4;
	v7 =	vadd.f32 v12, v10;
	v10 =	vld [tilespmem:s20+$0xFFFFF0D0]  }
0x2e7: {  	v1 =	vadd.f32 v1, v9;
	v9 =	vshll.u32 v0, $0x10;
	v12 =	vld [tilespmem:s20+$0xFFFFF8D0]  }
0x2e8: {  	v0 =	vadd.f32 v0, v4;
	v4 =	vshll.u32 v8, $0x10;
	v5 =	vadd.f32 v8, v5;
	v8 =	vld [tilespmem:s20+$0x840]  }
0x2e9: {  	v1 =	vadd.f32 v9, v1;
	v2 =	vadd.f32 v4, v2;
	v4 =	vshll.u32 v11, $0x10;
	v9 =	vld [tilespmem:s20+$0xD0]  }
0x2ea: {  	v3 =	vadd.f32 v11, v3;
	v13 =	vshll.u32 v6, $0x10;
	v4 =	vadd.f32 v4, v7;
	v7 =	vld [tilespmem:s20+$0x880]  }
0x2eb: {  	v0 =	vadd.f32 v6, v0;
	v1 =	vadd.f32 v13, v1;
	v6 =	vld [tilespmem:s20+$0x8D0]  }
0x2ec: {  	v11 =	vshll.u32 v10, $0x10;
	v13 =	vshll.u32 v12, $0x10;
	v10 =	vadd.f32 v12, v10;
	v12 =	vld [tilespmem:s6+$0xFFFFF030]  }
0x2ed: {  	[tilespmem:s7+$0xFFFFFF00] =	vst v1;
	v1 =	vshll.u32 v8, $0x10;
	v5 =	vadd.f32 v8, v5;
	v8 =	vadd.f32 v13, v11;
	v11 =	vld [tilespmem:s6+$0xFFFFF830]  }
0x2ee: {  	[tilespmem:s7+$0xFFFFFF10] =	vst v0;
	v0 =	vadd.f32 v1, v2;
	v1 =	vshll.u32 v9, $0x10;
	v2 =	vadd.f32 v9, v10;
	v9 =	vld [tilespmem:s6+$0xFFFFF070]  }
0x2ef: {  	v10 =	vld [tilespmem:s20+$0xFFFFF010];
	[tilespmem:s7+$0xFFFFFF90] =	vst v5;
	v5 =	vshll.u32 v7, $0x10;
	v3 =	vadd.f32 v7, v3;
	v1 =	vadd.f32 v1, v8  }
0x2f0: {  	v7 =	vld [tilespmem:s20+$0xFFFFF810];
	[tilespmem:s7+$0xFFFFFF80] =	vst v0;
	v0 =	vadd.f32 v5, v4;
	v4 =	vshll.u32 v6, $0x10;
	v2 =	vadd.f32 v6, v2  }
0x2f1: {  	v5 =	vld [tilespmem:s20+$0xFFFFF050];
	[tilespmem:s7+$0x10] =	vst v3;
	v1 =	vadd.f32 v4, v1;
	v3 =	vshll.u32 v12, $0x10  }
0x2f2: {  	v4 =	vld [tilespmem:s20+$0xFFFFF850];
	[tilespmem:s7+$0xB0] =	vst v2;
	v2 =	vshll.u32 v11, $0x10;
	v6 =	vadd.f32 v11, v12  }
0x2f3: {  	v8 =	vld [tilespmem:s20+$0x10];
	[tilespmem:s7+$0xA0] =	vst v1;
	v11 =	vadd.f32 v2, v3;
	v1 =	vshll.u32 v9, $0x10  }
0x2f4: {  	v2 =	vshll.u32 v10, $0x10;
	[tilespmem:s7+$0x0] =	vst v0;
	v0 =	vld [tilespmem:s20+$0xFFFFF0E0]  }
0x2f5: {  	v3 =	vshll.u32 v7, $0x10;
	v7 =	vadd.f32 v7, v10;
	v10 =	vld [tilespmem:s20+$0xFFFFF8E0]  }
0x2f6: {  	v2 =	vadd.f32 v3, v2;
	v3 =	vshll.u32 v5, $0x10;
	v12 =	vld [tilespmem:s20+$0xFFFFF090]  }
0x2f7: {  	v13 =	vshll.u32 v4, $0x10;
	v4 =	vadd.f32 v4, v5;
	v5 =	vld [tilespmem:s20+$0xE0]  }
0x2f8: {  	v14 =	vshll.u32 v8, $0x10;
	v7 =	vadd.f32 v8, v7;
	v3 =	vadd.f32 v13, v3;
	v8 =	vld [tilespmem:s20+$0xFFFFF890]  }
0x2f9: {  	v2 =	vadd.f32 v14, v2;
	v13 =	vld [tilespmem:s20+$0x8E0]  }
0x2fa: {  	v15 =	vshll.u32 v0, $0x10;
	v14 =	vld [tilespmem:s20+$0x50];
	v16 =	vshll.u32 v10, $0x10;
	v0 =	vadd.f32 v10, v0  }
0x2fb: {  	v10 =	vshll.u32 v12, $0x10;
	v17 =	vld [tilespmem:s20+$0x90];
	v15 =	vadd.f32 v16, v15  }
0x2fc: {  	v16 =	vld [tilespmem:s20+$0x810];
	v18 =	vshll.u32 v5, $0x10;
	v0 =	vadd.f32 v5, v0  }
0x2fd: {  	v5 =	vld [tilespmem:s20+$0x850];
	v19 =	vshll.u32 v8, $0x10;
	v8 =	vadd.f32 v8, v12;
	v12 =	vadd.f32 v18, v15  }
0x2fe: {  	v10 =	vadd.f32 v19, v10;
	v15 =	vld [tilespmem:s20+$0x890];
	v18 =	vshll.u32 v13, $0x10;
	v0 =	vadd.f32 v13, v0  }
0x2ff: {  	v13 =	vshll.u32 v14, $0x10;
	v4 =	vadd.f32 v14, v4;
	v12 =	vadd.f32 v18, v12;
	v14 =	vld [tilespmem:s6+$0xFFFFF870]  }
0x300: {  	v3 =	vadd.f32 v13, v3;
	v13 =	vshll.u32 v17, $0x10;
	v8 =	vadd.f32 v17, v8;
	[tilespmem:s7+$0xD0] =	vst v0;
	v17 =	vld [tilespmem:s6+$0xFFFFF0B0]  }
0x301: {  	v0 =	vshll.u32 v16, $0x10;
	v7 =	vadd.f32 v16, v7;
	v10 =	vadd.f32 v13, v10;
	[tilespmem:s7+$0xC0] =	vst v12;
	v12 =	vld [tilespmem:s6+$0xFFFFF8B0]  }
0x302: {  	v0 =	vadd.f32 v0, v2;
	v2 =	vshll.u32 v5, $0x10;
	v4 =	vadd.f32 v5, v4;
	v5 =	vld [tilespmem:s20+$0xFFFFF0F0]  }
0x303: {  	[tilespmem:s7+$0xFFFFFF30] =	vst v7;
	v2 =	vadd.f32 v2, v3;
	v3 =	vshll.u32 v15, $0x10;
	v7 =	vadd.f32 v15, v8;
	v8 =	vld [tilespmem:s20+$0xFFFFF8F0]  }
0x304: {  	[tilespmem:s7+$0xFFFFFF20] =	vst v0;
	v3 =	vadd.f32 v3, v10;
	v10 =	vld [tilespmem:s6+$0x30];
	v13 =	vshll.u32 v14, $0x10;
	v0 =	vadd.f32 v14, v9  }
0x305: {  	[tilespmem:s7+$0xFFFFFFA0] =	vst v2;
	v9 =	vld [tilespmem:s20+$0xF0];
	v1 =	vadd.f32 v13, v1;
	v13 =	vshll.u32 v17, $0x10  }
0x306: {  	v14 =	vld [tilespmem:s20+$0xFFFFF020];
	[tilespmem:s7+$0x20] =	vst v3;
	v3 =	vshll.u32 v12, $0x10;
	v2 =	vadd.f32 v12, v17  }
0x307: {  	[tilespmem:s7+$0xFFFFFFB0] =	vst v4;
	v12 =	vld [tilespmem:s20+$0x8F0];
	v3 =	vadd.f32 v3, v13  }
0x308: {  	v4 =	vshll.u32 v5, $0x10;
	v13 =	vld [tilespmem:s20+$0xFFFFF820];
	[tilespmem:s7+$0x30] =	vst v7;
	v7 =	vshll.u32 v8, $0x10;
	v5 =	vadd.f32 v8, v5  }
0x309: {  	v8 =	vld [tilespmem:s20+$0xFFFFF060];
	v7 =	vadd.f32 v7, v4;
	v15 =	vshll.u32 v10, $0x10;
	v4 =	vadd.f32 v10, v6  }
0x30a: {  	v6 =	vld [tilespmem:s20+$0xFFFFF860];
	v10 =	vshll.u32 v9, $0x10;
	v9 =	vadd.f32 v9, v5;
	v5 =	vadd.f32 v15, v11  }
0x30b: {  	v11 =	vshll.u32 v14, $0x10;
	v15 =	vld [tilespmem:s20+$0xFFFFF0A0];
	v7 =	vadd.f32 v10, v7  }
0x30c: {  	v10 =	vld [tilespmem:s20+$0xFFFFF8A0];
	v16 =	vshll.u32 v12, $0x10;
	v9 =	vadd.f32 v12, v9  }
0x30d: {  	v12 =	vshll.u32 v13, $0x10;
	v13 =	vadd.f32 v13, v14;
	v14 =	vld [tilespmem:s20+$0x20];
	v7 =	vadd.f32 v16, v7  }
0x30e: {  	v11 =	vadd.f32 v12, v11;
	v12 =	vshll.u32 v8, $0x10;
	v16 =	vld [tilespmem:s20+$0x60];
	[tilespmem:s7+$0xF0] =	vst v9  }
0x30f: {  	v9 =	vshll.u32 v6, $0x10;
	v6 =	vadd.f32 v6, v8;
	v8 =	vld [tilespmem:s20+$0xA0];
	[tilespmem:s7+$0xE0] =	vst v7  }
0x310: {  	v17 =	vld [tilespmem:s20+$0x820];
	v7 =	vadd.f32 v9, v12;
	v9 =	vshll.u32 v15, $0x10  }
0x311: {  	v12 =	vld [tilespmem:s20+$0x860];
	v18 =	vshll.u32 v10, $0x10;
	v10 =	vadd.f32 v10, v15  }
0x312: {  	v15 =	vshll.u32 v14, $0x10;
	v13 =	vadd.f32 v14, v13;
	v9 =	vadd.f32 v18, v9;
	v18 =	vld [tilespmem:s20+$0x8A0]  }
.Ltmp5:
0x313: {  	v11 =	vadd.f32 v15, v11;
	v14 =	vshll.u32 v16, $0x10;
	v15 =	vadd.f32 v16, v6;
	v6 =	vld [tilespmem:s6+$0x70];
	(pc) =	sbr.rel @p2 .LBB2_9-.Ltmp5, $4  }
0x314: {  	v16 =	vadd.f32 v14, v7;
	v14 =	vshll.u32 v8, $0x10;
	v19 =	vadd.f32 v8, v10;
	v7 =	vld [tilespmem:s6+$0xB0]  }
0x315: {  	v8 =	vshll.u32 v17, $0x10;
	v17 =	vadd.f32 v17, v13;
	v13 =	vadd.f32 v14, v9;
	v10 =	vld [tilespmem:s6+$0x830]  }
0x316: {  	v14 =	vadd.f32 v8, v11;
	v9 =	vshll.u32 v12, $0x10;
	v11 =	vadd.f32 v12, v15;
	v8 =	vld [tilespmem:s6+$0x870]  }
0x317: {  	[tilespmem:s7+$0xFFFFFF50] =	vst v17;
	v15 =	vadd.f32 v9, v16;
	v16 =	vshll.u32 v18, $0x10;
	v12 =	vadd.f32 v18, v19;
	v9 =	vld [tilespmem:s6+$0x8B0];
	s6 =	smov.u32 s20;
	s20 =	sadd.s32 $0x100, s20  }
0x318: {  	[tilespmem:s7+$0xFFFFFF40] =	vst v14  }
0x319: {  	v13 =	vadd.f32 v16, v13;
	[tilespmem:s7+$0xFFFFFFD0] =	vst v11;
	v14 =	vld [tilespmem:s6+$0xFFFFF030]  }
0x31a: {  	[tilespmem:s7+$0xFFFFFFC0] =	vst v15;
	v11 =	vld [tilespmem:s6+$0xFFFFF830]  }
0x31b: {  	v0 =	vadd.f32 v6, v0;
	[tilespmem:s7+$0x40] =	vst v13;
	v13 =	vld [tilespmem:s6+$0xFFFFF070]  }
0x31c: {  	v15 =	vshll.u32 v6, $0x10;
	[tilespmem:s7+$0x50] =	vst v12;
	v6 =	vshll.u32 v7, $0x10;
	v2 =	vadd.f32 v7, v2;
	v12 =	vld [tilespmem:s6+$0xFFFFF870]  }
0x31d: {  	v1 =	vadd.f32 v15, v1;
	v7 =	vshll.u32 v10, $0x10;
	v4 =	vadd.f32 v10, v4;
	v15 =	vld [tilespmem:s6+$0xFFFFF0B0]  }
0x31e: {  	v3 =	vadd.f32 v6, v3;
	v10 =	vld [tilespmem:s6+$0xFFFFF8B0];
	v5 =	vadd.f32 v7, v5;
	v6 =	vshll.u32 v8, $0x10  }
0x31f: {  	v7 =	vld [tilespmem:s6+$0x30];
	v0 =	vadd.f32 v8, v0;
	v1 =	vadd.f32 v6, v1;
	v6 =	vshll.u32 v9, $0x10  }
0x320: {  	v8 =	vld [tilespmem:s6+$0x70];
	v2 =	vadd.f32 v9, v2;
	v3 =	vadd.f32 v6, v3  }
0x321: {  	v6 =	vld [tilespmem:s6+$0xB0];
	v9 =	vshll.u32 v14, $0x10;
	v16 =	vshll.u32 v11, $0x10;
	v11 =	vadd.f32 v11, v14  }
0x322: {  	[tilespmem:s5+$0xFFFFFF60] =	vst v5;
	v14 =	vld [tilespmem:s6+$0x830];
	v9 =	vadd.f32 v16, v9;
	v16 =	vshll.u32 v13, $0x10;
	v17 =	vshll.u32 v12, $0x10  }
0x323: {  	v18 =	vld [tilespmem:s6+$0x870];
	[tilespmem:s5+$0xFFFFFFE0] =	vst v1;
	v5 =	vadd.f32 v12, v13;
	v12 =	vadd.f32 v17, v16;
	v13 =	vshll.u32 v15, $0x10  }
0x324: {  	[tilespmem:s5+$0x70] =	vst v2;
	v16 =	vld [tilespmem:s6+$0x8B0];
	v1 =	vshll.u32 v10, $0x10;
	v10 =	vadd.f32 v10, v15;
	v15 =	vshll.u32 v7, $0x10  }
0x325: {  	[tilespmem:s5+$0x60] =	vst v3;
	v2 =	vadd.f32 v7, v11;
	v3 =	vadd.f32 v15, v9;
	v9 =	vshll.u32 v8, $0x10  }
0x326: {  	[tilespmem:s5+$0xFFFFFF70] =	vst v4;
	v1 =	vadd.f32 v1, v13;
	v4 =	vadd.f32 v9, v12  }
0x327: {  	v9 =	vshll.u32 v6, $0x10;
	v12 =	vshll.u32 v14, $0x10;
	v2 =	vadd.f32 v14, v2  }
0x328: {  	[tilespmem:s5+$0xFFFFFFF0] =	vst v0;
	v0 =	vadd.f32 v9, v1;
	v1 =	vadd.f32 v12, v3;
	v3 =	vshll.u32 v18, $0x10  }
0x329: {  	v5 =	vadd.f32 v8, v5;
	v3 =	vadd.f32 v3, v4;
	v4 =	vshll.u32 v16, $0x10;
	[tilespmem:s7+$0xFFFFFF70] =	vst v2  }
0x32a: {  	[tilespmem:s7+$0xFFFFFF60] =	vst v1;
	v0 =	vadd.f32 v4, v0;
	v1 =	vadd.f32 v6, v10  }
0x32b: {  	[tilespmem:s7+$0xFFFFFFE0] =	vst v3;
	v3 =	vadd.f32 v18, v5  }
0x32c: {  	[tilespmem:s7+$0x60] =	vst v0;
	v0 =	vadd.f32 v16, v1  }
0x32d: {  	[tilespmem:s7+$0xFFFFFFF0] =	vst v3  }
0x32e: {  	s20 =	sadd.s32 s16, s12;
	[tilespmem:s7+$0x70] =	vst v0  }
0x32f: {  	[hbm4b:s20+s4] =	stream.linear.scatter [tilespmem:s30], [sflag:$0x7], $0x1000, $0x38;
	[tilespmem:$0x10E80] =	vst v63  }
0x330: {  	s5 =	sadd.s32 @!p1 $0xA80, s17;
	s6 =	simm.s32 @!p1 $0x40;
	s7 =	simm.s32 @!p1 $0x3000  }
0x331: {  	[tilespmem:s7], [sflag:$0x2] =	stream.indirect.gather @!p1 [spmem:s2], $0x40, s5, s6, $0xb8;
	[tilespmem:$0x10E80] =	vst v63  }
0x332: {  	s5 =	sadd.s32 @!p1 $0xAC0, s17;
	s7 =	simm.s32 @!p1 $0x4000  }
0x333: {  	[tilespmem:s7], [sflag:$0x2] =	stream.indirect.gather @!p1 [spmem:s2], $0x40, s5, s6, $0xb8;
	[tilespmem:$0x10E80] =	vst v63  }
0x334: {  	_ =	swait.ge [sflag:s31], $0x1000  }
0x335: {  	[sflag:s31] =	ssyncset.done $0x0  }
0x336: {  	[sflag:s31] =	ssyncadd.s32 $0xFFFFF000  }
0x337: {  	_ =	swait.ge [sflag:s31], $0x1000  }
0x338: {  	[sflag:s31] =	ssyncset.done $0x0  }
0x339: {  	s5 =	simm.s32 @!p0 $0x8;
	[sflag:s31] =	ssyncadd.s32 $0xFFFFF000  }
0x33a: {  	_ =	swait.ge @!p0 [sflag:s5], $0x1000  }
0x33b: {  	[sflag:s5] =	ssyncset.done @!p0 $0x0  }
0x33c: {  	s26 =	simm.s32 $0x8000;
	[sflag:s5] =	ssyncadd.s32 @!p0 $0xFFFFF000  }
0x33d: {  	v0 =	vld [tilespmem:s26+$0xFFFFF0C0]  }
0x33e: {  	v1 =	vld [tilespmem:s26+$0xFFFFF8C0];
	_ =	sdelay $0x1  }
0x33f: {  	v2 =	vld [tilespmem:s26+$0xC0]  }
0x340: {  	v3 =	vld [tilespmem:s26+$0x8C0]  }
0x341: {  	s6 =	simm.s32 $0x8100;
	v4 =	vld [tilespmem:s26+$0xFFFFF800]  }
0x342: {  	v20 =	vld [tilespmem:s6+$0xFFFFF800];
	v5 =	vshll.u32 v0, $0x10;
	v6 =	vshll.u32 v1, $0x10;
	v0 =	vadd.f32 v1, v0  }
0x343: {  	v1 =	vld [tilespmem:s26+$0xFFFFF040];
	v5 =	vadd.f32 v6, v5  }
0x344: {  	v7 =	vshll.u32 v2, $0x10;
	v6 =	vld [tilespmem:s26+$0xFFFFF840];
	v0 =	vadd.f32 v2, v0  }
0x345: {  	v2 =	vld [tilespmem:s26+$0xFFFFF000];
	v5 =	vadd.f32 v7, v5  }
0x346: {  	v8 =	vshll.u32 v3, $0x10;
	v7 =	vld [tilespmem:s26+$0xFFFFF080];
	v0 =	vadd.f32 v3, v0  }
0x347: {  	s5 =	simm.s32 $0xC100;
	v3 =	vld [tilespmem:s26+$0x0];
	v5 =	vadd.f32 v8, v5  }
0x348: {  	v8 =	vld [tilespmem:s26+$0x40];
	[tilespmem:s5+$0x90] =	vst v0  }
0x349: {  	v0 =	vld [tilespmem:s26+$0x800];
	[tilespmem:s5+$0x80] =	vst v5  }
0x34a: {  	v9 =	vshll.u32 v1, $0x10;
	v5 =	vshll.u32 v4, $0x10;
	v10 =	vshll.u32 v2, $0x10;
	v11 =	vld [tilespmem:s26+$0xFFFFF0D0]  }
0x34b: {  	v12 =	vshll.u32 v6, $0x10;
	v2 =	vadd.f32 v4, v2;
	v4 =	vadd.f32 v5, v10;
	v5 =	vld [tilespmem:s26+$0xFFFFF8D0]  }
0x34c: {  	v1 =	vadd.f32 v6, v1;
	v6 =	vadd.f32 v12, v9;
	v10 =	vld [tilespmem:s26+$0x840];
	v9 =	vshll.u32 v3, $0x10  }
0x34d: {  	v2 =	vadd.f32 v3, v2;
	v3 =	vadd.f32 v9, v4;
	v4 =	vld [tilespmem:s26+$0xD0]  }
0x34e: {  	v9 =	vld [tilespmem:s26+$0xFFFFF880];
	v12 =	vshll.u32 v8, $0x10;
	v1 =	vadd.f32 v8, v1;
	v8 =	vshll.u32 v0, $0x10  }
0x34f: {  	v13 =	vshll.u32 v7, $0x10;
	v6 =	vadd.f32 v12, v6;
	v3 =	vadd.f32 v8, v3;
	v8 =	vld [tilespmem:s26+$0x8D0]  }
0x350: {  	v22 =	vld [tilespmem:s6+$0xFFFFF840];
	v12 =	vshll.u32 v11, $0x10;
	v14 =	vshll.u32 v5, $0x10;
	v5 =	vadd.f32 v5, v11  }
0x351: {  	v0 =	vadd.f32 v0, v2;
	v11 =	vld [tilespmem:s26+$0x80];
	v2 =	vshll.u32 v10, $0x10;
	v12 =	vadd.f32 v14, v12  }
0x352: {  	v46 =	vld [tilespmem:s6+$0xFFFFF080];
	v1 =	vadd.f32 v10, v1;
	[tilespmem:s5+$0xFFFFFF00] =	vst v3;
	v3 =	vshll.u32 v4, $0x10;
	v4 =	vadd.f32 v4, v5  }
0x353: {  	v10 =	vld [tilespmem:s26+$0x880];
	[tilespmem:s5+$0xFFFFFF10] =	vst v0;
	v0 =	vadd.f32 v2, v6;
	v5 =	vshll.u32 v9, $0x10;
	v2 =	vadd.f32 v3, v12  }
0x354: {  	v6 =	vld [tilespmem:s26+$0xFFFFF010];
	[tilespmem:s5+$0xFFFFFF90] =	vst v1;
	v3 =	vadd.f32 v9, v7;
	v1 =	vshll.u32 v8, $0x10;
	v4 =	vadd.f32 v8, v4  }
0x355: {  	v5 =	vadd.f32 v5, v13;
	v7 =	vld [tilespmem:s26+$0xFFFFF810];
	[tilespmem:s5+$0xFFFFFF80] =	vst v0;
	v0 =	vadd.f32 v1, v2  }
0x356: {  	v1 =	vshll.u32 v11, $0x10;
	v2 =	vadd.f32 v11, v3;
	v3 =	vld [tilespmem:s26+$0xFFFFF050];
	[tilespmem:s5+$0xB0] =	vst v4  }
0x357: {  	v1 =	vadd.f32 v1, v5;
	v4 =	vld [tilespmem:s26+$0xFFFFF850];
	[tilespmem:s5+$0xA0] =	vst v0  }
0x358: {  	v0 =	vshll.u32 v10, $0x10;
	v2 =	vadd.f32 v10, v2;
	v5 =	vld [tilespmem:s26+$0xFFFFF0E0]  }
0x359: {  	v0 =	vadd.f32 v0, v1;
	v1 =	vld [tilespmem:s26+$0xFFFFF8E0]  }
0x35a: {  	[tilespmem:s5+$0x10] =	vst v2;
	v2 =	vld [tilespmem:s26+$0x10]  }
0x35b: {  	v8 =	vshll.u32 v6, $0x10;
	v9 =	vshll.u32 v7, $0x10;
	[tilespmem:s5+$0x0] =	vst v0;
	v0 =	vld [tilespmem:s26+$0xE0]  }
0x35c: {  	v6 =	vadd.f32 v7, v6;
	v7 =	vadd.f32 v9, v8;
	v9 =	vld [tilespmem:s26+$0x8E0]  }
0x35d: {  	v8 =	vshll.u32 v3, $0x10;
	v10 =	vld [tilespmem:s26+$0xFFFFF090]  }
0x35e: {  	v11 =	vld [tilespmem:s26+$0xFFFFF890];
	v12 =	vshll.u32 v5, $0x10;
	v13 =	vshll.u32 v1, $0x10;
	v1 =	vadd.f32 v1, v5  }
0x35f: {  	v3 =	vadd.f32 v4, v3;
	v5 =	vshll.u32 v4, $0x10;
	v4 =	vld [tilespmem:s26+$0x50];
	v12 =	vadd.f32 v13, v12  }
0x360: {  	v6 =	vadd.f32 v2, v6;
	v13 =	vld [tilespmem:s26+$0x810];
	v14 =	vshll.u32 v0, $0x10;
	v0 =	vadd.f32 v0, v1  }
0x361: {  	v1 =	vshll.u32 v2, $0x10;
	v2 =	vadd.f32 v5, v8;
	v5 =	vld [tilespmem:s26+$0x90];
	v8 =	vadd.f32 v14, v12  }
0x362: {  	v1 =	vadd.f32 v1, v7;
	v7 =	vld [tilespmem:s26+$0x850];
	v12 =	vshll.u32 v9, $0x10;
	v0 =	vadd.f32 v9, v0  }
0x363: {  	v25 =	vld [tilespmem:s6+$0x800];
	v14 =	vshll.u32 v11, $0x10;
	v9 =	vshll.u32 v10, $0x10;
	v8 =	vadd.f32 v12, v8  }
0x364: {  	v10 =	vadd.f32 v11, v10;
	v11 =	vld [tilespmem:s26+$0x890];
	v9 =	vadd.f32 v14, v9;
	[tilespmem:s5+$0xD0] =	vst v0  }
0x365: {  	v27 =	vld [tilespmem:s6+$0x840];
	v0 =	vshll.u32 v4, $0x10;
	v12 =	vshll.u32 v13, $0x10;
	v6 =	vadd.f32 v13, v6;
	[tilespmem:s5+$0xC0] =	vst v8  }
0x366: {  	v0 =	vadd.f32 v0, v2;
	v1 =	vadd.f32 v12, v1;
	v8 =	vld [tilespmem:s26+$0xFFFFF0F0]  }
0x367: {  	v2 =	vadd.f32 v4, v3;
	v3 =	vshll.u32 v5, $0x10;
	v4 =	vshll.u32 v7, $0x10;
	[tilespmem:s5+$0xFFFFFF30] =	vst v6;
	v6 =	vld [tilespmem:s26+$0xFFFFF8F0]  }
0x368: {  	v3 =	vadd.f32 v3, v9;
	v0 =	vadd.f32 v4, v0;
	[tilespmem:s5+$0xFFFFFF20] =	vst v1;
	v1 =	vld [tilespmem:s26+$0xF0]  }
0x369: {  	v4 =	vadd.f32 v5, v10;
	v2 =	vadd.f32 v7, v2;
	v5 =	vshll.u32 v11, $0x10;
	v7 =	vld [tilespmem:s26+$0xFFFFF020]  }
0x36a: {  	v3 =	vadd.f32 v5, v3;
	v5 =	vld [tilespmem:s26+$0xFFFFF820]  }
0x36b: {  	v14 =	vld [tilespmem:s26+$0x820]  }
0x36c: {  	[tilespmem:s5+$0xFFFFFFA0] =	vst v0;
	v0 =	vld [tilespmem:s26+$0x8F0]  }
0x36d: {  	v4 =	vadd.f32 v11, v4;
	[tilespmem:s5+$0xFFFFFFB0] =	vst v2;
	v11 =	vld [tilespmem:s26+$0x20]  }
0x36e: {  	[tilespmem:s5+$0x20] =	vst v3;
	v3 =	vld [tilespmem:s26+$0xFFFFF060]  }
0x36f: {  	v12 =	vld [tilespmem:s26+$0x60]  }
0x370: {  	[tilespmem:s5+$0x30] =	vst v4;
	v4 =	vld [tilespmem:s26+$0xFFFFF860];
	v17 =	vshll.u32 v6, $0x10;
	v6 =	vadd.f32 v6, v8  }
0x371: {  	v16 =	vshll.u32 v8, $0x10;
	v8 =	vld [tilespmem:s6+$0xFFFFF0C0]  }
0x372: {  	v16 =	vadd.f32 v17, v16;
	v17 =	vld [tilespmem:s6+$0xFFFFF8C0];
	v6 =	vadd.f32 v1, v6  }
0x373: {  	v15 =	vld [tilespmem:s26+$0x860];
	v18 =	vshll.u32 v7, $0x10;
	v19 =	vshll.u32 v5, $0x10;
	v5 =	vadd.f32 v5, v7  }
0x374: {  	v1 =	vshll.u32 v1, $0x10;
	v7 =	vadd.f32 v19, v18;
	v18 =	vld [tilespmem:s6+$0xC0];
	v45 =	vshll.u32 v11, $0x10  }
0x375: {  	v9 =	vld [tilespmem:s26+$0xFFFFF0A0];
	v1 =	vadd.f32 v1, v16;
	v19 =	vshll.u32 v3, $0x10;
	v5 =	vadd.f32 v11, v5  }
0x376: {  	v11 =	vld [tilespmem:s6+$0x8C0];
	v21 =	vshll.u32 v4, $0x10;
	v3 =	vadd.f32 v4, v3;
	v23 =	vshll.u32 v8, $0x10  }
0x377: {  	v10 =	vld [tilespmem:s26+$0xFFFFF8A0];
	v7 =	vadd.f32 v45, v7;
	v24 =	vshll.u32 v17, $0x10;
	v8 =	vadd.f32 v17, v8  }
0x378: {  	v49 =	vshll.u32 v22, $0x10;
	v13 =	vld [tilespmem:s26+$0xA0];
	v19 =	vadd.f32 v21, v19;
	v23 =	vadd.f32 v24, v23  }
0x379: {  	v4 =	vld [tilespmem:s6+$0xFFFFF040];
	v17 =	vshll.u32 v12, $0x10;
	v47 =	vshll.u32 v18, $0x10;
	v8 =	vadd.f32 v18, v8  }
0x37a: {  	v53 =	vshll.u32 v46, $0x10;
	v17 =	vadd.f32 v17, v19;
	v19 =	vld [tilespmem:s6+$0xFFFFF000];
	v23 =	vadd.f32 v47, v23  }
0x37b: {  	v3 =	vadd.f32 v12, v3;
	v12 =	vld [tilespmem:s6+$0xFFFFF880];
	v48 =	vshll.u32 v11, $0x10;
	v8 =	vadd.f32 v11, v8  }
0x37c: {  	s7 =	simm.s32 $0xC300;
	v5 =	vadd.f32 v14, v5;
	v18 =	vshll.u32 v14, $0x10;
	v14 =	vld [tilespmem:s6+$0x0];
	v23 =	vadd.f32 v48, v23  }
0x37d: {  	v6 =	vadd.f32 v0, v6;
	v7 =	vadd.f32 v18, v7;
	v18 =	vld [tilespmem:s6+$0x40];
	v11 =	vshll.u32 v15, $0x10;
	[tilespmem:s7+$0x90] =	vst v8  }
0x37e: {  	v2 =	vld [tilespmem:s26+$0x8A0];
	v3 =	vadd.f32 v15, v3;
	v11 =	vadd.f32 v11, v17;
	v17 =	vshll.u32 v4, $0x10;
	[tilespmem:s7+$0x80] =	vst v23  }
0x37f: {  	v4 =	vadd.f32 v22, v4;
	v8 =	vshll.u32 v20, $0x10;
	v50 =	vshll.u32 v19, $0x10;
	v23 =	vld [tilespmem:s6+$0xFFFFF0D0]  }
0x380: {  	v51 =	vshll.u32 v9, $0x10;
	v19 =	vadd.f32 v20, v19;
	v8 =	vadd.f32 v8, v50;
	v52 =	vld [tilespmem:s6+$0xFFFFF8D0]  }
0x381: {  	[tilespmem:s5+$0xFFFFFF50] =	vst v5;
	v15 =	vld [tilespmem:s6+$0x80];
	v17 =	vadd.f32 v49, v17;
	v21 =	vadd.f32 v12, v46;
	v26 =	vshll.u32 v14, $0x10  }
0x382: {  	[tilespmem:s5+$0xFFFFFF40] =	vst v7;
	v5 =	vadd.f32 v14, v19;
	v14 =	vshll.u32 v18, $0x10;
	v19 =	vld [tilespmem:s6+$0xD0];
	v8 =	vadd.f32 v26, v8  }
0x383: {  	v54 =	vld [tilespmem:s26+$0xFFFFF030];
	v4 =	vadd.f32 v18, v4;
	v7 =	vadd.f32 v14, v17;
	v14 =	vshll.u32 v25, $0x10  }
0x384: {  	[tilespmem:s5+$0xFFFFFFC0] =	vst v11;
	v11 =	vshll.u32 v12, $0x10;
	v12 =	vld [tilespmem:s6+$0x8D0];
	v5 =	vadd.f32 v25, v5;
	v8 =	vadd.f32 v14, v8  }
0x385: {  	[tilespmem:s5+$0xFFFFFFD0] =	vst v3;
	v17 =	vld [tilespmem:s6+$0x880];
	v3 =	vshll.u32 v23, $0x10;
	v14 =	vshll.u32 v52, $0x10;
	v18 =	vadd.f32 v52, v23  }
0x386: {  	v4 =	vadd.f32 v27, v4;
	[tilespmem:s7+$0xFFFFFF00] =	vst v8;
	v8 =	vshll.u32 v27, $0x10;
	v3 =	vadd.f32 v14, v3;
	v14 =	vld [tilespmem:s26+$0xFFFFF830]  }
0x387: {  	[tilespmem:s7+$0xFFFFFF10] =	vst v5;
	v5 =	vadd.f32 v8, v7;
	v7 =	vshll.u32 v19, $0x10;
	v8 =	vadd.f32 v19, v18;
	v18 =	vld [tilespmem:s26+$0xFFFFF070]  }
0x388: {  	v11 =	vadd.f32 v11, v53;
	[tilespmem:s7+$0xFFFFFF90] =	vst v4;
	v19 =	vshll.u32 v15, $0x10;
	v4 =	vld [tilespmem:s6+$0xFFFFF010];
	v3 =	vadd.f32 v7, v3  }
0x389: {  	v58 =	vld [tilespmem:s6+$0x810];
	v7 =	vadd.f32 v15, v21;
	[tilespmem:s7+$0xFFFFFF80] =	vst v5;
	v5 =	vshll.u32 v12, $0x10;
	v8 =	vadd.f32 v12, v8  }
0x38a: {  	v15 =	vld [tilespmem:s6+$0xFFFFF810];
	v11 =	vadd.f32 v19, v11;
	v12 =	vshll.u32 v10, $0x10;
	v3 =	vadd.f32 v5, v3  }
0x38b: {  	v19 =	vld [tilespmem:s6+$0xFFFFF050];
	v5 =	vadd.f32 v10, v9;
	v9 =	vshll.u32 v17, $0x10;
	v7 =	vadd.f32 v17, v7;
	[tilespmem:s7+$0xB0] =	vst v8  }
0x38c: {  	v10 =	vld [tilespmem:s6+$0xFFFFF850];
	v8 =	vadd.f32 v12, v51;
	v9 =	vadd.f32 v9, v11;
	v12 =	vshll.u32 v0, $0x10;
	[tilespmem:s7+$0xA0] =	vst v3  }
0x38d: {  	v3 =	vshll.u32 v13, $0x10;
	v5 =	vadd.f32 v13, v5;
	[tilespmem:s7+$0x10] =	vst v7;
	v13 =	vadd.f32 v14, v54;
	v7 =	vld [tilespmem:s6+$0xFFFFF0E0]  }
0x38e: {  	v0 =	vadd.f32 v3, v8;
	[tilespmem:s7+$0x0] =	vst v9;
	v3 =	vld [tilespmem:s6+$0xFFFFF8E0];
	v8 =	vadd.f32 v12, v1;
	v9 =	vshll.u32 v14, $0x10  }
0x38f: {  	v11 =	vld [tilespmem:s6+$0x10];
	v14 =	vshll.u32 v4, $0x10;
	v16 =	vshll.u32 v15, $0x10;
	v4 =	vadd.f32 v15, v4  }
0x390: {  	v1 =	vshll.u32 v2, $0x10;
	v12 =	vld [tilespmem:s6+$0xE0];
	v2 =	vadd.f32 v2, v5;
	v14 =	vadd.f32 v16, v14  }
0x391: {  	v15 =	vld [tilespmem:s6+$0x8E0];
	v0 =	vadd.f32 v1, v0;
	v1 =	vshll.u32 v54, $0x10;
	v57 =	vshll.u32 v19, $0x10  }
0x392: {  	v5 =	vld [tilespmem:s6+$0xFFFFF090];
	v19 =	vadd.f32 v10, v19;
	v10 =	vshll.u32 v10, $0x10;
	v9 =	vadd.f32 v9, v1  }
0x393: {  	v1 =	vld [tilespmem:s6+$0xFFFFF890];
	v55 =	vshll.u32 v7, $0x10;
	v56 =	vshll.u32 v3, $0x10;
	v3 =	vadd.f32 v3, v7  }
0x394: {  	v17 =	vld [tilespmem:s6+$0x50];
	[tilespmem:s5+$0x50] =	vst v2;
	v2 =	vshll.u32 v11, $0x10;
	v10 =	vadd.f32 v10, v57;
	v20 =	vadd.f32 v56, v55  }
0x395: {  	v59 =	vld [tilespmem:s6+$0x850];
	[tilespmem:s5+$0x40] =	vst v0;
	v0 =	vadd.f32 v11, v4;
	v3 =	vadd.f32 v12, v3;
	v12 =	vshll.u32 v12, $0x10  }
0x396: {  	v16 =	vld [tilespmem:s6+$0x90];
	v2 =	vadd.f32 v2, v14;
	v12 =	vadd.f32 v12, v20  }
0x397: {  	v4 =	vld [tilespmem:s6+$0x890];
	v14 =	vshll.u32 v5, $0x10;
	v3 =	vadd.f32 v15, v3;
	v15 =	vshll.u32 v15, $0x10  }
0x398: {  	v0 =	vadd.f32 v58, v0;
	v11 =	vadd.f32 v15, v12;
	v12 =	vld [tilespmem:s26+$0xFFFFF870];
	v15 =	vshll.u32 v1, $0x10  }
0x399: {  	v1 =	vadd.f32 v1, v5;
	[tilespmem:s7+$0xD0] =	vst v3;
	v3 =	vld [tilespmem:s26+$0xFFFFF0B0];
	v5 =	vadd.f32 v15, v14  }
0x39a: {  	v14 =	vshll.u32 v17, $0x10;
	v15 =	vadd.f32 v17, v19;
	v17 =	vshll.u32 v58, $0x10;
	[tilespmem:s7+$0xC0] =	vst v11;
	v11 =	vld [tilespmem:s26+$0xFFFFF8B0]  }
0x39b: {  	v10 =	vadd.f32 v14, v10;
	v14 =	vshll.u32 v16, $0x10;
	v1 =	vadd.f32 v16, v1;
	v16 =	vld [tilespmem:s26+$0x30]  }
0x39c: {  	v2 =	vadd.f32 v17, v2;
	v19 =	vld [tilespmem:s6+$0xFFFFF0F0]  }
0x39d: {  	[tilespmem:s7+$0xFFFFFF30] =	vst v0;
	v17 =	vld [tilespmem:s6+$0xFFFFF8F0];
	v5 =	vadd.f32 v14, v5;
	v14 =	vshll.u32 v59, $0x10;
	v15 =	vadd.f32 v59, v15  }
0x39e: {  	v7 =	vshll.u32 v18, $0x10;
	v0 =	vshll.u32 v4, $0x10;
	v10 =	vadd.f32 v14, v10;
	[tilespmem:s7+$0xFFFFFF20] =	vst v2;
	v14 =	vld [tilespmem:s6+$0xF0]  }
0x39f: {  	v4 =	vadd.f32 v4, v1;
	v5 =	vadd.f32 v0, v5;
	v1 =	vshll.u32 v12, $0x10;
	v60 =	vld [tilespmem:s6+$0xFFFFF020];
	[tilespmem:s7+$0xFFFFFFB0] =	vst v15  }
0x3a0: {  	v0 =	vadd.f32 v12, v18;
	[tilespmem:s7+$0xFFFFFFA0] =	vst v10;
	v1 =	vadd.f32 v1, v7;
	v7 =	vld [tilespmem:s6+$0x8F0];
	v10 =	vshll.u32 v3, $0x10  }
0x3a1: {  	[tilespmem:s7+$0x30] =	vst v4;
	v12 =	vshll.u32 v11, $0x10;
	v2 =	vadd.f32 v11, v3;
	v11 =	vld [tilespmem:s6+$0xFFFFF820];
	v4 =	vadd.f32 v16, v13  }
0x3a2: {  	[tilespmem:s7+$0x20] =	vst v5;
	v18 =	vld [tilespmem:s6+$0xFFFFF060];
	v5 =	vshll.u32 v19, $0x10;
	v15 =	vshll.u32 v17, $0x10;
	v17 =	vadd.f32 v17, v19  }
0x3a3: {  	v3 =	vadd.f32 v12, v10;
	v12 =	vld [tilespmem:s6+$0xFFFFF860];
	v10 =	vadd.f32 v15, v5  }
0x3a4: {  	v5 =	vshll.u32 v16, $0x10;
	v13 =	vshll.u32 v14, $0x10;
	v15 =	vld [tilespmem:s6+$0xFFFFF0A0];
	v14 =	vadd.f32 v14, v17  }
0x3a5: {  	v5 =	vadd.f32 v5, v9;
	v9 =	vadd.f32 v13, v10;
	v10 =	vld [tilespmem:s6+$0xFFFFF8A0]  }
0x3a6: {  	v13 =	vshll.u32 v60, $0x10;
	v16 =	vshll.u32 v7, $0x10;
	v14 =	vadd.f32 v7, v14;
	v7 =	vld [tilespmem:s6+$0x20]  }
0x3a7: {  	v17 =	vshll.u32 v11, $0x10;
	v11 =	vadd.f32 v11, v60;
	v9 =	vadd.f32 v16, v9;
	v16 =	vld [tilespmem:s6+$0x60]  }
0x3a8: {  	v61 =	vld [tilespmem:s6+$0xA0];
	v13 =	vadd.f32 v17, v13;
	v17 =	vshll.u32 v18, $0x10;
	v19 =	vshll.u32 v12, $0x10  }
0x3a9: {  	v12 =	vadd.f32 v12, v18;
	v18 =	vld [tilespmem:s6+$0x820];
	v17 =	vadd.f32 v19, v17  }
0x3aa: {  	v62 =	vld [tilespmem:s6+$0x860];
	v19 =	vshll.u32 v15, $0x10;
	v15 =	vadd.f32 v10, v15;
	v10 =	vshll.u32 v10, $0x10  }
0x3ab: {  	v11 =	vadd.f32 v7, v11;
	v7 =	vshll.u32 v7, $0x10;
	v10 =	vadd.f32 v10, v19;
	v19 =	vld [tilespmem:s6+$0x8A0]  }
0x3ac: {  	[tilespmem:s5+$0xF0] =	vst v6;
	v6 =	vld [tilespmem:s26+$0x70];
	v63 =	vadd.f32 v7, v13;
	v7 =	vshll.u32 v16, $0x10;
	v12 =	vadd.f32 v16, v12  }
0x3ad: {  	[tilespmem:s5+$0xE0] =	vst v8;
	v8 =	vshll.u32 v61, $0x10;
	v16 =	vadd.f32 v7, v17;
	v17 =	vadd.f32 v61, v15;
	v7 =	vld [tilespmem:s26+$0xB0]  }
0x3ae: {  	[tilespmem:s7+$0xF0] =	vst v14;
	v14 =	vshll.u32 v18, $0x10;
	v15 =	vadd.f32 v18, v11;
	v13 =	vadd.f32 v8, v10;
	v10 =	vld [tilespmem:s26+$0x830]  }
0x3af: {  	[tilespmem:s7+$0xE0] =	vst v9;
	v9 =	vshll.u32 v62, $0x10;
	v8 =	vld [tilespmem:s26+$0x870];
	v14 =	vadd.f32 v14, v63;
	v11 =	vadd.f32 v62, v12  }
0x3b0: {  	s8 =	simm.s32 $0x4;
	s17 =	simm.s32 $0x8200;
	[tilespmem:s7+$0xFFFFFF50] =	vst v15;
	v15 =	vadd.f32 v9, v16;
	v9 =	vld [tilespmem:s26+$0x8B0];
	v16 =	vshll.u32 v19, $0x10;
	v12 =	vadd.f32 v19, v17  }
.LBB2_11:
0x3b1: {  	v17 =	vld [tilespmem:s17+$0xFFFFF0C0];
	[tilespmem:s7+$0xFFFFFF40] =	vst v14;
	v13 =	vadd.f32 v16, v13;
	v14 =	vshll.u32 v6, $0x10;
	v0 =	vadd.f32 v6, v0  }
0x3b2: {  	v6 =	vld [tilespmem:s17+$0xFFFFF8C0];
	[tilespmem:s7+$0xFFFFFFC0] =	vst v15;
	v1 =	vadd.f32 v14, v1;
	v14 =	vshll.u32 v7, $0x10;
	v2 =	vadd.f32 v7, v2  }
0x3b3: {  	v7 =	vld [tilespmem:s17+$0xFFFFF800];
	[tilespmem:s7+$0x40] =	vst v13;
	v13 =	vshll.u32 v10, $0x10;
	v4 =	vadd.f32 v10, v4;
	v3 =	vadd.f32 v14, v3  }
0x3b4: {  	v10 =	vld [tilespmem:s17+$0xC0];
	[tilespmem:s7+$0xFFFFFFD0] =	vst v11;
	v5 =	vadd.f32 v13, v5;
	v11 =	vshll.u32 v8, $0x10;
	v0 =	vadd.f32 v8, v0  }
0x3b5: {  	s8 =	sadd.s32 $0x4, s8;
	v8 =	vld [tilespmem:s17+$0xFFFFF040];
	[tilespmem:s7+$0x50] =	vst v12;
	v1 =	vadd.f32 v11, v1;
	v11 =	vshll.u32 v9, $0x10;
	v2 =	vadd.f32 v9, v2  }
0x3b6: {  	p0 =	slt.u32 s8, $0x1C;
	v9 =	vld [tilespmem:s17+$0x8C0];
	[tilespmem:s5+$0xFFFFFF60] =	vst v5;
	v3 =	vadd.f32 v11, v3  }
0x3b7: {  	v11 =	vshll.u32 v17, $0x10;
	v5 =	vld [tilespmem:s17+$0xFFFFF840];
	v12 =	vshll.u32 v6, $0x10;
	v6 =	vadd.f32 v6, v17;
	[tilespmem:s5+$0xFFFFFFE0] =	vst v1  }
0x3b8: {  	v1 =	vshll.u32 v7, $0x10;
	v13 =	vld [tilespmem:s17+$0xFFFFF080];
	v11 =	vadd.f32 v12, v11;
	[tilespmem:s5+$0x60] =	vst v3  }
0x3b9: {  	v3 =	vld [tilespmem:s17+$0xFFFFF880];
	v12 =	vshll.u32 v10, $0x10;
	v6 =	vadd.f32 v10, v6;
	[tilespmem:s5+$0xFFFFFF70] =	vst v4  }
0x3ba: {  	v4 =	vld [tilespmem:s17+$0xFFFFF000];
	v10 =	vshll.u32 v8, $0x10;
	v11 =	vadd.f32 v12, v11;
	[tilespmem:s5+$0xFFFFFFF0] =	vst v0  }
0x3bb: {  	v0 =	vld [tilespmem:s17+$0x0];
	v12 =	vshll.u32 v9, $0x10;
	v6 =	vadd.f32 v9, v6;
	[tilespmem:s5+$0x70] =	vst v2;
	s5 =	smov.u32 s7  }
0x3bc: {  	s7 =	sadd.s32 $0x200, s7;
	v2 =	vshll.u32 v5, $0x10;
	v5 =	vadd.f32 v5, v8;
	v8 =	vld [tilespmem:s17+$0x40];
	v9 =	vadd.f32 v12, v11  }
0x3bd: {  	v2 =	vadd.f32 v2, v10;
	v10 =	vshll.u32 v13, $0x10;
	v11 =	vld [tilespmem:s17+$0x80];
	[tilespmem:s7+$0x90] =	vst v6  }
0x3be: {  	v6 =	vld [tilespmem:s17+$0x800];
	v12 =	vshll.u32 v3, $0x10;
	v3 =	vadd.f32 v3, v13;
	[tilespmem:s7+$0x80] =	vst v9  }
0x3bf: {  	v9 =	vshll.u32 v4, $0x10;
	v4 =	vadd.f32 v7, v4;
	v7 =	vadd.f32 v12, v10;
	v10 =	vld [tilespmem:s17+$0xFFFFF0D0]  }
0x3c0: {  	v1 =	vadd.f32 v1, v9;
	v9 =	vshll.u32 v0, $0x10;
	v12 =	vld [tilespmem:s17+$0xFFFFF8D0]  }
0x3c1: {  	v0 =	vadd.f32 v0, v4;
	v4 =	vshll.u32 v8, $0x10;
	v5 =	vadd.f32 v8, v5;
	v8 =	vld [tilespmem:s17+$0x840]  }
0x3c2: {  	v1 =	vadd.f32 v9, v1;
	v2 =	vadd.f32 v4, v2;
	v4 =	vshll.u32 v11, $0x10;
	v9 =	vld [tilespmem:s17+$0xD0]  }
0x3c3: {  	v3 =	vadd.f32 v11, v3;
	v13 =	vshll.u32 v6, $0x10;
	v4 =	vadd.f32 v4, v7;
	v7 =	vld [tilespmem:s17+$0x880]  }
0x3c4: {  	v0 =	vadd.f32 v6, v0;
	v1 =	vadd.f32 v13, v1;
	v6 =	vld [tilespmem:s17+$0x8D0]  }
0x3c5: {  	v11 =	vshll.u32 v10, $0x10;
	v13 =	vshll.u32 v12, $0x10;
	v10 =	vadd.f32 v12, v10;
	v12 =	vld [tilespmem:s6+$0xFFFFF030]  }
0x3c6: {  	[tilespmem:s7+$0xFFFFFF00] =	vst v1;
	v1 =	vshll.u32 v8, $0x10;
	v5 =	vadd.f32 v8, v5;
	v8 =	vadd.f32 v13, v11;
	v11 =	vld [tilespmem:s6+$0xFFFFF830]  }
0x3c7: {  	[tilespmem:s7+$0xFFFFFF10] =	vst v0;
	v0 =	vadd.f32 v1, v2;
	v1 =	vshll.u32 v9, $0x10;
	v2 =	vadd.f32 v9, v10;
	v9 =	vld [tilespmem:s6+$0xFFFFF070]  }
0x3c8: {  	v10 =	vld [tilespmem:s17+$0xFFFFF010];
	[tilespmem:s7+$0xFFFFFF90] =	vst v5;
	v5 =	vshll.u32 v7, $0x10;
	v3 =	vadd.f32 v7, v3;
	v1 =	vadd.f32 v1, v8  }
0x3c9: {  	v7 =	vld [tilespmem:s17+$0xFFFFF810];
	[tilespmem:s7+$0xFFFFFF80] =	vst v0;
	v0 =	vadd.f32 v5, v4;
	v4 =	vshll.u32 v6, $0x10;
	v2 =	vadd.f32 v6, v2  }
0x3ca: {  	v5 =	vld [tilespmem:s17+$0xFFFFF050];
	[tilespmem:s7+$0x10] =	vst v3;
	v1 =	vadd.f32 v4, v1;
	v3 =	vshll.u32 v12, $0x10  }
0x3cb: {  	v4 =	vld [tilespmem:s17+$0xFFFFF850];
	[tilespmem:s7+$0xB0] =	vst v2;
	v2 =	vshll.u32 v11, $0x10;
	v6 =	vadd.f32 v11, v12  }
0x3cc: {  	v8 =	vld [tilespmem:s17+$0x10];
	[tilespmem:s7+$0xA0] =	vst v1;
	v11 =	vadd.f32 v2, v3;
	v1 =	vshll.u32 v9, $0x10  }
0x3cd: {  	v2 =	vshll.u32 v10, $0x10;
	[tilespmem:s7+$0x0] =	vst v0;
	v0 =	vld [tilespmem:s17+$0xFFFFF0E0]  }
0x3ce: {  	v3 =	vshll.u32 v7, $0x10;
	v7 =	vadd.f32 v7, v10;
	v10 =	vld [tilespmem:s17+$0xFFFFF8E0]  }
0x3cf: {  	v2 =	vadd.f32 v3, v2;
	v3 =	vshll.u32 v5, $0x10;
	v12 =	vld [tilespmem:s17+$0xFFFFF090]  }
0x3d0: {  	v13 =	vshll.u32 v4, $0x10;
	v4 =	vadd.f32 v4, v5;
	v5 =	vld [tilespmem:s17+$0xE0]  }
0x3d1: {  	v14 =	vshll.u32 v8, $0x10;
	v7 =	vadd.f32 v8, v7;
	v3 =	vadd.f32 v13, v3;
	v8 =	vld [tilespmem:s17+$0xFFFFF890]  }
0x3d2: {  	v2 =	vadd.f32 v14, v2;
	v13 =	vld [tilespmem:s17+$0x8E0]  }
0x3d3: {  	v15 =	vshll.u32 v0, $0x10;
	v14 =	vld [tilespmem:s17+$0x50];
	v16 =	vshll.u32 v10, $0x10;
	v0 =	vadd.f32 v10, v0  }
0x3d4: {  	v10 =	vshll.u32 v12, $0x10;
	v17 =	vld [tilespmem:s17+$0x90];
	v15 =	vadd.f32 v16, v15  }
0x3d5: {  	v16 =	vld [tilespmem:s17+$0x810];
	v18 =	vshll.u32 v5, $0x10;
	v0 =	vadd.f32 v5, v0  }
0x3d6: {  	v5 =	vld [tilespmem:s17+$0x850];
	v19 =	vshll.u32 v8, $0x10;
	v8 =	vadd.f32 v8, v12;
	v12 =	vadd.f32 v18, v15  }
0x3d7: {  	v10 =	vadd.f32 v19, v10;
	v15 =	vld [tilespmem:s17+$0x890];
	v18 =	vshll.u32 v13, $0x10;
	v0 =	vadd.f32 v13, v0  }
0x3d8: {  	v13 =	vshll.u32 v14, $0x10;
	v4 =	vadd.f32 v14, v4;
	v12 =	vadd.f32 v18, v12;
	v14 =	vld [tilespmem:s6+$0xFFFFF870]  }
0x3d9: {  	v3 =	vadd.f32 v13, v3;
	v13 =	vshll.u32 v17, $0x10;
	v8 =	vadd.f32 v17, v8;
	[tilespmem:s7+$0xD0] =	vst v0;
	v17 =	vld [tilespmem:s6+$0xFFFFF0B0]  }
0x3da: {  	v0 =	vshll.u32 v16, $0x10;
	v7 =	vadd.f32 v16, v7;
	v10 =	vadd.f32 v13, v10;
	[tilespmem:s7+$0xC0] =	vst v12;
	v12 =	vld [tilespmem:s6+$0xFFFFF8B0]  }
0x3db: {  	v0 =	vadd.f32 v0, v2;
	v2 =	vshll.u32 v5, $0x10;
	v4 =	vadd.f32 v5, v4;
	v5 =	vld [tilespmem:s17+$0xFFFFF0F0]  }
0x3dc: {  	[tilespmem:s7+$0xFFFFFF30] =	vst v7;
	v2 =	vadd.f32 v2, v3;
	v3 =	vshll.u32 v15, $0x10;
	v7 =	vadd.f32 v15, v8;
	v8 =	vld [tilespmem:s17+$0xFFFFF8F0]  }
0x3dd: {  	[tilespmem:s7+$0xFFFFFF20] =	vst v0;
	v3 =	vadd.f32 v3, v10;
	v10 =	vld [tilespmem:s6+$0x30];
	v13 =	vshll.u32 v14, $0x10;
	v0 =	vadd.f32 v14, v9  }
0x3de: {  	[tilespmem:s7+$0xFFFFFFA0] =	vst v2;
	v9 =	vld [tilespmem:s17+$0xF0];
	v1 =	vadd.f32 v13, v1;
	v13 =	vshll.u32 v17, $0x10  }
0x3df: {  	v14 =	vld [tilespmem:s17+$0xFFFFF020];
	[tilespmem:s7+$0x20] =	vst v3;
	v3 =	vshll.u32 v12, $0x10;
	v2 =	vadd.f32 v12, v17  }
0x3e0: {  	[tilespmem:s7+$0xFFFFFFB0] =	vst v4;
	v12 =	vld [tilespmem:s17+$0x8F0];
	v3 =	vadd.f32 v3, v13  }
0x3e1: {  	v4 =	vshll.u32 v5, $0x10;
	v13 =	vld [tilespmem:s17+$0xFFFFF820];
	[tilespmem:s7+$0x30] =	vst v7;
	v7 =	vshll.u32 v8, $0x10;
	v5 =	vadd.f32 v8, v5  }
0x3e2: {  	v8 =	vld [tilespmem:s17+$0xFFFFF060];
	v7 =	vadd.f32 v7, v4;
	v15 =	vshll.u32 v10, $0x10;
	v4 =	vadd.f32 v10, v6  }
0x3e3: {  	v6 =	vld [tilespmem:s17+$0xFFFFF860];
	v10 =	vshll.u32 v9, $0x10;
	v9 =	vadd.f32 v9, v5;
	v5 =	vadd.f32 v15, v11  }
0x3e4: {  	v11 =	vshll.u32 v14, $0x10;
	v15 =	vld [tilespmem:s17+$0xFFFFF0A0];
	v7 =	vadd.f32 v10, v7  }
0x3e5: {  	v10 =	vld [tilespmem:s17+$0xFFFFF8A0];
	v16 =	vshll.u32 v12, $0x10;
	v9 =	vadd.f32 v12, v9  }
0x3e6: {  	v12 =	vshll.u32 v13, $0x10;
	v13 =	vadd.f32 v13, v14;
	v14 =	vld [tilespmem:s17+$0x20];
	v7 =	vadd.f32 v16, v7  }
0x3e7: {  	v11 =	vadd.f32 v12, v11;
	v12 =	vshll.u32 v8, $0x10;
	v16 =	vld [tilespmem:s17+$0x60];
	[tilespmem:s7+$0xF0] =	vst v9  }
0x3e8: {  	v9 =	vshll.u32 v6, $0x10;
	v6 =	vadd.f32 v6, v8;
	v8 =	vld [tilespmem:s17+$0xA0];
	[tilespmem:s7+$0xE0] =	vst v7  }
0x3e9: {  	v17 =	vld [tilespmem:s17+$0x820];
	v7 =	vadd.f32 v9, v12;
	v9 =	vshll.u32 v15, $0x10  }
0x3ea: {  	v12 =	vld [tilespmem:s17+$0x860];
	v18 =	vshll.u32 v10, $0x10;
	v10 =	vadd.f32 v10, v15  }
0x3eb: {  	v15 =	vshll.u32 v14, $0x10;
	v13 =	vadd.f32 v14, v13;
	v9 =	vadd.f32 v18, v9;
	v18 =	vld [tilespmem:s17+$0x8A0]  }
.Ltmp6:
0x3ec: {  	v11 =	vadd.f32 v15, v11;
	v14 =	vshll.u32 v16, $0x10;
	v15 =	vadd.f32 v16, v6;
	v6 =	vld [tilespmem:s6+$0x70];
	(pc) =	sbr.rel @p0 .LBB2_11-.Ltmp6, $4  }
0x3ed: {  	v16 =	vadd.f32 v14, v7;
	v14 =	vshll.u32 v8, $0x10;
	v19 =	vadd.f32 v8, v10;
	v7 =	vld [tilespmem:s6+$0xB0]  }
0x3ee: {  	v8 =	vshll.u32 v17, $0x10;
	v17 =	vadd.f32 v17, v13;
	v13 =	vadd.f32 v14, v9;
	v10 =	vld [tilespmem:s6+$0x830]  }
0x3ef: {  	v14 =	vadd.f32 v8, v11;
	v9 =	vshll.u32 v12, $0x10;
	v11 =	vadd.f32 v12, v15;
	v8 =	vld [tilespmem:s6+$0x870]  }
0x3f0: {  	[tilespmem:s7+$0xFFFFFF50] =	vst v17;
	v15 =	vadd.f32 v9, v16;
	v16 =	vshll.u32 v18, $0x10;
	v12 =	vadd.f32 v18, v19;
	v9 =	vld [tilespmem:s6+$0x8B0];
	s6 =	smov.u32 s17;
	s17 =	sadd.s32 $0x100, s17  }
0x3f1: {  	[tilespmem:s7+$0xFFFFFF40] =	vst v14  }
0x3f2: {  	v14 =	vld [tilespmem:s6+$0xFFFFF030]  }
0x3f3: {  	[tilespmem:s7+$0xFFFFFFD0] =	vst v11;
	v28 =	vld [tilespmem:s6+$0xFFFFF830]  }
0x3f4: {  	v13 =	vadd.f32 v16, v13;
	v30 =	vshll.u32 v6, $0x10;
	[tilespmem:s7+$0xFFFFFFC0] =	vst v15;
	v37 =	vld [tilespmem:s6+$0x30]  }
0x3f5: {  	v0 =	vadd.f32 v6, v0;
	[tilespmem:s7+$0x50] =	vst v12;
	v1 =	vadd.f32 v30, v1;
	v32 =	vshll.u32 v7, $0x10;
	v29 =	vld [tilespmem:s6+$0xFFFFF070]  }
0x3f6: {  	v2 =	vadd.f32 v7, v2;
	[tilespmem:s7+$0x40] =	vst v13;
	v31 =	vld [tilespmem:s6+$0xFFFFF870];
	v34 =	vshll.u32 v10, $0x10;
	v4 =	vadd.f32 v10, v4  }
0x3f7: {  	v3 =	vadd.f32 v32, v3;
	v33 =	vld [tilespmem:s6+$0xFFFFF0B0];
	v5 =	vadd.f32 v34, v5;
	v36 =	vshll.u32 v8, $0x10  }
0x3f8: {  	v35 =	vld [tilespmem:s6+$0xFFFFF8B0];
	v0 =	vadd.f32 v8, v0;
	v1 =	vadd.f32 v36, v1;
	v38 =	vshll.u32 v9, $0x10  }
0x3f9: {  	v43 =	vld [tilespmem:s6+$0x830];
	v2 =	vadd.f32 v9, v2;
	v3 =	vadd.f32 v38, v3;
	v41 =	vshll.u32 v14, $0x10  }
0x3fa: {  	v39 =	vld [tilespmem:s6+$0x70];
	v42 =	vshll.u32 v28, $0x10;
	v11 =	vadd.f32 v28, v14;
	v50 =	vshll.u32 v37, $0x10  }
0x3fb: {  	v18 =	vld [tilespmem:s6+$0x870];
	[tilespmem:s5+$0xFFFFFF70] =	vst v4;
	v9 =	vadd.f32 v42, v41;
	v44 =	vshll.u32 v29, $0x10;
	v17 =	vshll.u32 v31, $0x10  }
0x3fc: {  	v40 =	vld [tilespmem:s6+$0xB0];
	[tilespmem:s5+$0xFFFFFF60] =	vst v5;
	v45 =	vadd.f32 v31, v29;
	v46 =	vadd.f32 v17, v44;
	v47 =	vshll.u32 v33, $0x10  }
0x3fd: {  	[tilespmem:s5+$0xFFFFFFF0] =	vst v0;
	v49 =	vshll.u32 v35, $0x10;
	v10 =	vadd.f32 v35, v33;
	v59 =	vadd.f32 v37, v11  }
0x3fe: {  	v48 =	vld [tilespmem:s6+$0x8B0];
	[tilespmem:s5+$0xFFFFFFE0] =	vst v1;
	v55 =	vshll.u32 v43, $0x10;
	v1 =	vadd.f32 v49, v47;
	v51 =	vadd.f32 v50, v9  }
0x3ff: {  	[tilespmem:s5+$0x70] =	vst v2;
	v52 =	vshll.u32 v39, $0x10;
	v5 =	vadd.f32 v39, v45;
	v2 =	vadd.f32 v43, v59  }
0x400: {  	[tilespmem:s5+$0x60] =	vst v3;
	v58 =	vshll.u32 v18, $0x10;
	v53 =	vadd.f32 v52, v46;
	v57 =	vadd.f32 v55, v51  }
0x401: {  	v54 =	vshll.u32 v40, $0x10;
	v61 =	vadd.f32 v40, v10;
	v62 =	vadd.f32 v18, v5;
	[tilespmem:s7+$0xFFFFFF70] =	vst v2  }
0x402: {  	v56 =	vadd.f32 v54, v1;
	v3 =	vadd.f32 v58, v53;
	[tilespmem:s7+$0xFFFFFF60] =	vst v57  }
.Ltmp7:
0x403: {  	v60 =	vshll.u32 v48, $0x10;
	v63 =	vadd.f32 v48, v61;
	[tilespmem:s7+$0xFFFFFFF0] =	vst v62;
	(pc) =	sbr.rel @p1 .LBB2_14-.Ltmp7, $4  }
0x404: {  	v0 =	vadd.f32 v60, v56;
	[tilespmem:s7+$0xFFFFFFE0] =	vst v3  }
0x405: {  	[tilespmem:s7+$0x70] =	vst v63  }
0x406: {  	s26 =	sadd.s32 s14, s13;
	[tilespmem:s7+$0x60] =	vst v0  }
0x407: {  	[hbm4b:s26+s4] =	stream.linear.scatter [tilespmem:s3], [sflag:$0x8], $0x1000, $0x38;
	[tilespmem:$0x10E80] =	vst v63  }
.Ltmp8:
0x408: {  	s5 =	sshra.s32 s10, $0x2;
	(pc) =	sbr.rel .LBB2_4-.Ltmp8, $4  }
0x409: {  	s6 =	sadd.s32 $0xB00, s5  }
0x40a: {  	[tilespmem:s0], [sflag:$0x3] =	stream.indirect.gather [spmem:s2], $0x40, s6, s21, $0xb8;
	[tilespmem:$0x10E80] =	vst v63  }
0x40b: {  	s9 =	sadd.s32 $0x1, s9;
	s5 =	sadd.s32 $0xB40, s5  }
0x40c: {  	[tilespmem:s18], [sflag:$0x3] =	stream.indirect.gather [spmem:s2], $0x40, s5, s21, $0xb8;
	[tilespmem:$0x10E80] =	vst v63  }
.LBB2_15:
0x40d: {  	_ =	sfence.sel $0x180000  }
0x40e: {  	[bflag:$0x0] =	sbarrier.arrive $0xFFFF  }
0x40f: {  	_ =	strace $0x90000047  }
0x410: {  	s0 =	stileid.u32;
	[bflag:$0x2] =	sbarrier.arrive $0xFFFF  }
0x411: {  	p0 =	sne.s32 s0, $0x0;
	s0 =	rddreg [dreg:$0x3]  }
0x412: {  	s0 =	sadd.s32 @!p0 $0x100000, s0  }
0x413: {  	[sflag:s0] =	ssyncadd.tile.s32 @!p0 $0x1;
	_ =	shalt  }
.Lfunc_end2:
_tile_overlayer_lowered:
.L_overlay_start_2:
0x414: {  	(tag) =	ssettag $0x2  }
0x415: {  	s0 =	rddreg [dreg:$0x0];
	s2 =	stileid.u32  }
0x416: {  	s1 =	rddreg [dreg:$0x1];
	p0 =	sne.s32 s2, $0x0  }
0x417: {  	s3 =	rddreg [dreg:$0x2];
	[bflag:$0x3] =	sbarrier.arrive $0xFFFF;
	s2 =	simm.s32 @!p0 $0x1C09  }
0x418: {  	[timem:s3], [sflag:s2] =	dma.local @!p0 [hbm:s0], s1  }
0x419: {  	s0 =	simm.s32 @!p0 $0x9  }
0x41a: {  	_ =	swait.ge @!p0 [sflag:s0], s1  }
0x41b: {  	s1 =	ssub.s32 @!p0 $0x0, s1;
	[sflag:s0] =	ssyncset.done @!p0 $0x0  }
0x41c: {  	[sflag:s0] =	ssyncadd.s32 @!p0 s1  }
0x41d: {  	[bflag:$0x3] =	sbarrier.arrive $0xFFFF  }
0x41e: {  	_ =	shalt  }

</sc_bundles>
